<compile_context>
chip_gen: v7x
topology: tpu7x:2x2x1
jax: 0.10.2.dev20260603
libtpu: 0.0.44.dev20260713+nightly
codegen_flags: <defaults>
</compile_context>

<pallas_src>
import functools

import jax
import jax.numpy as jnp
from jax import lax
from jax.experimental import pallas as pl
from jax.experimental.pallas import tpu as pltpu
from jax.experimental.pallas import tpu_sc as plsc

N = 10000
D = 128
E = 320000
NC = 2
NS = 16
NW = NC * NS
CH = 64
N_PAD = 10112
ROWS_TILE = N_PAD // NS
EP_TILE = 10240
E_PAD = EP_TILE * NW
EP_HALF = EP_TILE // 2
NCH_H = EP_HALF // CH
EPS = 1e-5

@functools.cache
def _get_mesh():
    return plsc.VectorSubcoreMesh(
        core_axis_name="c", subcore_axis_name="s", num_cores=NC, num_subcores=NS
    )


N_PK = N_PAD // 8


@functools.cache
def _get_sc_scatter():
    return functools.partial(
        pl.kernel,
        out_type=jax.ShapeDtypeStruct((NC, N_PAD, D), jnp.float32),
        mesh=_get_mesh(),
        scratch_types=[
            [pltpu.VMEM((CH, D), jnp.float32) for _ in range(4)],
            pltpu.VMEM((EP_HALF,), jnp.int32),
            pltpu.VMEM((EP_HALF,), jnp.int32),
            pltpu.VMEM_SHARED((N_PAD, D), jnp.float32),
            [pltpu.SemaphoreType.DMA for _ in range(4)],
            [pltpu.SemaphoreType.DMA for _ in range(4)],
        ],
    )(_sc_scatter_body)


def _sc_scatter_body(y_hbm, src_hbm, dst_hbm, zeros_hbm, out_hbm,
                     r_v, si_v, di_v, acc_sh, semg, sems):
    c = lax.axis_index("c")
    s = lax.axis_index("s")
    wid = c * NS + s

    rbase = s * ROWS_TILE
    pltpu.sync_copy(zeros_hbm, acc_sh.at[pl.ds(rbase, ROWS_TILE)])

    ebase = wid * EP_TILE

    def gidx(i):
        return si_v.at[pl.ds(i * CH, CH)]

    def sidx(i):
        return di_v.at[pl.ds(i * CH, CH)]

    def fire_gather(i, slot):
        pltpu.async_copy(y_hbm.at[gidx(i)], r_v[slot], semg[slot])

    def wait_gather(i, slot):
        pltpu.make_async_copy(y_hbm.at[gidx(i)], r_v[slot], semg[slot]).wait()

    def fire_scatter(i, slot):
        pltpu.async_copy(r_v[slot], acc_sh.at[sidx(i)], sems[slot], add=True)

    def wait_scatter(slot):
        pltpu.make_async_copy(r_v[slot], acc_sh.at[sidx(0)], sems[slot]).wait()

    plsc.subcore_barrier()

    for half in range(2):
        hbase = ebase + half * EP_HALF
        pltpu.sync_copy(src_hbm.at[pl.ds(hbase, EP_HALF)], si_v)
        pltpu.sync_copy(dst_hbm.at[pl.ds(hbase, EP_HALF)], di_v)

        for j in range(3):
            fire_gather(j, j)

        def body(k, carry):
            i0 = 4 * k
            for j in range(4):
                i = i0 + j
                nslot = (j + 3) % 4

                @pl.when(i + 3 < NCH_H)
                def _():
                    @pl.when(i >= 1)
                    def _():
                        wait_scatter(nslot)

                    fire_gather(i + 3, nslot)

                wait_gather(i, j)
                fire_scatter(i, j)

            return carry

        lax.fori_loop(0, NCH_H // 4, body, 0)
        for j in range(4):
            wait_scatter(j)

    plsc.subcore_barrier()
    pltpu.sync_copy(acc_sh.at[pl.ds(rbase, ROWS_TILE)],
                    out_hbm.at[c, pl.ds(rbase, ROWS_TILE)])


CCH = 128


@functools.cache
def _get_sc_count():
    return functools.partial(
        pl.kernel,
        out_type=jax.ShapeDtypeStruct((NC * N_PAD,), jnp.float32),
        mesh=_get_mesh(),
        scratch_types=[
            pltpu.VMEM((CCH,), jnp.float32),
            pltpu.VMEM((EP_HALF,), jnp.int32),
            pltpu.VMEM_SHARED((N_PAD,), jnp.float32),
            [pltpu.SemaphoreType.DMA for _ in range(4)],
        ],
    )(_sc_count_body)


def _sc_count_body(dst_hbm, ones_hbm, zeros1_hbm, out_hbm,
                   ones_v, di_v, acc1, sems):
    c = lax.axis_index("c")
    s = lax.axis_index("s")
    wid = c * NS + s

    @pl.when(s == 0)
    def _():
        pltpu.sync_copy(zeros1_hbm, acc1)

    pltpu.sync_copy(ones_hbm, ones_v)

    def cidx(i):
        return di_v.at[pl.ds(i * CCH, CCH)]

    def fire_cs(i, j):
        pltpu.async_copy(ones_v, acc1.at[cidx(i)], sems[j], add=True)

    def wait_cs(j):
        pltpu.make_async_copy(ones_v, acc1.at[cidx(0)], sems[j]).wait()

    plsc.subcore_barrier()

    nch = EP_HALF // CCH
    for half in range(2):
        hbase = wid * EP_TILE + half * EP_HALF
        pltpu.sync_copy(dst_hbm.at[pl.ds(hbase, EP_HALF)], di_v)

        def body(k, carry):
            for j in range(4):
                @pl.when(k >= 1)
                def _():
                    wait_cs(j)

                fire_cs(4 * k + j, j)
            return carry

        lax.fori_loop(0, nch // 4, body, 0)
        for j in range(4):
            wait_cs(j)

    plsc.subcore_barrier()

    @pl.when(s == 0)
    def _():
        pltpu.sync_copy(acc1, out_hbm.at[pl.ds(c * N_PAD, N_PAD)])


def _dinv_mask(cnt):
    b = cnt[0] + cnt[1]
    deg = 1.0 + b
    node = (8 * lax.broadcasted_iota(jnp.int32, (N_PK, 8), 0)
            + lax.broadcasted_iota(jnp.int32, (N_PK, 8), 1))
    mask = (node < N).astype(jnp.float32)
    return mask * lax.rsqrt(deg), mask


def _rowscale(mat, v8):
    return (mat.reshape(N_PK, 8, D) * v8[:, :, None]).reshape(N_PAD, D)


def _tc1_body(cnt_ref, x_ref, w_ref, y_ref):
    dinv, _ = _dinv_mask(cnt_ref[...])
    y_ref[...] = _rowscale(
        jnp.dot(x_ref[...], w_ref[...], preferred_element_type=jnp.float32),
        dinv,
    )


_tc1 = pl.pallas_call(
    _tc1_body, out_shape=jax.ShapeDtypeStruct((N_PAD, D), jnp.float32)
)


def _bn_relu(h, mask, gamma, beta):
    hm = _rowscale(h, mask)
    ex = jnp.sum(hm, axis=0, keepdims=True) * (1.0 / N)
    ex2 = jnp.sum(hm * h, axis=0, keepdims=True) * (1.0 / N)
    var = ex2 - ex * ex
    hn = gamma * (h - ex) * lax.rsqrt(var + EPS) + beta
    return _rowscale(jnp.maximum(hn, 0.0), mask)


def _tc2_body(cnt_ref, p_ref, y1_ref, w2_ref, b1_ref, g1_ref, be1_ref, y2_ref):
    dinv, mask = _dinv_mask(cnt_ref[...])
    h = _rowscale(p_ref[0] + p_ref[1] + y1_ref[...], dinv) + b1_ref[...]
    hr = _bn_relu(h, mask, g1_ref[...], be1_ref[...])
    y2_ref[...] = _rowscale(
        jnp.dot(hr, w2_ref[...], preferred_element_type=jnp.float32), dinv
    )


_tc2 = pl.pallas_call(
    _tc2_body, out_shape=jax.ShapeDtypeStruct((N_PAD, D), jnp.float32)
)


def _tc3_body(cnt_ref, q_ref, y2_ref, b2_ref, g2_ref, be2_ref, o_ref):
    dinv, mask = _dinv_mask(cnt_ref[...])
    h = _rowscale(q_ref[0] + q_ref[1] + y2_ref[...], dinv) + b2_ref[...]
    o_ref[...] = _bn_relu(h, mask, g2_ref[...], be2_ref[...])


_tc3 = pl.pallas_call(
    _tc3_body, out_shape=jax.ShapeDtypeStruct((N_PAD, D), jnp.float32)
)


def kernel(x, edge_index, W1, b1, gamma1, beta1, W2, b2, gamma2, beta2):
    x_pad = jnp.zeros((N_PAD, D), jnp.float32).at[:N].set(x)
    pad_i = (N + jnp.arange(E_PAD - E, dtype=jnp.int32) % (N_PAD - N))
    pad_e = jnp.broadcast_to(pad_i, (2, E_PAD - E))
    ei = jnp.concatenate([edge_index, pad_e], axis=1)
    src = ei[0]
    dst = ei[1]
    zerosD = jnp.zeros((ROWS_TILE, D), jnp.float32)
    ones1 = jnp.ones((CCH,), jnp.float32)
    zeros1 = jnp.zeros((N_PAD,), jnp.float32)
    cnt = _get_sc_count()(dst, ones1, zeros1).reshape(NC, N_PK, 8)
    y1 = _tc1(cnt, x_pad, W1)
    p = _get_sc_scatter()(y1, src, dst, zerosD)
    y2 = _tc2(cnt, p, y1, W2, b1.reshape(1, D), gamma1.reshape(1, D),
              beta1.reshape(1, D))
    q = _get_sc_scatter()(y2, src, dst, zerosD)
    out = _tc3(cnt, q, y2, b2.reshape(1, D), gamma2.reshape(1, D),
               beta2.reshape(1, D))
    return out[:N]

# --- scband reference (transcript-rebuilt; emitter-appended) ---
"""Pipeline reference for scband-gcn-49976239456719 (READ-ONLY COPY).

The authoritative reference and input builder live on the scoring server;
editing this copy changes nothing except your own understanding.
"""

import jax, jax.numpy as jnp
import numpy as np

N = 10000
E = 320000
D_IN = 128
D_HID = 128
D_OUT = 128


def setup_inputs(seed: int = 0) -> dict:
    key = jax.random.key(seed)
    ks = jax.random.split(key, 10)
    x = jax.random.normal(ks[0], (N, D_IN), dtype=jnp.float32)
    edge_index = jax.random.randint(ks[1], (2, E), 0, N, dtype=jnp.int32)
    s1 = 1.0 / np.sqrt(D_IN)
    s2 = 1.0 / np.sqrt(D_HID)
    W1 = jax.random.uniform(ks[2], (D_IN, D_HID), dtype=jnp.float32, minval=-s1, maxval=s1)
    b1 = jnp.zeros((D_HID,), dtype=jnp.float32)
    gamma1 = jnp.ones((D_HID,), dtype=jnp.float32)
    beta1 = jnp.zeros((D_HID,), dtype=jnp.float32)
    W2 = jax.random.uniform(ks[3], (D_HID, D_OUT), dtype=jnp.float32, minval=-s2, maxval=s2)
    b2 = jnp.zeros((D_OUT,), dtype=jnp.float32)
    gamma2 = jnp.ones((D_OUT,), dtype=jnp.float32)
    beta2 = jnp.zeros((D_OUT,), dtype=jnp.float32)
    return {"x": x, "edge_index": edge_index, "W1": W1, "b1": b1, "gamma1": gamma1, "beta1": beta1, "W2": W2, "b2": b2, "gamma2": gamma2, "beta2": beta2}


def _gcn_conv(x, src, dst, W, b):
    # symmetric-normalized GCN conv with self-loops: D^-1/2 (A+I) D^-1/2 X W + b
    deg = jnp.zeros((N,), dtype=x.dtype).at[dst].add(1.0)
    dinv = jax.lax.rsqrt(deg)
    norm = dinv[src] * dinv[dst]
    xw = x @ W
    msg = jnp.take(xw, src, axis=0) * norm[:, None]
    out = jnp.zeros((N, W.shape[1]), dtype=x.dtype).at[dst].add(msg)
    return out + b


def _bn(h, gamma, beta, eps=1e-5):
    mu = jnp.mean(h, axis=0)
    var = jnp.var(h, axis=0)
    return gamma * (h - mu) / jnp.sqrt(var + eps) + beta


def reference(x, edge_index, W1, b1, gamma1, beta1, W2, b2, gamma2, beta2):
    loop = jnp.arange(N, dtype=edge_index.dtype)
    src = jnp.concatenate([edge_index[0], loop])
    dst = jnp.concatenate([edge_index[1], loop])
    h = _gcn_conv(x, src, dst, W1, b1)
    h = jax.nn.relu(_bn(h, gamma1, beta1))
    h = _gcn_conv(h, src, dst, W2, b2)
    h = jax.nn.relu(_bn(h, gamma2, beta2))
    return h

if __name__ == "__main__":
    import jax
    _d = setup_inputs()
    print(jax.jit(kernel)(*tuple(_d.values())))

</pallas_src>

<mosaic_0001>
#map = affine_map<(d0, d1) -> (0)>
module attributes {stable_mosaic.version = 14 : i64} {
  func.func @_sc_count_body(%arg0: i32, %arg1: i32, %arg2: memref<327680xi32, #tpu.memory_space<hbm>>, %arg3: memref<128xf32, #tpu.memory_space<hbm>>, %arg4: memref<10112xf32, #tpu.memory_space<hbm>>, %arg5: memref<20224xf32, #tpu.memory_space<hbm>>, %arg6: memref<128xf32, #tpu.memory_space<vmem>>, %arg7: memref<5120xi32, #tpu.memory_space<vmem>>, %arg8: memref<10112xf32, #tpu.memory_space<vmem_shared>>, %arg9: memref<!tpu.dma_semaphore, #tpu.memory_space<semaphore_mem>>, %arg10: memref<!tpu.dma_semaphore, #tpu.memory_space<semaphore_mem>>, %arg11: memref<!tpu.dma_semaphore, #tpu.memory_space<semaphore_mem>>, %arg12: memref<!tpu.dma_semaphore, #tpu.memory_space<semaphore_mem>>) attributes {dimension_semantics = [#tpu.dimension_semantics<core_parallel>, #tpu.dimension_semantics<subcore_parallel>], iteration_bounds = array<i64: 2, 16>, scalar_prefetch = 0 : i64, scratch_operands = 7 : i64, tpu.core_type = #tpu.core_type<sc_vector_subcore>, window_params = [{transform_indices = #map}, {transform_indices = #map}, {transform_indices = #map}, {transform_indices = #map}]} {
    %mul3A = arith.constant 16 : i32
    %mul3A_0 = arith.muli %arg0, %mul3A : i32
    %add3A = arith.addi %mul3A_0, %arg1 : i32
    %eq3A = arith.constant 0 : i32
    %eq3A_1 = arith.cmpi eq, %arg1, %eq3A : i32
    %convert_element_type3A = arith.extui %eq3A_1 : i1 to i32
    %cond3A = arith.constant 0 : i32
    %cond3A_2 = arith.cmpi ne, %convert_element_type3A, %cond3A : i32
    scf.if %cond3A_2 {
      "tpu.region"() ({
        %run_scoped3A = tpu.sem_alloc : memref<!tpu.dma_semaphore, #tpu.memory_space<semaphore_mem>>
        tpu.enqueue_dma source(%arg4 : memref<10112xf32, #tpu.memory_space<hbm>>) target(%arg8 : memref<10112xf32, #tpu.memory_space<vmem_shared>>) target_semaphore(%run_scoped3A : memref<!tpu.dma_semaphore, #tpu.memory_space<semaphore_mem>>)
        tpu.wait_dma2 semaphore(%run_scoped3A : memref<!tpu.dma_semaphore, #tpu.memory_space<semaphore_mem>>) src(%arg4 : memref<10112xf32, #tpu.memory_space<hbm>>) dst(%arg8 : memref<10112xf32, #tpu.memory_space<vmem_shared>>)
        tpu.yield
      }) : () -> ()
    } else {
    }
    "tpu.region"() ({
      %run_scoped3A = tpu.sem_alloc : memref<!tpu.dma_semaphore, #tpu.memory_space<semaphore_mem>>
      tpu.enqueue_dma source(%arg3 : memref<128xf32, #tpu.memory_space<hbm>>) target(%arg6 : memref<128xf32, #tpu.memory_space<vmem>>) target_semaphore(%run_scoped3A : memref<!tpu.dma_semaphore, #tpu.memory_space<semaphore_mem>>)
      tpu.wait_dma2 semaphore(%run_scoped3A : memref<!tpu.dma_semaphore, #tpu.memory_space<semaphore_mem>>) src(%arg3 : memref<128xf32, #tpu.memory_space<hbm>>) dst(%arg6 : memref<128xf32, #tpu.memory_space<vmem>>)
      tpu.yield
    }) : () -> ()
    %barrier3A = arith.constant 0 : index
    tpu.barrier barrier_id(%barrier3A)
    %mul3A_3 = arith.constant 10240 : i32
    %mul3A_4 = arith.muli %add3A, %mul3A_3 : i32
    %add3A_5 = arith.constant 0 : i32
    %add3A_6 = arith.addi %mul3A_4, %add3A_5 : i32
    "tpu.region"() ({
      %run_scoped3A = tpu.sem_alloc : memref<!tpu.dma_semaphore, #tpu.memory_space<semaphore_mem>>
      %dma_start3A = tpu.memref_slice %arg2[%add3A_6] : memref<327680xi32, #tpu.memory_space<hbm>> -> memref<5120xi32, #tpu.memory_space<hbm>>
      %dma_start3A_59 = tpu.memref_slice %arg2[%add3A_6] : memref<327680xi32, #tpu.memory_space<hbm>> -> memref<5120xi32, #tpu.memory_space<hbm>>
      tpu.enqueue_dma source(%dma_start3A_59 : memref<5120xi32, #tpu.memory_space<hbm>>) target(%arg7 : memref<5120xi32, #tpu.memory_space<vmem>>) target_semaphore(%run_scoped3A : memref<!tpu.dma_semaphore, #tpu.memory_space<semaphore_mem>>)
      %dma_wait3A_60 = tpu.memref_slice %arg2[%add3A_6] : memref<327680xi32, #tpu.memory_space<hbm>> -> memref<5120xi32, #tpu.memory_space<hbm>>
      %dma_wait3A_61 = tpu.memref_slice %arg2[%add3A_6] : memref<327680xi32, #tpu.memory_space<hbm>> -> memref<5120xi32, #tpu.memory_space<hbm>>
      tpu.wait_dma2 semaphore(%run_scoped3A : memref<!tpu.dma_semaphore, #tpu.memory_space<semaphore_mem>>) src(%dma_wait3A_61 : memref<5120xi32, #tpu.memory_space<hbm>>) dst(%arg7 : memref<5120xi32, #tpu.memory_space<vmem>>)
      tpu.yield
    }) : () -> ()
    %scan3A = arith.constant 0 : i32
    %scan3A_7 = arith.constant 0 : i32
    %scan3A_8 = arith.constant 10 : i32
    %scan3A_9 = arith.addi %scan3A_7, %scan3A_8 : i32
    %scan3A_10 = arith.constant 1 : i32
    scf.for %scan3A_59 = %scan3A_7 to %scan3A_9 step %scan3A_10  : i32 {
      %ge3A = arith.constant 1 : i32
      %ge3A_60 = arith.cmpi sge, %scan3A_59, %ge3A : i32
      %convert_element_type3A_61 = arith.extui %ge3A_60 : i1 to i32
      %cond3A_62 = arith.constant 0 : i32
      %cond3A_63 = arith.cmpi ne, %convert_element_type3A_61, %cond3A_62 : i32
      scf.if %cond3A_63 {
        %dma_wait3A_114 = arith.constant 0 : i32
        %dma_wait3A_115 = tpu.memref_slice %arg7[%dma_wait3A_114] : memref<5120xi32, #tpu.memory_space<vmem>> -> memref<128xi32, #tpu.memory_space<vmem>>
        %dma_wait3A_116 = arith.constant 0 : i32
        %dma_wait3A_117 = tpu.memref_slice %arg8[%dma_wait3A_116] : memref<10112xf32, #tpu.memory_space<vmem_shared>> -> memref<10112xf32, #tpu.memory_space<vmem_shared>>
        tpu.wait_indirect_dma semaphore(%arg9 : memref<!tpu.dma_semaphore, #tpu.memory_space<semaphore_mem>>) src(%arg6 : memref<128xf32, #tpu.memory_space<vmem>>) dst(%dma_wait3A_117 : memref<10112xf32, #tpu.memory_space<vmem_shared>>)
      } else {
      }
      %mul3A_64 = arith.constant 4 : i32
      %mul3A_65 = arith.muli %mul3A_64, %scan3A_59 : i32
      %add3A_66 = arith.constant 0 : i32
      %add3A_67 = arith.addi %mul3A_65, %add3A_66 : i32
      %mul3A_68 = arith.constant 128 : i32
      %mul3A_69 = arith.muli %add3A_67, %mul3A_68 : i32
      %dma_start3A = tpu.memref_slice %arg7[%mul3A_69] : memref<5120xi32, #tpu.memory_space<vmem>> -> memref<128xi32, #tpu.memory_space<vmem>>
      %dma_start3A_70 = arith.constant 0 : i32
      %dma_start3A_71 = tpu.memref_slice %arg8[%dma_start3A_70] : memref<10112xf32, #tpu.memory_space<vmem_shared>> -> memref<10112xf32, #tpu.memory_space<vmem_shared>>
      tpu.enqueue_indirect_dma source(%arg6 : memref<128xf32, #tpu.memory_space<vmem>>) target(%dma_start3A_71 : memref<10112xf32, #tpu.memory_space<vmem_shared>>) offsets(%dma_start3A : memref<128xi32, #tpu.memory_space<vmem>>) semaphore(%arg9 : memref<!tpu.dma_semaphore, #tpu.memory_space<semaphore_mem>>) {add = true}
      %ge3A_72 = arith.constant 1 : i32
      %ge3A_73 = arith.cmpi sge, %scan3A_59, %ge3A_72 : i32
      %convert_element_type3A_74 = arith.extui %ge3A_73 : i1 to i32
      %cond3A_75 = arith.constant 0 : i32
      %cond3A_76 = arith.cmpi ne, %convert_element_type3A_74, %cond3A_75 : i32
      scf.if %cond3A_76 {
        %dma_wait3A_114 = arith.constant 0 : i32
        %dma_wait3A_115 = tpu.memref_slice %arg7[%dma_wait3A_114] : memref<5120xi32, #tpu.memory_space<vmem>> -> memref<128xi32, #tpu.memory_space<vmem>>
        %dma_wait3A_116 = arith.constant 0 : i32
        %dma_wait3A_117 = tpu.memref_slice %arg8[%dma_wait3A_116] : memref<10112xf32, #tpu.memory_space<vmem_shared>> -> memref<10112xf32, #tpu.memory_space<vmem_shared>>
        tpu.wait_indirect_dma semaphore(%arg10 : memref<!tpu.dma_semaphore, #tpu.memory_space<semaphore_mem>>) src(%arg6 : memref<128xf32, #tpu.memory_space<vmem>>) dst(%dma_wait3A_117 : memref<10112xf32, #tpu.memory_space<vmem_shared>>)
      } else {
      }
      %mul3A_77 = arith.constant 4 : i32
      %mul3A_78 = arith.muli %mul3A_77, %scan3A_59 : i32
      %add3A_79 = arith.constant 1 : i32
      %add3A_80 = arith.addi %mul3A_78, %add3A_79 : i32
      %mul3A_81 = arith.constant 128 : i32
      %mul3A_82 = arith.muli %add3A_80, %mul3A_81 : i32
      %dma_start3A_83 = tpu.memref_slice %arg7[%mul3A_82] : memref<5120xi32, #tpu.memory_space<vmem>> -> memref<128xi32, #tpu.memory_space<vmem>>
      %dma_start3A_84 = arith.constant 0 : i32
      %dma_start3A_85 = tpu.memref_slice %arg8[%dma_start3A_84] : memref<10112xf32, #tpu.memory_space<vmem_shared>> -> memref<10112xf32, #tpu.memory_space<vmem_shared>>
      tpu.enqueue_indirect_dma source(%arg6 : memref<128xf32, #tpu.memory_space<vmem>>) target(%dma_start3A_85 : memref<10112xf32, #tpu.memory_space<vmem_shared>>) offsets(%dma_start3A_83 : memref<128xi32, #tpu.memory_space<vmem>>) semaphore(%arg10 : memref<!tpu.dma_semaphore, #tpu.memory_space<semaphore_mem>>) {add = true}
      %ge3A_86 = arith.constant 1 : i32
      %ge3A_87 = arith.cmpi sge, %scan3A_59, %ge3A_86 : i32
      %convert_element_type3A_88 = arith.extui %ge3A_87 : i1 to i32
      %cond3A_89 = arith.constant 0 : i32
      %cond3A_90 = arith.cmpi ne, %convert_element_type3A_88, %cond3A_89 : i32
      scf.if %cond3A_90 {
        %dma_wait3A_114 = arith.constant 0 : i32
        %dma_wait3A_115 = tpu.memref_slice %arg7[%dma_wait3A_114] : memref<5120xi32, #tpu.memory_space<vmem>> -> memref<128xi32, #tpu.memory_space<vmem>>
        %dma_wait3A_116 = arith.constant 0 : i32
        %dma_wait3A_117 = tpu.memref_slice %arg8[%dma_wait3A_116] : memref<10112xf32, #tpu.memory_space<vmem_shared>> -> memref<10112xf32, #tpu.memory_space<vmem_shared>>
        tpu.wait_indirect_dma semaphore(%arg11 : memref<!tpu.dma_semaphore, #tpu.memory_space<semaphore_mem>>) src(%arg6 : memref<128xf32, #tpu.memory_space<vmem>>) dst(%dma_wait3A_117 : memref<10112xf32, #tpu.memory_space<vmem_shared>>)
      } else {
      }
      %mul3A_91 = arith.constant 4 : i32
      %mul3A_92 = arith.muli %mul3A_91, %scan3A_59 : i32
      %add3A_93 = arith.constant 2 : i32
      %add3A_94 = arith.addi %mul3A_92, %add3A_93 : i32
      %mul3A_95 = arith.constant 128 : i32
      %mul3A_96 = arith.muli %add3A_94, %mul3A_95 : i32
      %dma_start3A_97 = tpu.memref_slice %arg7[%mul3A_96] : memref<5120xi32, #tpu.memory_space<vmem>> -> memref<128xi32, #tpu.memory_space<vmem>>
      %dma_start3A_98 = arith.constant 0 : i32
      %dma_start3A_99 = tpu.memref_slice %arg8[%dma_start3A_98] : memref<10112xf32, #tpu.memory_space<vmem_shared>> -> memref<10112xf32, #tpu.memory_space<vmem_shared>>
      tpu.enqueue_indirect_dma source(%arg6 : memref<128xf32, #tpu.memory_space<vmem>>) target(%dma_start3A_99 : memref<10112xf32, #tpu.memory_space<vmem_shared>>) offsets(%dma_start3A_97 : memref<128xi32, #tpu.memory_space<vmem>>) semaphore(%arg11 : memref<!tpu.dma_semaphore, #tpu.memory_space<semaphore_mem>>) {add = true}
      %ge3A_100 = arith.constant 1 : i32
      %ge3A_101 = arith.cmpi sge, %scan3A_59, %ge3A_100 : i32
      %convert_element_type3A_102 = arith.extui %ge3A_101 : i1 to i32
      %cond3A_103 = arith.constant 0 : i32
      %cond3A_104 = arith.cmpi ne, %convert_element_type3A_102, %cond3A_103 : i32
      scf.if %cond3A_104 {
        %dma_wait3A_114 = arith.constant 0 : i32
        %dma_wait3A_115 = tpu.memref_slice %arg7[%dma_wait3A_114] : memref<5120xi32, #tpu.memory_space<vmem>> -> memref<128xi32, #tpu.memory_space<vmem>>
        %dma_wait3A_116 = arith.constant 0 : i32
        %dma_wait3A_117 = tpu.memref_slice %arg8[%dma_wait3A_116] : memref<10112xf32, #tpu.memory_space<vmem_shared>> -> memref<10112xf32, #tpu.memory_space<vmem_shared>>
        tpu.wait_indirect_dma semaphore(%arg12 : memref<!tpu.dma_semaphore, #tpu.memory_space<semaphore_mem>>) src(%arg6 : memref<128xf32, #tpu.memory_space<vmem>>) dst(%dma_wait3A_117 : memref<10112xf32, #tpu.memory_space<vmem_shared>>)
      } else {
      }
      %mul3A_105 = arith.constant 4 : i32
      %mul3A_106 = arith.muli %mul3A_105, %scan3A_59 : i32
      %add3A_107 = arith.constant 3 : i32
      %add3A_108 = arith.addi %mul3A_106, %add3A_107 : i32
      %mul3A_109 = arith.constant 128 : i32
      %mul3A_110 = arith.muli %add3A_108, %mul3A_109 : i32
      %dma_start3A_111 = tpu.memref_slice %arg7[%mul3A_110] : memref<5120xi32, #tpu.memory_space<vmem>> -> memref<128xi32, #tpu.memory_space<vmem>>
      %dma_start3A_112 = arith.constant 0 : i32
      %dma_start3A_113 = tpu.memref_slice %arg8[%dma_start3A_112] : memref<10112xf32, #tpu.memory_space<vmem_shared>> -> memref<10112xf32, #tpu.memory_space<vmem_shared>>
      tpu.enqueue_indirect_dma source(%arg6 : memref<128xf32, #tpu.memory_space<vmem>>) target(%dma_start3A_113 : memref<10112xf32, #tpu.memory_space<vmem_shared>>) offsets(%dma_start3A_111 : memref<128xi32, #tpu.memory_space<vmem>>) semaphore(%arg12 : memref<!tpu.dma_semaphore, #tpu.memory_space<semaphore_mem>>) {add = true}
    }
    %scan3A_11 = arith.constant 10 : i32
    %dma_wait3A = arith.constant 0 : i32
    %dma_wait3A_12 = tpu.memref_slice %arg7[%dma_wait3A] : memref<5120xi32, #tpu.memory_space<vmem>> -> memref<128xi32, #tpu.memory_space<vmem>>
    %dma_wait3A_13 = arith.constant 0 : i32
    %dma_wait3A_14 = tpu.memref_slice %arg8[%dma_wait3A_13] : memref<10112xf32, #tpu.memory_space<vmem_shared>> -> memref<10112xf32, #tpu.memory_space<vmem_shared>>
    tpu.wait_indirect_dma semaphore(%arg9 : memref<!tpu.dma_semaphore, #tpu.memory_space<semaphore_mem>>) src(%arg6 : memref<128xf32, #tpu.memory_space<vmem>>) dst(%dma_wait3A_14 : memref<10112xf32, #tpu.memory_space<vmem_shared>>)
    %dma_wait3A_15 = arith.constant 0 : i32
    %dma_wait3A_16 = tpu.memref_slice %arg7[%dma_wait3A_15] : memref<5120xi32, #tpu.memory_space<vmem>> -> memref<128xi32, #tpu.memory_space<vmem>>
    %dma_wait3A_17 = arith.constant 0 : i32
    %dma_wait3A_18 = tpu.memref_slice %arg8[%dma_wait3A_17] : memref<10112xf32, #tpu.memory_space<vmem_shared>> -> memref<10112xf32, #tpu.memory_space<vmem_shared>>
    tpu.wait_indirect_dma semaphore(%arg10 : memref<!tpu.dma_semaphore, #tpu.memory_space<semaphore_mem>>) src(%arg6 : memref<128xf32, #tpu.memory_space<vmem>>) dst(%dma_wait3A_18 : memref<10112xf32, #tpu.memory_space<vmem_shared>>)
    %dma_wait3A_19 = arith.constant 0 : i32
    %dma_wait3A_20 = tpu.memref_slice %arg7[%dma_wait3A_19] : memref<5120xi32, #tpu.memory_space<vmem>> -> memref<128xi32, #tpu.memory_space<vmem>>
    %dma_wait3A_21 = arith.constant 0 : i32
    %dma_wait3A_22 = tpu.memref_slice %arg8[%dma_wait3A_21] : memref<10112xf32, #tpu.memory_space<vmem_shared>> -> memref<10112xf32, #tpu.memory_space<vmem_shared>>
    tpu.wait_indirect_dma semaphore(%arg11 : memref<!tpu.dma_semaphore, #tpu.memory_space<semaphore_mem>>) src(%arg6 : memref<128xf32, #tpu.memory_space<vmem>>) dst(%dma_wait3A_22 : memref<10112xf32, #tpu.memory_space<vmem_shared>>)
    %dma_wait3A_23 = arith.constant 0 : i32
    %dma_wait3A_24 = tpu.memref_slice %arg7[%dma_wait3A_23] : memref<5120xi32, #tpu.memory_space<vmem>> -> memref<128xi32, #tpu.memory_space<vmem>>
    %dma_wait3A_25 = arith.constant 0 : i32
    %dma_wait3A_26 = tpu.memref_slice %arg8[%dma_wait3A_25] : memref<10112xf32, #tpu.memory_space<vmem_shared>> -> memref<10112xf32, #tpu.memory_space<vmem_shared>>
    tpu.wait_indirect_dma semaphore(%arg12 : memref<!tpu.dma_semaphore, #tpu.memory_space<semaphore_mem>>) src(%arg6 : memref<128xf32, #tpu.memory_space<vmem>>) dst(%dma_wait3A_26 : memref<10112xf32, #tpu.memory_space<vmem_shared>>)
    %mul3A_27 = arith.constant 10240 : i32
    %mul3A_28 = arith.muli %add3A, %mul3A_27 : i32
    %add3A_29 = arith.constant 5120 : i32
    %add3A_30 = arith.addi %mul3A_28, %add3A_29 : i32
    "tpu.region"() ({
      %run_scoped3A = tpu.sem_alloc : memref<!tpu.dma_semaphore, #tpu.memory_space<semaphore_mem>>
      %dma_start3A = tpu.memref_slice %arg2[%add3A_30] : memref<327680xi32, #tpu.memory_space<hbm>> -> memref<5120xi32, #tpu.memory_space<hbm>>
      %dma_start3A_59 = tpu.memref_slice %arg2[%add3A_30] : memref<327680xi32, #tpu.memory_space<hbm>> -> memref<5120xi32, #tpu.memory_space<hbm>>
      tpu.enqueue_dma source(%dma_start3A_59 : memref<5120xi32, #tpu.memory_space<hbm>>) target(%arg7 : memref<5120xi32, #tpu.memory_space<vmem>>) target_semaphore(%run_scoped3A : memref<!tpu.dma_semaphore, #tpu.memory_space<semaphore_mem>>)
      %dma_wait3A_60 = tpu.memref_slice %arg2[%add3A_30] : memref<327680xi32, #tpu.memory_space<hbm>> -> memref<5120xi32, #tpu.memory_space<hbm>>
      %dma_wait3A_61 = tpu.memref_slice %arg2[%add3A_30] : memref<327680xi32, #tpu.memory_space<hbm>> -> memref<5120xi32, #tpu.memory_space<hbm>>
      tpu.wait_dma2 semaphore(%run_scoped3A : memref<!tpu.dma_semaphore, #tpu.memory_space<semaphore_mem>>) src(%dma_wait3A_61 : memref<5120xi32, #tpu.memory_space<hbm>>) dst(%arg7 : memref<5120xi32, #tpu.memory_space<vmem>>)
      tpu.yield
    }) : () -> ()
    %scan3A_31 = arith.constant 0 : i32
    %scan3A_32 = arith.constant 0 : i32
    %scan3A_33 = arith.constant 10 : i32
    %scan3A_34 = arith.addi %scan3A_32, %scan3A_33 : i32
    %scan3A_35 = arith.constant 1 : i32
    scf.for %scan3A_59 = %scan3A_32 to %scan3A_34 step %scan3A_35  : i32 {
      %ge3A = arith.constant 1 : i32
      %ge3A_60 = arith.cmpi sge, %scan3A_59, %ge3A : i32
      %convert_element_type3A_61 = arith.extui %ge3A_60 : i1 to i32
      %cond3A_62 = arith.constant 0 : i32
      %cond3A_63 = arith.cmpi ne, %convert_element_type3A_61, %cond3A_62 : i32
      scf.if %cond3A_63 {
        %dma_wait3A_114 = arith.constant 0 : i32
        %dma_wait3A_115 = tpu.memref_slice %arg7[%dma_wait3A_114] : memref<5120xi32, #tpu.memory_space<vmem>> -> memref<128xi32, #tpu.memory_space<vmem>>
        %dma_wait3A_116 = arith.constant 0 : i32
        %dma_wait3A_117 = tpu.memref_slice %arg8[%dma_wait3A_116] : memref<10112xf32, #tpu.memory_space<vmem_shared>> -> memref<10112xf32, #tpu.memory_space<vmem_shared>>
        tpu.wait_indirect_dma semaphore(%arg9 : memref<!tpu.dma_semaphore, #tpu.memory_space<semaphore_mem>>) src(%arg6 : memref<128xf32, #tpu.memory_space<vmem>>) dst(%dma_wait3A_117 : memref<10112xf32, #tpu.memory_space<vmem_shared>>)
      } else {
      }
      %mul3A_64 = arith.constant 4 : i32
      %mul3A_65 = arith.muli %mul3A_64, %scan3A_59 : i32
      %add3A_66 = arith.constant 0 : i32
      %add3A_67 = arith.addi %mul3A_65, %add3A_66 : i32
      %mul3A_68 = arith.constant 128 : i32
      %mul3A_69 = arith.muli %add3A_67, %mul3A_68 : i32
      %dma_start3A = tpu.memref_slice %arg7[%mul3A_69] : memref<5120xi32, #tpu.memory_space<vmem>> -> memref<128xi32, #tpu.memory_space<vmem>>
      %dma_start3A_70 = arith.constant 0 : i32
      %dma_start3A_71 = tpu.memref_slice %arg8[%dma_start3A_70] : memref<10112xf32, #tpu.memory_space<vmem_shared>> -> memref<10112xf32, #tpu.memory_space<vmem_shared>>
      tpu.enqueue_indirect_dma source(%arg6 : memref<128xf32, #tpu.memory_space<vmem>>) target(%dma_start3A_71 : memref<10112xf32, #tpu.memory_space<vmem_shared>>) offsets(%dma_start3A : memref<128xi32, #tpu.memory_space<vmem>>) semaphore(%arg9 : memref<!tpu.dma_semaphore, #tpu.memory_space<semaphore_mem>>) {add = true}
      %ge3A_72 = arith.constant 1 : i32
      %ge3A_73 = arith.cmpi sge, %scan3A_59, %ge3A_72 : i32
      %convert_element_type3A_74 = arith.extui %ge3A_73 : i1 to i32
      %cond3A_75 = arith.constant 0 : i32
      %cond3A_76 = arith.cmpi ne, %convert_element_type3A_74, %cond3A_75 : i32
      scf.if %cond3A_76 {
        %dma_wait3A_114 = arith.constant 0 : i32
        %dma_wait3A_115 = tpu.memref_slice %arg7[%dma_wait3A_114] : memref<5120xi32, #tpu.memory_space<vmem>> -> memref<128xi32, #tpu.memory_space<vmem>>
        %dma_wait3A_116 = arith.constant 0 : i32
        %dma_wait3A_117 = tpu.memref_slice %arg8[%dma_wait3A_116] : memref<10112xf32, #tpu.memory_space<vmem_shared>> -> memref<10112xf32, #tpu.memory_space<vmem_shared>>
        tpu.wait_indirect_dma semaphore(%arg10 : memref<!tpu.dma_semaphore, #tpu.memory_space<semaphore_mem>>) src(%arg6 : memref<128xf32, #tpu.memory_space<vmem>>) dst(%dma_wait3A_117 : memref<10112xf32, #tpu.memory_space<vmem_shared>>)
      } else {
      }
      %mul3A_77 = arith.constant 4 : i32
      %mul3A_78 = arith.muli %mul3A_77, %scan3A_59 : i32
      %add3A_79 = arith.constant 1 : i32
      %add3A_80 = arith.addi %mul3A_78, %add3A_79 : i32
      %mul3A_81 = arith.constant 128 : i32
      %mul3A_82 = arith.muli %add3A_80, %mul3A_81 : i32
      %dma_start3A_83 = tpu.memref_slice %arg7[%mul3A_82] : memref<5120xi32, #tpu.memory_space<vmem>> -> memref<128xi32, #tpu.memory_space<vmem>>
      %dma_start3A_84 = arith.constant 0 : i32
      %dma_start3A_85 = tpu.memref_slice %arg8[%dma_start3A_84] : memref<10112xf32, #tpu.memory_space<vmem_shared>> -> memref<10112xf32, #tpu.memory_space<vmem_shared>>
      tpu.enqueue_indirect_dma source(%arg6 : memref<128xf32, #tpu.memory_space<vmem>>) target(%dma_start3A_85 : memref<10112xf32, #tpu.memory_space<vmem_shared>>) offsets(%dma_start3A_83 : memref<128xi32, #tpu.memory_space<vmem>>) semaphore(%arg10 : memref<!tpu.dma_semaphore, #tpu.memory_space<semaphore_mem>>) {add = true}
      %ge3A_86 = arith.constant 1 : i32
      %ge3A_87 = arith.cmpi sge, %scan3A_59, %ge3A_86 : i32
      %convert_element_type3A_88 = arith.extui %ge3A_87 : i1 to i32
      %cond3A_89 = arith.constant 0 : i32
      %cond3A_90 = arith.cmpi ne, %convert_element_type3A_88, %cond3A_89 : i32
      scf.if %cond3A_90 {
        %dma_wait3A_114 = arith.constant 0 : i32
        %dma_wait3A_115 = tpu.memref_slice %arg7[%dma_wait3A_114] : memref<5120xi32, #tpu.memory_space<vmem>> -> memref<128xi32, #tpu.memory_space<vmem>>
        %dma_wait3A_116 = arith.constant 0 : i32
        %dma_wait3A_117 = tpu.memref_slice %arg8[%dma_wait3A_116] : memref<10112xf32, #tpu.memory_space<vmem_shared>> -> memref<10112xf32, #tpu.memory_space<vmem_shared>>
        tpu.wait_indirect_dma semaphore(%arg11 : memref<!tpu.dma_semaphore, #tpu.memory_space<semaphore_mem>>) src(%arg6 : memref<128xf32, #tpu.memory_space<vmem>>) dst(%dma_wait3A_117 : memref<10112xf32, #tpu.memory_space<vmem_shared>>)
      } else {
      }
      %mul3A_91 = arith.constant 4 : i32
      %mul3A_92 = arith.muli %mul3A_91, %scan3A_59 : i32
      %add3A_93 = arith.constant 2 : i32
      %add3A_94 = arith.addi %mul3A_92, %add3A_93 : i32
      %mul3A_95 = arith.constant 128 : i32
      %mul3A_96 = arith.muli %add3A_94, %mul3A_95 : i32
      %dma_start3A_97 = tpu.memref_slice %arg7[%mul3A_96] : memref<5120xi32, #tpu.memory_space<vmem>> -> memref<128xi32, #tpu.memory_space<vmem>>
      %dma_start3A_98 = arith.constant 0 : i32
      %dma_start3A_99 = tpu.memref_slice %arg8[%dma_start3A_98] : memref<10112xf32, #tpu.memory_space<vmem_shared>> -> memref<10112xf32, #tpu.memory_space<vmem_shared>>
      tpu.enqueue_indirect_dma source(%arg6 : memref<128xf32, #tpu.memory_space<vmem>>) target(%dma_start3A_99 : memref<10112xf32, #tpu.memory_space<vmem_shared>>) offsets(%dma_start3A_97 : memref<128xi32, #tpu.memory_space<vmem>>) semaphore(%arg11 : memref<!tpu.dma_semaphore, #tpu.memory_space<semaphore_mem>>) {add = true}
      %ge3A_100 = arith.constant 1 : i32
      %ge3A_101 = arith.cmpi sge, %scan3A_59, %ge3A_100 : i32
      %convert_element_type3A_102 = arith.extui %ge3A_101 : i1 to i32
      %cond3A_103 = arith.constant 0 : i32
      %cond3A_104 = arith.cmpi ne, %convert_element_type3A_102, %cond3A_103 : i32
      scf.if %cond3A_104 {
        %dma_wait3A_114 = arith.constant 0 : i32
        %dma_wait3A_115 = tpu.memref_slice %arg7[%dma_wait3A_114] : memref<5120xi32, #tpu.memory_space<vmem>> -> memref<128xi32, #tpu.memory_space<vmem>>
        %dma_wait3A_116 = arith.constant 0 : i32
        %dma_wait3A_117 = tpu.memref_slice %arg8[%dma_wait3A_116] : memref<10112xf32, #tpu.memory_space<vmem_shared>> -> memref<10112xf32, #tpu.memory_space<vmem_shared>>
        tpu.wait_indirect_dma semaphore(%arg12 : memref<!tpu.dma_semaphore, #tpu.memory_space<semaphore_mem>>) src(%arg6 : memref<128xf32, #tpu.memory_space<vmem>>) dst(%dma_wait3A_117 : memref<10112xf32, #tpu.memory_space<vmem_shared>>)
      } else {
      }
      %mul3A_105 = arith.constant 4 : i32
      %mul3A_106 = arith.muli %mul3A_105, %scan3A_59 : i32
      %add3A_107 = arith.constant 3 : i32
      %add3A_108 = arith.addi %mul3A_106, %add3A_107 : i32
      %mul3A_109 = arith.constant 128 : i32
      %mul3A_110 = arith.muli %add3A_108, %mul3A_109 : i32
      %dma_start3A_111 = tpu.memref_slice %arg7[%mul3A_110] : memref<5120xi32, #tpu.memory_space<vmem>> -> memref<128xi32, #tpu.memory_space<vmem>>
      %dma_start3A_112 = arith.constant 0 : i32
      %dma_start3A_113 = tpu.memref_slice %arg8[%dma_start3A_112] : memref<10112xf32, #tpu.memory_space<vmem_shared>> -> memref<10112xf32, #tpu.memory_space<vmem_shared>>
      tpu.enqueue_indirect_dma source(%arg6 : memref<128xf32, #tpu.memory_space<vmem>>) target(%dma_start3A_113 : memref<10112xf32, #tpu.memory_space<vmem_shared>>) offsets(%dma_start3A_111 : memref<128xi32, #tpu.memory_space<vmem>>) semaphore(%arg12 : memref<!tpu.dma_semaphore, #tpu.memory_space<semaphore_mem>>) {add = true}
    }
    %scan3A_36 = arith.constant 10 : i32
    %dma_wait3A_37 = arith.constant 0 : i32
    %dma_wait3A_38 = tpu.memref_slice %arg7[%dma_wait3A_37] : memref<5120xi32, #tpu.memory_space<vmem>> -> memref<128xi32, #tpu.memory_space<vmem>>
    %dma_wait3A_39 = arith.constant 0 : i32
    %dma_wait3A_40 = tpu.memref_slice %arg8[%dma_wait3A_39] : memref<10112xf32, #tpu.memory_space<vmem_shared>> -> memref<10112xf32, #tpu.memory_space<vmem_shared>>
    tpu.wait_indirect_dma semaphore(%arg9 : memref<!tpu.dma_semaphore, #tpu.memory_space<semaphore_mem>>) src(%arg6 : memref<128xf32, #tpu.memory_space<vmem>>) dst(%dma_wait3A_40 : memref<10112xf32, #tpu.memory_space<vmem_shared>>)
    %dma_wait3A_41 = arith.constant 0 : i32
    %dma_wait3A_42 = tpu.memref_slice %arg7[%dma_wait3A_41] : memref<5120xi32, #tpu.memory_space<vmem>> -> memref<128xi32, #tpu.memory_space<vmem>>
    %dma_wait3A_43 = arith.constant 0 : i32
    %dma_wait3A_44 = tpu.memref_slice %arg8[%dma_wait3A_43] : memref<10112xf32, #tpu.memory_space<vmem_shared>> -> memref<10112xf32, #tpu.memory_space<vmem_shared>>
    tpu.wait_indirect_dma semaphore(%arg10 : memref<!tpu.dma_semaphore, #tpu.memory_space<semaphore_mem>>) src(%arg6 : memref<128xf32, #tpu.memory_space<vmem>>) dst(%dma_wait3A_44 : memref<10112xf32, #tpu.memory_space<vmem_shared>>)
    %dma_wait3A_45 = arith.constant 0 : i32
    %dma_wait3A_46 = tpu.memref_slice %arg7[%dma_wait3A_45] : memref<5120xi32, #tpu.memory_space<vmem>> -> memref<128xi32, #tpu.memory_space<vmem>>
    %dma_wait3A_47 = arith.constant 0 : i32
    %dma_wait3A_48 = tpu.memref_slice %arg8[%dma_wait3A_47] : memref<10112xf32, #tpu.memory_space<vmem_shared>> -> memref<10112xf32, #tpu.memory_space<vmem_shared>>
    tpu.wait_indirect_dma semaphore(%arg11 : memref<!tpu.dma_semaphore, #tpu.memory_space<semaphore_mem>>) src(%arg6 : memref<128xf32, #tpu.memory_space<vmem>>) dst(%dma_wait3A_48 : memref<10112xf32, #tpu.memory_space<vmem_shared>>)
    %dma_wait3A_49 = arith.constant 0 : i32
    %dma_wait3A_50 = tpu.memref_slice %arg7[%dma_wait3A_49] : memref<5120xi32, #tpu.memory_space<vmem>> -> memref<128xi32, #tpu.memory_space<vmem>>
    %dma_wait3A_51 = arith.constant 0 : i32
    %dma_wait3A_52 = tpu.memref_slice %arg8[%dma_wait3A_51] : memref<10112xf32, #tpu.memory_space<vmem_shared>> -> memref<10112xf32, #tpu.memory_space<vmem_shared>>
    tpu.wait_indirect_dma semaphore(%arg12 : memref<!tpu.dma_semaphore, #tpu.memory_space<semaphore_mem>>) src(%arg6 : memref<128xf32, #tpu.memory_space<vmem>>) dst(%dma_wait3A_52 : memref<10112xf32, #tpu.memory_space<vmem_shared>>)
    %barrier3A_53 = arith.constant 0 : index
    tpu.barrier barrier_id(%barrier3A_53)
    %eq3A_54 = arith.constant 0 : i32
    %eq3A_55 = arith.cmpi eq, %arg1, %eq3A_54 : i32
    %convert_element_type3A_56 = arith.extui %eq3A_55 : i1 to i32
    %cond3A_57 = arith.constant 0 : i32
    %cond3A_58 = arith.cmpi ne, %convert_element_type3A_56, %cond3A_57 : i32
    scf.if %cond3A_58 {
      %mul3A_59 = arith.constant 10112 : i32
      %mul3A_60 = arith.muli %arg0, %mul3A_59 : i32
      "tpu.region"() ({
        %run_scoped3A = tpu.sem_alloc : memref<!tpu.dma_semaphore, #tpu.memory_space<semaphore_mem>>
        %dma_start3A = tpu.memref_slice %arg5[%mul3A_60] : memref<20224xf32, #tpu.memory_space<hbm>> -> memref<10112xf32, #tpu.memory_space<hbm>>
        tpu.enqueue_dma source(%arg8 : memref<10112xf32, #tpu.memory_space<vmem_shared>>) target(%dma_start3A : memref<10112xf32, #tpu.memory_space<hbm>>) target_semaphore(%run_scoped3A : memref<!tpu.dma_semaphore, #tpu.memory_space<semaphore_mem>>)
        %dma_wait3A_61 = tpu.memref_slice %arg5[%mul3A_60] : memref<20224xf32, #tpu.memory_space<hbm>> -> memref<10112xf32, #tpu.memory_space<hbm>>
        tpu.wait_dma2 semaphore(%run_scoped3A : memref<!tpu.dma_semaphore, #tpu.memory_space<semaphore_mem>>) src(%arg8 : memref<10112xf32, #tpu.memory_space<vmem_shared>>) dst(%dma_wait3A_61 : memref<10112xf32, #tpu.memory_space<hbm>>)
        tpu.yield
      }) : () -> ()
    } else {
    }
    return
  }
}

#map = affine_map<(d0, d1) -> (0, 0)>
#map1 = affine_map<(d0, d1) -> (0)>
#map2 = affine_map<(d0, d1) -> (0, 0, 0)>
module attributes {stable_mosaic.version = 14 : i64} {
  func.func @_sc_scatter_body(%arg0: i32, %arg1: i32, %arg2: memref<10112x128xf32, #tpu.memory_space<hbm>>, %arg3: memref<327680xi32, #tpu.memory_space<hbm>>, %arg4: memref<327680xi32, #tpu.memory_space<hbm>>, %arg5: memref<632x128xf32, #tpu.memory_space<hbm>>, %arg6: memref<2x10112x128xf32, #tpu.memory_space<hbm>>, %arg7: memref<64x128xf32, #tpu.memory_space<vmem>>, %arg8: memref<64x128xf32, #tpu.memory_space<vmem>>, %arg9: memref<64x128xf32, #tpu.memory_space<vmem>>, %arg10: memref<64x128xf32, #tpu.memory_space<vmem>>, %arg11: memref<5120xi32, #tpu.memory_space<vmem>>, %arg12: memref<5120xi32, #tpu.memory_space<vmem>>, %arg13: memref<10112x128xf32, #tpu.memory_space<vmem_shared>>, %arg14: memref<!tpu.dma_semaphore, #tpu.memory_space<semaphore_mem>>, %arg15: memref<!tpu.dma_semaphore, #tpu.memory_space<semaphore_mem>>, %arg16: memref<!tpu.dma_semaphore, #tpu.memory_space<semaphore_mem>>, %arg17: memref<!tpu.dma_semaphore, #tpu.memory_space<semaphore_mem>>, %arg18: memref<!tpu.dma_semaphore, #tpu.memory_space<semaphore_mem>>, %arg19: memref<!tpu.dma_semaphore, #tpu.memory_space<semaphore_mem>>, %arg20: memref<!tpu.dma_semaphore, #tpu.memory_space<semaphore_mem>>, %arg21: memref<!tpu.dma_semaphore, #tpu.memory_space<semaphore_mem>>) attributes {dimension_semantics = [#tpu.dimension_semantics<core_parallel>, #tpu.dimension_semantics<subcore_parallel>], iteration_bounds = array<i64: 2, 16>, scalar_prefetch = 0 : i64, scratch_operands = 15 : i64, tpu.core_type = #tpu.core_type<sc_vector_subcore>, window_params = [{transform_indices = #map}, {transform_indices = #map1}, {transform_indices = #map1}, {transform_indices = #map}, {transform_indices = #map2}]} {
    %mul3A = arith.constant 16 : i32
    %mul3A_0 = arith.muli %arg0, %mul3A : i32
    %add3A = arith.addi %mul3A_0, %arg1 : i32
    %mul3A_1 = arith.constant 632 : i32
    %mul3A_2 = arith.muli %arg1, %mul3A_1 : i32
    "tpu.region"() ({
      %run_scoped3A = tpu.sem_alloc : memref<!tpu.dma_semaphore, #tpu.memory_space<semaphore_mem>>
      %dma_start3A_89 = arith.constant 0 : i32
      %dma_start3A_90 = tpu.memref_slice %arg13[%mul3A_2, %dma_start3A_89] : memref<10112x128xf32, #tpu.memory_space<vmem_shared>> -> memref<632x128xf32, #tpu.memory_space<vmem_shared>>
      tpu.enqueue_dma source(%arg5 : memref<632x128xf32, #tpu.memory_space<hbm>>) target(%dma_start3A_90 : memref<632x128xf32, #tpu.memory_space<vmem_shared>>) target_semaphore(%run_scoped3A : memref<!tpu.dma_semaphore, #tpu.memory_space<semaphore_mem>>)
      %dma_wait3A_91 = arith.constant 0 : i32
      %dma_wait3A_92 = tpu.memref_slice %arg13[%mul3A_2, %dma_wait3A_91] : memref<10112x128xf32, #tpu.memory_space<vmem_shared>> -> memref<632x128xf32, #tpu.memory_space<vmem_shared>>
      tpu.wait_dma2 semaphore(%run_scoped3A : memref<!tpu.dma_semaphore, #tpu.memory_space<semaphore_mem>>) src(%arg5 : memref<632x128xf32, #tpu.memory_space<hbm>>) dst(%dma_wait3A_92 : memref<632x128xf32, #tpu.memory_space<vmem_shared>>)
      tpu.yield
    }) : () -> ()
    %mul3A_3 = arith.constant 10240 : i32
    %mul3A_4 = arith.muli %add3A, %mul3A_3 : i32
    %barrier3A = arith.constant 0 : index
    tpu.barrier barrier_id(%barrier3A)
    %add3A_5 = arith.constant 0 : i32
    %add3A_6 = arith.addi %mul3A_4, %add3A_5 : i32
    "tpu.region"() ({
      %run_scoped3A = tpu.sem_alloc : memref<!tpu.dma_semaphore, #tpu.memory_space<semaphore_mem>>
      %dma_start3A_89 = tpu.memref_slice %arg3[%add3A_6] : memref<327680xi32, #tpu.memory_space<hbm>> -> memref<5120xi32, #tpu.memory_space<hbm>>
      %dma_start3A_90 = tpu.memref_slice %arg3[%add3A_6] : memref<327680xi32, #tpu.memory_space<hbm>> -> memref<5120xi32, #tpu.memory_space<hbm>>
      tpu.enqueue_dma source(%dma_start3A_90 : memref<5120xi32, #tpu.memory_space<hbm>>) target(%arg11 : memref<5120xi32, #tpu.memory_space<vmem>>) target_semaphore(%run_scoped3A : memref<!tpu.dma_semaphore, #tpu.memory_space<semaphore_mem>>)
      %dma_wait3A_91 = tpu.memref_slice %arg3[%add3A_6] : memref<327680xi32, #tpu.memory_space<hbm>> -> memref<5120xi32, #tpu.memory_space<hbm>>
      %dma_wait3A_92 = tpu.memref_slice %arg3[%add3A_6] : memref<327680xi32, #tpu.memory_space<hbm>> -> memref<5120xi32, #tpu.memory_space<hbm>>
      tpu.wait_dma2 semaphore(%run_scoped3A : memref<!tpu.dma_semaphore, #tpu.memory_space<semaphore_mem>>) src(%dma_wait3A_92 : memref<5120xi32, #tpu.memory_space<hbm>>) dst(%arg11 : memref<5120xi32, #tpu.memory_space<vmem>>)
      tpu.yield
    }) : () -> ()
    "tpu.region"() ({
      %run_scoped3A = tpu.sem_alloc : memref<!tpu.dma_semaphore, #tpu.memory_space<semaphore_mem>>
      %dma_start3A_89 = tpu.memref_slice %arg4[%add3A_6] : memref<327680xi32, #tpu.memory_space<hbm>> -> memref<5120xi32, #tpu.memory_space<hbm>>
      %dma_start3A_90 = tpu.memref_slice %arg4[%add3A_6] : memref<327680xi32, #tpu.memory_space<hbm>> -> memref<5120xi32, #tpu.memory_space<hbm>>
      tpu.enqueue_dma source(%dma_start3A_90 : memref<5120xi32, #tpu.memory_space<hbm>>) target(%arg12 : memref<5120xi32, #tpu.memory_space<vmem>>) target_semaphore(%run_scoped3A : memref<!tpu.dma_semaphore, #tpu.memory_space<semaphore_mem>>)
      %dma_wait3A_91 = tpu.memref_slice %arg4[%add3A_6] : memref<327680xi32, #tpu.memory_space<hbm>> -> memref<5120xi32, #tpu.memory_space<hbm>>
      %dma_wait3A_92 = tpu.memref_slice %arg4[%add3A_6] : memref<327680xi32, #tpu.memory_space<hbm>> -> memref<5120xi32, #tpu.memory_space<hbm>>
      tpu.wait_dma2 semaphore(%run_scoped3A : memref<!tpu.dma_semaphore, #tpu.memory_space<semaphore_mem>>) src(%dma_wait3A_92 : memref<5120xi32, #tpu.memory_space<hbm>>) dst(%arg12 : memref<5120xi32, #tpu.memory_space<vmem>>)
      tpu.yield
    }) : () -> ()
    %dma_start3A = arith.constant 0 : i32
    %dma_start3A_7 = tpu.memref_slice %arg11[%dma_start3A] : memref<5120xi32, #tpu.memory_space<vmem>> -> memref<64xi32, #tpu.memory_space<vmem>>
    %dma_start3A_8 = arith.constant 0 : i32
    %dma_start3A_9 = arith.constant 0 : i32
    %dma_start3A_10 = tpu.memref_slice %arg2[%dma_start3A_8, %dma_start3A_9] : memref<10112x128xf32, #tpu.memory_space<hbm>> -> memref<10112x128xf32, #tpu.memory_space<hbm>>
    tpu.enqueue_indirect_dma source(%dma_start3A_10 : memref<10112x128xf32, #tpu.memory_space<hbm>>) target(%arg7 : memref<64x128xf32, #tpu.memory_space<vmem>>) offsets(%dma_start3A_7 : memref<64xi32, #tpu.memory_space<vmem>>) semaphore(%arg14 : memref<!tpu.dma_semaphore, #tpu.memory_space<semaphore_mem>>)
    %dma_start3A_11 = arith.constant 64 : i32
    %dma_start3A_12 = tpu.memref_slice %arg11[%dma_start3A_11] : memref<5120xi32, #tpu.memory_space<vmem>> -> memref<64xi32, #tpu.memory_space<vmem>>
    %dma_start3A_13 = arith.constant 0 : i32
    %dma_start3A_14 = arith.constant 0 : i32
    %dma_start3A_15 = tpu.memref_slice %arg2[%dma_start3A_13, %dma_start3A_14] : memref<10112x128xf32, #tpu.memory_space<hbm>> -> memref<10112x128xf32, #tpu.memory_space<hbm>>
    tpu.enqueue_indirect_dma source(%dma_start3A_15 : memref<10112x128xf32, #tpu.memory_space<hbm>>) target(%arg8 : memref<64x128xf32, #tpu.memory_space<vmem>>) offsets(%dma_start3A_12 : memref<64xi32, #tpu.memory_space<vmem>>) semaphore(%arg15 : memref<!tpu.dma_semaphore, #tpu.memory_space<semaphore_mem>>)
    %dma_start3A_16 = arith.constant 128 : i32
    %dma_start3A_17 = tpu.memref_slice %arg11[%dma_start3A_16] : memref<5120xi32, #tpu.memory_space<vmem>> -> memref<64xi32, #tpu.memory_space<vmem>>
    %dma_start3A_18 = arith.constant 0 : i32
    %dma_start3A_19 = arith.constant 0 : i32
    %dma_start3A_20 = tpu.memref_slice %arg2[%dma_start3A_18, %dma_start3A_19] : memref<10112x128xf32, #tpu.memory_space<hbm>> -> memref<10112x128xf32, #tpu.memory_space<hbm>>
    tpu.enqueue_indirect_dma source(%dma_start3A_20 : memref<10112x128xf32, #tpu.memory_space<hbm>>) target(%arg9 : memref<64x128xf32, #tpu.memory_space<vmem>>) offsets(%dma_start3A_17 : memref<64xi32, #tpu.memory_space<vmem>>) semaphore(%arg16 : memref<!tpu.dma_semaphore, #tpu.memory_space<semaphore_mem>>)
    %scan3A = arith.constant 0 : i32
    %scan3A_21 = arith.constant 0 : i32
    %scan3A_22 = arith.constant 20 : i32
    %scan3A_23 = arith.addi %scan3A_21, %scan3A_22 : i32
    %scan3A_24 = arith.constant 1 : i32
    scf.for %scan3A_89 = %scan3A_21 to %scan3A_23 step %scan3A_24  : i32 {
      %mul3A_90 = arith.constant 4 : i32
      %mul3A_91 = arith.muli %mul3A_90, %scan3A_89 : i32
      %add3A_92 = arith.constant 0 : i32
      %add3A_93 = arith.addi %mul3A_91, %add3A_92 : i32
      %add3A_94 = arith.constant 3 : i32
      %add3A_95 = arith.addi %add3A_93, %add3A_94 : i32
      %lt3A = arith.constant 80 : i32
      %lt3A_96 = arith.cmpi slt, %add3A_95, %lt3A : i32
      %convert_element_type3A = arith.extui %lt3A_96 : i1 to i32
      %cond3A = arith.constant 0 : i32
      %cond3A_97 = arith.cmpi ne, %convert_element_type3A, %cond3A : i32
      scf.if %cond3A_97 {
        %ge3A = arith.constant 1 : i32
        %ge3A_173 = arith.cmpi sge, %add3A_93, %ge3A : i32
        %convert_element_type3A_174 = arith.extui %ge3A_173 : i1 to i32
        %cond3A_175 = arith.constant 0 : i32
        %cond3A_176 = arith.cmpi ne, %convert_element_type3A_174, %cond3A_175 : i32
        scf.if %cond3A_176 {
          %dma_wait3A_185 = arith.constant 0 : i32
          %dma_wait3A_186 = tpu.memref_slice %arg12[%dma_wait3A_185] : memref<5120xi32, #tpu.memory_space<vmem>> -> memref<64xi32, #tpu.memory_space<vmem>>
          %dma_wait3A_187 = arith.constant 0 : i32
          %dma_wait3A_188 = arith.constant 0 : i32
          %dma_wait3A_189 = tpu.memref_slice %arg13[%dma_wait3A_187, %dma_wait3A_188] : memref<10112x128xf32, #tpu.memory_space<vmem_shared>> -> memref<10112x128xf32, #tpu.memory_space<vmem_shared>>
          tpu.wait_indirect_dma semaphore(%arg21 : memref<!tpu.dma_semaphore, #tpu.memory_space<semaphore_mem>>) src(%arg10 : memref<64x128xf32, #tpu.memory_space<vmem>>) dst(%dma_wait3A_189 : memref<10112x128xf32, #tpu.memory_space<vmem_shared>>)
        } else {
        }
        %add3A_177 = arith.constant 3 : i32
        %add3A_178 = arith.addi %add3A_93, %add3A_177 : i32
        %mul3A_179 = arith.constant 64 : i32
        %mul3A_180 = arith.muli %add3A_178, %mul3A_179 : i32
        %dma_start3A_181 = tpu.memref_slice %arg11[%mul3A_180] : memref<5120xi32, #tpu.memory_space<vmem>> -> memref<64xi32, #tpu.memory_space<vmem>>
        %dma_start3A_182 = arith.constant 0 : i32
        %dma_start3A_183 = arith.constant 0 : i32
        %dma_start3A_184 = tpu.memref_slice %arg2[%dma_start3A_182, %dma_start3A_183] : memref<10112x128xf32, #tpu.memory_space<hbm>> -> memref<10112x128xf32, #tpu.memory_space<hbm>>
        tpu.enqueue_indirect_dma source(%dma_start3A_184 : memref<10112x128xf32, #tpu.memory_space<hbm>>) target(%arg10 : memref<64x128xf32, #tpu.memory_space<vmem>>) offsets(%dma_start3A_181 : memref<64xi32, #tpu.memory_space<vmem>>) semaphore(%arg17 : memref<!tpu.dma_semaphore, #tpu.memory_space<semaphore_mem>>)
      } else {
      }
      %mul3A_98 = arith.constant 64 : i32
      %mul3A_99 = arith.muli %add3A_93, %mul3A_98 : i32
      %dma_wait3A_100 = tpu.memref_slice %arg11[%mul3A_99] : memref<5120xi32, #tpu.memory_space<vmem>> -> memref<64xi32, #tpu.memory_space<vmem>>
      %dma_wait3A_101 = arith.constant 0 : i32
      %dma_wait3A_102 = arith.constant 0 : i32
      %dma_wait3A_103 = tpu.memref_slice %arg2[%dma_wait3A_101, %dma_wait3A_102] : memref<10112x128xf32, #tpu.memory_space<hbm>> -> memref<10112x128xf32, #tpu.memory_space<hbm>>
      tpu.wait_indirect_dma semaphore(%arg14 : memref<!tpu.dma_semaphore, #tpu.memory_space<semaphore_mem>>) src(%dma_wait3A_103 : memref<10112x128xf32, #tpu.memory_space<hbm>>) dst(%arg7 : memref<64x128xf32, #tpu.memory_space<vmem>>)
      %mul3A_104 = arith.constant 64 : i32
      %mul3A_105 = arith.muli %add3A_93, %mul3A_104 : i32
      %dma_start3A_106 = tpu.memref_slice %arg12[%mul3A_105] : memref<5120xi32, #tpu.memory_space<vmem>> -> memref<64xi32, #tpu.memory_space<vmem>>
      %dma_start3A_107 = arith.constant 0 : i32
      %dma_start3A_108 = arith.constant 0 : i32
      %dma_start3A_109 = tpu.memref_slice %arg13[%dma_start3A_107, %dma_start3A_108] : memref<10112x128xf32, #tpu.memory_space<vmem_shared>> -> memref<10112x128xf32, #tpu.memory_space<vmem_shared>>
      tpu.enqueue_indirect_dma source(%arg7 : memref<64x128xf32, #tpu.memory_space<vmem>>) target(%dma_start3A_109 : memref<10112x128xf32, #tpu.memory_space<vmem_shared>>) offsets(%dma_start3A_106 : memref<64xi32, #tpu.memory_space<vmem>>) semaphore(%arg18 : memref<!tpu.dma_semaphore, #tpu.memory_space<semaphore_mem>>) {add = true}
      %add3A_110 = arith.constant 1 : i32
      %add3A_111 = arith.addi %mul3A_91, %add3A_110 : i32
      %add3A_112 = arith.constant 3 : i32
      %add3A_113 = arith.addi %add3A_111, %add3A_112 : i32
      %lt3A_114 = arith.constant 80 : i32
      %lt3A_115 = arith.cmpi slt, %add3A_113, %lt3A_114 : i32
      %convert_element_type3A_116 = arith.extui %lt3A_115 : i1 to i32
      %cond3A_117 = arith.constant 0 : i32
      %cond3A_118 = arith.cmpi ne, %convert_element_type3A_116, %cond3A_117 : i32
      scf.if %cond3A_118 {
        %ge3A = arith.constant 1 : i32
        %ge3A_173 = arith.cmpi sge, %add3A_111, %ge3A : i32
        %convert_element_type3A_174 = arith.extui %ge3A_173 : i1 to i32
        %cond3A_175 = arith.constant 0 : i32
        %cond3A_176 = arith.cmpi ne, %convert_element_type3A_174, %cond3A_175 : i32
        scf.if %cond3A_176 {
          %dma_wait3A_185 = arith.constant 0 : i32
          %dma_wait3A_186 = tpu.memref_slice %arg12[%dma_wait3A_185] : memref<5120xi32, #tpu.memory_space<vmem>> -> memref<64xi32, #tpu.memory_space<vmem>>
          %dma_wait3A_187 = arith.constant 0 : i32
          %dma_wait3A_188 = arith.constant 0 : i32
          %dma_wait3A_189 = tpu.memref_slice %arg13[%dma_wait3A_187, %dma_wait3A_188] : memref<10112x128xf32, #tpu.memory_space<vmem_shared>> -> memref<10112x128xf32, #tpu.memory_space<vmem_shared>>
          tpu.wait_indirect_dma semaphore(%arg18 : memref<!tpu.dma_semaphore, #tpu.memory_space<semaphore_mem>>) src(%arg7 : memref<64x128xf32, #tpu.memory_space<vmem>>) dst(%dma_wait3A_189 : memref<10112x128xf32, #tpu.memory_space<vmem_shared>>)
        } else {
        }
        %add3A_177 = arith.constant 3 : i32
        %add3A_178 = arith.addi %add3A_111, %add3A_177 : i32
        %mul3A_179 = arith.constant 64 : i32
        %mul3A_180 = arith.muli %add3A_178, %mul3A_179 : i32
        %dma_start3A_181 = tpu.memref_slice %arg11[%mul3A_180] : memref<5120xi32, #tpu.memory_space<vmem>> -> memref<64xi32, #tpu.memory_space<vmem>>
        %dma_start3A_182 = arith.constant 0 : i32
        %dma_start3A_183 = arith.constant 0 : i32
        %dma_start3A_184 = tpu.memref_slice %arg2[%dma_start3A_182, %dma_start3A_183] : memref<10112x128xf32, #tpu.memory_space<hbm>> -> memref<10112x128xf32, #tpu.memory_space<hbm>>
        tpu.enqueue_indirect_dma source(%dma_start3A_184 : memref<10112x128xf32, #tpu.memory_space<hbm>>) target(%arg7 : memref<64x128xf32, #tpu.memory_space<vmem>>) offsets(%dma_start3A_181 : memref<64xi32, #tpu.memory_space<vmem>>) semaphore(%arg14 : memref<!tpu.dma_semaphore, #tpu.memory_space<semaphore_mem>>)
      } else {
      }
      %mul3A_119 = arith.constant 64 : i32
      %mul3A_120 = arith.muli %add3A_111, %mul3A_119 : i32
      %dma_wait3A_121 = tpu.memref_slice %arg11[%mul3A_120] : memref<5120xi32, #tpu.memory_space<vmem>> -> memref<64xi32, #tpu.memory_space<vmem>>
      %dma_wait3A_122 = arith.constant 0 : i32
      %dma_wait3A_123 = arith.constant 0 : i32
      %dma_wait3A_124 = tpu.memref_slice %arg2[%dma_wait3A_122, %dma_wait3A_123] : memref<10112x128xf32, #tpu.memory_space<hbm>> -> memref<10112x128xf32, #tpu.memory_space<hbm>>
      tpu.wait_indirect_dma semaphore(%arg15 : memref<!tpu.dma_semaphore, #tpu.memory_space<semaphore_mem>>) src(%dma_wait3A_124 : memref<10112x128xf32, #tpu.memory_space<hbm>>) dst(%arg8 : memref<64x128xf32, #tpu.memory_space<vmem>>)
      %mul3A_125 = arith.constant 64 : i32
      %mul3A_126 = arith.muli %add3A_111, %mul3A_125 : i32
      %dma_start3A_127 = tpu.memref_slice %arg12[%mul3A_126] : memref<5120xi32, #tpu.memory_space<vmem>> -> memref<64xi32, #tpu.memory_space<vmem>>
      %dma_start3A_128 = arith.constant 0 : i32
      %dma_start3A_129 = arith.constant 0 : i32
      %dma_start3A_130 = tpu.memref_slice %arg13[%dma_start3A_128, %dma_start3A_129] : memref<10112x128xf32, #tpu.memory_space<vmem_shared>> -> memref<10112x128xf32, #tpu.memory_space<vmem_shared>>
      tpu.enqueue_indirect_dma source(%arg8 : memref<64x128xf32, #tpu.memory_space<vmem>>) target(%dma_start3A_130 : memref<10112x128xf32, #tpu.memory_space<vmem_shared>>) offsets(%dma_start3A_127 : memref<64xi32, #tpu.memory_space<vmem>>) semaphore(%arg19 : memref<!tpu.dma_semaphore, #tpu.memory_space<semaphore_mem>>) {add = true}
      %add3A_131 = arith.constant 2 : i32
      %add3A_132 = arith.addi %mul3A_91, %add3A_131 : i32
      %add3A_133 = arith.constant 3 : i32
      %add3A_134 = arith.addi %add3A_132, %add3A_133 : i32
      %lt3A_135 = arith.constant 80 : i32
      %lt3A_136 = arith.cmpi slt, %add3A_134, %lt3A_135 : i32
      %convert_element_type3A_137 = arith.extui %lt3A_136 : i1 to i32
      %cond3A_138 = arith.constant 0 : i32
      %cond3A_139 = arith.cmpi ne, %convert_element_type3A_137, %cond3A_138 : i32
      scf.if %cond3A_139 {
        %ge3A = arith.constant 1 : i32
        %ge3A_173 = arith.cmpi sge, %add3A_132, %ge3A : i32
        %convert_element_type3A_174 = arith.extui %ge3A_173 : i1 to i32
        %cond3A_175 = arith.constant 0 : i32
        %cond3A_176 = arith.cmpi ne, %convert_element_type3A_174, %cond3A_175 : i32
        scf.if %cond3A_176 {
          %dma_wait3A_185 = arith.constant 0 : i32
          %dma_wait3A_186 = tpu.memref_slice %arg12[%dma_wait3A_185] : memref<5120xi32, #tpu.memory_space<vmem>> -> memref<64xi32, #tpu.memory_space<vmem>>
          %dma_wait3A_187 = arith.constant 0 : i32
          %dma_wait3A_188 = arith.constant 0 : i32
          %dma_wait3A_189 = tpu.memref_slice %arg13[%dma_wait3A_187, %dma_wait3A_188] : memref<10112x128xf32, #tpu.memory_space<vmem_shared>> -> memref<10112x128xf32, #tpu.memory_space<vmem_shared>>
          tpu.wait_indirect_dma semaphore(%arg19 : memref<!tpu.dma_semaphore, #tpu.memory_space<semaphore_mem>>) src(%arg8 : memref<64x128xf32, #tpu.memory_space<vmem>>) dst(%dma_wait3A_189 : memref<10112x128xf32, #tpu.memory_space<vmem_shared>>)
        } else {
        }
        %add3A_177 = arith.constant 3 : i32
        %add3A_178 = arith.addi %add3A_132, %add3A_177 : i32
        %mul3A_179 = arith.constant 64 : i32
        %mul3A_180 = arith.muli %add3A_178, %mul3A_179 : i32
        %dma_start3A_181 = tpu.memref_slice %arg11[%mul3A_180] : memref<5120xi32, #tpu.memory_space<vmem>> -> memref<64xi32, #tpu.memory_space<vmem>>
        %dma_start3A_182 = arith.constant 0 : i32
        %dma_start3A_183 = arith.constant 0 : i32
        %dma_start3A_184 = tpu.memref_slice %arg2[%dma_start3A_182, %dma_start3A_183] : memref<10112x128xf32, #tpu.memory_space<hbm>> -> memref<10112x128xf32, #tpu.memory_space<hbm>>
        tpu.enqueue_indirect_dma source(%dma_start3A_184 : memref<10112x128xf32, #tpu.memory_space<hbm>>) target(%arg8 : memref<64x128xf32, #tpu.memory_space<vmem>>) offsets(%dma_start3A_181 : memref<64xi32, #tpu.memory_space<vmem>>) semaphore(%arg15 : memref<!tpu.dma_semaphore, #tpu.memory_space<semaphore_mem>>)
      } else {
      }
      %mul3A_140 = arith.constant 64 : i32
      %mul3A_141 = arith.muli %add3A_132, %mul3A_140 : i32
      %dma_wait3A_142 = tpu.memref_slice %arg11[%mul3A_141] : memref<5120xi32, #tpu.memory_space<vmem>> -> memref<64xi32, #tpu.memory_space<vmem>>
      %dma_wait3A_143 = arith.constant 0 : i32
      %dma_wait3A_144 = arith.constant 0 : i32
      %dma_wait3A_145 = tpu.memref_slice %arg2[%dma_wait3A_143, %dma_wait3A_144] : memref<10112x128xf32, #tpu.memory_space<hbm>> -> memref<10112x128xf32, #tpu.memory_space<hbm>>
      tpu.wait_indirect_dma semaphore(%arg16 : memref<!tpu.dma_semaphore, #tpu.memory_space<semaphore_mem>>) src(%dma_wait3A_145 : memref<10112x128xf32, #tpu.memory_space<hbm>>) dst(%arg9 : memref<64x128xf32, #tpu.memory_space<vmem>>)
      %mul3A_146 = arith.constant 64 : i32
      %mul3A_147 = arith.muli %add3A_132, %mul3A_146 : i32
      %dma_start3A_148 = tpu.memref_slice %arg12[%mul3A_147] : memref<5120xi32, #tpu.memory_space<vmem>> -> memref<64xi32, #tpu.memory_space<vmem>>
      %dma_start3A_149 = arith.constant 0 : i32
      %dma_start3A_150 = arith.constant 0 : i32
      %dma_start3A_151 = tpu.memref_slice %arg13[%dma_start3A_149, %dma_start3A_150] : memref<10112x128xf32, #tpu.memory_space<vmem_shared>> -> memref<10112x128xf32, #tpu.memory_space<vmem_shared>>
      tpu.enqueue_indirect_dma source(%arg9 : memref<64x128xf32, #tpu.memory_space<vmem>>) target(%dma_start3A_151 : memref<10112x128xf32, #tpu.memory_space<vmem_shared>>) offsets(%dma_start3A_148 : memref<64xi32, #tpu.memory_space<vmem>>) semaphore(%arg20 : memref<!tpu.dma_semaphore, #tpu.memory_space<semaphore_mem>>) {add = true}
      %add3A_152 = arith.constant 3 : i32
      %add3A_153 = arith.addi %mul3A_91, %add3A_152 : i32
      %add3A_154 = arith.constant 3 : i32
      %add3A_155 = arith.addi %add3A_153, %add3A_154 : i32
      %lt3A_156 = arith.constant 80 : i32
      %lt3A_157 = arith.cmpi slt, %add3A_155, %lt3A_156 : i32
      %convert_element_type3A_158 = arith.extui %lt3A_157 : i1 to i32
      %cond3A_159 = arith.constant 0 : i32
      %cond3A_160 = arith.cmpi ne, %convert_element_type3A_158, %cond3A_159 : i32
      scf.if %cond3A_160 {
        %ge3A = arith.constant 1 : i32
        %ge3A_173 = arith.cmpi sge, %add3A_153, %ge3A : i32
        %convert_element_type3A_174 = arith.extui %ge3A_173 : i1 to i32
        %cond3A_175 = arith.constant 0 : i32
        %cond3A_176 = arith.cmpi ne, %convert_element_type3A_174, %cond3A_175 : i32
        scf.if %cond3A_176 {
          %dma_wait3A_185 = arith.constant 0 : i32
          %dma_wait3A_186 = tpu.memref_slice %arg12[%dma_wait3A_185] : memref<5120xi32, #tpu.memory_space<vmem>> -> memref<64xi32, #tpu.memory_space<vmem>>
          %dma_wait3A_187 = arith.constant 0 : i32
          %dma_wait3A_188 = arith.constant 0 : i32
          %dma_wait3A_189 = tpu.memref_slice %arg13[%dma_wait3A_187, %dma_wait3A_188] : memref<10112x128xf32, #tpu.memory_space<vmem_shared>> -> memref<10112x128xf32, #tpu.memory_space<vmem_shared>>
          tpu.wait_indirect_dma semaphore(%arg20 : memref<!tpu.dma_semaphore, #tpu.memory_space<semaphore_mem>>) src(%arg9 : memref<64x128xf32, #tpu.memory_space<vmem>>) dst(%dma_wait3A_189 : memref<10112x128xf32, #tpu.memory_space<vmem_shared>>)
        } else {
        }
        %add3A_177 = arith.constant 3 : i32
        %add3A_178 = arith.addi %add3A_153, %add3A_177 : i32
        %mul3A_179 = arith.constant 64 : i32
        %mul3A_180 = arith.muli %add3A_178, %mul3A_179 : i32
        %dma_start3A_181 = tpu.memref_slice %arg11[%mul3A_180] : memref<5120xi32, #tpu.memory_space<vmem>> -> memref<64xi32, #tpu.memory_space<vmem>>
        %dma_start3A_182 = arith.constant 0 : i32
        %dma_start3A_183 = arith.constant 0 : i32
        %dma_start3A_184 = tpu.memref_slice %arg2[%dma_start3A_182, %dma_start3A_183] : memref<10112x128xf32, #tpu.memory_space<hbm>> -> memref<10112x128xf32, #tpu.memory_space<hbm>>
        tpu.enqueue_indirect_dma source(%dma_start3A_184 : memref<10112x128xf32, #tpu.memory_space<hbm>>) target(%arg9 : memref<64x128xf32, #tpu.memory_space<vmem>>) offsets(%dma_start3A_181 : memref<64xi32, #tpu.memory_space<vmem>>) semaphore(%arg16 : memref<!tpu.dma_semaphore, #tpu.memory_space<semaphore_mem>>)
      } else {
      }
      %mul3A_161 = arith.constant 64 : i32
      %mul3A_162 = arith.muli %add3A_153, %mul3A_161 : i32
      %dma_wait3A_163 = tpu.memref_slice %arg11[%mul3A_162] : memref<5120xi32, #tpu.memory_space<vmem>> -> memref<64xi32, #tpu.memory_space<vmem>>
      %dma_wait3A_164 = arith.constant 0 : i32
      %dma_wait3A_165 = arith.constant 0 : i32
      %dma_wait3A_166 = tpu.memref_slice %arg2[%dma_wait3A_164, %dma_wait3A_165] : memref<10112x128xf32, #tpu.memory_space<hbm>> -> memref<10112x128xf32, #tpu.memory_space<hbm>>
      tpu.wait_indirect_dma semaphore(%arg17 : memref<!tpu.dma_semaphore, #tpu.memory_space<semaphore_mem>>) src(%dma_wait3A_166 : memref<10112x128xf32, #tpu.memory_space<hbm>>) dst(%arg10 : memref<64x128xf32, #tpu.memory_space<vmem>>)
      %mul3A_167 = arith.constant 64 : i32
      %mul3A_168 = arith.muli %add3A_153, %mul3A_167 : i32
      %dma_start3A_169 = tpu.memref_slice %arg12[%mul3A_168] : memref<5120xi32, #tpu.memory_space<vmem>> -> memref<64xi32, #tpu.memory_space<vmem>>
      %dma_start3A_170 = arith.constant 0 : i32
      %dma_start3A_171 = arith.constant 0 : i32
      %dma_start3A_172 = tpu.memref_slice %arg13[%dma_start3A_170, %dma_start3A_171] : memref<10112x128xf32, #tpu.memory_space<vmem_shared>> -> memref<10112x128xf32, #tpu.memory_space<vmem_shared>>
      tpu.enqueue_indirect_dma source(%arg10 : memref<64x128xf32, #tpu.memory_space<vmem>>) target(%dma_start3A_172 : memref<10112x128xf32, #tpu.memory_space<vmem_shared>>) offsets(%dma_start3A_169 : memref<64xi32, #tpu.memory_space<vmem>>) semaphore(%arg21 : memref<!tpu.dma_semaphore, #tpu.memory_space<semaphore_mem>>) {add = true}
    }
    %scan3A_25 = arith.constant 20 : i32
    %dma_wait3A = arith.constant 0 : i32
    %dma_wait3A_26 = tpu.memref_slice %arg12[%dma_wait3A] : memref<5120xi32, #tpu.memory_space<vmem>> -> memref<64xi32, #tpu.memory_space<vmem>>
    %dma_wait3A_27 = arith.constant 0 : i32
    %dma_wait3A_28 = arith.constant 0 : i32
    %dma_wait3A_29 = tpu.memref_slice %arg13[%dma_wait3A_27, %dma_wait3A_28] : memref<10112x128xf32, #tpu.memory_space<vmem_shared>> -> memref<10112x128xf32, #tpu.memory_space<vmem_shared>>
    tpu.wait_indirect_dma semaphore(%arg18 : memref<!tpu.dma_semaphore, #tpu.memory_space<semaphore_mem>>) src(%arg7 : memref<64x128xf32, #tpu.memory_space<vmem>>) dst(%dma_wait3A_29 : memref<10112x128xf32, #tpu.memory_space<vmem_shared>>)
    %dma_wait3A_30 = arith.constant 0 : i32
    %dma_wait3A_31 = tpu.memref_slice %arg12[%dma_wait3A_30] : memref<5120xi32, #tpu.memory_space<vmem>> -> memref<64xi32, #tpu.memory_space<vmem>>
    %dma_wait3A_32 = arith.constant 0 : i32
    %dma_wait3A_33 = arith.constant 0 : i32
    %dma_wait3A_34 = tpu.memref_slice %arg13[%dma_wait3A_32, %dma_wait3A_33] : memref<10112x128xf32, #tpu.memory_space<vmem_shared>> -> memref<10112x128xf32, #tpu.memory_space<vmem_shared>>
    tpu.wait_indirect_dma semaphore(%arg19 : memref<!tpu.dma_semaphore, #tpu.memory_space<semaphore_mem>>) src(%arg8 : memref<64x128xf32, #tpu.memory_space<vmem>>) dst(%dma_wait3A_34 : memref<10112x128xf32, #tpu.memory_space<vmem_shared>>)
    %dma_wait3A_35 = arith.constant 0 : i32
    %dma_wait3A_36 = tpu.memref_slice %arg12[%dma_wait3A_35] : memref<5120xi32, #tpu.memory_space<vmem>> -> memref<64xi32, #tpu.memory_space<vmem>>
    %dma_wait3A_37 = arith.constant 0 : i32
    %dma_wait3A_38 = arith.constant 0 : i32
    %dma_wait3A_39 = tpu.memref_slice %arg13[%dma_wait3A_37, %dma_wait3A_38] : memref<10112x128xf32, #tpu.memory_space<vmem_shared>> -> memref<10112x128xf32, #tpu.memory_space<vmem_shared>>
    tpu.wait_indirect_dma semaphore(%arg20 : memref<!tpu.dma_semaphore, #tpu.memory_space<semaphore_mem>>) src(%arg9 : memref<64x128xf32, #tpu.memory_space<vmem>>) dst(%dma_wait3A_39 : memref<10112x128xf32, #tpu.memory_space<vmem_shared>>)
    %dma_wait3A_40 = arith.constant 0 : i32
    %dma_wait3A_41 = tpu.memref_slice %arg12[%dma_wait3A_40] : memref<5120xi32, #tpu.memory_space<vmem>> -> memref<64xi32, #tpu.memory_space<vmem>>
    %dma_wait3A_42 = arith.constant 0 : i32
    %dma_wait3A_43 = arith.constant 0 : i32
    %dma_wait3A_44 = tpu.memref_slice %arg13[%dma_wait3A_42, %dma_wait3A_43] : memref<10112x128xf32, #tpu.memory_space<vmem_shared>> -> memref<10112x128xf32, #tpu.memory_space<vmem_shared>>
    tpu.wait_indirect_dma semaphore(%arg21 : memref<!tpu.dma_semaphore, #tpu.memory_space<semaphore_mem>>) src(%arg10 : memref<64x128xf32, #tpu.memory_space<vmem>>) dst(%dma_wait3A_44 : memref<10112x128xf32, #tpu.memory_space<vmem_shared>>)
    %add3A_45 = arith.constant 5120 : i32
    %add3A_46 = arith.addi %mul3A_4, %add3A_45 : i32
    "tpu.region"() ({
      %run_scoped3A = tpu.sem_alloc : memref<!tpu.dma_semaphore, #tpu.memory_space<semaphore_mem>>
      %dma_start3A_89 = tpu.memref_slice %arg3[%add3A_46] : memref<327680xi32, #tpu.memory_space<hbm>> -> memref<5120xi32, #tpu.memory_space<hbm>>
      %dma_start3A_90 = tpu.memref_slice %arg3[%add3A_46] : memref<327680xi32, #tpu.memory_space<hbm>> -> memref<5120xi32, #tpu.memory_space<hbm>>
      tpu.enqueue_dma source(%dma_start3A_90 : memref<5120xi32, #tpu.memory_space<hbm>>) target(%arg11 : memref<5120xi32, #tpu.memory_space<vmem>>) target_semaphore(%run_scoped3A : memref<!tpu.dma_semaphore, #tpu.memory_space<semaphore_mem>>)
      %dma_wait3A_91 = tpu.memref_slice %arg3[%add3A_46] : memref<327680xi32, #tpu.memory_space<hbm>> -> memref<5120xi32, #tpu.memory_space<hbm>>
      %dma_wait3A_92 = tpu.memref_slice %arg3[%add3A_46] : memref<327680xi32, #tpu.memory_space<hbm>> -> memref<5120xi32, #tpu.memory_space<hbm>>
      tpu.wait_dma2 semaphore(%run_scoped3A : memref<!tpu.dma_semaphore, #tpu.memory_space<semaphore_mem>>) src(%dma_wait3A_92 : memref<5120xi32, #tpu.memory_space<hbm>>) dst(%arg11 : memref<5120xi32, #tpu.memory_space<vmem>>)
      tpu.yield
    }) : () -> ()
    "tpu.region"() ({
      %run_scoped3A = tpu.sem_alloc : memref<!tpu.dma_semaphore, #tpu.memory_space<semaphore_mem>>
      %dma_start3A_89 = tpu.memref_slice %arg4[%add3A_46] : memref<327680xi32, #tpu.memory_space<hbm>> -> memref<5120xi32, #tpu.memory_space<hbm>>
      %dma_start3A_90 = tpu.memref_slice %arg4[%add3A_46] : memref<327680xi32, #tpu.memory_space<hbm>> -> memref<5120xi32, #tpu.memory_space<hbm>>
      tpu.enqueue_dma source(%dma_start3A_90 : memref<5120xi32, #tpu.memory_space<hbm>>) target(%arg12 : memref<5120xi32, #tpu.memory_space<vmem>>) target_semaphore(%run_scoped3A : memref<!tpu.dma_semaphore, #tpu.memory_space<semaphore_mem>>)
      %dma_wait3A_91 = tpu.memref_slice %arg4[%add3A_46] : memref<327680xi32, #tpu.memory_space<hbm>> -> memref<5120xi32, #tpu.memory_space<hbm>>
      %dma_wait3A_92 = tpu.memref_slice %arg4[%add3A_46] : memref<327680xi32, #tpu.memory_space<hbm>> -> memref<5120xi32, #tpu.memory_space<hbm>>
      tpu.wait_dma2 semaphore(%run_scoped3A : memref<!tpu.dma_semaphore, #tpu.memory_space<semaphore_mem>>) src(%dma_wait3A_92 : memref<5120xi32, #tpu.memory_space<hbm>>) dst(%arg12 : memref<5120xi32, #tpu.memory_space<vmem>>)
      tpu.yield
    }) : () -> ()
    %dma_start3A_47 = arith.constant 0 : i32
    %dma_start3A_48 = tpu.memref_slice %arg11[%dma_start3A_47] : memref<5120xi32, #tpu.memory_space<vmem>> -> memref<64xi32, #tpu.memory_space<vmem>>
    %dma_start3A_49 = arith.constant 0 : i32
    %dma_start3A_50 = arith.constant 0 : i32
    %dma_start3A_51 = tpu.memref_slice %arg2[%dma_start3A_49, %dma_start3A_50] : memref<10112x128xf32, #tpu.memory_space<hbm>> -> memref<10112x128xf32, #tpu.memory_space<hbm>>
    tpu.enqueue_indirect_dma source(%dma_start3A_51 : memref<10112x128xf32, #tpu.memory_space<hbm>>) target(%arg7 : memref<64x128xf32, #tpu.memory_space<vmem>>) offsets(%dma_start3A_48 : memref<64xi32, #tpu.memory_space<vmem>>) semaphore(%arg14 : memref<!tpu.dma_semaphore, #tpu.memory_space<semaphore_mem>>)
    %dma_start3A_52 = arith.constant 64 : i32
    %dma_start3A_53 = tpu.memref_slice %arg11[%dma_start3A_52] : memref<5120xi32, #tpu.memory_space<vmem>> -> memref<64xi32, #tpu.memory_space<vmem>>
    %dma_start3A_54 = arith.constant 0 : i32
    %dma_start3A_55 = arith.constant 0 : i32
    %dma_start3A_56 = tpu.memref_slice %arg2[%dma_start3A_54, %dma_start3A_55] : memref<10112x128xf32, #tpu.memory_space<hbm>> -> memref<10112x128xf32, #tpu.memory_space<hbm>>
    tpu.enqueue_indirect_dma source(%dma_start3A_56 : memref<10112x128xf32, #tpu.memory_space<hbm>>) target(%arg8 : memref<64x128xf32, #tpu.memory_space<vmem>>) offsets(%dma_start3A_53 : memref<64xi32, #tpu.memory_space<vmem>>) semaphore(%arg15 : memref<!tpu.dma_semaphore, #tpu.memory_space<semaphore_mem>>)
    %dma_start3A_57 = arith.constant 128 : i32
    %dma_start3A_58 = tpu.memref_slice %arg11[%dma_start3A_57] : memref<5120xi32, #tpu.memory_space<vmem>> -> memref<64xi32, #tpu.memory_space<vmem>>
    %dma_start3A_59 = arith.constant 0 : i32
    %dma_start3A_60 = arith.constant 0 : i32
    %dma_start3A_61 = tpu.memref_slice %arg2[%dma_start3A_59, %dma_start3A_60] : memref<10112x128xf32, #tpu.memory_space<hbm>> -> memref<10112x128xf32, #tpu.memory_space<hbm>>
    tpu.enqueue_indirect_dma source(%dma_start3A_61 : memref<10112x128xf32, #tpu.memory_space<hbm>>) target(%arg9 : memref<64x128xf32, #tpu.memory_space<vmem>>) offsets(%dma_start3A_58 : memref<64xi32, #tpu.memory_space<vmem>>) semaphore(%arg16 : memref<!tpu.dma_semaphore, #tpu.memory_space<semaphore_mem>>)
    %scan3A_62 = arith.constant 0 : i32
    %scan3A_63 = arith.constant 0 : i32
    %scan3A_64 = arith.constant 20 : i32
    %scan3A_65 = arith.addi %scan3A_63, %scan3A_64 : i32
    %scan3A_66 = arith.constant 1 : i32
    scf.for %scan3A_89 = %scan3A_63 to %scan3A_65 step %scan3A_66  : i32 {
      %mul3A_90 = arith.constant 4 : i32
      %mul3A_91 = arith.muli %mul3A_90, %scan3A_89 : i32
      %add3A_92 = arith.constant 0 : i32
      %add3A_93 = arith.addi %mul3A_91, %add3A_92 : i32
      %add3A_94 = arith.constant 3 : i32
      %add3A_95 = arith.addi %add3A_93, %add3A_94 : i32
      %lt3A = arith.constant 80 : i32
      %lt3A_96 = arith.cmpi slt, %add3A_95, %lt3A : i32
      %convert_element_type3A = arith.extui %lt3A_96 : i1 to i32
      %cond3A = arith.constant 0 : i32
      %cond3A_97 = arith.cmpi ne, %convert_element_type3A, %cond3A : i32
      scf.if %cond3A_97 {
        %ge3A = arith.constant 1 : i32
        %ge3A_173 = arith.cmpi sge, %add3A_93, %ge3A : i32
        %convert_element_type3A_174 = arith.extui %ge3A_173 : i1 to i32
        %cond3A_175 = arith.constant 0 : i32
        %cond3A_176 = arith.cmpi ne, %convert_element_type3A_174, %cond3A_175 : i32
        scf.if %cond3A_176 {
          %dma_wait3A_185 = arith.constant 0 : i32
          %dma_wait3A_186 = tpu.memref_slice %arg12[%dma_wait3A_185] : memref<5120xi32, #tpu.memory_space<vmem>> -> memref<64xi32, #tpu.memory_space<vmem>>
          %dma_wait3A_187 = arith.constant 0 : i32
          %dma_wait3A_188 = arith.constant 0 : i32
          %dma_wait3A_189 = tpu.memref_slice %arg13[%dma_wait3A_187, %dma_wait3A_188] : memref<10112x128xf32, #tpu.memory_space<vmem_shared>> -> memref<10112x128xf32, #tpu.memory_space<vmem_shared>>
          tpu.wait_indirect_dma semaphore(%arg21 : memref<!tpu.dma_semaphore, #tpu.memory_space<semaphore_mem>>) src(%arg10 : memref<64x128xf32, #tpu.memory_space<vmem>>) dst(%dma_wait3A_189 : memref<10112x128xf32, #tpu.memory_space<vmem_shared>>)
        } else {
        }
        %add3A_177 = arith.constant 3 : i32
        %add3A_178 = arith.addi %add3A_93, %add3A_177 : i32
        %mul3A_179 = arith.constant 64 : i32
        %mul3A_180 = arith.muli %add3A_178, %mul3A_179 : i32
        %dma_start3A_181 = tpu.memref_slice %arg11[%mul3A_180] : memref<5120xi32, #tpu.memory_space<vmem>> -> memref<64xi32, #tpu.memory_space<vmem>>
        %dma_start3A_182 = arith.constant 0 : i32
        %dma_start3A_183 = arith.constant 0 : i32
        %dma_start3A_184 = tpu.memref_slice %arg2[%dma_start3A_182, %dma_start3A_183] : memref<10112x128xf32, #tpu.memory_space<hbm>> -> memref<10112x128xf32, #tpu.memory_space<hbm>>
        tpu.enqueue_indirect_dma source(%dma_start3A_184 : memref<10112x128xf32, #tpu.memory_space<hbm>>) target(%arg10 : memref<64x128xf32, #tpu.memory_space<vmem>>) offsets(%dma_start3A_181 : memref<64xi32, #tpu.memory_space<vmem>>) semaphore(%arg17 : memref<!tpu.dma_semaphore, #tpu.memory_space<semaphore_mem>>)
      } else {
      }
      %mul3A_98 = arith.constant 64 : i32
      %mul3A_99 = arith.muli %add3A_93, %mul3A_98 : i32
      %dma_wait3A_100 = tpu.memref_slice %arg11[%mul3A_99] : memref<5120xi32, #tpu.memory_space<vmem>> -> memref<64xi32, #tpu.memory_space<vmem>>
      %dma_wait3A_101 = arith.constant 0 : i32
      %dma_wait3A_102 = arith.constant 0 : i32
      %dma_wait3A_103 = tpu.memref_slice %arg2[%dma_wait3A_101, %dma_wait3A_102] : memref<10112x128xf32, #tpu.memory_space<hbm>> -> memref<10112x128xf32, #tpu.memory_space<hbm>>
      tpu.wait_indirect_dma semaphore(%arg14 : memref<!tpu.dma_semaphore, #tpu.memory_space<semaphore_mem>>) src(%dma_wait3A_103 : memref<10112x128xf32, #tpu.memory_space<hbm>>) dst(%arg7 : memref<64x128xf32, #tpu.memory_space<vmem>>)
      %mul3A_104 = arith.constant 64 : i32
      %mul3A_105 = arith.muli %add3A_93, %mul3A_104 : i32
      %dma_start3A_106 = tpu.memref_slice %arg12[%mul3A_105] : memref<5120xi32, #tpu.memory_space<vmem>> -> memref<64xi32, #tpu.memory_space<vmem>>
      %dma_start3A_107 = arith.constant 0 : i32
      %dma_start3A_108 = arith.constant 0 : i32
      %dma_start3A_109 = tpu.memref_slice %arg13[%dma_start3A_107, %dma_start3A_108] : memref<10112x128xf32, #tpu.memory_space<vmem_shared>> -> memref<10112x128xf32, #tpu.memory_space<vmem_shared>>
      tpu.enqueue_indirect_dma source(%arg7 : memref<64x128xf32, #tpu.memory_space<vmem>>) target(%dma_start3A_109 : memref<10112x128xf32, #tpu.memory_space<vmem_shared>>) offsets(%dma_start3A_106 : memref<64xi32, #tpu.memory_space<vmem>>) semaphore(%arg18 : memref<!tpu.dma_semaphore, #tpu.memory_space<semaphore_mem>>) {add = true}
      %add3A_110 = arith.constant 1 : i32
      %add3A_111 = arith.addi %mul3A_91, %add3A_110 : i32
      %add3A_112 = arith.constant 3 : i32
      %add3A_113 = arith.addi %add3A_111, %add3A_112 : i32
      %lt3A_114 = arith.constant 80 : i32
      %lt3A_115 = arith.cmpi slt, %add3A_113, %lt3A_114 : i32
      %convert_element_type3A_116 = arith.extui %lt3A_115 : i1 to i32
      %cond3A_117 = arith.constant 0 : i32
      %cond3A_118 = arith.cmpi ne, %convert_element_type3A_116, %cond3A_117 : i32
      scf.if %cond3A_118 {
        %ge3A = arith.constant 1 : i32
        %ge3A_173 = arith.cmpi sge, %add3A_111, %ge3A : i32
        %convert_element_type3A_174 = arith.extui %ge3A_173 : i1 to i32
        %cond3A_175 = arith.constant 0 : i32
        %cond3A_176 = arith.cmpi ne, %convert_element_type3A_174, %cond3A_175 : i32
        scf.if %cond3A_176 {
          %dma_wait3A_185 = arith.constant 0 : i32
          %dma_wait3A_186 = tpu.memref_slice %arg12[%dma_wait3A_185] : memref<5120xi32, #tpu.memory_space<vmem>> -> memref<64xi32, #tpu.memory_space<vmem>>
          %dma_wait3A_187 = arith.constant 0 : i32
          %dma_wait3A_188 = arith.constant 0 : i32
          %dma_wait3A_189 = tpu.memref_slice %arg13[%dma_wait3A_187, %dma_wait3A_188] : memref<10112x128xf32, #tpu.memory_space<vmem_shared>> -> memref<10112x128xf32, #tpu.memory_space<vmem_shared>>
          tpu.wait_indirect_dma semaphore(%arg18 : memref<!tpu.dma_semaphore, #tpu.memory_space<semaphore_mem>>) src(%arg7 : memref<64x128xf32, #tpu.memory_space<vmem>>) dst(%dma_wait3A_189 : memref<10112x128xf32, #tpu.memory_space<vmem_shared>>)
        } else {
        }
        %add3A_177 = arith.constant 3 : i32
        %add3A_178 = arith.addi %add3A_111, %add3A_177 : i32
        %mul3A_179 = arith.constant 64 : i32
        %mul3A_180 = arith.muli %add3A_178, %mul3A_179 : i32
        %dma_start3A_181 = tpu.memref_slice %arg11[%mul3A_180] : memref<5120xi32, #tpu.memory_space<vmem>> -> memref<64xi32, #tpu.memory_space<vmem>>
        %dma_start3A_182 = arith.constant 0 : i32
        %dma_start3A_183 = arith.constant 0 : i32
        %dma_start3A_184 = tpu.memref_slice %arg2[%dma_start3A_182, %dma_start3A_183] : memref<10112x128xf32, #tpu.memory_space<hbm>> -> memref<10112x128xf32, #tpu.memory_space<hbm>>
        tpu.enqueue_indirect_dma source(%dma_start3A_184 : memref<10112x128xf32, #tpu.memory_space<hbm>>) target(%arg7 : memref<64x128xf32, #tpu.memory_space<vmem>>) offsets(%dma_start3A_181 : memref<64xi32, #tpu.memory_space<vmem>>) semaphore(%arg14 : memref<!tpu.dma_semaphore, #tpu.memory_space<semaphore_mem>>)
      } else {
      }
      %mul3A_119 = arith.constant 64 : i32
      %mul3A_120 = arith.muli %add3A_111, %mul3A_119 : i32
      %dma_wait3A_121 = tpu.memref_slice %arg11[%mul3A_120] : memref<5120xi32, #tpu.memory_space<vmem>> -> memref<64xi32, #tpu.memory_space<vmem>>
      %dma_wait3A_122 = arith.constant 0 : i32
      %dma_wait3A_123 = arith.constant 0 : i32
      %dma_wait3A_124 = tpu.memref_slice %arg2[%dma_wait3A_122, %dma_wait3A_123] : memref<10112x128xf32, #tpu.memory_space<hbm>> -> memref<10112x128xf32, #tpu.memory_space<hbm>>
      tpu.wait_indirect_dma semaphore(%arg15 : memref<!tpu.dma_semaphore, #tpu.memory_space<semaphore_mem>>) src(%dma_wait3A_124 : memref<10112x128xf32, #tpu.memory_space<hbm>>) dst(%arg8 : memref<64x128xf32, #tpu.memory_space<vmem>>)
      %mul3A_125 = arith.constant 64 : i32
      %mul3A_126 = arith.muli %add3A_111, %mul3A_125 : i32
      %dma_start3A_127 = tpu.memref_slice %arg12[%mul3A_126] : memref<5120xi32, #tpu.memory_space<vmem>> -> memref<64xi32, #tpu.memory_space<vmem>>
      %dma_start3A_128 = arith.constant 0 : i32
      %dma_start3A_129 = arith.constant 0 : i32
      %dma_start3A_130 = tpu.memref_slice %arg13[%dma_start3A_128, %dma_start3A_129] : memref<10112x128xf32, #tpu.memory_space<vmem_shared>> -> memref<10112x128xf32, #tpu.memory_space<vmem_shared>>
      tpu.enqueue_indirect_dma source(%arg8 : memref<64x128xf32, #tpu.memory_space<vmem>>) target(%dma_start3A_130 : memref<10112x128xf32, #tpu.memory_space<vmem_shared>>) offsets(%dma_start3A_127 : memref<64xi32, #tpu.memory_space<vmem>>) semaphore(%arg19 : memref<!tpu.dma_semaphore, #tpu.memory_space<semaphore_mem>>) {add = true}
      %add3A_131 = arith.constant 2 : i32
      %add3A_132 = arith.addi %mul3A_91, %add3A_131 : i32
      %add3A_133 = arith.constant 3 : i32
      %add3A_134 = arith.addi %add3A_132, %add3A_133 : i32
      %lt3A_135 = arith.constant 80 : i32
      %lt3A_136 = arith.cmpi slt, %add3A_134, %lt3A_135 : i32
      %convert_element_type3A_137 = arith.extui %lt3A_136 : i1 to i32
      %cond3A_138 = arith.constant 0 : i32
      %cond3A_139 = arith.cmpi ne, %convert_element_type3A_137, %cond3A_138 : i32
      scf.if %cond3A_139 {
        %ge3A = arith.constant 1 : i32
        %ge3A_173 = arith.cmpi sge, %add3A_132, %ge3A : i32
        %convert_element_type3A_174 = arith.extui %ge3A_173 : i1 to i32
        %cond3A_175 = arith.constant 0 : i32
        %cond3A_176 = arith.cmpi ne, %convert_element_type3A_174, %cond3A_175 : i32
        scf.if %cond3A_176 {
          %dma_wait3A_185 = arith.constant 0 : i32
          %dma_wait3A_186 = tpu.memref_slice %arg12[%dma_wait3A_185] : memref<5120xi32, #tpu.memory_space<vmem>> -> memref<64xi32, #tpu.memory_space<vmem>>
          %dma_wait3A_187 = arith.constant 0 : i32
          %dma_wait3A_188 = arith.constant 0 : i32
          %dma_wait3A_189 = tpu.memref_slice %arg13[%dma_wait3A_187, %dma_wait3A_188] : memref<10112x128xf32, #tpu.memory_space<vmem_shared>> -> memref<10112x128xf32, #tpu.memory_space<vmem_shared>>
          tpu.wait_indirect_dma semaphore(%arg19 : memref<!tpu.dma_semaphore, #tpu.memory_space<semaphore_mem>>) src(%arg8 : memref<64x128xf32, #tpu.memory_space<vmem>>) dst(%dma_wait3A_189 : memref<10112x128xf32, #tpu.memory_space<vmem_shared>>)
        } else {
        }
        %add3A_177 = arith.constant 3 : i32
        %add3A_178 = arith.addi %add3A_132, %add3A_177 : i32
        %mul3A_179 = arith.constant 64 : i32
        %mul3A_180 = arith.muli %add3A_178, %mul3A_179 : i32
        %dma_start3A_181 = tpu.memref_slice %arg11[%mul3A_180] : memref<5120xi32, #tpu.memory_space<vmem>> -> memref<64xi32, #tpu.memory_space<vmem>>
        %dma_start3A_182 = arith.constant 0 : i32
        %dma_start3A_183 = arith.constant 0 : i32
        %dma_start3A_184 = tpu.memref_slice %arg2[%dma_start3A_182, %dma_start3A_183] : memref<10112x128xf32, #tpu.memory_space<hbm>> -> memref<10112x128xf32, #tpu.memory_space<hbm>>
        tpu.enqueue_indirect_dma source(%dma_start3A_184 : memref<10112x128xf32, #tpu.memory_space<hbm>>) target(%arg8 : memref<64x128xf32, #tpu.memory_space<vmem>>) offsets(%dma_start3A_181 : memref<64xi32, #tpu.memory_space<vmem>>) semaphore(%arg15 : memref<!tpu.dma_semaphore, #tpu.memory_space<semaphore_mem>>)
      } else {
      }
      %mul3A_140 = arith.constant 64 : i32
      %mul3A_141 = arith.muli %add3A_132, %mul3A_140 : i32
      %dma_wait3A_142 = tpu.memref_slice %arg11[%mul3A_141] : memref<5120xi32, #tpu.memory_space<vmem>> -> memref<64xi32, #tpu.memory_space<vmem>>
      %dma_wait3A_143 = arith.constant 0 : i32
      %dma_wait3A_144 = arith.constant 0 : i32
      %dma_wait3A_145 = tpu.memref_slice %arg2[%dma_wait3A_143, %dma_wait3A_144] : memref<10112x128xf32, #tpu.memory_space<hbm>> -> memref<10112x128xf32, #tpu.memory_space<hbm>>
      tpu.wait_indirect_dma semaphore(%arg16 : memref<!tpu.dma_semaphore, #tpu.memory_space<semaphore_mem>>) src(%dma_wait3A_145 : memref<10112x128xf32, #tpu.memory_space<hbm>>) dst(%arg9 : memref<64x128xf32, #tpu.memory_space<vmem>>)
      %mul3A_146 = arith.constant 64 : i32
      %mul3A_147 = arith.muli %add3A_132, %mul3A_146 : i32
      %dma_start3A_148 = tpu.memref_slice %arg12[%mul3A_147] : memref<5120xi32, #tpu.memory_space<vmem>> -> memref<64xi32, #tpu.memory_space<vmem>>
      %dma_start3A_149 = arith.constant 0 : i32
      %dma_start3A_150 = arith.constant 0 : i32
      %dma_start3A_151 = tpu.memref_slice %arg13[%dma_start3A_149, %dma_start3A_150] : memref<10112x128xf32, #tpu.memory_space<vmem_shared>> -> memref<10112x128xf32, #tpu.memory_space<vmem_shared>>
      tpu.enqueue_indirect_dma source(%arg9 : memref<64x128xf32, #tpu.memory_space<vmem>>) target(%dma_start3A_151 : memref<10112x128xf32, #tpu.memory_space<vmem_shared>>) offsets(%dma_start3A_148 : memref<64xi32, #tpu.memory_space<vmem>>) semaphore(%arg20 : memref<!tpu.dma_semaphore, #tpu.memory_space<semaphore_mem>>) {add = true}
      %add3A_152 = arith.constant 3 : i32
      %add3A_153 = arith.addi %mul3A_91, %add3A_152 : i32
      %add3A_154 = arith.constant 3 : i32
      %add3A_155 = arith.addi %add3A_153, %add3A_154 : i32
      %lt3A_156 = arith.constant 80 : i32
      %lt3A_157 = arith.cmpi slt, %add3A_155, %lt3A_156 : i32
      %convert_element_type3A_158 = arith.extui %lt3A_157 : i1 to i32
      %cond3A_159 = arith.constant 0 : i32
      %cond3A_160 = arith.cmpi ne, %convert_element_type3A_158, %cond3A_159 : i32
      scf.if %cond3A_160 {
        %ge3A = arith.constant 1 : i32
        %ge3A_173 = arith.cmpi sge, %add3A_153, %ge3A : i32
        %convert_element_type3A_174 = arith.extui %ge3A_173 : i1 to i32
        %cond3A_175 = arith.constant 0 : i32
        %cond3A_176 = arith.cmpi ne, %convert_element_type3A_174, %cond3A_175 : i32
        scf.if %cond3A_176 {
          %dma_wait3A_185 = arith.constant 0 : i32
          %dma_wait3A_186 = tpu.memref_slice %arg12[%dma_wait3A_185] : memref<5120xi32, #tpu.memory_space<vmem>> -> memref<64xi32, #tpu.memory_space<vmem>>
          %dma_wait3A_187 = arith.constant 0 : i32
          %dma_wait3A_188 = arith.constant 0 : i32
          %dma_wait3A_189 = tpu.memref_slice %arg13[%dma_wait3A_187, %dma_wait3A_188] : memref<10112x128xf32, #tpu.memory_space<vmem_shared>> -> memref<10112x128xf32, #tpu.memory_space<vmem_shared>>
          tpu.wait_indirect_dma semaphore(%arg20 : memref<!tpu.dma_semaphore, #tpu.memory_space<semaphore_mem>>) src(%arg9 : memref<64x128xf32, #tpu.memory_space<vmem>>) dst(%dma_wait3A_189 : memref<10112x128xf32, #tpu.memory_space<vmem_shared>>)
        } else {
        }
        %add3A_177 = arith.constant 3 : i32
        %add3A_178 = arith.addi %add3A_153, %add3A_177 : i32
        %mul3A_179 = arith.constant 64 : i32
        %mul3A_180 = arith.muli %add3A_178, %mul3A_179 : i32
        %dma_start3A_181 = tpu.memref_slice %arg11[%mul3A_180] : memref<5120xi32, #tpu.memory_space<vmem>> -> memref<64xi32, #tpu.memory_space<vmem>>
        %dma_start3A_182 = arith.constant 0 : i32
        %dma_start3A_183 = arith.constant 0 : i32
        %dma_start3A_184 = tpu.memref_slice %arg2[%dma_start3A_182, %dma_start3A_183] : memref<10112x128xf32, #tpu.memory_space<hbm>> -> memref<10112x128xf32, #tpu.memory_space<hbm>>
        tpu.enqueue_indirect_dma source(%dma_start3A_184 : memref<10112x128xf32, #tpu.memory_space<hbm>>) target(%arg9 : memref<64x128xf32, #tpu.memory_space<vmem>>) offsets(%dma_start3A_181 : memref<64xi32, #tpu.memory_space<vmem>>) semaphore(%arg16 : memref<!tpu.dma_semaphore, #tpu.memory_space<semaphore_mem>>)
      } else {
      }
      %mul3A_161 = arith.constant 64 : i32
      %mul3A_162 = arith.muli %add3A_153, %mul3A_161 : i32
      %dma_wait3A_163 = tpu.memref_slice %arg11[%mul3A_162] : memref<5120xi32, #tpu.memory_space<vmem>> -> memref<64xi32, #tpu.memory_space<vmem>>
      %dma_wait3A_164 = arith.constant 0 : i32
      %dma_wait3A_165 = arith.constant 0 : i32
      %dma_wait3A_166 = tpu.memref_slice %arg2[%dma_wait3A_164, %dma_wait3A_165] : memref<10112x128xf32, #tpu.memory_space<hbm>> -> memref<10112x128xf32, #tpu.memory_space<hbm>>
      tpu.wait_indirect_dma semaphore(%arg17 : memref<!tpu.dma_semaphore, #tpu.memory_space<semaphore_mem>>) src(%dma_wait3A_166 : memref<10112x128xf32, #tpu.memory_space<hbm>>) dst(%arg10 : memref<64x128xf32, #tpu.memory_space<vmem>>)
      %mul3A_167 = arith.constant 64 : i32
      %mul3A_168 = arith.muli %add3A_153, %mul3A_167 : i32
      %dma_start3A_169 = tpu.memref_slice %arg12[%mul3A_168] : memref<5120xi32, #tpu.memory_space<vmem>> -> memref<64xi32, #tpu.memory_space<vmem>>
      %dma_start3A_170 = arith.constant 0 : i32
      %dma_start3A_171 = arith.constant 0 : i32
      %dma_start3A_172 = tpu.memref_slice %arg13[%dma_start3A_170, %dma_start3A_171] : memref<10112x128xf32, #tpu.memory_space<vmem_shared>> -> memref<10112x128xf32, #tpu.memory_space<vmem_shared>>
      tpu.enqueue_indirect_dma source(%arg10 : memref<64x128xf32, #tpu.memory_space<vmem>>) target(%dma_start3A_172 : memref<10112x128xf32, #tpu.memory_space<vmem_shared>>) offsets(%dma_start3A_169 : memref<64xi32, #tpu.memory_space<vmem>>) semaphore(%arg21 : memref<!tpu.dma_semaphore, #tpu.memory_space<semaphore_mem>>) {add = true}
    }
    %scan3A_67 = arith.constant 20 : i32
    %dma_wait3A_68 = arith.constant 0 : i32
    %dma_wait3A_69 = tpu.memref_slice %arg12[%dma_wait3A_68] : memref<5120xi32, #tpu.memory_space<vmem>> -> memref<64xi32, #tpu.memory_space<vmem>>
    %dma_wait3A_70 = arith.constant 0 : i32
    %dma_wait3A_71 = arith.constant 0 : i32
    %dma_wait3A_72 = tpu.memref_slice %arg13[%dma_wait3A_70, %dma_wait3A_71] : memref<10112x128xf32, #tpu.memory_space<vmem_shared>> -> memref<10112x128xf32, #tpu.memory_space<vmem_shared>>
    tpu.wait_indirect_dma semaphore(%arg18 : memref<!tpu.dma_semaphore, #tpu.memory_space<semaphore_mem>>) src(%arg7 : memref<64x128xf32, #tpu.memory_space<vmem>>) dst(%dma_wait3A_72 : memref<10112x128xf32, #tpu.memory_space<vmem_shared>>)
    %dma_wait3A_73 = arith.constant 0 : i32
    %dma_wait3A_74 = tpu.memref_slice %arg12[%dma_wait3A_73] : memref<5120xi32, #tpu.memory_space<vmem>> -> memref<64xi32, #tpu.memory_space<vmem>>
    %dma_wait3A_75 = arith.constant 0 : i32
    %dma_wait3A_76 = arith.constant 0 : i32
    %dma_wait3A_77 = tpu.memref_slice %arg13[%dma_wait3A_75, %dma_wait3A_76] : memref<10112x128xf32, #tpu.memory_space<vmem_shared>> -> memref<10112x128xf32, #tpu.memory_space<vmem_shared>>
    tpu.wait_indirect_dma semaphore(%arg19 : memref<!tpu.dma_semaphore, #tpu.memory_space<semaphore_mem>>) src(%arg8 : memref<64x128xf32, #tpu.memory_space<vmem>>) dst(%dma_wait3A_77 : memref<10112x128xf32, #tpu.memory_space<vmem_shared>>)
    %dma_wait3A_78 = arith.constant 0 : i32
    %dma_wait3A_79 = tpu.memref_slice %arg12[%dma_wait3A_78] : memref<5120xi32, #tpu.memory_space<vmem>> -> memref<64xi32, #tpu.memory_space<vmem>>
    %dma_wait3A_80 = arith.constant 0 : i32
    %dma_wait3A_81 = arith.constant 0 : i32
    %dma_wait3A_82 = tpu.memref_slice %arg13[%dma_wait3A_80, %dma_wait3A_81] : memref<10112x128xf32, #tpu.memory_space<vmem_shared>> -> memref<10112x128xf32, #tpu.memory_space<vmem_shared>>
    tpu.wait_indirect_dma semaphore(%arg20 : memref<!tpu.dma_semaphore, #tpu.memory_space<semaphore_mem>>) src(%arg9 : memref<64x128xf32, #tpu.memory_space<vmem>>) dst(%dma_wait3A_82 : memref<10112x128xf32, #tpu.memory_space<vmem_shared>>)
    %dma_wait3A_83 = arith.constant 0 : i32
    %dma_wait3A_84 = tpu.memref_slice %arg12[%dma_wait3A_83] : memref<5120xi32, #tpu.memory_space<vmem>> -> memref<64xi32, #tpu.memory_space<vmem>>
    %dma_wait3A_85 = arith.constant 0 : i32
    %dma_wait3A_86 = arith.constant 0 : i32
    %dma_wait3A_87 = tpu.memref_slice %arg13[%dma_wait3A_85, %dma_wait3A_86] : memref<10112x128xf32, #tpu.memory_space<vmem_shared>> -> memref<10112x128xf32, #tpu.memory_space<vmem_shared>>
    tpu.wait_indirect_dma semaphore(%arg21 : memref<!tpu.dma_semaphore, #tpu.memory_space<semaphore_mem>>) src(%arg10 : memref<64x128xf32, #tpu.memory_space<vmem>>) dst(%dma_wait3A_87 : memref<10112x128xf32, #tpu.memory_space<vmem_shared>>)
    %barrier3A_88 = arith.constant 0 : index
    tpu.barrier barrier_id(%barrier3A_88)
    "tpu.region"() ({
      %run_scoped3A = tpu.sem_alloc : memref<!tpu.dma_semaphore, #tpu.memory_space<semaphore_mem>>
      %dma_start3A_89 = arith.constant 0 : i32
      %dma_start3A_90 = tpu.memref_slice %arg6[%arg0, %mul3A_2, %dma_start3A_89] : memref<2x10112x128xf32, #tpu.memory_space<hbm>> -> memref<1x632x128xf32, #tpu.memory_space<hbm>>
      %dma_start3A_91 = tpu.memref_squeeze %dma_start3A_90 : memref<1x632x128xf32, #tpu.memory_space<hbm>> -> memref<632x128xf32, #tpu.memory_space<hbm>>
      %dma_start3A_92 = arith.constant 0 : i32
      %dma_start3A_93 = tpu.memref_slice %arg13[%mul3A_2, %dma_start3A_92] : memref<10112x128xf32, #tpu.memory_space<vmem_shared>> -> memref<632x128xf32, #tpu.memory_space<vmem_shared>>
      tpu.enqueue_dma source(%dma_start3A_93 : memref<632x128xf32, #tpu.memory_space<vmem_shared>>) target(%dma_start3A_91 : memref<632x128xf32, #tpu.memory_space<hbm>>) target_semaphore(%run_scoped3A : memref<!tpu.dma_semaphore, #tpu.memory_space<semaphore_mem>>)
      %dma_wait3A_94 = arith.constant 0 : i32
      %dma_wait3A_95 = tpu.memref_slice %arg6[%arg0, %mul3A_2, %dma_wait3A_94] : memref<2x10112x128xf32, #tpu.memory_space<hbm>> -> memref<1x632x128xf32, #tpu.memory_space<hbm>>
      %dma_wait3A_96 = tpu.memref_squeeze %dma_wait3A_95 : memref<1x632x128xf32, #tpu.memory_space<hbm>> -> memref<632x128xf32, #tpu.memory_space<hbm>>
      %dma_wait3A_97 = arith.constant 0 : i32
      %dma_wait3A_98 = tpu.memref_slice %arg13[%mul3A_2, %dma_wait3A_97] : memref<10112x128xf32, #tpu.memory_space<vmem_shared>> -> memref<632x128xf32, #tpu.memory_space<vmem_shared>>
      tpu.wait_dma2 semaphore(%run_scoped3A : memref<!tpu.dma_semaphore, #tpu.memory_space<semaphore_mem>>) src(%dma_wait3A_98 : memref<632x128xf32, #tpu.memory_space<vmem_shared>>) dst(%dma_wait3A_96 : memref<632x128xf32, #tpu.memory_space<hbm>>)
      tpu.yield
    }) : () -> ()
    return
  }
}

#map = affine_map<(d0, d1) -> (0, 0)>
#map1 = affine_map<(d0, d1) -> (0)>
#map2 = affine_map<(d0, d1) -> (0, 0, 0)>
module attributes {stable_mosaic.version = 14 : i64} {
  func.func @_sc_scatter_body(%arg0: i32, %arg1: i32, %arg2: memref<10112x128xf32, #tpu.memory_space<hbm>>, %arg3: memref<327680xi32, #tpu.memory_space<hbm>>, %arg4: memref<327680xi32, #tpu.memory_space<hbm>>, %arg5: memref<632x128xf32, #tpu.memory_space<hbm>>, %arg6: memref<2x10112x128xf32, #tpu.memory_space<hbm>>, %arg7: memref<64x128xf32, #tpu.memory_space<vmem>>, %arg8: memref<64x128xf32, #tpu.memory_space<vmem>>, %arg9: memref<64x128xf32, #tpu.memory_space<vmem>>, %arg10: memref<64x128xf32, #tpu.memory_space<vmem>>, %arg11: memref<5120xi32, #tpu.memory_space<vmem>>, %arg12: memref<5120xi32, #tpu.memory_space<vmem>>, %arg13: memref<10112x128xf32, #tpu.memory_space<vmem_shared>>, %arg14: memref<!tpu.dma_semaphore, #tpu.memory_space<semaphore_mem>>, %arg15: memref<!tpu.dma_semaphore, #tpu.memory_space<semaphore_mem>>, %arg16: memref<!tpu.dma_semaphore, #tpu.memory_space<semaphore_mem>>, %arg17: memref<!tpu.dma_semaphore, #tpu.memory_space<semaphore_mem>>, %arg18: memref<!tpu.dma_semaphore, #tpu.memory_space<semaphore_mem>>, %arg19: memref<!tpu.dma_semaphore, #tpu.memory_space<semaphore_mem>>, %arg20: memref<!tpu.dma_semaphore, #tpu.memory_space<semaphore_mem>>, %arg21: memref<!tpu.dma_semaphore, #tpu.memory_space<semaphore_mem>>) attributes {dimension_semantics = [#tpu.dimension_semantics<core_parallel>, #tpu.dimension_semantics<subcore_parallel>], iteration_bounds = array<i64: 2, 16>, scalar_prefetch = 0 : i64, scratch_operands = 15 : i64, tpu.core_type = #tpu.core_type<sc_vector_subcore>, window_params = [{transform_indices = #map}, {transform_indices = #map1}, {transform_indices = #map1}, {transform_indices = #map}, {transform_indices = #map2}]} {
    %mul3A = arith.constant 16 : i32
    %mul3A_0 = arith.muli %arg0, %mul3A : i32
    %add3A = arith.addi %mul3A_0, %arg1 : i32
    %mul3A_1 = arith.constant 632 : i32
    %mul3A_2 = arith.muli %arg1, %mul3A_1 : i32
    "tpu.region"() ({
      %run_scoped3A = tpu.sem_alloc : memref<!tpu.dma_semaphore, #tpu.memory_space<semaphore_mem>>
      %dma_start3A_89 = arith.constant 0 : i32
      %dma_start3A_90 = tpu.memref_slice %arg13[%mul3A_2, %dma_start3A_89] : memref<10112x128xf32, #tpu.memory_space<vmem_shared>> -> memref<632x128xf32, #tpu.memory_space<vmem_shared>>
      tpu.enqueue_dma source(%arg5 : memref<632x128xf32, #tpu.memory_space<hbm>>) target(%dma_start3A_90 : memref<632x128xf32, #tpu.memory_space<vmem_shared>>) target_semaphore(%run_scoped3A : memref<!tpu.dma_semaphore, #tpu.memory_space<semaphore_mem>>)
      %dma_wait3A_91 = arith.constant 0 : i32
      %dma_wait3A_92 = tpu.memref_slice %arg13[%mul3A_2, %dma_wait3A_91] : memref<10112x128xf32, #tpu.memory_space<vmem_shared>> -> memref<632x128xf32, #tpu.memory_space<vmem_shared>>
      tpu.wait_dma2 semaphore(%run_scoped3A : memref<!tpu.dma_semaphore, #tpu.memory_space<semaphore_mem>>) src(%arg5 : memref<632x128xf32, #tpu.memory_space<hbm>>) dst(%dma_wait3A_92 : memref<632x128xf32, #tpu.memory_space<vmem_shared>>)
      tpu.yield
    }) : () -> ()
    %mul3A_3 = arith.constant 10240 : i32
    %mul3A_4 = arith.muli %add3A, %mul3A_3 : i32
    %barrier3A = arith.constant 0 : index
    tpu.barrier barrier_id(%barrier3A)
    %add3A_5 = arith.constant 0 : i32
    %add3A_6 = arith.addi %mul3A_4, %add3A_5 : i32
    "tpu.region"() ({
      %run_scoped3A = tpu.sem_alloc : memref<!tpu.dma_semaphore, #tpu.memory_space<semaphore_mem>>
      %dma_start3A_89 = tpu.memref_slice %arg3[%add3A_6] : memref<327680xi32, #tpu.memory_space<hbm>> -> memref<5120xi32, #tpu.memory_space<hbm>>
      %dma_start3A_90 = tpu.memref_slice %arg3[%add3A_6] : memref<327680xi32, #tpu.memory_space<hbm>> -> memref<5120xi32, #tpu.memory_space<hbm>>
      tpu.enqueue_dma source(%dma_start3A_90 : memref<5120xi32, #tpu.memory_space<hbm>>) target(%arg11 : memref<5120xi32, #tpu.memory_space<vmem>>) target_semaphore(%run_scoped3A : memref<!tpu.dma_semaphore, #tpu.memory_space<semaphore_mem>>)
      %dma_wait3A_91 = tpu.memref_slice %arg3[%add3A_6] : memref<327680xi32, #tpu.memory_space<hbm>> -> memref<5120xi32, #tpu.memory_space<hbm>>
      %dma_wait3A_92 = tpu.memref_slice %arg3[%add3A_6] : memref<327680xi32, #tpu.memory_space<hbm>> -> memref<5120xi32, #tpu.memory_space<hbm>>
      tpu.wait_dma2 semaphore(%run_scoped3A : memref<!tpu.dma_semaphore, #tpu.memory_space<semaphore_mem>>) src(%dma_wait3A_92 : memref<5120xi32, #tpu.memory_space<hbm>>) dst(%arg11 : memref<5120xi32, #tpu.memory_space<vmem>>)
      tpu.yield
    }) : () -> ()
    "tpu.region"() ({
      %run_scoped3A = tpu.sem_alloc : memref<!tpu.dma_semaphore, #tpu.memory_space<semaphore_mem>>
      %dma_start3A_89 = tpu.memref_slice %arg4[%add3A_6] : memref<327680xi32, #tpu.memory_space<hbm>> -> memref<5120xi32, #tpu.memory_space<hbm>>
      %dma_start3A_90 = tpu.memref_slice %arg4[%add3A_6] : memref<327680xi32, #tpu.memory_space<hbm>> -> memref<5120xi32, #tpu.memory_space<hbm>>
      tpu.enqueue_dma source(%dma_start3A_90 : memref<5120xi32, #tpu.memory_space<hbm>>) target(%arg12 : memref<5120xi32, #tpu.memory_space<vmem>>) target_semaphore(%run_scoped3A : memref<!tpu.dma_semaphore, #tpu.memory_space<semaphore_mem>>)
      %dma_wait3A_91 = tpu.memref_slice %arg4[%add3A_6] : memref<327680xi32, #tpu.memory_space<hbm>> -> memref<5120xi32, #tpu.memory_space<hbm>>
      %dma_wait3A_92 = tpu.memref_slice %arg4[%add3A_6] : memref<327680xi32, #tpu.memory_space<hbm>> -> memref<5120xi32, #tpu.memory_space<hbm>>
      tpu.wait_dma2 semaphore(%run_scoped3A : memref<!tpu.dma_semaphore, #tpu.memory_space<semaphore_mem>>) src(%dma_wait3A_92 : memref<5120xi32, #tpu.memory_space<hbm>>) dst(%arg12 : memref<5120xi32, #tpu.memory_space<vmem>>)
      tpu.yield
    }) : () -> ()
    %dma_start3A = arith.constant 0 : i32
    %dma_start3A_7 = tpu.memref_slice %arg11[%dma_start3A] : memref<5120xi32, #tpu.memory_space<vmem>> -> memref<64xi32, #tpu.memory_space<vmem>>
    %dma_start3A_8 = arith.constant 0 : i32
    %dma_start3A_9 = arith.constant 0 : i32
    %dma_start3A_10 = tpu.memref_slice %arg2[%dma_start3A_8, %dma_start3A_9] : memref<10112x128xf32, #tpu.memory_space<hbm>> -> memref<10112x128xf32, #tpu.memory_space<hbm>>
    tpu.enqueue_indirect_dma source(%dma_start3A_10 : memref<10112x128xf32, #tpu.memory_space<hbm>>) target(%arg7 : memref<64x128xf32, #tpu.memory_space<vmem>>) offsets(%dma_start3A_7 : memref<64xi32, #tpu.memory_space<vmem>>) semaphore(%arg14 : memref<!tpu.dma_semaphore, #tpu.memory_space<semaphore_mem>>)
    %dma_start3A_11 = arith.constant 64 : i32
    %dma_start3A_12 = tpu.memref_slice %arg11[%dma_start3A_11] : memref<5120xi32, #tpu.memory_space<vmem>> -> memref<64xi32, #tpu.memory_space<vmem>>
    %dma_start3A_13 = arith.constant 0 : i32
    %dma_start3A_14 = arith.constant 0 : i32
    %dma_start3A_15 = tpu.memref_slice %arg2[%dma_start3A_13, %dma_start3A_14] : memref<10112x128xf32, #tpu.memory_space<hbm>> -> memref<10112x128xf32, #tpu.memory_space<hbm>>
    tpu.enqueue_indirect_dma source(%dma_start3A_15 : memref<10112x128xf32, #tpu.memory_space<hbm>>) target(%arg8 : memref<64x128xf32, #tpu.memory_space<vmem>>) offsets(%dma_start3A_12 : memref<64xi32, #tpu.memory_space<vmem>>) semaphore(%arg15 : memref<!tpu.dma_semaphore, #tpu.memory_space<semaphore_mem>>)
    %dma_start3A_16 = arith.constant 128 : i32
    %dma_start3A_17 = tpu.memref_slice %arg11[%dma_start3A_16] : memref<5120xi32, #tpu.memory_space<vmem>> -> memref<64xi32, #tpu.memory_space<vmem>>
    %dma_start3A_18 = arith.constant 0 : i32
    %dma_start3A_19 = arith.constant 0 : i32
    %dma_start3A_20 = tpu.memref_slice %arg2[%dma_start3A_18, %dma_start3A_19] : memref<10112x128xf32, #tpu.memory_space<hbm>> -> memref<10112x128xf32, #tpu.memory_space<hbm>>
    tpu.enqueue_indirect_dma source(%dma_start3A_20 : memref<10112x128xf32, #tpu.memory_space<hbm>>) target(%arg9 : memref<64x128xf32, #tpu.memory_space<vmem>>) offsets(%dma_start3A_17 : memref<64xi32, #tpu.memory_space<vmem>>) semaphore(%arg16 : memref<!tpu.dma_semaphore, #tpu.memory_space<semaphore_mem>>)
    %scan3A = arith.constant 0 : i32
    %scan3A_21 = arith.constant 0 : i32
    %scan3A_22 = arith.constant 20 : i32
    %scan3A_23 = arith.addi %scan3A_21, %scan3A_22 : i32
    %scan3A_24 = arith.constant 1 : i32
    scf.for %scan3A_89 = %scan3A_21 to %scan3A_23 step %scan3A_24  : i32 {
      %mul3A_90 = arith.constant 4 : i32
      %mul3A_91 = arith.muli %mul3A_90, %scan3A_89 : i32
      %add3A_92 = arith.constant 0 : i32
      %add3A_93 = arith.addi %mul3A_91, %add3A_92 : i32
      %add3A_94 = arith.constant 3 : i32
      %add3A_95 = arith.addi %add3A_93, %add3A_94 : i32
      %lt3A = arith.constant 80 : i32
      %lt3A_96 = arith.cmpi slt, %add3A_95, %lt3A : i32
      %convert_element_type3A = arith.extui %lt3A_96 : i1 to i32
      %cond3A = arith.constant 0 : i32
      %cond3A_97 = arith.cmpi ne, %convert_element_type3A, %cond3A : i32
      scf.if %cond3A_97 {
        %ge3A = arith.constant 1 : i32
        %ge3A_173 = arith.cmpi sge, %add3A_93, %ge3A : i32
        %convert_element_type3A_174 = arith.extui %ge3A_173 : i1 to i32
        %cond3A_175 = arith.constant 0 : i32
        %cond3A_176 = arith.cmpi ne, %convert_element_type3A_174, %cond3A_175 : i32
        scf.if %cond3A_176 {
          %dma_wait3A_185 = arith.constant 0 : i32
          %dma_wait3A_186 = tpu.memref_slice %arg12[%dma_wait3A_185] : memref<5120xi32, #tpu.memory_space<vmem>> -> memref<64xi32, #tpu.memory_space<vmem>>
          %dma_wait3A_187 = arith.constant 0 : i32
          %dma_wait3A_188 = arith.constant 0 : i32
          %dma_wait3A_189 = tpu.memref_slice %arg13[%dma_wait3A_187, %dma_wait3A_188] : memref<10112x128xf32, #tpu.memory_space<vmem_shared>> -> memref<10112x128xf32, #tpu.memory_space<vmem_shared>>
          tpu.wait_indirect_dma semaphore(%arg21 : memref<!tpu.dma_semaphore, #tpu.memory_space<semaphore_mem>>) src(%arg10 : memref<64x128xf32, #tpu.memory_space<vmem>>) dst(%dma_wait3A_189 : memref<10112x128xf32, #tpu.memory_space<vmem_shared>>)
        } else {
        }
        %add3A_177 = arith.constant 3 : i32
        %add3A_178 = arith.addi %add3A_93, %add3A_177 : i32
        %mul3A_179 = arith.constant 64 : i32
        %mul3A_180 = arith.muli %add3A_178, %mul3A_179 : i32
        %dma_start3A_181 = tpu.memref_slice %arg11[%mul3A_180] : memref<5120xi32, #tpu.memory_space<vmem>> -> memref<64xi32, #tpu.memory_space<vmem>>
        %dma_start3A_182 = arith.constant 0 : i32
        %dma_start3A_183 = arith.constant 0 : i32
        %dma_start3A_184 = tpu.memref_slice %arg2[%dma_start3A_182, %dma_start3A_183] : memref<10112x128xf32, #tpu.memory_space<hbm>> -> memref<10112x128xf32, #tpu.memory_space<hbm>>
        tpu.enqueue_indirect_dma source(%dma_start3A_184 : memref<10112x128xf32, #tpu.memory_space<hbm>>) target(%arg10 : memref<64x128xf32, #tpu.memory_space<vmem>>) offsets(%dma_start3A_181 : memref<64xi32, #tpu.memory_space<vmem>>) semaphore(%arg17 : memref<!tpu.dma_semaphore, #tpu.memory_space<semaphore_mem>>)
      } else {
      }
      %mul3A_98 = arith.constant 64 : i32
      %mul3A_99 = arith.muli %add3A_93, %mul3A_98 : i32
      %dma_wait3A_100 = tpu.memref_slice %arg11[%mul3A_99] : memref<5120xi32, #tpu.memory_space<vmem>> -> memref<64xi32, #tpu.memory_space<vmem>>
      %dma_wait3A_101 = arith.constant 0 : i32
      %dma_wait3A_102 = arith.constant 0 : i32
      %dma_wait3A_103 = tpu.memref_slice %arg2[%dma_wait3A_101, %dma_wait3A_102] : memref<10112x128xf32, #tpu.memory_space<hbm>> -> memref<10112x128xf32, #tpu.memory_space<hbm>>
      tpu.wait_indirect_dma semaphore(%arg14 : memref<!tpu.dma_semaphore, #tpu.memory_space<semaphore_mem>>) src(%dma_wait3A_103 : memref<10112x128xf32, #tpu.memory_space<hbm>>) dst(%arg7 : memref<64x128xf32, #tpu.memory_space<vmem>>)
      %mul3A_104 = arith.constant 64 : i32
      %mul3A_105 = arith.muli %add3A_93, %mul3A_104 : i32
      %dma_start3A_106 = tpu.memref_slice %arg12[%mul3A_105] : memref<5120xi32, #tpu.memory_space<vmem>> -> memref<64xi32, #tpu.memory_space<vmem>>
      %dma_start3A_107 = arith.constant 0 : i32
      %dma_start3A_108 = arith.constant 0 : i32
      %dma_start3A_109 = tpu.memref_slice %arg13[%dma_start3A_107, %dma_start3A_108] : memref<10112x128xf32, #tpu.memory_space<vmem_shared>> -> memref<10112x128xf32, #tpu.memory_space<vmem_shared>>
      tpu.enqueue_indirect_dma source(%arg7 : memref<64x128xf32, #tpu.memory_space<vmem>>) target(%dma_start3A_109 : memref<10112x128xf32, #tpu.memory_space<vmem_shared>>) offsets(%dma_start3A_106 : memref<64xi32, #tpu.memory_space<vmem>>) semaphore(%arg18 : memref<!tpu.dma_semaphore, #tpu.memory_space<semaphore_mem>>) {add = true}
      %add3A_110 = arith.constant 1 : i32
      %add3A_111 = arith.addi %mul3A_91, %add3A_110 : i32
      %add3A_112 = arith.constant 3 : i32
      %add3A_113 = arith.addi %add3A_111, %add3A_112 : i32
      %lt3A_114 = arith.constant 80 : i32
      %lt3A_115 = arith.cmpi slt, %add3A_113, %lt3A_114 : i32
      %convert_element_type3A_116 = arith.extui %lt3A_115 : i1 to i32
      %cond3A_117 = arith.constant 0 : i32
      %cond3A_118 = arith.cmpi ne, %convert_element_type3A_116, %cond3A_117 : i32
      scf.if %cond3A_118 {
        %ge3A = arith.constant 1 : i32
        %ge3A_173 = arith.cmpi sge, %add3A_111, %ge3A : i32
        %convert_element_type3A_174 = arith.extui %ge3A_173 : i1 to i32
        %cond3A_175 = arith.constant 0 : i32
        %cond3A_176 = arith.cmpi ne, %convert_element_type3A_174, %cond3A_175 : i32
        scf.if %cond3A_176 {
          %dma_wait3A_185 = arith.constant 0 : i32
          %dma_wait3A_186 = tpu.memref_slice %arg12[%dma_wait3A_185] : memref<5120xi32, #tpu.memory_space<vmem>> -> memref<64xi32, #tpu.memory_space<vmem>>
          %dma_wait3A_187 = arith.constant 0 : i32
          %dma_wait3A_188 = arith.constant 0 : i32
          %dma_wait3A_189 = tpu.memref_slice %arg13[%dma_wait3A_187, %dma_wait3A_188] : memref<10112x128xf32, #tpu.memory_space<vmem_shared>> -> memref<10112x128xf32, #tpu.memory_space<vmem_shared>>
          tpu.wait_indirect_dma semaphore(%arg18 : memref<!tpu.dma_semaphore, #tpu.memory_space<semaphore_mem>>) src(%arg7 : memref<64x128xf32, #tpu.memory_space<vmem>>) dst(%dma_wait3A_189 : memref<10112x128xf32, #tpu.memory_space<vmem_shared>>)
        } else {
        }
        %add3A_177 = arith.constant 3 : i32
        %add3A_178 = arith.addi %add3A_111, %add3A_177 : i32
        %mul3A_179 = arith.constant 64 : i32
        %mul3A_180 = arith.muli %add3A_178, %mul3A_179 : i32
        %dma_start3A_181 = tpu.memref_slice %arg11[%mul3A_180] : memref<5120xi32, #tpu.memory_space<vmem>> -> memref<64xi32, #tpu.memory_space<vmem>>
        %dma_start3A_182 = arith.constant 0 : i32
        %dma_start3A_183 = arith.constant 0 : i32
        %dma_start3A_184 = tpu.memref_slice %arg2[%dma_start3A_182, %dma_start3A_183] : memref<10112x128xf32, #tpu.memory_space<hbm>> -> memref<10112x128xf32, #tpu.memory_space<hbm>>
        tpu.enqueue_indirect_dma source(%dma_start3A_184 : memref<10112x128xf32, #tpu.memory_space<hbm>>) target(%arg7 : memref<64x128xf32, #tpu.memory_space<vmem>>) offsets(%dma_start3A_181 : memref<64xi32, #tpu.memory_space<vmem>>) semaphore(%arg14 : memref<!tpu.dma_semaphore, #tpu.memory_space<semaphore_mem>>)
      } else {
      }
      %mul3A_119 = arith.constant 64 : i32
      %mul3A_120 = arith.muli %add3A_111, %mul3A_119 : i32
      %dma_wait3A_121 = tpu.memref_slice %arg11[%mul3A_120] : memref<5120xi32, #tpu.memory_space<vmem>> -> memref<64xi32, #tpu.memory_space<vmem>>
      %dma_wait3A_122 = arith.constant 0 : i32
      %dma_wait3A_123 = arith.constant 0 : i32
      %dma_wait3A_124 = tpu.memref_slice %arg2[%dma_wait3A_122, %dma_wait3A_123] : memref<10112x128xf32, #tpu.memory_space<hbm>> -> memref<10112x128xf32, #tpu.memory_space<hbm>>
      tpu.wait_indirect_dma semaphore(%arg15 : memref<!tpu.dma_semaphore, #tpu.memory_space<semaphore_mem>>) src(%dma_wait3A_124 : memref<10112x128xf32, #tpu.memory_space<hbm>>) dst(%arg8 : memref<64x128xf32, #tpu.memory_space<vmem>>)
      %mul3A_125 = arith.constant 64 : i32
      %mul3A_126 = arith.muli %add3A_111, %mul3A_125 : i32
      %dma_start3A_127 = tpu.memref_slice %arg12[%mul3A_126] : memref<5120xi32, #tpu.memory_space<vmem>> -> memref<64xi32, #tpu.memory_space<vmem>>
      %dma_start3A_128 = arith.constant 0 : i32
      %dma_start3A_129 = arith.constant 0 : i32
      %dma_start3A_130 = tpu.memref_slice %arg13[%dma_start3A_128, %dma_start3A_129] : memref<10112x128xf32, #tpu.memory_space<vmem_shared>> -> memref<10112x128xf32, #tpu.memory_space<vmem_shared>>
      tpu.enqueue_indirect_dma source(%arg8 : memref<64x128xf32, #tpu.memory_space<vmem>>) target(%dma_start3A_130 : memref<10112x128xf32, #tpu.memory_space<vmem_shared>>) offsets(%dma_start3A_127 : memref<64xi32, #tpu.memory_space<vmem>>) semaphore(%arg19 : memref<!tpu.dma_semaphore, #tpu.memory_space<semaphore_mem>>) {add = true}
      %add3A_131 = arith.constant 2 : i32
      %add3A_132 = arith.addi %mul3A_91, %add3A_131 : i32
      %add3A_133 = arith.constant 3 : i32
      %add3A_134 = arith.addi %add3A_132, %add3A_133 : i32
      %lt3A_135 = arith.constant 80 : i32
      %lt3A_136 = arith.cmpi slt, %add3A_134, %lt3A_135 : i32
      %convert_element_type3A_137 = arith.extui %lt3A_136 : i1 to i32
      %cond3A_138 = arith.constant 0 : i32
      %cond3A_139 = arith.cmpi ne, %convert_element_type3A_137, %cond3A_138 : i32
      scf.if %cond3A_139 {
        %ge3A = arith.constant 1 : i32
        %ge3A_173 = arith.cmpi sge, %add3A_132, %ge3A : i32
        %convert_element_type3A_174 = arith.extui %ge3A_173 : i1 to i32
        %cond3A_175 = arith.constant 0 : i32
        %cond3A_176 = arith.cmpi ne, %convert_element_type3A_174, %cond3A_175 : i32
        scf.if %cond3A_176 {
          %dma_wait3A_185 = arith.constant 0 : i32
          %dma_wait3A_186 = tpu.memref_slice %arg12[%dma_wait3A_185] : memref<5120xi32, #tpu.memory_space<vmem>> -> memref<64xi32, #tpu.memory_space<vmem>>
          %dma_wait3A_187 = arith.constant 0 : i32
          %dma_wait3A_188 = arith.constant 0 : i32
          %dma_wait3A_189 = tpu.memref_slice %arg13[%dma_wait3A_187, %dma_wait3A_188] : memref<10112x128xf32, #tpu.memory_space<vmem_shared>> -> memref<10112x128xf32, #tpu.memory_space<vmem_shared>>
          tpu.wait_indirect_dma semaphore(%arg19 : memref<!tpu.dma_semaphore, #tpu.memory_space<semaphore_mem>>) src(%arg8 : memref<64x128xf32, #tpu.memory_space<vmem>>) dst(%dma_wait3A_189 : memref<10112x128xf32, #tpu.memory_space<vmem_shared>>)
        } else {
        }
        %add3A_177 = arith.constant 3 : i32
        %add3A_178 = arith.addi %add3A_132, %add3A_177 : i32
        %mul3A_179 = arith.constant 64 : i32
        %mul3A_180 = arith.muli %add3A_178, %mul3A_179 : i32
        %dma_start3A_181 = tpu.memref_slice %arg11[%mul3A_180] : memref<5120xi32, #tpu.memory_space<vmem>> -> memref<64xi32, #tpu.memory_space<vmem>>
        %dma_start3A_182 = arith.constant 0 : i32
        %dma_start3A_183 = arith.constant 0 : i32
        %dma_start3A_184 = tpu.memref_slice %arg2[%dma_start3A_182, %dma_start3A_183] : memref<10112x128xf32, #tpu.memory_space<hbm>> -> memref<10112x128xf32, #tpu.memory_space<hbm>>
        tpu.enqueue_indirect_dma source(%dma_start3A_184 : memref<10112x128xf32, #tpu.memory_space<hbm>>) target(%arg8 : memref<64x128xf32, #tpu.memory_space<vmem>>) offsets(%dma_start3A_181 : memref<64xi32, #tpu.memory_space<vmem>>) semaphore(%arg15 : memref<!tpu.dma_semaphore, #tpu.memory_space<semaphore_mem>>)
      } else {
      }
      %mul3A_140 = arith.constant 64 : i32
      %mul3A_141 = arith.muli %add3A_132, %mul3A_140 : i32
      %dma_wait3A_142 = tpu.memref_slice %arg11[%mul3A_141] : memref<5120xi32, #tpu.memory_space<vmem>> -> memref<64xi32, #tpu.memory_space<vmem>>
      %dma_wait3A_143 = arith.constant 0 : i32
      %dma_wait3A_144 = arith.constant 0 : i32
      %dma_wait3A_145 = tpu.memref_slice %arg2[%dma_wait3A_143, %dma_wait3A_144] : memref<10112x128xf32, #tpu.memory_space<hbm>> -> memref<10112x128xf32, #tpu.memory_space<hbm>>
      tpu.wait_indirect_dma semaphore(%arg16 : memref<!tpu.dma_semaphore, #tpu.memory_space<semaphore_mem>>) src(%dma_wait3A_145 : memref<10112x128xf32, #tpu.memory_space<hbm>>) dst(%arg9 : memref<64x128xf32, #tpu.memory_space<vmem>>)
      %mul3A_146 = arith.constant 64 : i32
      %mul3A_147 = arith.muli %add3A_132, %mul3A_146 : i32
      %dma_start3A_148 = tpu.memref_slice %arg12[%mul3A_147] : memref<5120xi32, #tpu.memory_space<vmem>> -> memref<64xi32, #tpu.memory_space<vmem>>
      %dma_start3A_149 = arith.constant 0 : i32
      %dma_start3A_150 = arith.constant 0 : i32
      %dma_start3A_151 = tpu.memref_slice %arg13[%dma_start3A_149, %dma_start3A_150] : memref<10112x128xf32, #tpu.memory_space<vmem_shared>> -> memref<10112x128xf32, #tpu.memory_space<vmem_shared>>
      tpu.enqueue_indirect_dma source(%arg9 : memref<64x128xf32, #tpu.memory_space<vmem>>) target(%dma_start3A_151 : memref<10112x128xf32, #tpu.memory_space<vmem_shared>>) offsets(%dma_start3A_148 : memref<64xi32, #tpu.memory_space<vmem>>) semaphore(%arg20 : memref<!tpu.dma_semaphore, #tpu.memory_space<semaphore_mem>>) {add = true}
      %add3A_152 = arith.constant 3 : i32
      %add3A_153 = arith.addi %mul3A_91, %add3A_152 : i32
      %add3A_154 = arith.constant 3 : i32
      %add3A_155 = arith.addi %add3A_153, %add3A_154 : i32
      %lt3A_156 = arith.constant 80 : i32
      %lt3A_157 = arith.cmpi slt, %add3A_155, %lt3A_156 : i32
      %convert_element_type3A_158 = arith.extui %lt3A_157 : i1 to i32
      %cond3A_159 = arith.constant 0 : i32
      %cond3A_160 = arith.cmpi ne, %convert_element_type3A_158, %cond3A_159 : i32
      scf.if %cond3A_160 {
        %ge3A = arith.constant 1 : i32
        %ge3A_173 = arith.cmpi sge, %add3A_153, %ge3A : i32
        %convert_element_type3A_174 = arith.extui %ge3A_173 : i1 to i32
        %cond3A_175 = arith.constant 0 : i32
        %cond3A_176 = arith.cmpi ne, %convert_element_type3A_174, %cond3A_175 : i32
        scf.if %cond3A_176 {
          %dma_wait3A_185 = arith.constant 0 : i32
          %dma_wait3A_186 = tpu.memref_slice %arg12[%dma_wait3A_185] : memref<5120xi32, #tpu.memory_space<vmem>> -> memref<64xi32, #tpu.memory_space<vmem>>
          %dma_wait3A_187 = arith.constant 0 : i32
          %dma_wait3A_188 = arith.constant 0 : i32
          %dma_wait3A_189 = tpu.memref_slice %arg13[%dma_wait3A_187, %dma_wait3A_188] : memref<10112x128xf32, #tpu.memory_space<vmem_shared>> -> memref<10112x128xf32, #tpu.memory_space<vmem_shared>>
          tpu.wait_indirect_dma semaphore(%arg20 : memref<!tpu.dma_semaphore, #tpu.memory_space<semaphore_mem>>) src(%arg9 : memref<64x128xf32, #tpu.memory_space<vmem>>) dst(%dma_wait3A_189 : memref<10112x128xf32, #tpu.memory_space<vmem_shared>>)
        } else {
        }
        %add3A_177 = arith.constant 3 : i32
        %add3A_178 = arith.addi %add3A_153, %add3A_177 : i32
        %mul3A_179 = arith.constant 64 : i32
        %mul3A_180 = arith.muli %add3A_178, %mul3A_179 : i32
        %dma_start3A_181 = tpu.memref_slice %arg11[%mul3A_180] : memref<5120xi32, #tpu.memory_space<vmem>> -> memref<64xi32, #tpu.memory_space<vmem>>
        %dma_start3A_182 = arith.constant 0 : i32
        %dma_start3A_183 = arith.constant 0 : i32
        %dma_start3A_184 = tpu.memref_slice %arg2[%dma_start3A_182, %dma_start3A_183] : memref<10112x128xf32, #tpu.memory_space<hbm>> -> memref<10112x128xf32, #tpu.memory_space<hbm>>
        tpu.enqueue_indirect_dma source(%dma_start3A_184 : memref<10112x128xf32, #tpu.memory_space<hbm>>) target(%arg9 : memref<64x128xf32, #tpu.memory_space<vmem>>) offsets(%dma_start3A_181 : memref<64xi32, #tpu.memory_space<vmem>>) semaphore(%arg16 : memref<!tpu.dma_semaphore, #tpu.memory_space<semaphore_mem>>)
      } else {
      }
      %mul3A_161 = arith.constant 64 : i32
      %mul3A_162 = arith.muli %add3A_153, %mul3A_161 : i32
      %dma_wait3A_163 = tpu.memref_slice %arg11[%mul3A_162] : memref<5120xi32, #tpu.memory_space<vmem>> -> memref<64xi32, #tpu.memory_space<vmem>>
      %dma_wait3A_164 = arith.constant 0 : i32
      %dma_wait3A_165 = arith.constant 0 : i32
      %dma_wait3A_166 = tpu.memref_slice %arg2[%dma_wait3A_164, %dma_wait3A_165] : memref<10112x128xf32, #tpu.memory_space<hbm>> -> memref<10112x128xf32, #tpu.memory_space<hbm>>
      tpu.wait_indirect_dma semaphore(%arg17 : memref<!tpu.dma_semaphore, #tpu.memory_space<semaphore_mem>>) src(%dma_wait3A_166 : memref<10112x128xf32, #tpu.memory_space<hbm>>) dst(%arg10 : memref<64x128xf32, #tpu.memory_space<vmem>>)
      %mul3A_167 = arith.constant 64 : i32
      %mul3A_168 = arith.muli %add3A_153, %mul3A_167 : i32
      %dma_start3A_169 = tpu.memref_slice %arg12[%mul3A_168] : memref<5120xi32, #tpu.memory_space<vmem>> -> memref<64xi32, #tpu.memory_space<vmem>>
      %dma_start3A_170 = arith.constant 0 : i32
      %dma_start3A_171 = arith.constant 0 : i32
      %dma_start3A_172 = tpu.memref_slice %arg13[%dma_start3A_170, %dma_start3A_171] : memref<10112x128xf32, #tpu.memory_space<vmem_shared>> -> memref<10112x128xf32, #tpu.memory_space<vmem_shared>>
      tpu.enqueue_indirect_dma source(%arg10 : memref<64x128xf32, #tpu.memory_space<vmem>>) target(%dma_start3A_172 : memref<10112x128xf32, #tpu.memory_space<vmem_shared>>) offsets(%dma_start3A_169 : memref<64xi32, #tpu.memory_space<vmem>>) semaphore(%arg21 : memref<!tpu.dma_semaphore, #tpu.memory_space<semaphore_mem>>) {add = true}
    }
    %scan3A_25 = arith.constant 20 : i32
    %dma_wait3A = arith.constant 0 : i32
    %dma_wait3A_26 = tpu.memref_slice %arg12[%dma_wait3A] : memref<5120xi32, #tpu.memory_space<vmem>> -> memref<64xi32, #tpu.memory_space<vmem>>
    %dma_wait3A_27 = arith.constant 0 : i32
    %dma_wait3A_28 = arith.constant 0 : i32
    %dma_wait3A_29 = tpu.memref_slice %arg13[%dma_wait3A_27, %dma_wait3A_28] : memref<10112x128xf32, #tpu.memory_space<vmem_shared>> -> memref<10112x128xf32, #tpu.memory_space<vmem_shared>>
    tpu.wait_indirect_dma semaphore(%arg18 : memref<!tpu.dma_semaphore, #tpu.memory_space<semaphore_mem>>) src(%arg7 : memref<64x128xf32, #tpu.memory_space<vmem>>) dst(%dma_wait3A_29 : memref<10112x128xf32, #tpu.memory_space<vmem_shared>>)
    %dma_wait3A_30 = arith.constant 0 : i32
    %dma_wait3A_31 = tpu.memref_slice %arg12[%dma_wait3A_30] : memref<5120xi32, #tpu.memory_space<vmem>> -> memref<64xi32, #tpu.memory_space<vmem>>
    %dma_wait3A_32 = arith.constant 0 : i32
    %dma_wait3A_33 = arith.constant 0 : i32
    %dma_wait3A_34 = tpu.memref_slice %arg13[%dma_wait3A_32, %dma_wait3A_33] : memref<10112x128xf32, #tpu.memory_space<vmem_shared>> -> memref<10112x128xf32, #tpu.memory_space<vmem_shared>>
    tpu.wait_indirect_dma semaphore(%arg19 : memref<!tpu.dma_semaphore, #tpu.memory_space<semaphore_mem>>) src(%arg8 : memref<64x128xf32, #tpu.memory_space<vmem>>) dst(%dma_wait3A_34 : memref<10112x128xf32, #tpu.memory_space<vmem_shared>>)
    %dma_wait3A_35 = arith.constant 0 : i32
    %dma_wait3A_36 = tpu.memref_slice %arg12[%dma_wait3A_35] : memref<5120xi32, #tpu.memory_space<vmem>> -> memref<64xi32, #tpu.memory_space<vmem>>
    %dma_wait3A_37 = arith.constant 0 : i32
    %dma_wait3A_38 = arith.constant 0 : i32
    %dma_wait3A_39 = tpu.memref_slice %arg13[%dma_wait3A_37, %dma_wait3A_38] : memref<10112x128xf32, #tpu.memory_space<vmem_shared>> -> memref<10112x128xf32, #tpu.memory_space<vmem_shared>>
    tpu.wait_indirect_dma semaphore(%arg20 : memref<!tpu.dma_semaphore, #tpu.memory_space<semaphore_mem>>) src(%arg9 : memref<64x128xf32, #tpu.memory_space<vmem>>) dst(%dma_wait3A_39 : memref<10112x128xf32, #tpu.memory_space<vmem_shared>>)
    %dma_wait3A_40 = arith.constant 0 : i32
    %dma_wait3A_41 = tpu.memref_slice %arg12[%dma_wait3A_40] : memref<5120xi32, #tpu.memory_space<vmem>> -> memref<64xi32, #tpu.memory_space<vmem>>
    %dma_wait3A_42 = arith.constant 0 : i32
    %dma_wait3A_43 = arith.constant 0 : i32
    %dma_wait3A_44 = tpu.memref_slice %arg13[%dma_wait3A_42, %dma_wait3A_43] : memref<10112x128xf32, #tpu.memory_space<vmem_shared>> -> memref<10112x128xf32, #tpu.memory_space<vmem_shared>>
    tpu.wait_indirect_dma semaphore(%arg21 : memref<!tpu.dma_semaphore, #tpu.memory_space<semaphore_mem>>) src(%arg10 : memref<64x128xf32, #tpu.memory_space<vmem>>) dst(%dma_wait3A_44 : memref<10112x128xf32, #tpu.memory_space<vmem_shared>>)
    %add3A_45 = arith.constant 5120 : i32
    %add3A_46 = arith.addi %mul3A_4, %add3A_45 : i32
    "tpu.region"() ({
      %run_scoped3A = tpu.sem_alloc : memref<!tpu.dma_semaphore, #tpu.memory_space<semaphore_mem>>
      %dma_start3A_89 = tpu.memref_slice %arg3[%add3A_46] : memref<327680xi32, #tpu.memory_space<hbm>> -> memref<5120xi32, #tpu.memory_space<hbm>>
      %dma_start3A_90 = tpu.memref_slice %arg3[%add3A_46] : memref<327680xi32, #tpu.memory_space<hbm>> -> memref<5120xi32, #tpu.memory_space<hbm>>
      tpu.enqueue_dma source(%dma_start3A_90 : memref<5120xi32, #tpu.memory_space<hbm>>) target(%arg11 : memref<5120xi32, #tpu.memory_space<vmem>>) target_semaphore(%run_scoped3A : memref<!tpu.dma_semaphore, #tpu.memory_space<semaphore_mem>>)
      %dma_wait3A_91 = tpu.memref_slice %arg3[%add3A_46] : memref<327680xi32, #tpu.memory_space<hbm>> -> memref<5120xi32, #tpu.memory_space<hbm>>
      %dma_wait3A_92 = tpu.memref_slice %arg3[%add3A_46] : memref<327680xi32, #tpu.memory_space<hbm>> -> memref<5120xi32, #tpu.memory_space<hbm>>
      tpu.wait_dma2 semaphore(%run_scoped3A : memref<!tpu.dma_semaphore, #tpu.memory_space<semaphore_mem>>) src(%dma_wait3A_92 : memref<5120xi32, #tpu.memory_space<hbm>>) dst(%arg11 : memref<5120xi32, #tpu.memory_space<vmem>>)
      tpu.yield
    }) : () -> ()
    "tpu.region"() ({
      %run_scoped3A = tpu.sem_alloc : memref<!tpu.dma_semaphore, #tpu.memory_space<semaphore_mem>>
      %dma_start3A_89 = tpu.memref_slice %arg4[%add3A_46] : memref<327680xi32, #tpu.memory_space<hbm>> -> memref<5120xi32, #tpu.memory_space<hbm>>
      %dma_start3A_90 = tpu.memref_slice %arg4[%add3A_46] : memref<327680xi32, #tpu.memory_space<hbm>> -> memref<5120xi32, #tpu.memory_space<hbm>>
      tpu.enqueue_dma source(%dma_start3A_90 : memref<5120xi32, #tpu.memory_space<hbm>>) target(%arg12 : memref<5120xi32, #tpu.memory_space<vmem>>) target_semaphore(%run_scoped3A : memref<!tpu.dma_semaphore, #tpu.memory_space<semaphore_mem>>)
      %dma_wait3A_91 = tpu.memref_slice %arg4[%add3A_46] : memref<327680xi32, #tpu.memory_space<hbm>> -> memref<5120xi32, #tpu.memory_space<hbm>>
      %dma_wait3A_92 = tpu.memref_slice %arg4[%add3A_46] : memref<327680xi32, #tpu.memory_space<hbm>> -> memref<5120xi32, #tpu.memory_space<hbm>>
      tpu.wait_dma2 semaphore(%run_scoped3A : memref<!tpu.dma_semaphore, #tpu.memory_space<semaphore_mem>>) src(%dma_wait3A_92 : memref<5120xi32, #tpu.memory_space<hbm>>) dst(%arg12 : memref<5120xi32, #tpu.memory_space<vmem>>)
      tpu.yield
    }) : () -> ()
    %dma_start3A_47 = arith.constant 0 : i32
    %dma_start3A_48 = tpu.memref_slice %arg11[%dma_start3A_47] : memref<5120xi32, #tpu.memory_space<vmem>> -> memref<64xi32, #tpu.memory_space<vmem>>
    %dma_start3A_49 = arith.constant 0 : i32
    %dma_start3A_50 = arith.constant 0 : i32
    %dma_start3A_51 = tpu.memref_slice %arg2[%dma_start3A_49, %dma_start3A_50] : memref<10112x128xf32, #tpu.memory_space<hbm>> -> memref<10112x128xf32, #tpu.memory_space<hbm>>
    tpu.enqueue_indirect_dma source(%dma_start3A_51 : memref<10112x128xf32, #tpu.memory_space<hbm>>) target(%arg7 : memref<64x128xf32, #tpu.memory_space<vmem>>) offsets(%dma_start3A_48 : memref<64xi32, #tpu.memory_space<vmem>>) semaphore(%arg14 : memref<!tpu.dma_semaphore, #tpu.memory_space<semaphore_mem>>)
    %dma_start3A_52 = arith.constant 64 : i32
    %dma_start3A_53 = tpu.memref_slice %arg11[%dma_start3A_52] : memref<5120xi32, #tpu.memory_space<vmem>> -> memref<64xi32, #tpu.memory_space<vmem>>
    %dma_start3A_54 = arith.constant 0 : i32
    %dma_start3A_55 = arith.constant 0 : i32
    %dma_start3A_56 = tpu.memref_slice %arg2[%dma_start3A_54, %dma_start3A_55] : memref<10112x128xf32, #tpu.memory_space<hbm>> -> memref<10112x128xf32, #tpu.memory_space<hbm>>
    tpu.enqueue_indirect_dma source(%dma_start3A_56 : memref<10112x128xf32, #tpu.memory_space<hbm>>) target(%arg8 : memref<64x128xf32, #tpu.memory_space<vmem>>) offsets(%dma_start3A_53 : memref<64xi32, #tpu.memory_space<vmem>>) semaphore(%arg15 : memref<!tpu.dma_semaphore, #tpu.memory_space<semaphore_mem>>)
    %dma_start3A_57 = arith.constant 128 : i32
    %dma_start3A_58 = tpu.memref_slice %arg11[%dma_start3A_57] : memref<5120xi32, #tpu.memory_space<vmem>> -> memref<64xi32, #tpu.memory_space<vmem>>
    %dma_start3A_59 = arith.constant 0 : i32
    %dma_start3A_60 = arith.constant 0 : i32
    %dma_start3A_61 = tpu.memref_slice %arg2[%dma_start3A_59, %dma_start3A_60] : memref<10112x128xf32, #tpu.memory_space<hbm>> -> memref<10112x128xf32, #tpu.memory_space<hbm>>
    tpu.enqueue_indirect_dma source(%dma_start3A_61 : memref<10112x128xf32, #tpu.memory_space<hbm>>) target(%arg9 : memref<64x128xf32, #tpu.memory_space<vmem>>) offsets(%dma_start3A_58 : memref<64xi32, #tpu.memory_space<vmem>>) semaphore(%arg16 : memref<!tpu.dma_semaphore, #tpu.memory_space<semaphore_mem>>)
    %scan3A_62 = arith.constant 0 : i32
    %scan3A_63 = arith.constant 0 : i32
    %scan3A_64 = arith.constant 20 : i32
    %scan3A_65 = arith.addi %scan3A_63, %scan3A_64 : i32
    %scan3A_66 = arith.constant 1 : i32
    scf.for %scan3A_89 = %scan3A_63 to %scan3A_65 step %scan3A_66  : i32 {
      %mul3A_90 = arith.constant 4 : i32
      %mul3A_91 = arith.muli %mul3A_90, %scan3A_89 : i32
      %add3A_92 = arith.constant 0 : i32
      %add3A_93 = arith.addi %mul3A_91, %add3A_92 : i32
      %add3A_94 = arith.constant 3 : i32
      %add3A_95 = arith.addi %add3A_93, %add3A_94 : i32
      %lt3A = arith.constant 80 : i32
      %lt3A_96 = arith.cmpi slt, %add3A_95, %lt3A : i32
      %convert_element_type3A = arith.extui %lt3A_96 : i1 to i32
      %cond3A = arith.constant 0 : i32
      %cond3A_97 = arith.cmpi ne, %convert_element_type3A, %cond3A : i32
      scf.if %cond3A_97 {
        %ge3A = arith.constant 1 : i32
        %ge3A_173 = arith.cmpi sge, %add3A_93, %ge3A : i32
        %convert_element_type3A_174 = arith.extui %ge3A_173 : i1 to i32
        %cond3A_175 = arith.constant 0 : i32
        %cond3A_176 = arith.cmpi ne, %convert_element_type3A_174, %cond3A_175 : i32
        scf.if %cond3A_176 {
          %dma_wait3A_185 = arith.constant 0 : i32
          %dma_wait3A_186 = tpu.memref_slice %arg12[%dma_wait3A_185] : memref<5120xi32, #tpu.memory_space<vmem>> -> memref<64xi32, #tpu.memory_space<vmem>>
          %dma_wait3A_187 = arith.constant 0 : i32
          %dma_wait3A_188 = arith.constant 0 : i32
          %dma_wait3A_189 = tpu.memref_slice %arg13[%dma_wait3A_187, %dma_wait3A_188] : memref<10112x128xf32, #tpu.memory_space<vmem_shared>> -> memref<10112x128xf32, #tpu.memory_space<vmem_shared>>
          tpu.wait_indirect_dma semaphore(%arg21 : memref<!tpu.dma_semaphore, #tpu.memory_space<semaphore_mem>>) src(%arg10 : memref<64x128xf32, #tpu.memory_space<vmem>>) dst(%dma_wait3A_189 : memref<10112x128xf32, #tpu.memory_space<vmem_shared>>)
        } else {
        }
        %add3A_177 = arith.constant 3 : i32
        %add3A_178 = arith.addi %add3A_93, %add3A_177 : i32
        %mul3A_179 = arith.constant 64 : i32
        %mul3A_180 = arith.muli %add3A_178, %mul3A_179 : i32
        %dma_start3A_181 = tpu.memref_slice %arg11[%mul3A_180] : memref<5120xi32, #tpu.memory_space<vmem>> -> memref<64xi32, #tpu.memory_space<vmem>>
        %dma_start3A_182 = arith.constant 0 : i32
        %dma_start3A_183 = arith.constant 0 : i32
        %dma_start3A_184 = tpu.memref_slice %arg2[%dma_start3A_182, %dma_start3A_183] : memref<10112x128xf32, #tpu.memory_space<hbm>> -> memref<10112x128xf32, #tpu.memory_space<hbm>>
        tpu.enqueue_indirect_dma source(%dma_start3A_184 : memref<10112x128xf32, #tpu.memory_space<hbm>>) target(%arg10 : memref<64x128xf32, #tpu.memory_space<vmem>>) offsets(%dma_start3A_181 : memref<64xi32, #tpu.memory_space<vmem>>) semaphore(%arg17 : memref<!tpu.dma_semaphore, #tpu.memory_space<semaphore_mem>>)
      } else {
      }
      %mul3A_98 = arith.constant 64 : i32
      %mul3A_99 = arith.muli %add3A_93, %mul3A_98 : i32
      %dma_wait3A_100 = tpu.memref_slice %arg11[%mul3A_99] : memref<5120xi32, #tpu.memory_space<vmem>> -> memref<64xi32, #tpu.memory_space<vmem>>
      %dma_wait3A_101 = arith.constant 0 : i32
      %dma_wait3A_102 = arith.constant 0 : i32
      %dma_wait3A_103 = tpu.memref_slice %arg2[%dma_wait3A_101, %dma_wait3A_102] : memref<10112x128xf32, #tpu.memory_space<hbm>> -> memref<10112x128xf32, #tpu.memory_space<hbm>>
      tpu.wait_indirect_dma semaphore(%arg14 : memref<!tpu.dma_semaphore, #tpu.memory_space<semaphore_mem>>) src(%dma_wait3A_103 : memref<10112x128xf32, #tpu.memory_space<hbm>>) dst(%arg7 : memref<64x128xf32, #tpu.memory_space<vmem>>)
      %mul3A_104 = arith.constant 64 : i32
      %mul3A_105 = arith.muli %add3A_93, %mul3A_104 : i32
      %dma_start3A_106 = tpu.memref_slice %arg12[%mul3A_105] : memref<5120xi32, #tpu.memory_space<vmem>> -> memref<64xi32, #tpu.memory_space<vmem>>
      %dma_start3A_107 = arith.constant 0 : i32
      %dma_start3A_108 = arith.constant 0 : i32
      %dma_start3A_109 = tpu.memref_slice %arg13[%dma_start3A_107, %dma_start3A_108] : memref<10112x128xf32, #tpu.memory_space<vmem_shared>> -> memref<10112x128xf32, #tpu.memory_space<vmem_shared>>
      tpu.enqueue_indirect_dma source(%arg7 : memref<64x128xf32, #tpu.memory_space<vmem>>) target(%dma_start3A_109 : memref<10112x128xf32, #tpu.memory_space<vmem_shared>>) offsets(%dma_start3A_106 : memref<64xi32, #tpu.memory_space<vmem>>) semaphore(%arg18 : memref<!tpu.dma_semaphore, #tpu.memory_space<semaphore_mem>>) {add = true}
      %add3A_110 = arith.constant 1 : i32
      %add3A_111 = arith.addi %mul3A_91, %add3A_110 : i32
      %add3A_112 = arith.constant 3 : i32
      %add3A_113 = arith.addi %add3A_111, %add3A_112 : i32
      %lt3A_114 = arith.constant 80 : i32
      %lt3A_115 = arith.cmpi slt, %add3A_113, %lt3A_114 : i32
      %convert_element_type3A_116 = arith.extui %lt3A_115 : i1 to i32
      %cond3A_117 = arith.constant 0 : i32
      %cond3A_118 = arith.cmpi ne, %convert_element_type3A_116, %cond3A_117 : i32
      scf.if %cond3A_118 {
        %ge3A = arith.constant 1 : i32
        %ge3A_173 = arith.cmpi sge, %add3A_111, %ge3A : i32
        %convert_element_type3A_174 = arith.extui %ge3A_173 : i1 to i32
        %cond3A_175 = arith.constant 0 : i32
        %cond3A_176 = arith.cmpi ne, %convert_element_type3A_174, %cond3A_175 : i32
        scf.if %cond3A_176 {
          %dma_wait3A_185 = arith.constant 0 : i32
          %dma_wait3A_186 = tpu.memref_slice %arg12[%dma_wait3A_185] : memref<5120xi32, #tpu.memory_space<vmem>> -> memref<64xi32, #tpu.memory_space<vmem>>
          %dma_wait3A_187 = arith.constant 0 : i32
          %dma_wait3A_188 = arith.constant 0 : i32
          %dma_wait3A_189 = tpu.memref_slice %arg13[%dma_wait3A_187, %dma_wait3A_188] : memref<10112x128xf32, #tpu.memory_space<vmem_shared>> -> memref<10112x128xf32, #tpu.memory_space<vmem_shared>>
          tpu.wait_indirect_dma semaphore(%arg18 : memref<!tpu.dma_semaphore, #tpu.memory_space<semaphore_mem>>) src(%arg7 : memref<64x128xf32, #tpu.memory_space<vmem>>) dst(%dma_wait3A_189 : memref<10112x128xf32, #tpu.memory_space<vmem_shared>>)
        } else {
        }
        %add3A_177 = arith.constant 3 : i32
        %add3A_178 = arith.addi %add3A_111, %add3A_177 : i32
        %mul3A_179 = arith.constant 64 : i32
        %mul3A_180 = arith.muli %add3A_178, %mul3A_179 : i32
        %dma_start3A_181 = tpu.memref_slice %arg11[%mul3A_180] : memref<5120xi32, #tpu.memory_space<vmem>> -> memref<64xi32, #tpu.memory_space<vmem>>
        %dma_start3A_182 = arith.constant 0 : i32
        %dma_start3A_183 = arith.constant 0 : i32
        %dma_start3A_184 = tpu.memref_slice %arg2[%dma_start3A_182, %dma_start3A_183] : memref<10112x128xf32, #tpu.memory_space<hbm>> -> memref<10112x128xf32, #tpu.memory_space<hbm>>
        tpu.enqueue_indirect_dma source(%dma_start3A_184 : memref<10112x128xf32, #tpu.memory_space<hbm>>) target(%arg7 : memref<64x128xf32, #tpu.memory_space<vmem>>) offsets(%dma_start3A_181 : memref<64xi32, #tpu.memory_space<vmem>>) semaphore(%arg14 : memref<!tpu.dma_semaphore, #tpu.memory_space<semaphore_mem>>)
      } else {
      }
      %mul3A_119 = arith.constant 64 : i32
      %mul3A_120 = arith.muli %add3A_111, %mul3A_119 : i32
      %dma_wait3A_121 = tpu.memref_slice %arg11[%mul3A_120] : memref<5120xi32, #tpu.memory_space<vmem>> -> memref<64xi32, #tpu.memory_space<vmem>>
      %dma_wait3A_122 = arith.constant 0 : i32
      %dma_wait3A_123 = arith.constant 0 : i32
      %dma_wait3A_124 = tpu.memref_slice %arg2[%dma_wait3A_122, %dma_wait3A_123] : memref<10112x128xf32, #tpu.memory_space<hbm>> -> memref<10112x128xf32, #tpu.memory_space<hbm>>
      tpu.wait_indirect_dma semaphore(%arg15 : memref<!tpu.dma_semaphore, #tpu.memory_space<semaphore_mem>>) src(%dma_wait3A_124 : memref<10112x128xf32, #tpu.memory_space<hbm>>) dst(%arg8 : memref<64x128xf32, #tpu.memory_space<vmem>>)
      %mul3A_125 = arith.constant 64 : i32
      %mul3A_126 = arith.muli %add3A_111, %mul3A_125 : i32
      %dma_start3A_127 = tpu.memref_slice %arg12[%mul3A_126] : memref<5120xi32, #tpu.memory_space<vmem>> -> memref<64xi32, #tpu.memory_space<vmem>>
      %dma_start3A_128 = arith.constant 0 : i32
      %dma_start3A_129 = arith.constant 0 : i32
      %dma_start3A_130 = tpu.memref_slice %arg13[%dma_start3A_128, %dma_start3A_129] : memref<10112x128xf32, #tpu.memory_space<vmem_shared>> -> memref<10112x128xf32, #tpu.memory_space<vmem_shared>>
      tpu.enqueue_indirect_dma source(%arg8 : memref<64x128xf32, #tpu.memory_space<vmem>>) target(%dma_start3A_130 : memref<10112x128xf32, #tpu.memory_space<vmem_shared>>) offsets(%dma_start3A_127 : memref<64xi32, #tpu.memory_space<vmem>>) semaphore(%arg19 : memref<!tpu.dma_semaphore, #tpu.memory_space<semaphore_mem>>) {add = true}
      %add3A_131 = arith.constant 2 : i32
      %add3A_132 = arith.addi %mul3A_91, %add3A_131 : i32
      %add3A_133 = arith.constant 3 : i32
      %add3A_134 = arith.addi %add3A_132, %add3A_133 : i32
      %lt3A_135 = arith.constant 80 : i32
      %lt3A_136 = arith.cmpi slt, %add3A_134, %lt3A_135 : i32
      %convert_element_type3A_137 = arith.extui %lt3A_136 : i1 to i32
      %cond3A_138 = arith.constant 0 : i32
      %cond3A_139 = arith.cmpi ne, %convert_element_type3A_137, %cond3A_138 : i32
      scf.if %cond3A_139 {
        %ge3A = arith.constant 1 : i32
        %ge3A_173 = arith.cmpi sge, %add3A_132, %ge3A : i32
        %convert_element_type3A_174 = arith.extui %ge3A_173 : i1 to i32
        %cond3A_175 = arith.constant 0 : i32
        %cond3A_176 = arith.cmpi ne, %convert_element_type3A_174, %cond3A_175 : i32
        scf.if %cond3A_176 {
          %dma_wait3A_185 = arith.constant 0 : i32
          %dma_wait3A_186 = tpu.memref_slice %arg12[%dma_wait3A_185] : memref<5120xi32, #tpu.memory_space<vmem>> -> memref<64xi32, #tpu.memory_space<vmem>>
          %dma_wait3A_187 = arith.constant 0 : i32
          %dma_wait3A_188 = arith.constant 0 : i32
          %dma_wait3A_189 = tpu.memref_slice %arg13[%dma_wait3A_187, %dma_wait3A_188] : memref<10112x128xf32, #tpu.memory_space<vmem_shared>> -> memref<10112x128xf32, #tpu.memory_space<vmem_shared>>
          tpu.wait_indirect_dma semaphore(%arg19 : memref<!tpu.dma_semaphore, #tpu.memory_space<semaphore_mem>>) src(%arg8 : memref<64x128xf32, #tpu.memory_space<vmem>>) dst(%dma_wait3A_189 : memref<10112x128xf32, #tpu.memory_space<vmem_shared>>)
        } else {
        }
        %add3A_177 = arith.constant 3 : i32
        %add3A_178 = arith.addi %add3A_132, %add3A_177 : i32
        %mul3A_179 = arith.constant 64 : i32
        %mul3A_180 = arith.muli %add3A_178, %mul3A_179 : i32
        %dma_start3A_181 = tpu.memref_slice %arg11[%mul3A_180] : memref<5120xi32, #tpu.memory_space<vmem>> -> memref<64xi32, #tpu.memory_space<vmem>>
        %dma_start3A_182 = arith.constant 0 : i32
        %dma_start3A_183 = arith.constant 0 : i32
        %dma_start3A_184 = tpu.memref_slice %arg2[%dma_start3A_182, %dma_start3A_183] : memref<10112x128xf32, #tpu.memory_space<hbm>> -> memref<10112x128xf32, #tpu.memory_space<hbm>>
        tpu.enqueue_indirect_dma source(%dma_start3A_184 : memref<10112x128xf32, #tpu.memory_space<hbm>>) target(%arg8 : memref<64x128xf32, #tpu.memory_space<vmem>>) offsets(%dma_start3A_181 : memref<64xi32, #tpu.memory_space<vmem>>) semaphore(%arg15 : memref<!tpu.dma_semaphore, #tpu.memory_space<semaphore_mem>>)
      } else {
      }
      %mul3A_140 = arith.constant 64 : i32
      %mul3A_141 = arith.muli %add3A_132, %mul3A_140 : i32
      %dma_wait3A_142 = tpu.memref_slice %arg11[%mul3A_141] : memref<5120xi32, #tpu.memory_space<vmem>> -> memref<64xi32, #tpu.memory_space<vmem>>
      %dma_wait3A_143 = arith.constant 0 : i32
      %dma_wait3A_144 = arith.constant 0 : i32
      %dma_wait3A_145 = tpu.memref_slice %arg2[%dma_wait3A_143, %dma_wait3A_144] : memref<10112x128xf32, #tpu.memory_space<hbm>> -> memref<10112x128xf32, #tpu.memory_space<hbm>>
      tpu.wait_indirect_dma semaphore(%arg16 : memref<!tpu.dma_semaphore, #tpu.memory_space<semaphore_mem>>) src(%dma_wait3A_145 : memref<10112x128xf32, #tpu.memory_space<hbm>>) dst(%arg9 : memref<64x128xf32, #tpu.memory_space<vmem>>)
      %mul3A_146 = arith.constant 64 : i32
      %mul3A_147 = arith.muli %add3A_132, %mul3A_146 : i32
      %dma_start3A_148 = tpu.memref_slice %arg12[%mul3A_147] : memref<5120xi32, #tpu.memory_space<vmem>> -> memref<64xi32, #tpu.memory_space<vmem>>
      %dma_start3A_149 = arith.constant 0 : i32
      %dma_start3A_150 = arith.constant 0 : i32
      %dma_start3A_151 = tpu.memref_slice %arg13[%dma_start3A_149, %dma_start3A_150] : memref<10112x128xf32, #tpu.memory_space<vmem_shared>> -> memref<10112x128xf32, #tpu.memory_space<vmem_shared>>
      tpu.enqueue_indirect_dma source(%arg9 : memref<64x128xf32, #tpu.memory_space<vmem>>) target(%dma_start3A_151 : memref<10112x128xf32, #tpu.memory_space<vmem_shared>>) offsets(%dma_start3A_148 : memref<64xi32, #tpu.memory_space<vmem>>) semaphore(%arg20 : memref<!tpu.dma_semaphore, #tpu.memory_space<semaphore_mem>>) {add = true}
      %add3A_152 = arith.constant 3 : i32
      %add3A_153 = arith.addi %mul3A_91, %add3A_152 : i32
      %add3A_154 = arith.constant 3 : i32
      %add3A_155 = arith.addi %add3A_153, %add3A_154 : i32
      %lt3A_156 = arith.constant 80 : i32
      %lt3A_157 = arith.cmpi slt, %add3A_155, %lt3A_156 : i32
      %convert_element_type3A_158 = arith.extui %lt3A_157 : i1 to i32
      %cond3A_159 = arith.constant 0 : i32
      %cond3A_160 = arith.cmpi ne, %convert_element_type3A_158, %cond3A_159 : i32
      scf.if %cond3A_160 {
        %ge3A = arith.constant 1 : i32
        %ge3A_173 = arith.cmpi sge, %add3A_153, %ge3A : i32
        %convert_element_type3A_174 = arith.extui %ge3A_173 : i1 to i32
        %cond3A_175 = arith.constant 0 : i32
        %cond3A_176 = arith.cmpi ne, %convert_element_type3A_174, %cond3A_175 : i32
        scf.if %cond3A_176 {
          %dma_wait3A_185 = arith.constant 0 : i32
          %dma_wait3A_186 = tpu.memref_slice %arg12[%dma_wait3A_185] : memref<5120xi32, #tpu.memory_space<vmem>> -> memref<64xi32, #tpu.memory_space<vmem>>
          %dma_wait3A_187 = arith.constant 0 : i32
          %dma_wait3A_188 = arith.constant 0 : i32
          %dma_wait3A_189 = tpu.memref_slice %arg13[%dma_wait3A_187, %dma_wait3A_188] : memref<10112x128xf32, #tpu.memory_space<vmem_shared>> -> memref<10112x128xf32, #tpu.memory_space<vmem_shared>>
          tpu.wait_indirect_dma semaphore(%arg20 : memref<!tpu.dma_semaphore, #tpu.memory_space<semaphore_mem>>) src(%arg9 : memref<64x128xf32, #tpu.memory_space<vmem>>) dst(%dma_wait3A_189 : memref<10112x128xf32, #tpu.memory_space<vmem_shared>>)
        } else {
        }
        %add3A_177 = arith.constant 3 : i32
        %add3A_178 = arith.addi %add3A_153, %add3A_177 : i32
        %mul3A_179 = arith.constant 64 : i32
        %mul3A_180 = arith.muli %add3A_178, %mul3A_179 : i32
        %dma_start3A_181 = tpu.memref_slice %arg11[%mul3A_180] : memref<5120xi32, #tpu.memory_space<vmem>> -> memref<64xi32, #tpu.memory_space<vmem>>
        %dma_start3A_182 = arith.constant 0 : i32
        %dma_start3A_183 = arith.constant 0 : i32
        %dma_start3A_184 = tpu.memref_slice %arg2[%dma_start3A_182, %dma_start3A_183] : memref<10112x128xf32, #tpu.memory_space<hbm>> -> memref<10112x128xf32, #tpu.memory_space<hbm>>
        tpu.enqueue_indirect_dma source(%dma_start3A_184 : memref<10112x128xf32, #tpu.memory_space<hbm>>) target(%arg9 : memref<64x128xf32, #tpu.memory_space<vmem>>) offsets(%dma_start3A_181 : memref<64xi32, #tpu.memory_space<vmem>>) semaphore(%arg16 : memref<!tpu.dma_semaphore, #tpu.memory_space<semaphore_mem>>)
      } else {
      }
      %mul3A_161 = arith.constant 64 : i32
      %mul3A_162 = arith.muli %add3A_153, %mul3A_161 : i32
      %dma_wait3A_163 = tpu.memref_slice %arg11[%mul3A_162] : memref<5120xi32, #tpu.memory_space<vmem>> -> memref<64xi32, #tpu.memory_space<vmem>>
      %dma_wait3A_164 = arith.constant 0 : i32
      %dma_wait3A_165 = arith.constant 0 : i32
      %dma_wait3A_166 = tpu.memref_slice %arg2[%dma_wait3A_164, %dma_wait3A_165] : memref<10112x128xf32, #tpu.memory_space<hbm>> -> memref<10112x128xf32, #tpu.memory_space<hbm>>
      tpu.wait_indirect_dma semaphore(%arg17 : memref<!tpu.dma_semaphore, #tpu.memory_space<semaphore_mem>>) src(%dma_wait3A_166 : memref<10112x128xf32, #tpu.memory_space<hbm>>) dst(%arg10 : memref<64x128xf32, #tpu.memory_space<vmem>>)
      %mul3A_167 = arith.constant 64 : i32
      %mul3A_168 = arith.muli %add3A_153, %mul3A_167 : i32
      %dma_start3A_169 = tpu.memref_slice %arg12[%mul3A_168] : memref<5120xi32, #tpu.memory_space<vmem>> -> memref<64xi32, #tpu.memory_space<vmem>>
      %dma_start3A_170 = arith.constant 0 : i32
      %dma_start3A_171 = arith.constant 0 : i32
      %dma_start3A_172 = tpu.memref_slice %arg13[%dma_start3A_170, %dma_start3A_171] : memref<10112x128xf32, #tpu.memory_space<vmem_shared>> -> memref<10112x128xf32, #tpu.memory_space<vmem_shared>>
      tpu.enqueue_indirect_dma source(%arg10 : memref<64x128xf32, #tpu.memory_space<vmem>>) target(%dma_start3A_172 : memref<10112x128xf32, #tpu.memory_space<vmem_shared>>) offsets(%dma_start3A_169 : memref<64xi32, #tpu.memory_space<vmem>>) semaphore(%arg21 : memref<!tpu.dma_semaphore, #tpu.memory_space<semaphore_mem>>) {add = true}
    }
    %scan3A_67 = arith.constant 20 : i32
    %dma_wait3A_68 = arith.constant 0 : i32
    %dma_wait3A_69 = tpu.memref_slice %arg12[%dma_wait3A_68] : memref<5120xi32, #tpu.memory_space<vmem>> -> memref<64xi32, #tpu.memory_space<vmem>>
    %dma_wait3A_70 = arith.constant 0 : i32
    %dma_wait3A_71 = arith.constant 0 : i32
    %dma_wait3A_72 = tpu.memref_slice %arg13[%dma_wait3A_70, %dma_wait3A_71] : memref<10112x128xf32, #tpu.memory_space<vmem_shared>> -> memref<10112x128xf32, #tpu.memory_space<vmem_shared>>
    tpu.wait_indirect_dma semaphore(%arg18 : memref<!tpu.dma_semaphore, #tpu.memory_space<semaphore_mem>>) src(%arg7 : memref<64x128xf32, #tpu.memory_space<vmem>>) dst(%dma_wait3A_72 : memref<10112x128xf32, #tpu.memory_space<vmem_shared>>)
    %dma_wait3A_73 = arith.constant 0 : i32
    %dma_wait3A_74 = tpu.memref_slice %arg12[%dma_wait3A_73] : memref<5120xi32, #tpu.memory_space<vmem>> -> memref<64xi32, #tpu.memory_space<vmem>>
    %dma_wait3A_75 = arith.constant 0 : i32
    %dma_wait3A_76 = arith.constant 0 : i32
    %dma_wait3A_77 = tpu.memref_slice %arg13[%dma_wait3A_75, %dma_wait3A_76] : memref<10112x128xf32, #tpu.memory_space<vmem_shared>> -> memref<10112x128xf32, #tpu.memory_space<vmem_shared>>
    tpu.wait_indirect_dma semaphore(%arg19 : memref<!tpu.dma_semaphore, #tpu.memory_space<semaphore_mem>>) src(%arg8 : memref<64x128xf32, #tpu.memory_space<vmem>>) dst(%dma_wait3A_77 : memref<10112x128xf32, #tpu.memory_space<vmem_shared>>)
    %dma_wait3A_78 = arith.constant 0 : i32
    %dma_wait3A_79 = tpu.memref_slice %arg12[%dma_wait3A_78] : memref<5120xi32, #tpu.memory_space<vmem>> -> memref<64xi32, #tpu.memory_space<vmem>>
    %dma_wait3A_80 = arith.constant 0 : i32
    %dma_wait3A_81 = arith.constant 0 : i32
    %dma_wait3A_82 = tpu.memref_slice %arg13[%dma_wait3A_80, %dma_wait3A_81] : memref<10112x128xf32, #tpu.memory_space<vmem_shared>> -> memref<10112x128xf32, #tpu.memory_space<vmem_shared>>
    tpu.wait_indirect_dma semaphore(%arg20 : memref<!tpu.dma_semaphore, #tpu.memory_space<semaphore_mem>>) src(%arg9 : memref<64x128xf32, #tpu.memory_space<vmem>>) dst(%dma_wait3A_82 : memref<10112x128xf32, #tpu.memory_space<vmem_shared>>)
    %dma_wait3A_83 = arith.constant 0 : i32
    %dma_wait3A_84 = tpu.memref_slice %arg12[%dma_wait3A_83] : memref<5120xi32, #tpu.memory_space<vmem>> -> memref<64xi32, #tpu.memory_space<vmem>>
    %dma_wait3A_85 = arith.constant 0 : i32
    %dma_wait3A_86 = arith.constant 0 : i32
    %dma_wait3A_87 = tpu.memref_slice %arg13[%dma_wait3A_85, %dma_wait3A_86] : memref<10112x128xf32, #tpu.memory_space<vmem_shared>> -> memref<10112x128xf32, #tpu.memory_space<vmem_shared>>
    tpu.wait_indirect_dma semaphore(%arg21 : memref<!tpu.dma_semaphore, #tpu.memory_space<semaphore_mem>>) src(%arg10 : memref<64x128xf32, #tpu.memory_space<vmem>>) dst(%dma_wait3A_87 : memref<10112x128xf32, #tpu.memory_space<vmem_shared>>)
    %barrier3A_88 = arith.constant 0 : index
    tpu.barrier barrier_id(%barrier3A_88)
    "tpu.region"() ({
      %run_scoped3A = tpu.sem_alloc : memref<!tpu.dma_semaphore, #tpu.memory_space<semaphore_mem>>
      %dma_start3A_89 = arith.constant 0 : i32
      %dma_start3A_90 = tpu.memref_slice %arg6[%arg0, %mul3A_2, %dma_start3A_89] : memref<2x10112x128xf32, #tpu.memory_space<hbm>> -> memref<1x632x128xf32, #tpu.memory_space<hbm>>
      %dma_start3A_91 = tpu.memref_squeeze %dma_start3A_90 : memref<1x632x128xf32, #tpu.memory_space<hbm>> -> memref<632x128xf32, #tpu.memory_space<hbm>>
      %dma_start3A_92 = arith.constant 0 : i32
      %dma_start3A_93 = tpu.memref_slice %arg13[%mul3A_2, %dma_start3A_92] : memref<10112x128xf32, #tpu.memory_space<vmem_shared>> -> memref<632x128xf32, #tpu.memory_space<vmem_shared>>
      tpu.enqueue_dma source(%dma_start3A_93 : memref<632x128xf32, #tpu.memory_space<vmem_shared>>) target(%dma_start3A_91 : memref<632x128xf32, #tpu.memory_space<hbm>>) target_semaphore(%run_scoped3A : memref<!tpu.dma_semaphore, #tpu.memory_space<semaphore_mem>>)
      %dma_wait3A_94 = arith.constant 0 : i32
      %dma_wait3A_95 = tpu.memref_slice %arg6[%arg0, %mul3A_2, %dma_wait3A_94] : memref<2x10112x128xf32, #tpu.memory_space<hbm>> -> memref<1x632x128xf32, #tpu.memory_space<hbm>>
      %dma_wait3A_96 = tpu.memref_squeeze %dma_wait3A_95 : memref<1x632x128xf32, #tpu.memory_space<hbm>> -> memref<632x128xf32, #tpu.memory_space<hbm>>
      %dma_wait3A_97 = arith.constant 0 : i32
      %dma_wait3A_98 = tpu.memref_slice %arg13[%mul3A_2, %dma_wait3A_97] : memref<10112x128xf32, #tpu.memory_space<vmem_shared>> -> memref<632x128xf32, #tpu.memory_space<vmem_shared>>
      tpu.wait_dma2 semaphore(%run_scoped3A : memref<!tpu.dma_semaphore, #tpu.memory_space<semaphore_mem>>) src(%dma_wait3A_98 : memref<632x128xf32, #tpu.memory_space<vmem_shared>>) dst(%dma_wait3A_96 : memref<632x128xf32, #tpu.memory_space<hbm>>)
      tpu.yield
    }) : () -> ()
    return
  }
}

module attributes {stable_mosaic.version = 14 : i64} {
  func.func @_tc1_body(%arg0: memref<2x1264x8xf32, #tpu.memory_space<vmem>>, %arg1: memref<10112x128xf32, #tpu.memory_space<vmem>>, %arg2: memref<128x128xf32, #tpu.memory_space<vmem>>, %arg3: memref<10112x128xf32, #tpu.memory_space<vmem>>) attributes {dimension_semantics = [], scalar_prefetch = 0 : i64, scratch_operands = 0 : i64, tpu.core_type = #tpu.core_type<tc>} {
    %get3A = arith.constant 0 : index
    %get3A_0 = arith.constant 0 : index
    %get3A_1 = arith.constant 0 : index
    %get3A_2 = vector.load %arg0[%get3A, %get3A_0, %get3A_1] : memref<2x1264x8xf32, #tpu.memory_space<vmem>>, vector<2x1264x8xf32>
    %slice3A = vector.extract_strided_slice %get3A_2 {offsets = [0, 0, 0], sizes = [1, 1264, 8], strides = [1, 1, 1]} : vector<2x1264x8xf32> to vector<1x1264x8xf32>
    %squeeze3A = vector.shape_cast %slice3A : vector<1x1264x8xf32> to vector<1264x8xf32>
    %slice3A_3 = vector.extract_strided_slice %get3A_2 {offsets = [1, 0, 0], sizes = [1, 1264, 8], strides = [1, 1, 1]} : vector<2x1264x8xf32> to vector<1x1264x8xf32>
    %squeeze3A_4 = vector.shape_cast %slice3A_3 : vector<1x1264x8xf32> to vector<1264x8xf32>
    %add3A = arith.addf %squeeze3A, %squeeze3A_4 : vector<1264x8xf32>
    %add3A_5 = arith.constant 1.000000e+00 : f32
    %add3A_6 = vector.broadcast %add3A_5 : f32 to vector<1264x8xf32>
    %add3A_7 = arith.addf %add3A_6, %add3A : vector<1264x8xf32>
    %iota3A = tpu.iota {dimensions = array<i32: 0>} : vector<1264x8xi32>
    %mul3A = arith.constant 8 : i32
    %mul3A_8 = vector.broadcast %mul3A : i32 to vector<1264x8xi32>
    %mul3A_9 = arith.muli %mul3A_8, %iota3A : vector<1264x8xi32>
    %iota3A_10 = tpu.iota {dimensions = array<i32: 1>} : vector<1264x8xi32>
    %add3A_11 = arith.addi %mul3A_9, %iota3A_10 : vector<1264x8xi32>
    %lt3A = arith.constant 10000 : i32
    %lt3A_12 = vector.broadcast %lt3A : i32 to vector<1264x8xi32>
    %lt3A_13 = arith.cmpi slt, %add3A_11, %lt3A_12 : vector<1264x8xi32>
    %convert_element_type3A = arith.extui %lt3A_13 : vector<1264x8xi1> to vector<1264x8xi32>
    %convert_element_type3A_14 = arith.sitofp %convert_element_type3A : vector<1264x8xi32> to vector<1264x8xf32>
    %rsqrt3A = math.rsqrt %add3A_7 : vector<1264x8xf32>
    %mul3A_15 = arith.mulf %convert_element_type3A_14, %rsqrt3A : vector<1264x8xf32>
    %get3A_16 = arith.constant 0 : index
    %get3A_17 = arith.constant 0 : index
    %get3A_18 = vector.load %arg1[%get3A_16, %get3A_17] : memref<10112x128xf32, #tpu.memory_space<vmem>>, vector<10112x128xf32>
    %get3A_19 = arith.constant 0 : index
    %get3A_20 = arith.constant 0 : index
    %get3A_21 = vector.load %arg2[%get3A_19, %get3A_20] : memref<128x128xf32, #tpu.memory_space<vmem>>, vector<128x128xf32>
    %dot_general3A = arith.constant dense<0.000000e+00> : vector<10112x128xf32>
    %dot_general3A_22 = tpu.matmul %get3A_18, %get3A_21, %dot_general3A {dimension_numbers = #tpu.dot_dimension_numbers<[1], [0], [0], [1], [0, 0, 1, 1], [], []>, transpose_lhs_hint = false} : vector<10112x128xf32>, vector<128x128xf32>, vector<10112x128xf32> -> vector<10112x128xf32>
    %reshape3A = vector.shape_cast %dot_general3A_22 : vector<10112x128xf32> to vector<1264x8x128xf32>
    %broadcast_in_dim3A = vector.shape_cast %mul3A_15 : vector<1264x8xf32> to vector<1264x8x1xf32>
    %mul3A_23 = vector.broadcast %broadcast_in_dim3A : vector<1264x8x1xf32> to vector<1264x8x128xf32>
    %mul3A_24 = arith.mulf %reshape3A, %mul3A_23 : vector<1264x8x128xf32>
    %reshape3A_25 = vector.shape_cast %mul3A_24 : vector<1264x8x128xf32> to vector<10112x128xf32>
    %swap3A = arith.constant 0 : index
    %swap3A_26 = arith.constant 0 : index
    %swap3A_27 = vector.load %arg3[%swap3A, %swap3A_26] : memref<10112x128xf32, #tpu.memory_space<vmem>>, vector<10112x128xf32>
    tpu.vector_store %arg3[%swap3A, %swap3A_26], %reshape3A_25 {strides = array<i32>} : memref<10112x128xf32, #tpu.memory_space<vmem>>, vector<10112x128xf32>,
    return
  }
}

module attributes {stable_mosaic.version = 14 : i64} {
  func.func @_tc2_body(%arg0: memref<2x1264x8xf32, #tpu.memory_space<vmem>>, %arg1: memref<2x10112x128xf32, #tpu.memory_space<vmem>>, %arg2: memref<10112x128xf32, #tpu.memory_space<vmem>>, %arg3: memref<128x128xf32, #tpu.memory_space<vmem>>, %arg4: memref<1x128xf32, #tpu.memory_space<vmem>>, %arg5: memref<1x128xf32, #tpu.memory_space<vmem>>, %arg6: memref<1x128xf32, #tpu.memory_space<vmem>>, %arg7: memref<10112x128xf32, #tpu.memory_space<vmem>>) attributes {dimension_semantics = [], scalar_prefetch = 0 : i64, scratch_operands = 0 : i64, tpu.core_type = #tpu.core_type<tc>} {
    %get3A = arith.constant 0 : index
    %get3A_0 = arith.constant 0 : index
    %get3A_1 = arith.constant 0 : index
    %get3A_2 = vector.load %arg0[%get3A, %get3A_0, %get3A_1] : memref<2x1264x8xf32, #tpu.memory_space<vmem>>, vector<2x1264x8xf32>
    %slice3A = vector.extract_strided_slice %get3A_2 {offsets = [0, 0, 0], sizes = [1, 1264, 8], strides = [1, 1, 1]} : vector<2x1264x8xf32> to vector<1x1264x8xf32>
    %squeeze3A = vector.shape_cast %slice3A : vector<1x1264x8xf32> to vector<1264x8xf32>
    %slice3A_3 = vector.extract_strided_slice %get3A_2 {offsets = [1, 0, 0], sizes = [1, 1264, 8], strides = [1, 1, 1]} : vector<2x1264x8xf32> to vector<1x1264x8xf32>
    %squeeze3A_4 = vector.shape_cast %slice3A_3 : vector<1x1264x8xf32> to vector<1264x8xf32>
    %add3A = arith.addf %squeeze3A, %squeeze3A_4 : vector<1264x8xf32>
    %add3A_5 = arith.constant 1.000000e+00 : f32
    %add3A_6 = vector.broadcast %add3A_5 : f32 to vector<1264x8xf32>
    %add3A_7 = arith.addf %add3A_6, %add3A : vector<1264x8xf32>
    %iota3A = tpu.iota {dimensions = array<i32: 0>} : vector<1264x8xi32>
    %mul3A = arith.constant 8 : i32
    %mul3A_8 = vector.broadcast %mul3A : i32 to vector<1264x8xi32>
    %mul3A_9 = arith.muli %mul3A_8, %iota3A : vector<1264x8xi32>
    %iota3A_10 = tpu.iota {dimensions = array<i32: 1>} : vector<1264x8xi32>
    %add3A_11 = arith.addi %mul3A_9, %iota3A_10 : vector<1264x8xi32>
    %lt3A = arith.constant 10000 : i32
    %lt3A_12 = vector.broadcast %lt3A : i32 to vector<1264x8xi32>
    %lt3A_13 = arith.cmpi slt, %add3A_11, %lt3A_12 : vector<1264x8xi32>
    %convert_element_type3A = arith.extui %lt3A_13 : vector<1264x8xi1> to vector<1264x8xi32>
    %convert_element_type3A_14 = arith.sitofp %convert_element_type3A : vector<1264x8xi32> to vector<1264x8xf32>
    %rsqrt3A = math.rsqrt %add3A_7 : vector<1264x8xf32>
    %mul3A_15 = arith.mulf %convert_element_type3A_14, %rsqrt3A : vector<1264x8xf32>
    %get3A_16 = arith.constant 0 : index
    %get3A_17 = arith.constant 0 : index
    %get3A_18 = arith.constant 0 : index
    %get3A_19 = vector.load %arg1[%get3A_16, %get3A_17, %get3A_18] : memref<2x10112x128xf32, #tpu.memory_space<vmem>>, vector<1x10112x128xf32>
    %get3A_20 = vector.shape_cast %get3A_19 : vector<1x10112x128xf32> to vector<10112x128xf32>
    %get3A_21 = arith.constant 1 : index
    %get3A_22 = arith.constant 0 : index
    %get3A_23 = arith.constant 0 : index
    %get3A_24 = vector.load %arg1[%get3A_21, %get3A_22, %get3A_23] : memref<2x10112x128xf32, #tpu.memory_space<vmem>>, vector<1x10112x128xf32>
    %get3A_25 = vector.shape_cast %get3A_24 : vector<1x10112x128xf32> to vector<10112x128xf32>
    %add3A_26 = arith.addf %get3A_20, %get3A_25 : vector<10112x128xf32>
    %get3A_27 = arith.constant 0 : index
    %get3A_28 = arith.constant 0 : index
    %get3A_29 = vector.load %arg2[%get3A_27, %get3A_28] : memref<10112x128xf32, #tpu.memory_space<vmem>>, vector<10112x128xf32>
    %add3A_30 = arith.addf %add3A_26, %get3A_29 : vector<10112x128xf32>
    %reshape3A = vector.shape_cast %add3A_30 : vector<10112x128xf32> to vector<1264x8x128xf32>
    %broadcast_in_dim3A = vector.shape_cast %mul3A_15 : vector<1264x8xf32> to vector<1264x8x1xf32>
    %mul3A_31 = vector.broadcast %broadcast_in_dim3A : vector<1264x8x1xf32> to vector<1264x8x128xf32>
    %mul3A_32 = arith.mulf %reshape3A, %mul3A_31 : vector<1264x8x128xf32>
    %reshape3A_33 = vector.shape_cast %mul3A_32 : vector<1264x8x128xf32> to vector<10112x128xf32>
    %get3A_34 = arith.constant 0 : index
    %get3A_35 = arith.constant 0 : index
    %get3A_36 = vector.load %arg4[%get3A_34, %get3A_35] : memref<1x128xf32, #tpu.memory_space<vmem>>, vector<1x128xf32>
    %add3A_37 = vector.broadcast %get3A_36 : vector<1x128xf32> to vector<10112x128xf32>
    %add3A_38 = arith.addf %reshape3A_33, %add3A_37 : vector<10112x128xf32>
    %get3A_39 = arith.constant 0 : index
    %get3A_40 = arith.constant 0 : index
    %get3A_41 = vector.load %arg5[%get3A_39, %get3A_40] : memref<1x128xf32, #tpu.memory_space<vmem>>, vector<1x128xf32>
    %get3A_42 = arith.constant 0 : index
    %get3A_43 = arith.constant 0 : index
    %get3A_44 = vector.load %arg6[%get3A_42, %get3A_43] : memref<1x128xf32, #tpu.memory_space<vmem>>, vector<1x128xf32>
    %reshape3A_45 = vector.shape_cast %add3A_38 : vector<10112x128xf32> to vector<1264x8x128xf32>
    %broadcast_in_dim3A_46 = vector.shape_cast %convert_element_type3A_14 : vector<1264x8xf32> to vector<1264x8x1xf32>
    %mul3A_47 = vector.broadcast %broadcast_in_dim3A_46 : vector<1264x8x1xf32> to vector<1264x8x128xf32>
    %mul3A_48 = arith.mulf %reshape3A_45, %mul3A_47 : vector<1264x8x128xf32>
    %reshape3A_49 = vector.shape_cast %mul3A_48 : vector<1264x8x128xf32> to vector<10112x128xf32>
    %reduce_sum3A = arith.constant dense<0.000000e+00> : vector<128xf32>
    %reduce_sum3A_50 = vector.multi_reduction <add>, %reshape3A_49, %reduce_sum3A [0] : vector<10112x128xf32> to vector<128xf32>
    %broadcast_in_dim3A_51 = vector.shape_cast %reduce_sum3A_50 : vector<128xf32> to vector<1x128xf32>
    %mul3A_52 = arith.constant 9.99999974E-5 : f32
    %mul3A_53 = vector.broadcast %mul3A_52 : f32 to vector<1x128xf32>
    %mul3A_54 = arith.mulf %broadcast_in_dim3A_51, %mul3A_53 : vector<1x128xf32>
    %mul3A_55 = arith.mulf %reshape3A_49, %add3A_38 : vector<10112x128xf32>
    %reduce_sum3A_56 = arith.constant dense<0.000000e+00> : vector<128xf32>
    %reduce_sum3A_57 = vector.multi_reduction <add>, %mul3A_55, %reduce_sum3A_56 [0] : vector<10112x128xf32> to vector<128xf32>
    %broadcast_in_dim3A_58 = vector.shape_cast %reduce_sum3A_57 : vector<128xf32> to vector<1x128xf32>
    %mul3A_59 = arith.constant 9.99999974E-5 : f32
    %mul3A_60 = vector.broadcast %mul3A_59 : f32 to vector<1x128xf32>
    %mul3A_61 = arith.mulf %broadcast_in_dim3A_58, %mul3A_60 : vector<1x128xf32>
    %mul3A_62 = arith.mulf %mul3A_54, %mul3A_54 : vector<1x128xf32>
    %sub3A = arith.subf %mul3A_61, %mul3A_62 : vector<1x128xf32>
    %sub3A_63 = vector.broadcast %mul3A_54 : vector<1x128xf32> to vector<10112x128xf32>
    %sub3A_64 = arith.subf %add3A_38, %sub3A_63 : vector<10112x128xf32>
    %mul3A_65 = vector.broadcast %get3A_41 : vector<1x128xf32> to vector<10112x128xf32>
    %mul3A_66 = arith.mulf %mul3A_65, %sub3A_64 : vector<10112x128xf32>
    %add3A_67 = arith.constant 9.99999974E-6 : f32
    %add3A_68 = vector.broadcast %add3A_67 : f32 to vector<1x128xf32>
    %add3A_69 = arith.addf %sub3A, %add3A_68 : vector<1x128xf32>
    %rsqrt3A_70 = math.rsqrt %add3A_69 : vector<1x128xf32>
    %mul3A_71 = vector.broadcast %rsqrt3A_70 : vector<1x128xf32> to vector<10112x128xf32>
    %mul3A_72 = arith.mulf %mul3A_66, %mul3A_71 : vector<10112x128xf32>
    %add3A_73 = vector.broadcast %get3A_44 : vector<1x128xf32> to vector<10112x128xf32>
    %add3A_74 = arith.addf %mul3A_72, %add3A_73 : vector<10112x128xf32>
    %max3A = arith.constant 0.000000e+00 : f32
    %max3A_75 = vector.broadcast %max3A : f32 to vector<10112x128xf32>
    %max3A_76 = arith.maximumf %add3A_74, %max3A_75 : vector<10112x128xf32>
    %reshape3A_77 = vector.shape_cast %max3A_76 : vector<10112x128xf32> to vector<1264x8x128xf32>
    %broadcast_in_dim3A_78 = vector.shape_cast %convert_element_type3A_14 : vector<1264x8xf32> to vector<1264x8x1xf32>
    %mul3A_79 = vector.broadcast %broadcast_in_dim3A_78 : vector<1264x8x1xf32> to vector<1264x8x128xf32>
    %mul3A_80 = arith.mulf %reshape3A_77, %mul3A_79 : vector<1264x8x128xf32>
    %reshape3A_81 = vector.shape_cast %mul3A_80 : vector<1264x8x128xf32> to vector<10112x128xf32>
    %get3A_82 = arith.constant 0 : index
    %get3A_83 = arith.constant 0 : index
    %get3A_84 = vector.load %arg3[%get3A_82, %get3A_83] : memref<128x128xf32, #tpu.memory_space<vmem>>, vector<128x128xf32>
    %dot_general3A = arith.constant dense<0.000000e+00> : vector<10112x128xf32>
    %dot_general3A_85 = tpu.matmul %reshape3A_81, %get3A_84, %dot_general3A {dimension_numbers = #tpu.dot_dimension_numbers<[1], [0], [0], [1], [0, 0, 1, 1], [], []>, transpose_lhs_hint = false} : vector<10112x128xf32>, vector<128x128xf32>, vector<10112x128xf32> -> vector<10112x128xf32>
    %reshape3A_86 = vector.shape_cast %dot_general3A_85 : vector<10112x128xf32> to vector<1264x8x128xf32>
    %broadcast_in_dim3A_87 = vector.shape_cast %mul3A_15 : vector<1264x8xf32> to vector<1264x8x1xf32>
    %mul3A_88 = vector.broadcast %broadcast_in_dim3A_87 : vector<1264x8x1xf32> to vector<1264x8x128xf32>
    %mul3A_89 = arith.mulf %reshape3A_86, %mul3A_88 : vector<1264x8x128xf32>
    %reshape3A_90 = vector.shape_cast %mul3A_89 : vector<1264x8x128xf32> to vector<10112x128xf32>
    %swap3A = arith.constant 0 : index
    %swap3A_91 = arith.constant 0 : index
    %swap3A_92 = vector.load %arg7[%swap3A, %swap3A_91] : memref<10112x128xf32, #tpu.memory_space<vmem>>, vector<10112x128xf32>
    tpu.vector_store %arg7[%swap3A, %swap3A_91], %reshape3A_90 {strides = array<i32>} : memref<10112x128xf32, #tpu.memory_space<vmem>>, vector<10112x128xf32>,
    return
  }
}

module attributes {stable_mosaic.version = 14 : i64} {
  func.func @_tc3_body(%arg0: memref<2x1264x8xf32, #tpu.memory_space<vmem>>, %arg1: memref<2x10112x128xf32, #tpu.memory_space<vmem>>, %arg2: memref<10112x128xf32, #tpu.memory_space<vmem>>, %arg3: memref<1x128xf32, #tpu.memory_space<vmem>>, %arg4: memref<1x128xf32, #tpu.memory_space<vmem>>, %arg5: memref<1x128xf32, #tpu.memory_space<vmem>>, %arg6: memref<10112x128xf32, #tpu.memory_space<vmem>>) attributes {dimension_semantics = [], scalar_prefetch = 0 : i64, scratch_operands = 0 : i64, tpu.core_type = #tpu.core_type<tc>} {
    %get3A = arith.constant 0 : index
    %get3A_0 = arith.constant 0 : index
    %get3A_1 = arith.constant 0 : index
    %get3A_2 = vector.load %arg0[%get3A, %get3A_0, %get3A_1] : memref<2x1264x8xf32, #tpu.memory_space<vmem>>, vector<2x1264x8xf32>
    %slice3A = vector.extract_strided_slice %get3A_2 {offsets = [0, 0, 0], sizes = [1, 1264, 8], strides = [1, 1, 1]} : vector<2x1264x8xf32> to vector<1x1264x8xf32>
    %squeeze3A = vector.shape_cast %slice3A : vector<1x1264x8xf32> to vector<1264x8xf32>
    %slice3A_3 = vector.extract_strided_slice %get3A_2 {offsets = [1, 0, 0], sizes = [1, 1264, 8], strides = [1, 1, 1]} : vector<2x1264x8xf32> to vector<1x1264x8xf32>
    %squeeze3A_4 = vector.shape_cast %slice3A_3 : vector<1x1264x8xf32> to vector<1264x8xf32>
    %add3A = arith.addf %squeeze3A, %squeeze3A_4 : vector<1264x8xf32>
    %add3A_5 = arith.constant 1.000000e+00 : f32
    %add3A_6 = vector.broadcast %add3A_5 : f32 to vector<1264x8xf32>
    %add3A_7 = arith.addf %add3A_6, %add3A : vector<1264x8xf32>
    %iota3A = tpu.iota {dimensions = array<i32: 0>} : vector<1264x8xi32>
    %mul3A = arith.constant 8 : i32
    %mul3A_8 = vector.broadcast %mul3A : i32 to vector<1264x8xi32>
    %mul3A_9 = arith.muli %mul3A_8, %iota3A : vector<1264x8xi32>
    %iota3A_10 = tpu.iota {dimensions = array<i32: 1>} : vector<1264x8xi32>
    %add3A_11 = arith.addi %mul3A_9, %iota3A_10 : vector<1264x8xi32>
    %lt3A = arith.constant 10000 : i32
    %lt3A_12 = vector.broadcast %lt3A : i32 to vector<1264x8xi32>
    %lt3A_13 = arith.cmpi slt, %add3A_11, %lt3A_12 : vector<1264x8xi32>
    %convert_element_type3A = arith.extui %lt3A_13 : vector<1264x8xi1> to vector<1264x8xi32>
    %convert_element_type3A_14 = arith.sitofp %convert_element_type3A : vector<1264x8xi32> to vector<1264x8xf32>
    %rsqrt3A = math.rsqrt %add3A_7 : vector<1264x8xf32>
    %mul3A_15 = arith.mulf %convert_element_type3A_14, %rsqrt3A : vector<1264x8xf32>
    %get3A_16 = arith.constant 0 : index
    %get3A_17 = arith.constant 0 : index
    %get3A_18 = arith.constant 0 : index
    %get3A_19 = vector.load %arg1[%get3A_16, %get3A_17, %get3A_18] : memref<2x10112x128xf32, #tpu.memory_space<vmem>>, vector<1x10112x128xf32>
    %get3A_20 = vector.shape_cast %get3A_19 : vector<1x10112x128xf32> to vector<10112x128xf32>
    %get3A_21 = arith.constant 1 : index
    %get3A_22 = arith.constant 0 : index
    %get3A_23 = arith.constant 0 : index
    %get3A_24 = vector.load %arg1[%get3A_21, %get3A_22, %get3A_23] : memref<2x10112x128xf32, #tpu.memory_space<vmem>>, vector<1x10112x128xf32>
    %get3A_25 = vector.shape_cast %get3A_24 : vector<1x10112x128xf32> to vector<10112x128xf32>
    %add3A_26 = arith.addf %get3A_20, %get3A_25 : vector<10112x128xf32>
    %get3A_27 = arith.constant 0 : index
    %get3A_28 = arith.constant 0 : index
    %get3A_29 = vector.load %arg2[%get3A_27, %get3A_28] : memref<10112x128xf32, #tpu.memory_space<vmem>>, vector<10112x128xf32>
    %add3A_30 = arith.addf %add3A_26, %get3A_29 : vector<10112x128xf32>
    %reshape3A = vector.shape_cast %add3A_30 : vector<10112x128xf32> to vector<1264x8x128xf32>
    %broadcast_in_dim3A = vector.shape_cast %mul3A_15 : vector<1264x8xf32> to vector<1264x8x1xf32>
    %mul3A_31 = vector.broadcast %broadcast_in_dim3A : vector<1264x8x1xf32> to vector<1264x8x128xf32>
    %mul3A_32 = arith.mulf %reshape3A, %mul3A_31 : vector<1264x8x128xf32>
    %reshape3A_33 = vector.shape_cast %mul3A_32 : vector<1264x8x128xf32> to vector<10112x128xf32>
    %get3A_34 = arith.constant 0 : index
    %get3A_35 = arith.constant 0 : index
    %get3A_36 = vector.load %arg3[%get3A_34, %get3A_35] : memref<1x128xf32, #tpu.memory_space<vmem>>, vector<1x128xf32>
    %add3A_37 = vector.broadcast %get3A_36 : vector<1x128xf32> to vector<10112x128xf32>
    %add3A_38 = arith.addf %reshape3A_33, %add3A_37 : vector<10112x128xf32>
    %get3A_39 = arith.constant 0 : index
    %get3A_40 = arith.constant 0 : index
    %get3A_41 = vector.load %arg4[%get3A_39, %get3A_40] : memref<1x128xf32, #tpu.memory_space<vmem>>, vector<1x128xf32>
    %get3A_42 = arith.constant 0 : index
    %get3A_43 = arith.constant 0 : index
    %get3A_44 = vector.load %arg5[%get3A_42, %get3A_43] : memref<1x128xf32, #tpu.memory_space<vmem>>, vector<1x128xf32>
    %reshape3A_45 = vector.shape_cast %add3A_38 : vector<10112x128xf32> to vector<1264x8x128xf32>
    %broadcast_in_dim3A_46 = vector.shape_cast %convert_element_type3A_14 : vector<1264x8xf32> to vector<1264x8x1xf32>
    %mul3A_47 = vector.broadcast %broadcast_in_dim3A_46 : vector<1264x8x1xf32> to vector<1264x8x128xf32>
    %mul3A_48 = arith.mulf %reshape3A_45, %mul3A_47 : vector<1264x8x128xf32>
    %reshape3A_49 = vector.shape_cast %mul3A_48 : vector<1264x8x128xf32> to vector<10112x128xf32>
    %reduce_sum3A = arith.constant dense<0.000000e+00> : vector<128xf32>
    %reduce_sum3A_50 = vector.multi_reduction <add>, %reshape3A_49, %reduce_sum3A [0] : vector<10112x128xf32> to vector<128xf32>
    %broadcast_in_dim3A_51 = vector.shape_cast %reduce_sum3A_50 : vector<128xf32> to vector<1x128xf32>
    %mul3A_52 = arith.constant 9.99999974E-5 : f32
    %mul3A_53 = vector.broadcast %mul3A_52 : f32 to vector<1x128xf32>
    %mul3A_54 = arith.mulf %broadcast_in_dim3A_51, %mul3A_53 : vector<1x128xf32>
    %mul3A_55 = arith.mulf %reshape3A_49, %add3A_38 : vector<10112x128xf32>
    %reduce_sum3A_56 = arith.constant dense<0.000000e+00> : vector<128xf32>
    %reduce_sum3A_57 = vector.multi_reduction <add>, %mul3A_55, %reduce_sum3A_56 [0] : vector<10112x128xf32> to vector<128xf32>
    %broadcast_in_dim3A_58 = vector.shape_cast %reduce_sum3A_57 : vector<128xf32> to vector<1x128xf32>
    %mul3A_59 = arith.constant 9.99999974E-5 : f32
    %mul3A_60 = vector.broadcast %mul3A_59 : f32 to vector<1x128xf32>
    %mul3A_61 = arith.mulf %broadcast_in_dim3A_58, %mul3A_60 : vector<1x128xf32>
    %mul3A_62 = arith.mulf %mul3A_54, %mul3A_54 : vector<1x128xf32>
    %sub3A = arith.subf %mul3A_61, %mul3A_62 : vector<1x128xf32>
    %sub3A_63 = vector.broadcast %mul3A_54 : vector<1x128xf32> to vector<10112x128xf32>
    %sub3A_64 = arith.subf %add3A_38, %sub3A_63 : vector<10112x128xf32>
    %mul3A_65 = vector.broadcast %get3A_41 : vector<1x128xf32> to vector<10112x128xf32>
    %mul3A_66 = arith.mulf %mul3A_65, %sub3A_64 : vector<10112x128xf32>
    %add3A_67 = arith.constant 9.99999974E-6 : f32
    %add3A_68 = vector.broadcast %add3A_67 : f32 to vector<1x128xf32>
    %add3A_69 = arith.addf %sub3A, %add3A_68 : vector<1x128xf32>
    %rsqrt3A_70 = math.rsqrt %add3A_69 : vector<1x128xf32>
    %mul3A_71 = vector.broadcast %rsqrt3A_70 : vector<1x128xf32> to vector<10112x128xf32>
    %mul3A_72 = arith.mulf %mul3A_66, %mul3A_71 : vector<10112x128xf32>
    %add3A_73 = vector.broadcast %get3A_44 : vector<1x128xf32> to vector<10112x128xf32>
    %add3A_74 = arith.addf %mul3A_72, %add3A_73 : vector<10112x128xf32>
    %max3A = arith.constant 0.000000e+00 : f32
    %max3A_75 = vector.broadcast %max3A : f32 to vector<10112x128xf32>
    %max3A_76 = arith.maximumf %add3A_74, %max3A_75 : vector<10112x128xf32>
    %reshape3A_77 = vector.shape_cast %max3A_76 : vector<10112x128xf32> to vector<1264x8x128xf32>
    %broadcast_in_dim3A_78 = vector.shape_cast %convert_element_type3A_14 : vector<1264x8xf32> to vector<1264x8x1xf32>
    %mul3A_79 = vector.broadcast %broadcast_in_dim3A_78 : vector<1264x8x1xf32> to vector<1264x8x128xf32>
    %mul3A_80 = arith.mulf %reshape3A_77, %mul3A_79 : vector<1264x8x128xf32>
    %reshape3A_81 = vector.shape_cast %mul3A_80 : vector<1264x8x128xf32> to vector<10112x128xf32>
    %swap3A = arith.constant 0 : index
    %swap3A_82 = arith.constant 0 : index
    %swap3A_83 = vector.load %arg6[%swap3A, %swap3A_82] : memref<10112x128xf32, #tpu.memory_space<vmem>>, vector<10112x128xf32>
    tpu.vector_store %arg6[%swap3A, %swap3A_82], %reshape3A_81 {strides = array<i32>} : memref<10112x128xf32, #tpu.memory_space<vmem>>, vector<10112x128xf32>,
    return
  }
}

</mosaic_0001>

<sc_bundles>
// kernel: kernel.11.cloned.1.call-start
scs
__scs_entry_jumppad:
0x0: {  	(pc) =	sbr.rel $0x88, $3  }
0x1: {  	(tag) =	ssettag $0x0;
	lr =	simm.s32 $0x1  }
0x2: {  	[smem:$0x3F97] =	sst lr;
	_ =	strace $0xD0000000  }
0x3: {  	_ = 	snop  }
0x4: {  	_ = 	snop  }
0x5: {  	_ = 	snop  }
0x6: {  	_ = 	snop  }
0x7: {  	_ = 	snop  }
__scs_overlays_trampoline_lowered:
0x8: {  	[smem:$0x3FA6] =	sst s0  }
0x9: {  	[smem:$0x3FA7] =	sst s1  }
0xa: {  	[smem:$0x3FA8] =	sst s2  }
0xb: {  	[smem:$0x3FA9] =	sst s3  }
0xc: {  	[smem:$0x3FAA] =	sst s4  }
0xd: {  	[smem:$0x3FAB] =	sst s5  }
0xe: {  	[smem:$0x3FAC] =	sst s6  }
0xf: {  	[smem:$0x3FAD] =	sst s7  }
0x10: {  	[smem:$0x3FAE] =	sst s8  }
0x11: {  	[smem:$0x3FAF] =	sst s9;
	s0 =	simm.s32 @!p0 $0x0  }
0x12: {  	s1 =	sld [smem:$0x3F95];
	s0 =	simm.s32 @p0 $0x1  }
0x13: {  	[smem:$0x3FB0] =	sst s0;
	s0 =	simm.s32 @!p1 $0x0  }
0x14: {  	s2 =	sld [smem:$0x3F94];
	s0 =	simm.s32 @p1 $0x1  }
0x15: {  	[smem:$0x3FB1] =	sst s0;
	s0 =	simm.s32 @!p2 $0x0  }
0x16: {  	s3 =	sld [smem:$0x3FDB];
	s0 =	simm.s32 @p2 $0x1  }
0x17: {  	s4 =	simm.s32 $0x1BF5;
	[smem:$0x3FB3] =	sst s0  }
0x18: {  	s0 =	sld [smem:$0x3F96];
	_ =	swait.ge [sflag:s4], $0x0  }
0x19: {  	s7 =	sld [smem:$0x3F97]  }
0x1a: {  	s8 =	sadd.s32 $0xFFFFE003, lr  }
0x1b: {  	s9 =	sadd.s32 $0xFFFFFEF7, lr;
	s5 =	simm.s32 $0xFFFFFFFF;
	p2 =	slt.u32 s8, $0xFFFFF086  }
0x1c: {  	p1 =	slt.u32 s9, $0xF7A;
	s5 =	simm.s32 @!p2 $0x0  }
0x1d: {  	s5 =	simm.s32 @p1 $0x1;
	p0 =	seq.s32 s7, s2  }
0x1e: {  	s7 =	smul.u32 @!p0 $0xF7A, s2;
	p2 =	seq.s32 @!p0 s5, $0x0  }
0x1f: {  	s9 =	smul.u32 $0xF7A, s1;
	s8 =	simm.s32 @!p0 $0x1BF5;
	p2 =	por !p2, p0  }
0x20: {  	[sflag:s8] =	ssyncset.s32 @!p0 $0xFFFFF086;
	s6 =	sadd.s32 @!p0 s3, s7;
	s7 =	simm.s32 @!p0 $0x108  }
0x21: {  	s3 =	sadd.s32 s3, s9;
	s6 =	sadd.s32 @!p0 $0x88, s6;
	s7 =	simm.s32 @p2 $0x1082  }
0x22: {  	[simem:s7], [sflag:s8] =	dma.local @!p0 [hbm:s6], $0xF7A  }
0x23: {  	s9 =	sor.u32 $0xD0000000, s2;
	s6 =	simm.s32 $0x108;
	_ =	swait.ge @!p0 [sflag:s8], $0x0  }
0x24: {  	s3 =	sadd.s32 $0x88, s3;
	s6 =	simm.s32 @!p1 $0x1082;
	[sflag:s4] =	ssyncset.s32 $0xFFFFF086  }
0x25: {  	[simem:s6], [sflag:s4] =	dma.local [hbm:s3], $0xF7A  }
0x26: {  	[smem:$0x3F97] =	sst s1;
	(tag) =	ssettag s2;
	_ =	strace s9  }
0x27: {  	s1 =	sld [smem:$0x3FA7]  }
0x28: {  	s2 =	sld [smem:$0x3FA8]  }
0x29: {  	s4 =	sld [smem:$0x3FAA]  }
0x2a: {  	p0 =	seq.s32 s5, $0x0;
	s5 =	sld [smem:$0x3FAB]  }
0x2b: {  	s6 =	sld [smem:$0x3FAC]  }
0x2c: {  	s7 =	sld [smem:$0x3FAD]  }
0x2d: {  	s3 =	simm.s32 $0x108;
	s8 =	sld [smem:$0x3FAE]  }
0x2e: {  	s3 =	simm.s32 @!p0 $0x1082;
	s9 =	sld [smem:$0x3FAF]  }
0x2f: {  	lr =	sadd.s32 s0, s3;
	s0 =	sld [smem:$0x3FA6]  }
0x30: {  	s3 =	sld [smem:$0x3FA9]  }
0x31: {  	[smem:$0x3FB2] =	sst s10  }
0x32: {  	s10 =	sld [smem:$0x3FB0];
	_ =	sdelay $0x3  }
0x33: {  	p0 =	seq.s32 s10, $0x1;
	s10 =	sld [smem:$0x3FB2];
	_ =	sdelay $0x3  }
0x34: {  	[smem:$0x3FB2] =	sst s10  }
0x35: {  	s10 =	sld [smem:$0x3FB1];
	_ =	sdelay $0x3  }
0x36: {  	p1 =	seq.s32 s10, $0x1;
	s10 =	sld [smem:$0x3FB2];
	_ =	sdelay $0x3  }
0x37: {  	[smem:$0x3FB2] =	sst s10  }
0x38: {  	s10 =	sld [smem:$0x3FB3]  }
0x39: {  	_ = 	snop;
	(pc) =	sbr.ind lr, $3  }
0x3a: {  	_ = 	snop  }
0x3b: {  	_ = 	snop  }
0x3c: {  	p2 =	seq.s32 s10, $0x1;
	s10 =	sld [smem:$0x3FB2]  }
0x3d: {  	_ =	shalt  }
0x3e: {  	_ =	shalt  }
0x3f: {  	_ =	shalt  }
0x40: {  	_ =	shalt  }
0x41: {  	_ =	shalt  }
0x42: {  	_ =	shalt  }
0x43: {  	_ =	shalt  }
0x44: {  	_ =	shalt  }
0x45: {  	_ =	shalt  }
0x46: {  	_ =	shalt  }
0x47: {  	_ =	shalt  }
0x48: {  	_ =	shalt  }
0x49: {  	_ =	shalt  }
0x4a: {  	_ =	shalt  }
0x4b: {  	_ =	shalt  }
0x4c: {  	_ =	shalt  }
0x4d: {  	_ =	shalt  }
0x4e: {  	_ =	shalt  }
0x4f: {  	_ =	shalt  }
0x50: {  	_ =	shalt  }
0x51: {  	_ =	shalt  }
0x52: {  	_ =	shalt  }
0x53: {  	_ =	shalt  }
0x54: {  	_ =	shalt  }
0x55: {  	_ =	shalt  }
0x56: {  	_ =	shalt  }
0x57: {  	_ =	shalt  }
0x58: {  	_ =	shalt  }
0x59: {  	_ =	shalt  }
0x5a: {  	_ =	shalt  }
0x5b: {  	_ =	shalt  }
0x5c: {  	_ =	shalt  }
0x5d: {  	_ =	shalt  }
0x5e: {  	_ =	shalt  }
0x5f: {  	_ =	shalt  }
0x60: {  	_ =	shalt  }
0x61: {  	_ =	shalt  }
0x62: {  	_ =	shalt  }
0x63: {  	_ =	shalt  }
0x64: {  	_ =	shalt  }
0x65: {  	_ =	shalt  }
0x66: {  	_ =	shalt  }
0x67: {  	_ =	shalt  }
0x68: {  	_ =	shalt  }
0x69: {  	_ =	shalt  }
0x6a: {  	_ =	shalt  }
0x6b: {  	_ =	shalt  }
0x6c: {  	_ =	shalt  }
0x6d: {  	_ =	shalt  }
0x6e: {  	_ =	shalt  }
0x6f: {  	_ =	shalt  }
0x70: {  	_ =	shalt  }
0x71: {  	_ =	shalt  }
0x72: {  	_ =	shalt  }
0x73: {  	_ =	shalt  }
0x74: {  	_ =	shalt  }
0x75: {  	_ =	shalt  }
0x76: {  	_ =	shalt  }
0x77: {  	_ =	shalt  }
0x78: {  	_ =	shalt  }
0x79: {  	_ =	shalt  }
0x7a: {  	_ =	shalt  }
0x7b: {  	_ =	shalt  }
0x7c: {  	_ =	shalt  }
0x7d: {  	_ =	shalt  }
0x7e: {  	_ =	shalt  }
0x7f: {  	_ =	shalt  }
0x80: {  	_ =	shalt  }
0x81: {  	_ =	shalt  }
0x82: {  	_ =	shalt  }
0x83: {  	_ =	shalt  }
0x84: {  	_ =	shalt  }
0x85: {  	_ =	shalt  }
0x86: {  	_ =	shalt  }
0x87: {  	_ =	shalt  }
.Lfunc_end0:
.L_simem_size_0:
called_computation.1_lowered:
.L_overlay_start_0:
0x88: {  	s2 =	sld [smem:$0x3FD9]  }
0x89: {  	s3 =	sld [smem:$0x3FFE];
	_ =	sdelay $0x1  }
0x8a: {  	s1 =	srdreg.scid  }
0x8b: {  	s0 =	sand.u32 $0x1, s1  }
0x8c: {  	s17 =	sshll.u32 s0, $0xA;
	s2 =	sadd.s32 s3, s2  }
0x8d: {  	s2 =	sadd.s32 s2, s17  }
0x8e: {  	[smem:$0x3FBE] =	sst s2  }
0x8f: {  	_ = 	snop  }
0x90: {  	s2 =	sld [smem:$0x3FD0];
	(tm) =	ssettm $0x1  }
0x91: {  	s18 =	sld [smem:$0x3FFB];
	_ =	sdelay $0x3  }
0x92: {  	_ =	strace s18  }
0x93: {  	s3 =	sld [smem:$0x3FFC];
	_ =	sdelay $0x3  }
0x94: {  	_ =	strace s3  }
0x95: {  	s3 =	sld [smem:$0x3FFD];
	_ =	sdelay $0x3  }
0x96: {  	_ =	strace s3  }
0x97: {  	_ =	strace $0x8FFFFFFF  }
0x98: {  	s19 =	sld [smem:$0x3FDB];
	_ =	sdelay $0x1  }
0x99: {  	s4 =	simm.s32 $_scs_section_size  }
0x9a: {  	s5 =	simm.s32 $_size__tile_overlayer_lowered;
	s6 =	simm.s32 $_tile_overlayer_lowered  }
0x9b: {  	s22 =	simm.s32 $0x1BFF;
	s21 =	sshll.u32 s6, $0x1;
	s3 =	sadd.s32 s4, s19  }
0x9c: {  	s7 =	simm.s32 $0x0;
	s20 =	sshll.u32 s5, $0x1;
	s5 =	sadd.s32 s21, s3  }
0x9d: {  	[timem:s7], [sflag:s22] =	dma.local [hbm:s5], s20  }
0x9e: {  	_ =	swait.ge [sflag:s22], s20  }
0x9f: {  	s4 =	ssub.s32 $0x0, s20;
	[sflag:s22] =	ssyncset.done $0x0  }
0xa0: {  	[sflag:s22] =	ssyncadd.s32 s4;
	_ =	sdelay $0x1  }
0xa1: {  	s23 =	simm.s32 $0x1B8B  }
0xa2: {  	_ =	swait.ge [sflag:s23], $0x1  }
0xa3: {  	[sflag:s23] =	ssyncset.done $0x0  }
0xa4: {  	s25 =	simm.s32 $0x1B8E;
	s24 =	sld [smem:$0x3FFE];
	[sflag:s23] =	ssyncadd.s32 $0xFFFFFFFF  }
0xa5: {  	s26 =	simm.s32 $execute0_lowered;
	[smem:$0x3FD2] =	sst s25  }
0xa6: {  	s5 =	sshll.u32 s26, $0x1;
	_ =	strace $0x80000049;
	[dreg:$0x1] =	wrdreg $0xFFFFFFFF  }
0xa7: {  	s28 =	simm.s32 $_size_execute0_lowered;
	s3 =	sadd.s32 s3, s5;
	[dreg:$0x0] =	wrdreg $0x0  }
0xa8: {  	s5 =	sshll.u32 s28, $0x1;
	[dreg:$0x2] =	wrdreg s3  }
0xa9: {  	[dreg:$0x3] =	wrdreg s5  }
0xaa: {  	[dreg:$0x4] =	wrdreg $0xC0  }
0xab: {  	_ =	task [dreg:s7], $0x5FFFF  }
0xac: {  	[dreg:$0x1] =	wrdreg $0xFFFFFFFF  }
0xad: {  	[dreg:$0x0] =	wrdreg $0x60  }
0xae: {  	[dreg:$0x2] =	wrdreg s24  }
0xaf: {  	[dreg:$0x3] =	wrdreg s2  }
0xb0: {  	[dreg:$0x4] =	wrdreg $0xA8000  }
0xb1: {  	[dreg:$0x5] =	wrdreg $0x9  }
0xb2: {  	_ =	task.clear_ibuf [dreg:s7], $0x6FFFF;
	_ =	strace $0x90000049  }
0xb3: {  	s29 =	simm.s32 $0x9;
	_ =	strace $0x8000004B  }
0xb4: {  	_ =	swait.ge [sflag:s29], $0x1  }
0xb5: {  	[sflag:s29] =	ssyncadd.s32 $0xFFFFFFFF  }
0xb6: {  	_ =	strace $0x9000004B  }
0xb7: {  	_ =	sfence  }
0xb8: {  	s30 =	sld [smem:$0x0];
	_ =	sdelay $0x2  }
0xb9: {  	s31 =	sshll.u32 s1, $0xD;
	s1 =	sshrl.u32 s1, $0x2  }
0xba: {  	s3 =	sand.u32 $0x4000, s31;
	s1 =	sadd.s32 s1, s30  }
0xbb: {  	s0 =	sor.u32 s3, s0;
	s1 =	sshll.u32 s1, $0x11  }
0xbc: {  	s0 =	sor.u32 s1, s0  }
0xbd: {  	s0 =	sadd.s32 $0x8F2B, s0  }
0xbe: {  	[sflag:s0] =	ssyncadd.remote.s32 $0x1  }
0xbf: {  	_ =	sfence.sel $0xFFFF  }
0xc0: {  	[dreg:$0x0] =	wrdreg $0xFFFFFFFF;
	(pc) =	sbr.abs _section_cstart, $3  }
0xc1: {  	[dreg:$0x1] =	wrdreg $0xFFFFFFFF  }
0xc2: {  	_ =	task.clear_ibuf [dreg:s7], $0x2FFFF;
	_ =	strace $0x9FFFFFFF  }
0xc3: {  	(tm) =	ssettm $0x7FFFFFFF  }
tec
execute0_lowered:
.L_overlay_start_1:
0x0: {  	(tag) =	ssettag $0x1  }
0x1: {  	s0 =	rddreg [dreg:$0x0]  }
0x2: {  	s2 =	rddreg [dreg:$0x1]  }
0x3: {  	s1 =	rddreg [dreg:$0x2];
	s3 =	srdreg.scid  }
0x4: {  	s11 =	stileid.u32;
	s14 =	simm.s32 $0x9;
	s15 =	simm.s32 $0x8000  }
0x5: {  	s16 =	simm.s32 $0x9400;
	s17 =	simm.s32 $0x40;
	s19 =	simm.s32 $0x2000  }
0x6: {  	s28 =	simm.s32 $0x2;
	s30 =	simm.s32 $0x6;
	s18 =	simm.s32 $0xA700  }
0x7: {  	s12 =	simm.s32 $0xA740;
	s20 =	simm.s32 $0xA780;
	s5 =	sand.u32 $0x1, s3  }
0x8: {  	s3 =	simm.s32 $0x0;
	s7 =	smul.u32 $0x13C00, s11;
	s4 =	sadd.s32 $0xD800, s0  }
0x9: {  	s8 =	sadd.s32 $0x3800, s0;
	s9 =	sadd.s32 $0x35000, s0;
	s22 =	smul.u32 $0x4F000, s11  }
0xa: {  	s24 =	sshll.u32 s11, $0x6;
	s6 =	smul.u32 $0x13C000, s5;
	[smem:$0x7FF] =	sst s3  }
0xb: {  	s21 =	sshll.u32 s5, $0x4;
	s5 =	ssub.s32 $0x2, s5;
	_ =	strace $0x8000004A  }
0xc: {  	[dreg:$0x4] =	wrdreg s9;
	s10 =	sshrl.u32 s5, $0x1;
	s23 =	sshrl.u32 s22, $0x2  }
0xd: {  	s22 =	simm.s32 $0xA7C0;
	s6 =	sadd.s32 s7, s6;
	s7 =	sor.u32 s11, s21  }
0xe: {  	s5 =	ssub.s32 s5, s10;
	s9 =	sadd.s32 s23, s1;
	s21 =	simm.s32 $0x4000  }
0xf: {  	s23 =	simm.s32 $0x6000;
	s10 =	simm.s32 $0x8;
	s11 =	simm.s32 $0x93C0  }
0x10: {  	s6 =	sshrl.u32 s6, $0x3;
	s7 =	smul.u32 $0x2800, s7;
	s31 =	smax.u32 s5, $0x1  }
0x11: {  	s13 =	sshrl.u32 s9, $0x3;
	s5 =	simm.s32 $0x7;
	s9 =	simm.s32 $0x94C0  }
0x12: {  	s0 =	sadd.s32 s6, s0;
	s6 =	sor.u32 $0x1C09, s24;
	[dreg:$0xa] =	wrdreg s31  }
0x13: {  	s24 =	simm.s32 $0x1;
	s7 =	sshrl.u32 s7, $0x3;
	s0 =	sadd.s32 $0x37800, s0  }
0x14: {  	s25 =	sadd.s32 s2, s7;
	s26 =	sadd.s32 $0x280, s7;
	[dreg:$0x9] =	wrdreg s0  }
0x15: {  	s7 =	sadd.s32 s8, s7;
	s0 =	simm.s32 $0x3;
	[dreg:$0x5] =	wrdreg s25  }
0x16: {  	[dreg:$0x6] =	wrdreg s7;
	s2 =	sadd.s32 s2, s26;
	s29 =	sadd.s32 s8, s26  }
0x17: {  	s25 =	simm.s32 $0x5;
	s7 =	simm.s32 $0x8180;
	[dreg:$0x7] =	wrdreg s2  }
0x18: {  	s8 =	simm.s32 $0x4;
	s26 =	simm.s32 $0x0;
	[dreg:$0x8] =	wrdreg s29  }
.LBB2_1:
0x19: {  	s2 =	rddreg [dreg:$0x4]  }
0x1a: {  	[spmem:s13], [sflag:s6] =	dma.local [hbm:s2], $0x2780  }
0x1b: {  	_ =	swait.ge [sflag:s14], $0x2780  }
0x1c: {  	[sflag:s14] =	ssyncset.done $0x0  }
0x1d: {  	[sflag:s14] =	ssyncadd.s32 $0xFFFFD880  }
0x1e: {  	[bflag:$0x0] =	sbarrier.arrive $0xFFFF  }
0x1f: {  	s2 =	rddreg [dreg:$0x5]  }
0x20: {  	[tilespmem:s15], [sflag:$0x9] =	stream.linear.gather [hbm4b:s2+s3], $0x1400, $0x38;
	[tilespmem:$0x1E400] =	vst v63  }
0x21: {  	_ =	swait.ge [sflag:s14], $0x1400  }
0x22: {  	[sflag:s14] =	ssyncset.done $0x0  }
0x23: {  	s2 =	rddreg [dreg:$0x6];
	[sflag:s14] =	ssyncadd.s32 $0xFFFFEC00  }
0x24: {  	[tilespmem:s16], [sflag:$0x9] =	stream.linear.gather [hbm4b:s2+s3], $0x1400, $0x38;
	[tilespmem:$0x1E400] =	vst v63  }
0x25: {  	_ =	swait.ge [sflag:s14], $0x1400  }
0x26: {  	[sflag:s14] =	ssyncset.done $0x0  }
0x27: {  	[sflag:s14] =	ssyncadd.s32 $0xFFFFEC00  }
0x28: {  	[tilespmem:s3], [sflag:$0x1] =	stream.indirect.gather [hbm4b:s4+s17], $0x80, s15, s17, $0xb8;
	[tilespmem:$0x1E400] =	vst v63  }
0x29: {  	s2 =	simm.s32 $0x8040  }
0x2a: {  	[tilespmem:s19], [sflag:$0x2] =	stream.indirect.gather [hbm4b:s4+s17], $0x80, s2, s17, $0xb8;
	[tilespmem:$0x1E400] =	vst v63  }
0x2b: {  	s2 =	simm.s32 $0x8080  }
0x2c: {  	[tilespmem:s21], [sflag:$0x3] =	stream.indirect.gather [hbm4b:s4+s17], $0x80, s2, s17, $0xb8;
	[tilespmem:$0x1E400] =	vst v63  }
0x2d: {  	s2 =	simm.s32 $0x80C0  }
0x2e: {  	[tilespmem:s23], [sflag:$0x4] =	stream.indirect.gather [hbm4b:s4+s17], $0x80, s2, s17, $0xb8;
	[tilespmem:$0x1E400] =	vst v63  }
0x2f: {  	_ =	swait.ge [sflag:s24], $0x2000  }
0x30: {  	[sflag:s24] =	ssyncset.done $0x0  }
0x31: {  	[sflag:s24] =	ssyncadd.s32 $0xFFFFE000  }
0x32: {  	[spmem:s1] =	stream.indirect.scatter.add.f32 [tilespmem:s3], [sflag:$0x5], $0x80, s16, s17, $0xb8;
	[tilespmem:$0x1E400] =	vst v63  }
0x33: {  	_ =	swait.ge [sflag:s25], $0x2000  }
0x34: {  	[sflag:s25] =	ssyncset.done $0x0  }
0x35: {  	s2 =	simm.s32 $0x8100;
	[sflag:s25] =	ssyncadd.s32 $0xFFFFE000  }
0x36: {  	[tilespmem:s3], [sflag:$0x1] =	stream.indirect.gather [hbm4b:s4+s17], $0x80, s2, s17, $0xb8;
	[tilespmem:$0x1E400] =	vst v63  }
0x37: {  	_ =	swait.ge [sflag:s28], $0x2000  }
0x38: {  	[sflag:s28] =	ssyncset.done $0x0  }
0x39: {  	s2 =	simm.s32 $0x9440;
	[sflag:s28] =	ssyncadd.s32 $0xFFFFE000  }
0x3a: {  	[spmem:s1] =	stream.indirect.scatter.add.f32 [tilespmem:s19], [sflag:$0x6], $0x80, s2, s17, $0xb8;
	[tilespmem:$0x1E400] =	vst v63  }
0x3b: {  	_ =	swait.ge [sflag:s30], $0x2000  }
0x3c: {  	[sflag:s30] =	ssyncset.done $0x0  }
0x3d: {  	s2 =	simm.s32 $0x8140;
	[sflag:s30] =	ssyncadd.s32 $0xFFFFE000  }
0x3e: {  	[tilespmem:s19], [sflag:$0x2] =	stream.indirect.gather [hbm4b:s4+s17], $0x80, s2, s17, $0xb8;
	[tilespmem:$0x1E400] =	vst v63  }
0x3f: {  	_ =	swait.ge [sflag:s0], $0x2000  }
0x40: {  	[sflag:s0] =	ssyncset.done $0x0  }
0x41: {  	s2 =	simm.s32 $0x9480;
	[sflag:s0] =	ssyncadd.s32 $0xFFFFE000  }
0x42: {  	[spmem:s1] =	stream.indirect.scatter.add.f32 [tilespmem:s21], [sflag:$0x7], $0x80, s2, s17, $0xb8;
	[tilespmem:$0x1E400] =	vst v63  }
0x43: {  	_ =	swait.ge [sflag:s5], $0x2000  }
0x44: {  	[sflag:s5] =	ssyncset.done $0x0  }
0x45: {  	[sflag:s5] =	ssyncadd.s32 $0xFFFFE000  }
0x46: {  	[tilespmem:s21], [sflag:$0x3] =	stream.indirect.gather [hbm4b:s4+s17], $0x80, s7, s17, $0xb8;
	[tilespmem:$0x1E400] =	vst v63  }
0x47: {  	_ =	swait.ge [sflag:s8], $0x2000  }
0x48: {  	[sflag:s8] =	ssyncset.done $0x0  }
0x49: {  	[sflag:s8] =	ssyncadd.s32 $0xFFFFE000  }
0x4a: {  	[spmem:s1] =	stream.indirect.scatter.add.f32 [tilespmem:s23], [sflag:$0x8], $0x80, s9, s17, $0xb8;
	[tilespmem:$0x1E400] =	vst v63  }
0x4b: {  	_ =	swait.ge [sflag:s10], $0x2000  }
0x4c: {  	[sflag:s10] =	ssyncset.done $0x0  }
0x4d: {  	s29 =	simm.s32 $0x81C0;
	[sflag:s10] =	ssyncadd.s32 $0xFFFFE000  }
0x4e: {  	[tilespmem:s23], [sflag:$0x4] =	stream.indirect.gather [hbm4b:s4+s17], $0x80, s29, s17, $0xb8;
	[tilespmem:$0x1E400] =	vst v63  }
0x4f: {  	_ =	swait.ge [sflag:s24], $0x2000  }
0x50: {  	[sflag:s24] =	ssyncset.done $0x0  }
0x51: {  	s29 =	simm.s32 $0x9500;
	[sflag:s24] =	ssyncadd.s32 $0xFFFFE000  }
0x52: {  	[spmem:s1] =	stream.indirect.scatter.add.f32 [tilespmem:s3], [sflag:$0x5], $0x80, s29, s17, $0xb8;
	[tilespmem:$0x1E400] =	vst v63  }
0x53: {  	_ =	swait.ge [sflag:s25], $0x2000  }
0x54: {  	[sflag:s25] =	ssyncset.done $0x0  }
0x55: {  	s29 =	simm.s32 $0x8200;
	[sflag:s25] =	ssyncadd.s32 $0xFFFFE000  }
0x56: {  	[tilespmem:s3], [sflag:$0x1] =	stream.indirect.gather [hbm4b:s4+s17], $0x80, s29, s17, $0xb8;
	[tilespmem:$0x1E400] =	vst v63  }
0x57: {  	_ =	swait.ge [sflag:s28], $0x2000  }
0x58: {  	[sflag:s28] =	ssyncset.done $0x0  }
0x59: {  	s29 =	simm.s32 $0x9540;
	[sflag:s28] =	ssyncadd.s32 $0xFFFFE000  }
0x5a: {  	[spmem:s1] =	stream.indirect.scatter.add.f32 [tilespmem:s19], [sflag:$0x6], $0x80, s29, s17, $0xb8;
	[tilespmem:$0x1E400] =	vst v63  }
0x5b: {  	_ =	swait.ge [sflag:s30], $0x2000  }
0x5c: {  	[sflag:s30] =	ssyncset.done $0x0  }
0x5d: {  	s29 =	simm.s32 $0x8240;
	[sflag:s30] =	ssyncadd.s32 $0xFFFFE000  }
0x5e: {  	[tilespmem:s19], [sflag:$0x2] =	stream.indirect.gather [hbm4b:s4+s17], $0x80, s29, s17, $0xb8;
	[tilespmem:$0x1E400] =	vst v63  }
0x5f: {  	_ =	swait.ge [sflag:s0], $0x2000  }
0x60: {  	[sflag:s0] =	ssyncset.done $0x0  }
0x61: {  	s29 =	simm.s32 $0x9580;
	[sflag:s0] =	ssyncadd.s32 $0xFFFFE000  }
0x62: {  	[spmem:s1] =	stream.indirect.scatter.add.f32 [tilespmem:s21], [sflag:$0x7], $0x80, s29, s17, $0xb8;
	[tilespmem:$0x1E400] =	vst v63  }
0x63: {  	_ =	swait.ge [sflag:s5], $0x2000  }
0x64: {  	[sflag:s5] =	ssyncset.done $0x0  }
0x65: {  	s29 =	simm.s32 $0x8280;
	[sflag:s5] =	ssyncadd.s32 $0xFFFFE000  }
0x66: {  	[tilespmem:s21], [sflag:$0x3] =	stream.indirect.gather [hbm4b:s4+s17], $0x80, s29, s17, $0xb8;
	[tilespmem:$0x1E400] =	vst v63  }
0x67: {  	_ =	swait.ge [sflag:s8], $0x2000  }
0x68: {  	[sflag:s8] =	ssyncset.done $0x0  }
0x69: {  	s31 =	simm.s32 $0x95C0;
	s29 =	simm.s32 $0x400;
	[sflag:s8] =	ssyncadd.s32 $0xFFFFE000  }
.LBB2_2:
0x6a: {  	[spmem:s1] =	stream.indirect.scatter.add.f32 [tilespmem:s23], [sflag:$0x8], $0x80, s31, s17, $0xb8;
	[tilespmem:$0x1E400] =	vst v63  }
0x6b: {  	s31 =	smov.u32 s29  }
0x6c: {  	p0 =	sne.s32 s29, $0x4400;
	s29 =	sadd.s32 $0x400, s29;
	_ =	swait.ge [sflag:s10], $0x2000  }
0x6d: {  	s31 =	sshra.s32 s31, $0x2;
	[sflag:s10] =	ssyncset.done $0x0  }
0x6e: {  	s2 =	sadd.s32 $0x81C0, s31;
	[sflag:s10] =	ssyncadd.s32 $0xFFFFE000  }
0x6f: {  	[tilespmem:s23], [sflag:$0x4] =	stream.indirect.gather [hbm4b:s4+s17], $0x80, s2, s17, $0xb8;
	[tilespmem:$0x1E400] =	vst v63  }
0x70: {  	_ =	swait.ge [sflag:s24], $0x2000  }
0x71: {  	[sflag:s24] =	ssyncset.done $0x0  }
0x72: {  	s2 =	sadd.s32 $0x9500, s31;
	[sflag:s24] =	ssyncadd.s32 $0xFFFFE000  }
0x73: {  	[spmem:s1] =	stream.indirect.scatter.add.f32 [tilespmem:s3], [sflag:$0x5], $0x80, s2, s17, $0xb8;
	[tilespmem:$0x1E400] =	vst v63  }
0x74: {  	_ =	swait.ge [sflag:s25], $0x2000  }
0x75: {  	[sflag:s25] =	ssyncset.done $0x0  }
0x76: {  	s2 =	sadd.s32 $0x8200, s31;
	[sflag:s25] =	ssyncadd.s32 $0xFFFFE000  }
0x77: {  	[tilespmem:s3], [sflag:$0x1] =	stream.indirect.gather [hbm4b:s4+s17], $0x80, s2, s17, $0xb8;
	[tilespmem:$0x1E400] =	vst v63  }
0x78: {  	_ =	swait.ge [sflag:s28], $0x2000  }
0x79: {  	[sflag:s28] =	ssyncset.done $0x0  }
0x7a: {  	s2 =	sadd.s32 $0x9540, s31;
	[sflag:s28] =	ssyncadd.s32 $0xFFFFE000  }
0x7b: {  	[spmem:s1] =	stream.indirect.scatter.add.f32 [tilespmem:s19], [sflag:$0x6], $0x80, s2, s17, $0xb8;
	[tilespmem:$0x1E400] =	vst v63  }
0x7c: {  	_ =	swait.ge [sflag:s30], $0x2000  }
0x7d: {  	[sflag:s30] =	ssyncset.done $0x0  }
0x7e: {  	s2 =	sadd.s32 $0x8240, s31;
	[sflag:s30] =	ssyncadd.s32 $0xFFFFE000  }
0x7f: {  	[tilespmem:s19], [sflag:$0x2] =	stream.indirect.gather [hbm4b:s4+s17], $0x80, s2, s17, $0xb8;
	[tilespmem:$0x1E400] =	vst v63  }
0x80: {  	_ =	swait.ge [sflag:s0], $0x2000  }
0x81: {  	[sflag:s0] =	ssyncset.done $0x0  }
0x82: {  	s2 =	sadd.s32 $0x9580, s31;
	[sflag:s0] =	ssyncadd.s32 $0xFFFFE000  }
0x83: {  	[spmem:s1] =	stream.indirect.scatter.add.f32 [tilespmem:s21], [sflag:$0x7], $0x80, s2, s17, $0xb8;
	[tilespmem:$0x1E400] =	vst v63  }
0x84: {  	_ =	swait.ge [sflag:s5], $0x2000  }
0x85: {  	[sflag:s5] =	ssyncset.done $0x0  }
.Ltmp0:
0x86: {  	s2 =	sadd.s32 $0x8280, s31;
	[sflag:s5] =	ssyncadd.s32 $0xFFFFE000;
	(pc) =	sbr.rel @p0 .LBB2_2-.Ltmp0, $4  }
0x87: {  	[tilespmem:s21], [sflag:$0x3] =	stream.indirect.gather [hbm4b:s4+s17], $0x80, s2, s17, $0xb8;
	[tilespmem:$0x1E400] =	vst v63  }
0x88: {  	_ =	swait.ge [sflag:s8], $0x2000  }
0x89: {  	[sflag:s8] =	ssyncset.done $0x0  }
0x8a: {  	s31 =	sadd.s32 $0x95C0, s31;
	[sflag:s8] =	ssyncadd.s32 $0xFFFFE000  }
0x8b: {  	[spmem:s1] =	stream.indirect.scatter.add.f32 [tilespmem:s23], [sflag:$0x8], $0x80, s31, s17, $0xb8;
	[tilespmem:$0x1E400] =	vst v63  }
0x8c: {  	_ =	swait.ge [sflag:s10], $0x2000  }
0x8d: {  	[sflag:s10] =	ssyncset.done $0x0  }
0x8e: {  	[sflag:s10] =	ssyncadd.s32 $0xFFFFE000  }
0x8f: {  	[tilespmem:s23], [sflag:$0x4] =	stream.indirect.gather [hbm4b:s4+s17], $0x80, s11, s17, $0xb8;
	[tilespmem:$0x1E400] =	vst v63  }
0x90: {  	_ =	swait.ge [sflag:s24], $0x2000  }
0x91: {  	[sflag:s24] =	ssyncset.done $0x0  }
0x92: {  	s2 =	simm.s32 $0x0;
	[sflag:s24] =	ssyncadd.s32 $0xFFFFE000  }
0x93: {  	[spmem:s1] =	stream.indirect.scatter.add.f32 [tilespmem:s2], [sflag:$0x5], $0x80, s18, s17, $0xb8;
	[tilespmem:$0x1E400] =	vst v63  }
0x94: {  	_ =	swait.ge [sflag:s28], $0x2000  }
0x95: {  	[sflag:s28] =	ssyncset.done $0x0  }
0x96: {  	[sflag:s28] =	ssyncadd.s32 $0xFFFFE000  }
0x97: {  	[spmem:s1] =	stream.indirect.scatter.add.f32 [tilespmem:s19], [sflag:$0x6], $0x80, s12, s17, $0xb8;
	[tilespmem:$0x1E400] =	vst v63  }
0x98: {  	_ =	swait.ge [sflag:s0], $0x2000  }
0x99: {  	[sflag:s0] =	ssyncset.done $0x0  }
0x9a: {  	[sflag:s0] =	ssyncadd.s32 $0xFFFFE000  }
0x9b: {  	[spmem:s1] =	stream.indirect.scatter.add.f32 [tilespmem:s21], [sflag:$0x7], $0x80, s20, s17, $0xb8;
	[tilespmem:$0x1E400] =	vst v63  }
0x9c: {  	_ =	swait.ge [sflag:s8], $0x2000  }
0x9d: {  	[sflag:s8] =	ssyncset.done $0x0  }
0x9e: {  	[sflag:s8] =	ssyncadd.s32 $0xFFFFE000  }
0x9f: {  	[spmem:s1] =	stream.indirect.scatter.add.f32 [tilespmem:s23], [sflag:$0x8], $0x80, s22, s17, $0xb8;
	[tilespmem:$0x1E400] =	vst v63  }
0xa0: {  	_ =	swait.ge [sflag:s25], $0x2000  }
0xa1: {  	[sflag:s25] =	ssyncset.done $0x0  }
0xa2: {  	[sflag:s25] =	ssyncadd.s32 $0xFFFFE000  }
0xa3: {  	_ =	swait.ge [sflag:s30], $0x2000  }
0xa4: {  	[sflag:s30] =	ssyncset.done $0x0  }
0xa5: {  	[sflag:s30] =	ssyncadd.s32 $0xFFFFE000  }
0xa6: {  	_ =	swait.ge [sflag:s5], $0x2000  }
0xa7: {  	[sflag:s5] =	ssyncset.done $0x0  }
0xa8: {  	[sflag:s5] =	ssyncadd.s32 $0xFFFFE000  }
0xa9: {  	_ =	swait.ge [sflag:s10], $0x2000  }
0xaa: {  	[sflag:s10] =	ssyncset.done $0x0  }
0xab: {  	s29 =	rddreg [dreg:$0x7];
	[sflag:s10] =	ssyncadd.s32 $0xFFFFE000  }
0xac: {  	[tilespmem:s15], [sflag:$0x9] =	stream.linear.gather [hbm4b:s29+s2], $0x1400, $0x38;
	[tilespmem:$0x1E400] =	vst v63  }
0xad: {  	_ =	swait.ge [sflag:s14], $0x1400  }
0xae: {  	[sflag:s14] =	ssyncset.done $0x0  }
0xaf: {  	s29 =	rddreg [dreg:$0x8];
	[sflag:s14] =	ssyncadd.s32 $0xFFFFEC00  }
0xb0: {  	[tilespmem:s16], [sflag:$0x9] =	stream.linear.gather [hbm4b:s29+s2], $0x1400, $0x38;
	[tilespmem:$0x1E400] =	vst v63  }
0xb1: {  	_ =	swait.ge [sflag:s14], $0x1400  }
0xb2: {  	[sflag:s14] =	ssyncset.done $0x0  }
0xb3: {  	[sflag:s14] =	ssyncadd.s32 $0xFFFFEC00  }
0xb4: {  	[tilespmem:s2], [sflag:$0x1] =	stream.indirect.gather [hbm4b:s4+s17], $0x80, s15, s17, $0xb8;
	[tilespmem:$0x1E400] =	vst v63  }
0xb5: {  	s29 =	simm.s32 $0x8040  }
0xb6: {  	[tilespmem:s19], [sflag:$0x2] =	stream.indirect.gather [hbm4b:s4+s17], $0x80, s29, s17, $0xb8;
	[tilespmem:$0x1E400] =	vst v63  }
0xb7: {  	s29 =	simm.s32 $0x8080  }
0xb8: {  	[tilespmem:s21], [sflag:$0x3] =	stream.indirect.gather [hbm4b:s4+s17], $0x80, s29, s17, $0xb8;
	[tilespmem:$0x1E400] =	vst v63  }
0xb9: {  	s29 =	simm.s32 $0x80C0  }
0xba: {  	[tilespmem:s23], [sflag:$0x4] =	stream.indirect.gather [hbm4b:s4+s17], $0x80, s29, s17, $0xb8;
	[tilespmem:$0x1E400] =	vst v63  }
0xbb: {  	_ =	swait.ge [sflag:s24], $0x2000  }
0xbc: {  	[sflag:s24] =	ssyncset.done $0x0  }
0xbd: {  	[sflag:s24] =	ssyncadd.s32 $0xFFFFE000  }
0xbe: {  	[spmem:s1] =	stream.indirect.scatter.add.f32 [tilespmem:s2], [sflag:$0x5], $0x80, s16, s17, $0xb8;
	[tilespmem:$0x1E400] =	vst v63  }
0xbf: {  	_ =	swait.ge [sflag:s25], $0x2000  }
0xc0: {  	[sflag:s25] =	ssyncset.done $0x0  }
0xc1: {  	s29 =	simm.s32 $0x8100;
	[sflag:s25] =	ssyncadd.s32 $0xFFFFE000  }
0xc2: {  	[tilespmem:s2], [sflag:$0x1] =	stream.indirect.gather [hbm4b:s4+s17], $0x80, s29, s17, $0xb8;
	[tilespmem:$0x1E400] =	vst v63  }
0xc3: {  	_ =	swait.ge [sflag:s28], $0x2000  }
0xc4: {  	[sflag:s28] =	ssyncset.done $0x0  }
0xc5: {  	s2 =	simm.s32 $0x9440;
	[sflag:s28] =	ssyncadd.s32 $0xFFFFE000  }
0xc6: {  	[spmem:s1] =	stream.indirect.scatter.add.f32 [tilespmem:s19], [sflag:$0x6], $0x80, s2, s17, $0xb8;
	[tilespmem:$0x1E400] =	vst v63  }
0xc7: {  	_ =	swait.ge [sflag:s30], $0x2000  }
0xc8: {  	[sflag:s30] =	ssyncset.done $0x0  }
0xc9: {  	s2 =	simm.s32 $0x8140;
	[sflag:s30] =	ssyncadd.s32 $0xFFFFE000  }
0xca: {  	[tilespmem:s19], [sflag:$0x2] =	stream.indirect.gather [hbm4b:s4+s17], $0x80, s2, s17, $0xb8;
	[tilespmem:$0x1E400] =	vst v63  }
0xcb: {  	_ =	swait.ge [sflag:s0], $0x2000  }
0xcc: {  	[sflag:s0] =	ssyncset.done $0x0  }
0xcd: {  	s2 =	simm.s32 $0x9480;
	[sflag:s0] =	ssyncadd.s32 $0xFFFFE000  }
0xce: {  	[spmem:s1] =	stream.indirect.scatter.add.f32 [tilespmem:s21], [sflag:$0x7], $0x80, s2, s17, $0xb8;
	[tilespmem:$0x1E400] =	vst v63  }
0xcf: {  	_ =	swait.ge [sflag:s5], $0x2000  }
0xd0: {  	[sflag:s5] =	ssyncset.done $0x0  }
0xd1: {  	[sflag:s5] =	ssyncadd.s32 $0xFFFFE000  }
0xd2: {  	[tilespmem:s21], [sflag:$0x3] =	stream.indirect.gather [hbm4b:s4+s17], $0x80, s7, s17, $0xb8;
	[tilespmem:$0x1E400] =	vst v63  }
0xd3: {  	_ =	swait.ge [sflag:s8], $0x2000  }
0xd4: {  	[sflag:s8] =	ssyncset.done $0x0  }
0xd5: {  	[sflag:s8] =	ssyncadd.s32 $0xFFFFE000  }
0xd6: {  	[spmem:s1] =	stream.indirect.scatter.add.f32 [tilespmem:s23], [sflag:$0x8], $0x80, s9, s17, $0xb8;
	[tilespmem:$0x1E400] =	vst v63  }
0xd7: {  	_ =	swait.ge [sflag:s10], $0x2000  }
0xd8: {  	[sflag:s10] =	ssyncset.done $0x0  }
0xd9: {  	s2 =	simm.s32 $0x81C0;
	[sflag:s10] =	ssyncadd.s32 $0xFFFFE000  }
0xda: {  	[tilespmem:s23], [sflag:$0x4] =	stream.indirect.gather [hbm4b:s4+s17], $0x80, s2, s17, $0xb8;
	[tilespmem:$0x1E400] =	vst v63  }
0xdb: {  	_ =	swait.ge [sflag:s24], $0x2000  }
0xdc: {  	[sflag:s24] =	ssyncset.done $0x0  }
0xdd: {  	s2 =	simm.s32 $0x9500;
	[sflag:s24] =	ssyncadd.s32 $0xFFFFE000  }
0xde: {  	[spmem:s1] =	stream.indirect.scatter.add.f32 [tilespmem:s3], [sflag:$0x5], $0x80, s2, s17, $0xb8;
	[tilespmem:$0x1E400] =	vst v63  }
0xdf: {  	_ =	swait.ge [sflag:s25], $0x2000  }
0xe0: {  	[sflag:s25] =	ssyncset.done $0x0  }
0xe1: {  	s2 =	simm.s32 $0x8200;
	[sflag:s25] =	ssyncadd.s32 $0xFFFFE000  }
0xe2: {  	[tilespmem:s3], [sflag:$0x1] =	stream.indirect.gather [hbm4b:s4+s17], $0x80, s2, s17, $0xb8;
	[tilespmem:$0x1E400] =	vst v63  }
0xe3: {  	_ =	swait.ge [sflag:s28], $0x2000  }
0xe4: {  	[sflag:s28] =	ssyncset.done $0x0  }
0xe5: {  	s2 =	simm.s32 $0x9540;
	[sflag:s28] =	ssyncadd.s32 $0xFFFFE000  }
0xe6: {  	[spmem:s1] =	stream.indirect.scatter.add.f32 [tilespmem:s19], [sflag:$0x6], $0x80, s2, s17, $0xb8;
	[tilespmem:$0x1E400] =	vst v63  }
0xe7: {  	_ =	swait.ge [sflag:s30], $0x2000  }
0xe8: {  	[sflag:s30] =	ssyncset.done $0x0  }
0xe9: {  	s2 =	simm.s32 $0x8240;
	[sflag:s30] =	ssyncadd.s32 $0xFFFFE000  }
0xea: {  	[tilespmem:s19], [sflag:$0x2] =	stream.indirect.gather [hbm4b:s4+s17], $0x80, s2, s17, $0xb8;
	[tilespmem:$0x1E400] =	vst v63  }
0xeb: {  	_ =	swait.ge [sflag:s0], $0x2000  }
0xec: {  	[sflag:s0] =	ssyncset.done $0x0  }
0xed: {  	s2 =	simm.s32 $0x9580;
	[sflag:s0] =	ssyncadd.s32 $0xFFFFE000  }
0xee: {  	[spmem:s1] =	stream.indirect.scatter.add.f32 [tilespmem:s21], [sflag:$0x7], $0x80, s2, s17, $0xb8;
	[tilespmem:$0x1E400] =	vst v63  }
0xef: {  	_ =	swait.ge [sflag:s5], $0x2000  }
0xf0: {  	[sflag:s5] =	ssyncset.done $0x0  }
0xf1: {  	s2 =	simm.s32 $0x8280;
	[sflag:s5] =	ssyncadd.s32 $0xFFFFE000  }
0xf2: {  	[tilespmem:s21], [sflag:$0x3] =	stream.indirect.gather [hbm4b:s4+s17], $0x80, s2, s17, $0xb8;
	[tilespmem:$0x1E400] =	vst v63  }
0xf3: {  	_ =	swait.ge [sflag:s8], $0x2000  }
0xf4: {  	[sflag:s8] =	ssyncset.done $0x0  }
0xf5: {  	s31 =	simm.s32 $0x95C0;
	s29 =	simm.s32 $0x400;
	[sflag:s8] =	ssyncadd.s32 $0xFFFFE000  }
.LBB2_4:
0xf6: {  	[spmem:s1] =	stream.indirect.scatter.add.f32 [tilespmem:s23], [sflag:$0x8], $0x80, s31, s17, $0xb8;
	[tilespmem:$0x1E400] =	vst v63  }
0xf7: {  	s2 =	smov.u32 s29  }
0xf8: {  	p0 =	sne.s32 s29, $0x4400;
	s29 =	sadd.s32 $0x400, s29;
	_ =	swait.ge [sflag:s10], $0x2000  }
0xf9: {  	s31 =	sshra.s32 s2, $0x2;
	[sflag:s10] =	ssyncset.done $0x0  }
0xfa: {  	s2 =	sadd.s32 $0x81C0, s31;
	[sflag:s10] =	ssyncadd.s32 $0xFFFFE000  }
0xfb: {  	[tilespmem:s23], [sflag:$0x4] =	stream.indirect.gather [hbm4b:s4+s17], $0x80, s2, s17, $0xb8;
	[tilespmem:$0x1E400] =	vst v63  }
0xfc: {  	_ =	swait.ge [sflag:s24], $0x2000  }
0xfd: {  	[sflag:s24] =	ssyncset.done $0x0  }
0xfe: {  	s2 =	sadd.s32 $0x9500, s31;
	[sflag:s24] =	ssyncadd.s32 $0xFFFFE000  }
0xff: {  	[spmem:s1] =	stream.indirect.scatter.add.f32 [tilespmem:s3], [sflag:$0x5], $0x80, s2, s17, $0xb8;
	[tilespmem:$0x1E400] =	vst v63  }
0x100: {  	_ =	swait.ge [sflag:s25], $0x2000  }
0x101: {  	[sflag:s25] =	ssyncset.done $0x0  }
0x102: {  	s2 =	sadd.s32 $0x8200, s31;
	[sflag:s25] =	ssyncadd.s32 $0xFFFFE000  }
0x103: {  	[tilespmem:s3], [sflag:$0x1] =	stream.indirect.gather [hbm4b:s4+s17], $0x80, s2, s17, $0xb8;
	[tilespmem:$0x1E400] =	vst v63  }
0x104: {  	_ =	swait.ge [sflag:s28], $0x2000  }
0x105: {  	[sflag:s28] =	ssyncset.done $0x0  }
0x106: {  	s2 =	sadd.s32 $0x9540, s31;
	[sflag:s28] =	ssyncadd.s32 $0xFFFFE000  }
0x107: {  	[spmem:s1] =	stream.indirect.scatter.add.f32 [tilespmem:s19], [sflag:$0x6], $0x80, s2, s17, $0xb8;
	[tilespmem:$0x1E400] =	vst v63  }
0x108: {  	_ =	swait.ge [sflag:s30], $0x2000  }
0x109: {  	[sflag:s30] =	ssyncset.done $0x0  }
0x10a: {  	s2 =	sadd.s32 $0x8240, s31;
	[sflag:s30] =	ssyncadd.s32 $0xFFFFE000  }
0x10b: {  	[tilespmem:s19], [sflag:$0x2] =	stream.indirect.gather [hbm4b:s4+s17], $0x80, s2, s17, $0xb8;
	[tilespmem:$0x1E400] =	vst v63  }
0x10c: {  	_ =	swait.ge [sflag:s0], $0x2000  }
0x10d: {  	[sflag:s0] =	ssyncset.done $0x0  }
0x10e: {  	s2 =	sadd.s32 $0x9580, s31;
	[sflag:s0] =	ssyncadd.s32 $0xFFFFE000  }
0x10f: {  	[spmem:s1] =	stream.indirect.scatter.add.f32 [tilespmem:s21], [sflag:$0x7], $0x80, s2, s17, $0xb8;
	[tilespmem:$0x1E400] =	vst v63  }
0x110: {  	_ =	swait.ge [sflag:s5], $0x2000  }
0x111: {  	[sflag:s5] =	ssyncset.done $0x0  }
.Ltmp1:
0x112: {  	s2 =	sadd.s32 $0x8280, s31;
	[sflag:s5] =	ssyncadd.s32 $0xFFFFE000;
	(pc) =	sbr.rel @p0 .LBB2_4-.Ltmp1, $4  }
0x113: {  	[tilespmem:s21], [sflag:$0x3] =	stream.indirect.gather [hbm4b:s4+s17], $0x80, s2, s17, $0xb8;
	[tilespmem:$0x1E400] =	vst v63  }
0x114: {  	_ =	swait.ge [sflag:s8], $0x2000  }
0x115: {  	[sflag:s8] =	ssyncset.done $0x0  }
0x116: {  	s31 =	sadd.s32 $0x95C0, s31;
	[sflag:s8] =	ssyncadd.s32 $0xFFFFE000  }
0x117: {  	[spmem:s1] =	stream.indirect.scatter.add.f32 [tilespmem:s23], [sflag:$0x8], $0x80, s31, s17, $0xb8;
	[tilespmem:$0x1E400] =	vst v63  }
0x118: {  	_ =	swait.ge [sflag:s10], $0x2000  }
0x119: {  	[sflag:s10] =	ssyncset.done $0x0  }
0x11a: {  	[sflag:s10] =	ssyncadd.s32 $0xFFFFE000  }
0x11b: {  	[tilespmem:s23], [sflag:$0x4] =	stream.indirect.gather [hbm4b:s4+s17], $0x80, s11, s17, $0xb8;
	[tilespmem:$0x1E400] =	vst v63  }
0x11c: {  	_ =	swait.ge [sflag:s24], $0x2000  }
0x11d: {  	[sflag:s24] =	ssyncset.done $0x0  }
0x11e: {  	[sflag:s24] =	ssyncadd.s32 $0xFFFFE000  }
0x11f: {  	[spmem:s1] =	stream.indirect.scatter.add.f32 [tilespmem:s3], [sflag:$0x5], $0x80, s18, s17, $0xb8;
	[tilespmem:$0x1E400] =	vst v63  }
0x120: {  	_ =	swait.ge [sflag:s28], $0x2000  }
0x121: {  	[sflag:s28] =	ssyncset.done $0x0  }
0x122: {  	[sflag:s28] =	ssyncadd.s32 $0xFFFFE000  }
0x123: {  	[spmem:s1] =	stream.indirect.scatter.add.f32 [tilespmem:s19], [sflag:$0x6], $0x80, s12, s17, $0xb8;
	[tilespmem:$0x1E400] =	vst v63  }
0x124: {  	_ =	swait.ge [sflag:s0], $0x2000  }
0x125: {  	[sflag:s0] =	ssyncset.done $0x0  }
0x126: {  	[sflag:s0] =	ssyncadd.s32 $0xFFFFE000  }
0x127: {  	[spmem:s1] =	stream.indirect.scatter.add.f32 [tilespmem:s21], [sflag:$0x7], $0x80, s20, s17, $0xb8;
	[tilespmem:$0x1E400] =	vst v63  }
0x128: {  	_ =	swait.ge [sflag:s8], $0x2000  }
0x129: {  	[sflag:s8] =	ssyncset.done $0x0  }
0x12a: {  	[sflag:s8] =	ssyncadd.s32 $0xFFFFE000  }
0x12b: {  	[spmem:s1] =	stream.indirect.scatter.add.f32 [tilespmem:s23], [sflag:$0x8], $0x80, s22, s17, $0xb8;
	[tilespmem:$0x1E400] =	vst v63  }
0x12c: {  	_ =	swait.ge [sflag:s25], $0x2000  }
0x12d: {  	[sflag:s25] =	ssyncset.done $0x0  }
0x12e: {  	[sflag:s25] =	ssyncadd.s32 $0xFFFFE000  }
0x12f: {  	_ =	swait.ge [sflag:s30], $0x2000  }
0x130: {  	[sflag:s30] =	ssyncset.done $0x0  }
0x131: {  	[sflag:s30] =	ssyncadd.s32 $0xFFFFE000  }
0x132: {  	_ =	swait.ge [sflag:s5], $0x2000  }
0x133: {  	[sflag:s5] =	ssyncset.done $0x0  }
0x134: {  	[sflag:s5] =	ssyncadd.s32 $0xFFFFE000  }
0x135: {  	_ =	swait.ge [sflag:s10], $0x2000  }
0x136: {  	[sflag:s10] =	ssyncset.done $0x0  }
0x137: {  	[sflag:s10] =	ssyncadd.s32 $0xFFFFE000  }
0x138: {  	[bflag:$0x0] =	sbarrier.arrive $0xFFFF  }
0x139: {  	s2 =	rddreg [dreg:$0x9]  }
0x13a: {  	[hbm:s2], [sflag:s6] =	dma.local [spmem:s13], $0x2780  }
0x13b: {  	_ =	swait.ge [sflag:s14], $0x2780  }
0x13c: {  	s26 =	sadd.s32 $0x1, s26;
	s31 =	rddreg [dreg:$0xa]  }
0x13d: {  	p0 =	sne.s32 s26, s31  }
.Ltmp2:
0x13e: {  	_ = 	snop;
	(pc) =	sbr.rel @p0 .LBB2_1-.Ltmp2, $3  }
0x13f: {  	_ =	sdelay $0x1  }
0x140: {  	[sflag:s14] =	ssyncset.done $0x0  }
0x141: {  	[sflag:s14] =	ssyncadd.s32 $0xFFFFD880  }
0x142: {  	_ =	sfence.sel $0x180000  }
0x143: {  	[bflag:$0x0] =	sbarrier.arrive $0xFFFF  }
0x144: {  	_ =	strace $0x9000004A  }
0x145: {  	s0 =	stileid.u32;
	[bflag:$0x2] =	sbarrier.arrive $0xFFFF  }
0x146: {  	p0 =	sne.s32 s0, $0x0;
	s0 =	rddreg [dreg:$0x3]  }
0x147: {  	s0 =	sadd.s32 @!p0 $0x100000, s0  }
0x148: {  	[sflag:s0] =	ssyncadd.tile.s32 @!p0 $0x1;
	_ =	shalt  }
.Lfunc_end2:
_tile_overlayer_lowered:
.L_overlay_start_2:
0x149: {  	(tag) =	ssettag $0x2  }
0x14a: {  	s0 =	rddreg [dreg:$0x0];
	s2 =	stileid.u32  }
0x14b: {  	s1 =	rddreg [dreg:$0x1];
	p0 =	sne.s32 s2, $0x0  }
0x14c: {  	s3 =	rddreg [dreg:$0x2];
	[bflag:$0x3] =	sbarrier.arrive $0xFFFF;
	s2 =	simm.s32 @!p0 $0x1C09  }
0x14d: {  	[timem:s3], [sflag:s2] =	dma.local @!p0 [hbm:s0], s1  }
0x14e: {  	s0 =	simm.s32 @!p0 $0x9  }
0x14f: {  	_ =	swait.ge @!p0 [sflag:s0], s1  }
0x150: {  	s1 =	ssub.s32 @!p0 $0x0, s1;
	[sflag:s0] =	ssyncset.done @!p0 $0x0  }
0x151: {  	[sflag:s0] =	ssyncadd.s32 @!p0 s1  }
0x152: {  	[bflag:$0x3] =	sbarrier.arrive $0xFFFF  }
0x153: {  	_ =	shalt  }

// kernel: kernel.14.cloned.1.call-start
scs
__scs_entry_jumppad:
0x0: {  	(pc) =	sbr.rel $0x88, $3  }
0x1: {  	(tag) =	ssettag $0x0;
	lr =	simm.s32 $0x1  }
0x2: {  	[smem:$0x3F97] =	sst lr;
	_ =	strace $0xD0000000  }
0x3: {  	_ = 	snop  }
0x4: {  	_ = 	snop  }
0x5: {  	_ = 	snop  }
0x6: {  	_ = 	snop  }
0x7: {  	_ = 	snop  }
__scs_overlays_trampoline_lowered:
0x8: {  	[smem:$0x3FA6] =	sst s0  }
0x9: {  	[smem:$0x3FA7] =	sst s1  }
0xa: {  	[smem:$0x3FA8] =	sst s2  }
0xb: {  	[smem:$0x3FA9] =	sst s3  }
0xc: {  	[smem:$0x3FAA] =	sst s4  }
0xd: {  	[smem:$0x3FAB] =	sst s5  }
0xe: {  	[smem:$0x3FAC] =	sst s6  }
0xf: {  	[smem:$0x3FAD] =	sst s7  }
0x10: {  	[smem:$0x3FAE] =	sst s8  }
0x11: {  	[smem:$0x3FAF] =	sst s9;
	s0 =	simm.s32 @!p0 $0x0  }
0x12: {  	s1 =	sld [smem:$0x3F95];
	s0 =	simm.s32 @p0 $0x1  }
0x13: {  	[smem:$0x3FB0] =	sst s0;
	s0 =	simm.s32 @!p1 $0x0  }
0x14: {  	s2 =	sld [smem:$0x3F94];
	s0 =	simm.s32 @p1 $0x1  }
0x15: {  	[smem:$0x3FB1] =	sst s0;
	s0 =	simm.s32 @!p2 $0x0  }
0x16: {  	s3 =	sld [smem:$0x3FDB];
	s0 =	simm.s32 @p2 $0x1  }
0x17: {  	s4 =	simm.s32 $0x1BF5;
	[smem:$0x3FB3] =	sst s0  }
0x18: {  	s0 =	sld [smem:$0x3F96];
	_ =	swait.ge [sflag:s4], $0x0  }
0x19: {  	s7 =	sld [smem:$0x3F97]  }
0x1a: {  	s8 =	sadd.s32 $0xFFFFE003, lr  }
0x1b: {  	s9 =	sadd.s32 $0xFFFFFEF7, lr;
	s5 =	simm.s32 $0xFFFFFFFF;
	p2 =	slt.u32 s8, $0xFFFFF086  }
0x1c: {  	p1 =	slt.u32 s9, $0xF7A;
	s5 =	simm.s32 @!p2 $0x0  }
0x1d: {  	s5 =	simm.s32 @p1 $0x1;
	p0 =	seq.s32 s7, s2  }
0x1e: {  	s7 =	smul.u32 @!p0 $0xF7A, s2;
	p2 =	seq.s32 @!p0 s5, $0x0  }
0x1f: {  	s9 =	smul.u32 $0xF7A, s1;
	s8 =	simm.s32 @!p0 $0x1BF5;
	p2 =	por !p2, p0  }
0x20: {  	[sflag:s8] =	ssyncset.s32 @!p0 $0xFFFFF086;
	s6 =	sadd.s32 @!p0 s3, s7;
	s7 =	simm.s32 @!p0 $0x108  }
0x21: {  	s3 =	sadd.s32 s3, s9;
	s6 =	sadd.s32 @!p0 $0x88, s6;
	s7 =	simm.s32 @p2 $0x1082  }
0x22: {  	[simem:s7], [sflag:s8] =	dma.local @!p0 [hbm:s6], $0xF7A  }
0x23: {  	s9 =	sor.u32 $0xD0000000, s2;
	s6 =	simm.s32 $0x108;
	_ =	swait.ge @!p0 [sflag:s8], $0x0  }
0x24: {  	s3 =	sadd.s32 $0x88, s3;
	s6 =	simm.s32 @!p1 $0x1082;
	[sflag:s4] =	ssyncset.s32 $0xFFFFF086  }
0x25: {  	[simem:s6], [sflag:s4] =	dma.local [hbm:s3], $0xF7A  }
0x26: {  	[smem:$0x3F97] =	sst s1;
	(tag) =	ssettag s2;
	_ =	strace s9  }
0x27: {  	s1 =	sld [smem:$0x3FA7]  }
0x28: {  	s2 =	sld [smem:$0x3FA8]  }
0x29: {  	s4 =	sld [smem:$0x3FAA]  }
0x2a: {  	p0 =	seq.s32 s5, $0x0;
	s5 =	sld [smem:$0x3FAB]  }
0x2b: {  	s6 =	sld [smem:$0x3FAC]  }
0x2c: {  	s7 =	sld [smem:$0x3FAD]  }
0x2d: {  	s3 =	simm.s32 $0x108;
	s8 =	sld [smem:$0x3FAE]  }
0x2e: {  	s3 =	simm.s32 @!p0 $0x1082;
	s9 =	sld [smem:$0x3FAF]  }
0x2f: {  	lr =	sadd.s32 s0, s3;
	s0 =	sld [smem:$0x3FA6]  }
0x30: {  	s3 =	sld [smem:$0x3FA9]  }
0x31: {  	[smem:$0x3FB2] =	sst s10  }
0x32: {  	s10 =	sld [smem:$0x3FB0];
	_ =	sdelay $0x3  }
0x33: {  	p0 =	seq.s32 s10, $0x1;
	s10 =	sld [smem:$0x3FB2];
	_ =	sdelay $0x3  }
0x34: {  	[smem:$0x3FB2] =	sst s10  }
0x35: {  	s10 =	sld [smem:$0x3FB1];
	_ =	sdelay $0x3  }
0x36: {  	p1 =	seq.s32 s10, $0x1;
	s10 =	sld [smem:$0x3FB2];
	_ =	sdelay $0x3  }
0x37: {  	[smem:$0x3FB2] =	sst s10  }
0x38: {  	s10 =	sld [smem:$0x3FB3]  }
0x39: {  	_ = 	snop;
	(pc) =	sbr.ind lr, $3  }
0x3a: {  	_ = 	snop  }
0x3b: {  	_ = 	snop  }
0x3c: {  	p2 =	seq.s32 s10, $0x1;
	s10 =	sld [smem:$0x3FB2]  }
0x3d: {  	_ =	shalt  }
0x3e: {  	_ =	shalt  }
0x3f: {  	_ =	shalt  }
0x40: {  	_ =	shalt  }
0x41: {  	_ =	shalt  }
0x42: {  	_ =	shalt  }
0x43: {  	_ =	shalt  }
0x44: {  	_ =	shalt  }
0x45: {  	_ =	shalt  }
0x46: {  	_ =	shalt  }
0x47: {  	_ =	shalt  }
0x48: {  	_ =	shalt  }
0x49: {  	_ =	shalt  }
0x4a: {  	_ =	shalt  }
0x4b: {  	_ =	shalt  }
0x4c: {  	_ =	shalt  }
0x4d: {  	_ =	shalt  }
0x4e: {  	_ =	shalt  }
0x4f: {  	_ =	shalt  }
0x50: {  	_ =	shalt  }
0x51: {  	_ =	shalt  }
0x52: {  	_ =	shalt  }
0x53: {  	_ =	shalt  }
0x54: {  	_ =	shalt  }
0x55: {  	_ =	shalt  }
0x56: {  	_ =	shalt  }
0x57: {  	_ =	shalt  }
0x58: {  	_ =	shalt  }
0x59: {  	_ =	shalt  }
0x5a: {  	_ =	shalt  }
0x5b: {  	_ =	shalt  }
0x5c: {  	_ =	shalt  }
0x5d: {  	_ =	shalt  }
0x5e: {  	_ =	shalt  }
0x5f: {  	_ =	shalt  }
0x60: {  	_ =	shalt  }
0x61: {  	_ =	shalt  }
0x62: {  	_ =	shalt  }
0x63: {  	_ =	shalt  }
0x64: {  	_ =	shalt  }
0x65: {  	_ =	shalt  }
0x66: {  	_ =	shalt  }
0x67: {  	_ =	shalt  }
0x68: {  	_ =	shalt  }
0x69: {  	_ =	shalt  }
0x6a: {  	_ =	shalt  }
0x6b: {  	_ =	shalt  }
0x6c: {  	_ =	shalt  }
0x6d: {  	_ =	shalt  }
0x6e: {  	_ =	shalt  }
0x6f: {  	_ =	shalt  }
0x70: {  	_ =	shalt  }
0x71: {  	_ =	shalt  }
0x72: {  	_ =	shalt  }
0x73: {  	_ =	shalt  }
0x74: {  	_ =	shalt  }
0x75: {  	_ =	shalt  }
0x76: {  	_ =	shalt  }
0x77: {  	_ =	shalt  }
0x78: {  	_ =	shalt  }
0x79: {  	_ =	shalt  }
0x7a: {  	_ =	shalt  }
0x7b: {  	_ =	shalt  }
0x7c: {  	_ =	shalt  }
0x7d: {  	_ =	shalt  }
0x7e: {  	_ =	shalt  }
0x7f: {  	_ =	shalt  }
0x80: {  	_ =	shalt  }
0x81: {  	_ =	shalt  }
0x82: {  	_ =	shalt  }
0x83: {  	_ =	shalt  }
0x84: {  	_ =	shalt  }
0x85: {  	_ =	shalt  }
0x86: {  	_ =	shalt  }
0x87: {  	_ =	shalt  }
.Lfunc_end0:
.L_simem_size_0:
called_computation.2_lowered:
.L_overlay_start_0:
0x88: {  	s2 =	sld [smem:$0x3FD9]  }
0x89: {  	s3 =	sld [smem:$0x3FFE];
	_ =	sdelay $0x1  }
0x8a: {  	s1 =	srdreg.scid  }
0x8b: {  	s0 =	sand.u32 $0x1, s1  }
0x8c: {  	s17 =	sshll.u32 s0, $0xA;
	s2 =	sadd.s32 s3, s2  }
0x8d: {  	s2 =	sadd.s32 s2, s17  }
0x8e: {  	[smem:$0x3FBE] =	sst s2  }
0x8f: {  	_ = 	snop  }
0x90: {  	s2 =	sld [smem:$0x3FD0];
	(tm) =	ssettm $0x1  }
0x91: {  	s18 =	sld [smem:$0x3FFB];
	_ =	sdelay $0x3  }
0x92: {  	_ =	strace s18  }
0x93: {  	s3 =	sld [smem:$0x3FFC];
	_ =	sdelay $0x3  }
0x94: {  	_ =	strace s3  }
0x95: {  	s3 =	sld [smem:$0x3FFD];
	_ =	sdelay $0x3  }
0x96: {  	_ =	strace s3  }
0x97: {  	_ =	strace $0x8FFFFFFF  }
0x98: {  	s19 =	sld [smem:$0x3FDB];
	_ =	sdelay $0x1  }
0x99: {  	s4 =	simm.s32 $_scs_section_size  }
0x9a: {  	s5 =	simm.s32 $_size__tile_overlayer_lowered;
	s6 =	simm.s32 $_tile_overlayer_lowered  }
0x9b: {  	s22 =	simm.s32 $0x1BFF;
	s21 =	sshll.u32 s6, $0x1;
	s3 =	sadd.s32 s4, s19  }
0x9c: {  	s7 =	simm.s32 $0x0;
	s20 =	sshll.u32 s5, $0x1;
	s5 =	sadd.s32 s21, s3  }
0x9d: {  	[timem:s7], [sflag:s22] =	dma.local [hbm:s5], s20  }
0x9e: {  	_ =	swait.ge [sflag:s22], s20  }
0x9f: {  	s4 =	ssub.s32 $0x0, s20;
	[sflag:s22] =	ssyncset.done $0x0  }
0xa0: {  	[sflag:s22] =	ssyncadd.s32 s4;
	_ =	sdelay $0x1  }
0xa1: {  	s23 =	simm.s32 $0x1B8B  }
0xa2: {  	_ =	swait.ge [sflag:s23], $0x1  }
0xa3: {  	[sflag:s23] =	ssyncset.done $0x0  }
0xa4: {  	s25 =	simm.s32 $0x1B8E;
	s24 =	sld [smem:$0x3FFE];
	[sflag:s23] =	ssyncadd.s32 $0xFFFFFFFF  }
0xa5: {  	s26 =	simm.s32 $execute0_lowered;
	[smem:$0x3FD2] =	sst s25  }
0xa6: {  	s5 =	sshll.u32 s26, $0x1;
	_ =	strace $0x8000004C;
	[dreg:$0x1] =	wrdreg $0xFFFFFFFF  }
0xa7: {  	s28 =	simm.s32 $_size_execute0_lowered;
	s3 =	sadd.s32 s3, s5;
	[dreg:$0x0] =	wrdreg $0x0  }
0xa8: {  	s5 =	sshll.u32 s28, $0x1;
	[dreg:$0x2] =	wrdreg s3  }
0xa9: {  	[dreg:$0x3] =	wrdreg s5  }
0xaa: {  	[dreg:$0x4] =	wrdreg $0xC0  }
0xab: {  	_ =	task [dreg:s7], $0x5FFFF  }
0xac: {  	[dreg:$0x1] =	wrdreg $0xFFFFFFFF  }
0xad: {  	[dreg:$0x0] =	wrdreg $0x60  }
0xae: {  	[dreg:$0x2] =	wrdreg s24  }
0xaf: {  	[dreg:$0x3] =	wrdreg s2  }
0xb0: {  	[dreg:$0x4] =	wrdreg $0xA8000  }
0xb1: {  	[dreg:$0x5] =	wrdreg $0x9  }
0xb2: {  	_ =	task.clear_ibuf [dreg:s7], $0x6FFFF;
	_ =	strace $0x9000004C  }
0xb3: {  	s29 =	simm.s32 $0x9;
	_ =	strace $0x8000004E  }
0xb4: {  	_ =	swait.ge [sflag:s29], $0x1  }
0xb5: {  	[sflag:s29] =	ssyncadd.s32 $0xFFFFFFFF  }
0xb6: {  	_ =	strace $0x9000004E  }
0xb7: {  	_ =	sfence  }
0xb8: {  	s30 =	sld [smem:$0x0];
	_ =	sdelay $0x2  }
0xb9: {  	s31 =	sshll.u32 s1, $0xD;
	s1 =	sshrl.u32 s1, $0x2  }
0xba: {  	s3 =	sand.u32 $0x4000, s31;
	s1 =	sadd.s32 s1, s30  }
0xbb: {  	s0 =	sor.u32 s3, s0;
	s1 =	sshll.u32 s1, $0x11  }
0xbc: {  	s0 =	sor.u32 s1, s0  }
0xbd: {  	s0 =	sadd.s32 $0x8F2B, s0  }
0xbe: {  	[sflag:s0] =	ssyncadd.remote.s32 $0x1  }
0xbf: {  	_ =	sfence.sel $0xFFFF  }
0xc0: {  	[dreg:$0x0] =	wrdreg $0xFFFFFFFF;
	(pc) =	sbr.abs _section_cstart, $3  }
0xc1: {  	[dreg:$0x1] =	wrdreg $0xFFFFFFFF  }
0xc2: {  	_ =	task.clear_ibuf [dreg:s7], $0x2FFFF;
	_ =	strace $0x9FFFFFFF  }
0xc3: {  	(tm) =	ssettm $0x7FFFFFFF  }
tec
execute0_lowered:
.L_overlay_start_1:
0x0: {  	(tag) =	ssettag $0x1  }
0x1: {  	s0 =	rddreg [dreg:$0x0]  }
0x2: {  	s2 =	rddreg [dreg:$0x1]  }
0x3: {  	s1 =	rddreg [dreg:$0x2];
	s3 =	srdreg.scid  }
0x4: {  	s11 =	stileid.u32;
	s14 =	simm.s32 $0x9;
	s15 =	simm.s32 $0x8000  }
0x5: {  	s16 =	simm.s32 $0x9400;
	s17 =	simm.s32 $0x40;
	s19 =	simm.s32 $0x2000  }
0x6: {  	s28 =	simm.s32 $0x2;
	s30 =	simm.s32 $0x6;
	s18 =	simm.s32 $0xA700  }
0x7: {  	s12 =	simm.s32 $0xA740;
	s20 =	simm.s32 $0xA780;
	s5 =	sand.u32 $0x1, s3  }
0x8: {  	s3 =	simm.s32 $0x0;
	s7 =	smul.u32 $0x13C00, s11;
	s4 =	sadd.s32 $0xD800, s0  }
0x9: {  	s8 =	sadd.s32 $0x3800, s0;
	s9 =	sadd.s32 $0x35000, s0;
	s22 =	smul.u32 $0x4F000, s11  }
0xa: {  	s24 =	sshll.u32 s11, $0x6;
	s6 =	smul.u32 $0x13C000, s5;
	[smem:$0x7FF] =	sst s3  }
0xb: {  	s21 =	sshll.u32 s5, $0x4;
	s5 =	ssub.s32 $0x2, s5;
	_ =	strace $0x8000004D  }
0xc: {  	[dreg:$0x4] =	wrdreg s9;
	s10 =	sshrl.u32 s5, $0x1;
	s23 =	sshrl.u32 s22, $0x2  }
0xd: {  	s22 =	simm.s32 $0xA7C0;
	s6 =	sadd.s32 s7, s6;
	s7 =	sor.u32 s11, s21  }
0xe: {  	s5 =	ssub.s32 s5, s10;
	s9 =	sadd.s32 s23, s1;
	s21 =	simm.s32 $0x4000  }
0xf: {  	s23 =	simm.s32 $0x6000;
	s10 =	simm.s32 $0x8;
	s11 =	simm.s32 $0x93C0  }
0x10: {  	s6 =	sshrl.u32 s6, $0x3;
	s7 =	smul.u32 $0x2800, s7;
	s31 =	smax.u32 s5, $0x1  }
0x11: {  	s13 =	sshrl.u32 s9, $0x3;
	s5 =	simm.s32 $0x7;
	s9 =	simm.s32 $0x94C0  }
0x12: {  	s0 =	sadd.s32 s6, s0;
	s6 =	sor.u32 $0x1C09, s24;
	[dreg:$0xa] =	wrdreg s31  }
0x13: {  	s24 =	simm.s32 $0x1;
	s7 =	sshrl.u32 s7, $0x3;
	s0 =	sadd.s32 $0x37800, s0  }
0x14: {  	s25 =	sadd.s32 s2, s7;
	s26 =	sadd.s32 $0x280, s7;
	[dreg:$0x9] =	wrdreg s0  }
0x15: {  	s7 =	sadd.s32 s8, s7;
	s0 =	simm.s32 $0x3;
	[dreg:$0x5] =	wrdreg s25  }
0x16: {  	[dreg:$0x6] =	wrdreg s7;
	s2 =	sadd.s32 s2, s26;
	s29 =	sadd.s32 s8, s26  }
0x17: {  	s25 =	simm.s32 $0x5;
	s7 =	simm.s32 $0x8180;
	[dreg:$0x7] =	wrdreg s2  }
0x18: {  	s8 =	simm.s32 $0x4;
	s26 =	simm.s32 $0x0;
	[dreg:$0x8] =	wrdreg s29  }
.LBB2_1:
0x19: {  	s2 =	rddreg [dreg:$0x4]  }
0x1a: {  	[spmem:s13], [sflag:s6] =	dma.local [hbm:s2], $0x2780  }
0x1b: {  	_ =	swait.ge [sflag:s14], $0x2780  }
0x1c: {  	[sflag:s14] =	ssyncset.done $0x0  }
0x1d: {  	[sflag:s14] =	ssyncadd.s32 $0xFFFFD880  }
0x1e: {  	[bflag:$0x0] =	sbarrier.arrive $0xFFFF  }
0x1f: {  	s2 =	rddreg [dreg:$0x5]  }
0x20: {  	[tilespmem:s15], [sflag:$0x9] =	stream.linear.gather [hbm4b:s2+s3], $0x1400, $0x38;
	[tilespmem:$0x1E400] =	vst v63  }
0x21: {  	_ =	swait.ge [sflag:s14], $0x1400  }
0x22: {  	[sflag:s14] =	ssyncset.done $0x0  }
0x23: {  	s2 =	rddreg [dreg:$0x6];
	[sflag:s14] =	ssyncadd.s32 $0xFFFFEC00  }
0x24: {  	[tilespmem:s16], [sflag:$0x9] =	stream.linear.gather [hbm4b:s2+s3], $0x1400, $0x38;
	[tilespmem:$0x1E400] =	vst v63  }
0x25: {  	_ =	swait.ge [sflag:s14], $0x1400  }
0x26: {  	[sflag:s14] =	ssyncset.done $0x0  }
0x27: {  	[sflag:s14] =	ssyncadd.s32 $0xFFFFEC00  }
0x28: {  	[tilespmem:s3], [sflag:$0x1] =	stream.indirect.gather [hbm4b:s4+s17], $0x80, s15, s17, $0xb8;
	[tilespmem:$0x1E400] =	vst v63  }
0x29: {  	s2 =	simm.s32 $0x8040  }
0x2a: {  	[tilespmem:s19], [sflag:$0x2] =	stream.indirect.gather [hbm4b:s4+s17], $0x80, s2, s17, $0xb8;
	[tilespmem:$0x1E400] =	vst v63  }
0x2b: {  	s2 =	simm.s32 $0x8080  }
0x2c: {  	[tilespmem:s21], [sflag:$0x3] =	stream.indirect.gather [hbm4b:s4+s17], $0x80, s2, s17, $0xb8;
	[tilespmem:$0x1E400] =	vst v63  }
0x2d: {  	s2 =	simm.s32 $0x80C0  }
0x2e: {  	[tilespmem:s23], [sflag:$0x4] =	stream.indirect.gather [hbm4b:s4+s17], $0x80, s2, s17, $0xb8;
	[tilespmem:$0x1E400] =	vst v63  }
0x2f: {  	_ =	swait.ge [sflag:s24], $0x2000  }
0x30: {  	[sflag:s24] =	ssyncset.done $0x0  }
0x31: {  	[sflag:s24] =	ssyncadd.s32 $0xFFFFE000  }
0x32: {  	[spmem:s1] =	stream.indirect.scatter.add.f32 [tilespmem:s3], [sflag:$0x5], $0x80, s16, s17, $0xb8;
	[tilespmem:$0x1E400] =	vst v63  }
0x33: {  	_ =	swait.ge [sflag:s25], $0x2000  }
0x34: {  	[sflag:s25] =	ssyncset.done $0x0  }
0x35: {  	s2 =	simm.s32 $0x8100;
	[sflag:s25] =	ssyncadd.s32 $0xFFFFE000  }
0x36: {  	[tilespmem:s3], [sflag:$0x1] =	stream.indirect.gather [hbm4b:s4+s17], $0x80, s2, s17, $0xb8;
	[tilespmem:$0x1E400] =	vst v63  }
0x37: {  	_ =	swait.ge [sflag:s28], $0x2000  }
0x38: {  	[sflag:s28] =	ssyncset.done $0x0  }
0x39: {  	s2 =	simm.s32 $0x9440;
	[sflag:s28] =	ssyncadd.s32 $0xFFFFE000  }
0x3a: {  	[spmem:s1] =	stream.indirect.scatter.add.f32 [tilespmem:s19], [sflag:$0x6], $0x80, s2, s17, $0xb8;
	[tilespmem:$0x1E400] =	vst v63  }
0x3b: {  	_ =	swait.ge [sflag:s30], $0x2000  }
0x3c: {  	[sflag:s30] =	ssyncset.done $0x0  }
0x3d: {  	s2 =	simm.s32 $0x8140;
	[sflag:s30] =	ssyncadd.s32 $0xFFFFE000  }
0x3e: {  	[tilespmem:s19], [sflag:$0x2] =	stream.indirect.gather [hbm4b:s4+s17], $0x80, s2, s17, $0xb8;
	[tilespmem:$0x1E400] =	vst v63  }
0x3f: {  	_ =	swait.ge [sflag:s0], $0x2000  }
0x40: {  	[sflag:s0] =	ssyncset.done $0x0  }
0x41: {  	s2 =	simm.s32 $0x9480;
	[sflag:s0] =	ssyncadd.s32 $0xFFFFE000  }
0x42: {  	[spmem:s1] =	stream.indirect.scatter.add.f32 [tilespmem:s21], [sflag:$0x7], $0x80, s2, s17, $0xb8;
	[tilespmem:$0x1E400] =	vst v63  }
0x43: {  	_ =	swait.ge [sflag:s5], $0x2000  }
0x44: {  	[sflag:s5] =	ssyncset.done $0x0  }
0x45: {  	[sflag:s5] =	ssyncadd.s32 $0xFFFFE000  }
0x46: {  	[tilespmem:s21], [sflag:$0x3] =	stream.indirect.gather [hbm4b:s4+s17], $0x80, s7, s17, $0xb8;
	[tilespmem:$0x1E400] =	vst v63  }
0x47: {  	_ =	swait.ge [sflag:s8], $0x2000  }
0x48: {  	[sflag:s8] =	ssyncset.done $0x0  }
0x49: {  	[sflag:s8] =	ssyncadd.s32 $0xFFFFE000  }
0x4a: {  	[spmem:s1] =	stream.indirect.scatter.add.f32 [tilespmem:s23], [sflag:$0x8], $0x80, s9, s17, $0xb8;
	[tilespmem:$0x1E400] =	vst v63  }
0x4b: {  	_ =	swait.ge [sflag:s10], $0x2000  }
0x4c: {  	[sflag:s10] =	ssyncset.done $0x0  }
0x4d: {  	s29 =	simm.s32 $0x81C0;
	[sflag:s10] =	ssyncadd.s32 $0xFFFFE000  }
0x4e: {  	[tilespmem:s23], [sflag:$0x4] =	stream.indirect.gather [hbm4b:s4+s17], $0x80, s29, s17, $0xb8;
	[tilespmem:$0x1E400] =	vst v63  }
0x4f: {  	_ =	swait.ge [sflag:s24], $0x2000  }
0x50: {  	[sflag:s24] =	ssyncset.done $0x0  }
0x51: {  	s29 =	simm.s32 $0x9500;
	[sflag:s24] =	ssyncadd.s32 $0xFFFFE000  }
0x52: {  	[spmem:s1] =	stream.indirect.scatter.add.f32 [tilespmem:s3], [sflag:$0x5], $0x80, s29, s17, $0xb8;
	[tilespmem:$0x1E400] =	vst v63  }
0x53: {  	_ =	swait.ge [sflag:s25], $0x2000  }
0x54: {  	[sflag:s25] =	ssyncset.done $0x0  }
0x55: {  	s29 =	simm.s32 $0x8200;
	[sflag:s25] =	ssyncadd.s32 $0xFFFFE000  }
0x56: {  	[tilespmem:s3], [sflag:$0x1] =	stream.indirect.gather [hbm4b:s4+s17], $0x80, s29, s17, $0xb8;
	[tilespmem:$0x1E400] =	vst v63  }
0x57: {  	_ =	swait.ge [sflag:s28], $0x2000  }
0x58: {  	[sflag:s28] =	ssyncset.done $0x0  }
0x59: {  	s29 =	simm.s32 $0x9540;
	[sflag:s28] =	ssyncadd.s32 $0xFFFFE000  }
0x5a: {  	[spmem:s1] =	stream.indirect.scatter.add.f32 [tilespmem:s19], [sflag:$0x6], $0x80, s29, s17, $0xb8;
	[tilespmem:$0x1E400] =	vst v63  }
0x5b: {  	_ =	swait.ge [sflag:s30], $0x2000  }
0x5c: {  	[sflag:s30] =	ssyncset.done $0x0  }
0x5d: {  	s29 =	simm.s32 $0x8240;
	[sflag:s30] =	ssyncadd.s32 $0xFFFFE000  }
0x5e: {  	[tilespmem:s19], [sflag:$0x2] =	stream.indirect.gather [hbm4b:s4+s17], $0x80, s29, s17, $0xb8;
	[tilespmem:$0x1E400] =	vst v63  }
0x5f: {  	_ =	swait.ge [sflag:s0], $0x2000  }
0x60: {  	[sflag:s0] =	ssyncset.done $0x0  }
0x61: {  	s29 =	simm.s32 $0x9580;
	[sflag:s0] =	ssyncadd.s32 $0xFFFFE000  }
0x62: {  	[spmem:s1] =	stream.indirect.scatter.add.f32 [tilespmem:s21], [sflag:$0x7], $0x80, s29, s17, $0xb8;
	[tilespmem:$0x1E400] =	vst v63  }
0x63: {  	_ =	swait.ge [sflag:s5], $0x2000  }
0x64: {  	[sflag:s5] =	ssyncset.done $0x0  }
0x65: {  	s29 =	simm.s32 $0x8280;
	[sflag:s5] =	ssyncadd.s32 $0xFFFFE000  }
0x66: {  	[tilespmem:s21], [sflag:$0x3] =	stream.indirect.gather [hbm4b:s4+s17], $0x80, s29, s17, $0xb8;
	[tilespmem:$0x1E400] =	vst v63  }
0x67: {  	_ =	swait.ge [sflag:s8], $0x2000  }
0x68: {  	[sflag:s8] =	ssyncset.done $0x0  }
0x69: {  	s31 =	simm.s32 $0x95C0;
	s29 =	simm.s32 $0x400;
	[sflag:s8] =	ssyncadd.s32 $0xFFFFE000  }
.LBB2_2:
0x6a: {  	[spmem:s1] =	stream.indirect.scatter.add.f32 [tilespmem:s23], [sflag:$0x8], $0x80, s31, s17, $0xb8;
	[tilespmem:$0x1E400] =	vst v63  }
0x6b: {  	s31 =	smov.u32 s29  }
0x6c: {  	p0 =	sne.s32 s29, $0x4400;
	s29 =	sadd.s32 $0x400, s29;
	_ =	swait.ge [sflag:s10], $0x2000  }
0x6d: {  	s31 =	sshra.s32 s31, $0x2;
	[sflag:s10] =	ssyncset.done $0x0  }
0x6e: {  	s2 =	sadd.s32 $0x81C0, s31;
	[sflag:s10] =	ssyncadd.s32 $0xFFFFE000  }
0x6f: {  	[tilespmem:s23], [sflag:$0x4] =	stream.indirect.gather [hbm4b:s4+s17], $0x80, s2, s17, $0xb8;
	[tilespmem:$0x1E400] =	vst v63  }
0x70: {  	_ =	swait.ge [sflag:s24], $0x2000  }
0x71: {  	[sflag:s24] =	ssyncset.done $0x0  }
0x72: {  	s2 =	sadd.s32 $0x9500, s31;
	[sflag:s24] =	ssyncadd.s32 $0xFFFFE000  }
0x73: {  	[spmem:s1] =	stream.indirect.scatter.add.f32 [tilespmem:s3], [sflag:$0x5], $0x80, s2, s17, $0xb8;
	[tilespmem:$0x1E400] =	vst v63  }
0x74: {  	_ =	swait.ge [sflag:s25], $0x2000  }
0x75: {  	[sflag:s25] =	ssyncset.done $0x0  }
0x76: {  	s2 =	sadd.s32 $0x8200, s31;
	[sflag:s25] =	ssyncadd.s32 $0xFFFFE000  }
0x77: {  	[tilespmem:s3], [sflag:$0x1] =	stream.indirect.gather [hbm4b:s4+s17], $0x80, s2, s17, $0xb8;
	[tilespmem:$0x1E400] =	vst v63  }
0x78: {  	_ =	swait.ge [sflag:s28], $0x2000  }
0x79: {  	[sflag:s28] =	ssyncset.done $0x0  }
0x7a: {  	s2 =	sadd.s32 $0x9540, s31;
	[sflag:s28] =	ssyncadd.s32 $0xFFFFE000  }
0x7b: {  	[spmem:s1] =	stream.indirect.scatter.add.f32 [tilespmem:s19], [sflag:$0x6], $0x80, s2, s17, $0xb8;
	[tilespmem:$0x1E400] =	vst v63  }
0x7c: {  	_ =	swait.ge [sflag:s30], $0x2000  }
0x7d: {  	[sflag:s30] =	ssyncset.done $0x0  }
0x7e: {  	s2 =	sadd.s32 $0x8240, s31;
	[sflag:s30] =	ssyncadd.s32 $0xFFFFE000  }
0x7f: {  	[tilespmem:s19], [sflag:$0x2] =	stream.indirect.gather [hbm4b:s4+s17], $0x80, s2, s17, $0xb8;
	[tilespmem:$0x1E400] =	vst v63  }
0x80: {  	_ =	swait.ge [sflag:s0], $0x2000  }
0x81: {  	[sflag:s0] =	ssyncset.done $0x0  }
0x82: {  	s2 =	sadd.s32 $0x9580, s31;
	[sflag:s0] =	ssyncadd.s32 $0xFFFFE000  }
0x83: {  	[spmem:s1] =	stream.indirect.scatter.add.f32 [tilespmem:s21], [sflag:$0x7], $0x80, s2, s17, $0xb8;
	[tilespmem:$0x1E400] =	vst v63  }
0x84: {  	_ =	swait.ge [sflag:s5], $0x2000  }
0x85: {  	[sflag:s5] =	ssyncset.done $0x0  }
.Ltmp0:
0x86: {  	s2 =	sadd.s32 $0x8280, s31;
	[sflag:s5] =	ssyncadd.s32 $0xFFFFE000;
	(pc) =	sbr.rel @p0 .LBB2_2-.Ltmp0, $4  }
0x87: {  	[tilespmem:s21], [sflag:$0x3] =	stream.indirect.gather [hbm4b:s4+s17], $0x80, s2, s17, $0xb8;
	[tilespmem:$0x1E400] =	vst v63  }
0x88: {  	_ =	swait.ge [sflag:s8], $0x2000  }
0x89: {  	[sflag:s8] =	ssyncset.done $0x0  }
0x8a: {  	s31 =	sadd.s32 $0x95C0, s31;
	[sflag:s8] =	ssyncadd.s32 $0xFFFFE000  }
0x8b: {  	[spmem:s1] =	stream.indirect.scatter.add.f32 [tilespmem:s23], [sflag:$0x8], $0x80, s31, s17, $0xb8;
	[tilespmem:$0x1E400] =	vst v63  }
0x8c: {  	_ =	swait.ge [sflag:s10], $0x2000  }
0x8d: {  	[sflag:s10] =	ssyncset.done $0x0  }
0x8e: {  	[sflag:s10] =	ssyncadd.s32 $0xFFFFE000  }
0x8f: {  	[tilespmem:s23], [sflag:$0x4] =	stream.indirect.gather [hbm4b:s4+s17], $0x80, s11, s17, $0xb8;
	[tilespmem:$0x1E400] =	vst v63  }
0x90: {  	_ =	swait.ge [sflag:s24], $0x2000  }
0x91: {  	[sflag:s24] =	ssyncset.done $0x0  }
0x92: {  	s2 =	simm.s32 $0x0;
	[sflag:s24] =	ssyncadd.s32 $0xFFFFE000  }
0x93: {  	[spmem:s1] =	stream.indirect.scatter.add.f32 [tilespmem:s2], [sflag:$0x5], $0x80, s18, s17, $0xb8;
	[tilespmem:$0x1E400] =	vst v63  }
0x94: {  	_ =	swait.ge [sflag:s28], $0x2000  }
0x95: {  	[sflag:s28] =	ssyncset.done $0x0  }
0x96: {  	[sflag:s28] =	ssyncadd.s32 $0xFFFFE000  }
0x97: {  	[spmem:s1] =	stream.indirect.scatter.add.f32 [tilespmem:s19], [sflag:$0x6], $0x80, s12, s17, $0xb8;
	[tilespmem:$0x1E400] =	vst v63  }
0x98: {  	_ =	swait.ge [sflag:s0], $0x2000  }
0x99: {  	[sflag:s0] =	ssyncset.done $0x0  }
0x9a: {  	[sflag:s0] =	ssyncadd.s32 $0xFFFFE000  }
0x9b: {  	[spmem:s1] =	stream.indirect.scatter.add.f32 [tilespmem:s21], [sflag:$0x7], $0x80, s20, s17, $0xb8;
	[tilespmem:$0x1E400] =	vst v63  }
0x9c: {  	_ =	swait.ge [sflag:s8], $0x2000  }
0x9d: {  	[sflag:s8] =	ssyncset.done $0x0  }
0x9e: {  	[sflag:s8] =	ssyncadd.s32 $0xFFFFE000  }
0x9f: {  	[spmem:s1] =	stream.indirect.scatter.add.f32 [tilespmem:s23], [sflag:$0x8], $0x80, s22, s17, $0xb8;
	[tilespmem:$0x1E400] =	vst v63  }
0xa0: {  	_ =	swait.ge [sflag:s25], $0x2000  }
0xa1: {  	[sflag:s25] =	ssyncset.done $0x0  }
0xa2: {  	[sflag:s25] =	ssyncadd.s32 $0xFFFFE000  }
0xa3: {  	_ =	swait.ge [sflag:s30], $0x2000  }
0xa4: {  	[sflag:s30] =	ssyncset.done $0x0  }
0xa5: {  	[sflag:s30] =	ssyncadd.s32 $0xFFFFE000  }
0xa6: {  	_ =	swait.ge [sflag:s5], $0x2000  }
0xa7: {  	[sflag:s5] =	ssyncset.done $0x0  }
0xa8: {  	[sflag:s5] =	ssyncadd.s32 $0xFFFFE000  }
0xa9: {  	_ =	swait.ge [sflag:s10], $0x2000  }
0xaa: {  	[sflag:s10] =	ssyncset.done $0x0  }
0xab: {  	s29 =	rddreg [dreg:$0x7];
	[sflag:s10] =	ssyncadd.s32 $0xFFFFE000  }
0xac: {  	[tilespmem:s15], [sflag:$0x9] =	stream.linear.gather [hbm4b:s29+s2], $0x1400, $0x38;
	[tilespmem:$0x1E400] =	vst v63  }
0xad: {  	_ =	swait.ge [sflag:s14], $0x1400  }
0xae: {  	[sflag:s14] =	ssyncset.done $0x0  }
0xaf: {  	s29 =	rddreg [dreg:$0x8];
	[sflag:s14] =	ssyncadd.s32 $0xFFFFEC00  }
0xb0: {  	[tilespmem:s16], [sflag:$0x9] =	stream.linear.gather [hbm4b:s29+s2], $0x1400, $0x38;
	[tilespmem:$0x1E400] =	vst v63  }
0xb1: {  	_ =	swait.ge [sflag:s14], $0x1400  }
0xb2: {  	[sflag:s14] =	ssyncset.done $0x0  }
0xb3: {  	[sflag:s14] =	ssyncadd.s32 $0xFFFFEC00  }
0xb4: {  	[tilespmem:s2], [sflag:$0x1] =	stream.indirect.gather [hbm4b:s4+s17], $0x80, s15, s17, $0xb8;
	[tilespmem:$0x1E400] =	vst v63  }
0xb5: {  	s29 =	simm.s32 $0x8040  }
0xb6: {  	[tilespmem:s19], [sflag:$0x2] =	stream.indirect.gather [hbm4b:s4+s17], $0x80, s29, s17, $0xb8;
	[tilespmem:$0x1E400] =	vst v63  }
0xb7: {  	s29 =	simm.s32 $0x8080  }
0xb8: {  	[tilespmem:s21], [sflag:$0x3] =	stream.indirect.gather [hbm4b:s4+s17], $0x80, s29, s17, $0xb8;
	[tilespmem:$0x1E400] =	vst v63  }
0xb9: {  	s29 =	simm.s32 $0x80C0  }
0xba: {  	[tilespmem:s23], [sflag:$0x4] =	stream.indirect.gather [hbm4b:s4+s17], $0x80, s29, s17, $0xb8;
	[tilespmem:$0x1E400] =	vst v63  }
0xbb: {  	_ =	swait.ge [sflag:s24], $0x2000  }
0xbc: {  	[sflag:s24] =	ssyncset.done $0x0  }
0xbd: {  	[sflag:s24] =	ssyncadd.s32 $0xFFFFE000  }
0xbe: {  	[spmem:s1] =	stream.indirect.scatter.add.f32 [tilespmem:s2], [sflag:$0x5], $0x80, s16, s17, $0xb8;
	[tilespmem:$0x1E400] =	vst v63  }
0xbf: {  	_ =	swait.ge [sflag:s25], $0x2000  }
0xc0: {  	[sflag:s25] =	ssyncset.done $0x0  }
0xc1: {  	s29 =	simm.s32 $0x8100;
	[sflag:s25] =	ssyncadd.s32 $0xFFFFE000  }
0xc2: {  	[tilespmem:s2], [sflag:$0x1] =	stream.indirect.gather [hbm4b:s4+s17], $0x80, s29, s17, $0xb8;
	[tilespmem:$0x1E400] =	vst v63  }
0xc3: {  	_ =	swait.ge [sflag:s28], $0x2000  }
0xc4: {  	[sflag:s28] =	ssyncset.done $0x0  }
0xc5: {  	s2 =	simm.s32 $0x9440;
	[sflag:s28] =	ssyncadd.s32 $0xFFFFE000  }
0xc6: {  	[spmem:s1] =	stream.indirect.scatter.add.f32 [tilespmem:s19], [sflag:$0x6], $0x80, s2, s17, $0xb8;
	[tilespmem:$0x1E400] =	vst v63  }
0xc7: {  	_ =	swait.ge [sflag:s30], $0x2000  }
0xc8: {  	[sflag:s30] =	ssyncset.done $0x0  }
0xc9: {  	s2 =	simm.s32 $0x8140;
	[sflag:s30] =	ssyncadd.s32 $0xFFFFE000  }
0xca: {  	[tilespmem:s19], [sflag:$0x2] =	stream.indirect.gather [hbm4b:s4+s17], $0x80, s2, s17, $0xb8;
	[tilespmem:$0x1E400] =	vst v63  }
0xcb: {  	_ =	swait.ge [sflag:s0], $0x2000  }
0xcc: {  	[sflag:s0] =	ssyncset.done $0x0  }
0xcd: {  	s2 =	simm.s32 $0x9480;
	[sflag:s0] =	ssyncadd.s32 $0xFFFFE000  }
0xce: {  	[spmem:s1] =	stream.indirect.scatter.add.f32 [tilespmem:s21], [sflag:$0x7], $0x80, s2, s17, $0xb8;
	[tilespmem:$0x1E400] =	vst v63  }
0xcf: {  	_ =	swait.ge [sflag:s5], $0x2000  }
0xd0: {  	[sflag:s5] =	ssyncset.done $0x0  }
0xd1: {  	[sflag:s5] =	ssyncadd.s32 $0xFFFFE000  }
0xd2: {  	[tilespmem:s21], [sflag:$0x3] =	stream.indirect.gather [hbm4b:s4+s17], $0x80, s7, s17, $0xb8;
	[tilespmem:$0x1E400] =	vst v63  }
0xd3: {  	_ =	swait.ge [sflag:s8], $0x2000  }
0xd4: {  	[sflag:s8] =	ssyncset.done $0x0  }
0xd5: {  	[sflag:s8] =	ssyncadd.s32 $0xFFFFE000  }
0xd6: {  	[spmem:s1] =	stream.indirect.scatter.add.f32 [tilespmem:s23], [sflag:$0x8], $0x80, s9, s17, $0xb8;
	[tilespmem:$0x1E400] =	vst v63  }
0xd7: {  	_ =	swait.ge [sflag:s10], $0x2000  }
0xd8: {  	[sflag:s10] =	ssyncset.done $0x0  }
0xd9: {  	s2 =	simm.s32 $0x81C0;
	[sflag:s10] =	ssyncadd.s32 $0xFFFFE000  }
0xda: {  	[tilespmem:s23], [sflag:$0x4] =	stream.indirect.gather [hbm4b:s4+s17], $0x80, s2, s17, $0xb8;
	[tilespmem:$0x1E400] =	vst v63  }
0xdb: {  	_ =	swait.ge [sflag:s24], $0x2000  }
0xdc: {  	[sflag:s24] =	ssyncset.done $0x0  }
0xdd: {  	s2 =	simm.s32 $0x9500;
	[sflag:s24] =	ssyncadd.s32 $0xFFFFE000  }
0xde: {  	[spmem:s1] =	stream.indirect.scatter.add.f32 [tilespmem:s3], [sflag:$0x5], $0x80, s2, s17, $0xb8;
	[tilespmem:$0x1E400] =	vst v63  }
0xdf: {  	_ =	swait.ge [sflag:s25], $0x2000  }
0xe0: {  	[sflag:s25] =	ssyncset.done $0x0  }
0xe1: {  	s2 =	simm.s32 $0x8200;
	[sflag:s25] =	ssyncadd.s32 $0xFFFFE000  }
0xe2: {  	[tilespmem:s3], [sflag:$0x1] =	stream.indirect.gather [hbm4b:s4+s17], $0x80, s2, s17, $0xb8;
	[tilespmem:$0x1E400] =	vst v63  }
0xe3: {  	_ =	swait.ge [sflag:s28], $0x2000  }
0xe4: {  	[sflag:s28] =	ssyncset.done $0x0  }
0xe5: {  	s2 =	simm.s32 $0x9540;
	[sflag:s28] =	ssyncadd.s32 $0xFFFFE000  }
0xe6: {  	[spmem:s1] =	stream.indirect.scatter.add.f32 [tilespmem:s19], [sflag:$0x6], $0x80, s2, s17, $0xb8;
	[tilespmem:$0x1E400] =	vst v63  }
0xe7: {  	_ =	swait.ge [sflag:s30], $0x2000  }
0xe8: {  	[sflag:s30] =	ssyncset.done $0x0  }
0xe9: {  	s2 =	simm.s32 $0x8240;
	[sflag:s30] =	ssyncadd.s32 $0xFFFFE000  }
0xea: {  	[tilespmem:s19], [sflag:$0x2] =	stream.indirect.gather [hbm4b:s4+s17], $0x80, s2, s17, $0xb8;
	[tilespmem:$0x1E400] =	vst v63  }
0xeb: {  	_ =	swait.ge [sflag:s0], $0x2000  }
0xec: {  	[sflag:s0] =	ssyncset.done $0x0  }
0xed: {  	s2 =	simm.s32 $0x9580;
	[sflag:s0] =	ssyncadd.s32 $0xFFFFE000  }
0xee: {  	[spmem:s1] =	stream.indirect.scatter.add.f32 [tilespmem:s21], [sflag:$0x7], $0x80, s2, s17, $0xb8;
	[tilespmem:$0x1E400] =	vst v63  }
0xef: {  	_ =	swait.ge [sflag:s5], $0x2000  }
0xf0: {  	[sflag:s5] =	ssyncset.done $0x0  }
0xf1: {  	s2 =	simm.s32 $0x8280;
	[sflag:s5] =	ssyncadd.s32 $0xFFFFE000  }
0xf2: {  	[tilespmem:s21], [sflag:$0x3] =	stream.indirect.gather [hbm4b:s4+s17], $0x80, s2, s17, $0xb8;
	[tilespmem:$0x1E400] =	vst v63  }
0xf3: {  	_ =	swait.ge [sflag:s8], $0x2000  }
0xf4: {  	[sflag:s8] =	ssyncset.done $0x0  }
0xf5: {  	s31 =	simm.s32 $0x95C0;
	s29 =	simm.s32 $0x400;
	[sflag:s8] =	ssyncadd.s32 $0xFFFFE000  }
.LBB2_4:
0xf6: {  	[spmem:s1] =	stream.indirect.scatter.add.f32 [tilespmem:s23], [sflag:$0x8], $0x80, s31, s17, $0xb8;
	[tilespmem:$0x1E400] =	vst v63  }
0xf7: {  	s2 =	smov.u32 s29  }
0xf8: {  	p0 =	sne.s32 s29, $0x4400;
	s29 =	sadd.s32 $0x400, s29;
	_ =	swait.ge [sflag:s10], $0x2000  }
0xf9: {  	s31 =	sshra.s32 s2, $0x2;
	[sflag:s10] =	ssyncset.done $0x0  }
0xfa: {  	s2 =	sadd.s32 $0x81C0, s31;
	[sflag:s10] =	ssyncadd.s32 $0xFFFFE000  }
0xfb: {  	[tilespmem:s23], [sflag:$0x4] =	stream.indirect.gather [hbm4b:s4+s17], $0x80, s2, s17, $0xb8;
	[tilespmem:$0x1E400] =	vst v63  }
0xfc: {  	_ =	swait.ge [sflag:s24], $0x2000  }
0xfd: {  	[sflag:s24] =	ssyncset.done $0x0  }
0xfe: {  	s2 =	sadd.s32 $0x9500, s31;
	[sflag:s24] =	ssyncadd.s32 $0xFFFFE000  }
0xff: {  	[spmem:s1] =	stream.indirect.scatter.add.f32 [tilespmem:s3], [sflag:$0x5], $0x80, s2, s17, $0xb8;
	[tilespmem:$0x1E400] =	vst v63  }
0x100: {  	_ =	swait.ge [sflag:s25], $0x2000  }
0x101: {  	[sflag:s25] =	ssyncset.done $0x0  }
0x102: {  	s2 =	sadd.s32 $0x8200, s31;
	[sflag:s25] =	ssyncadd.s32 $0xFFFFE000  }
0x103: {  	[tilespmem:s3], [sflag:$0x1] =	stream.indirect.gather [hbm4b:s4+s17], $0x80, s2, s17, $0xb8;
	[tilespmem:$0x1E400] =	vst v63  }
0x104: {  	_ =	swait.ge [sflag:s28], $0x2000  }
0x105: {  	[sflag:s28] =	ssyncset.done $0x0  }
0x106: {  	s2 =	sadd.s32 $0x9540, s31;
	[sflag:s28] =	ssyncadd.s32 $0xFFFFE000  }
0x107: {  	[spmem:s1] =	stream.indirect.scatter.add.f32 [tilespmem:s19], [sflag:$0x6], $0x80, s2, s17, $0xb8;
	[tilespmem:$0x1E400] =	vst v63  }
0x108: {  	_ =	swait.ge [sflag:s30], $0x2000  }
0x109: {  	[sflag:s30] =	ssyncset.done $0x0  }
0x10a: {  	s2 =	sadd.s32 $0x8240, s31;
	[sflag:s30] =	ssyncadd.s32 $0xFFFFE000  }
0x10b: {  	[tilespmem:s19], [sflag:$0x2] =	stream.indirect.gather [hbm4b:s4+s17], $0x80, s2, s17, $0xb8;
	[tilespmem:$0x1E400] =	vst v63  }
0x10c: {  	_ =	swait.ge [sflag:s0], $0x2000  }
0x10d: {  	[sflag:s0] =	ssyncset.done $0x0  }
0x10e: {  	s2 =	sadd.s32 $0x9580, s31;
	[sflag:s0] =	ssyncadd.s32 $0xFFFFE000  }
0x10f: {  	[spmem:s1] =	stream.indirect.scatter.add.f32 [tilespmem:s21], [sflag:$0x7], $0x80, s2, s17, $0xb8;
	[tilespmem:$0x1E400] =	vst v63  }
0x110: {  	_ =	swait.ge [sflag:s5], $0x2000  }
0x111: {  	[sflag:s5] =	ssyncset.done $0x0  }
.Ltmp1:
0x112: {  	s2 =	sadd.s32 $0x8280, s31;
	[sflag:s5] =	ssyncadd.s32 $0xFFFFE000;
	(pc) =	sbr.rel @p0 .LBB2_4-.Ltmp1, $4  }
0x113: {  	[tilespmem:s21], [sflag:$0x3] =	stream.indirect.gather [hbm4b:s4+s17], $0x80, s2, s17, $0xb8;
	[tilespmem:$0x1E400] =	vst v63  }
0x114: {  	_ =	swait.ge [sflag:s8], $0x2000  }
0x115: {  	[sflag:s8] =	ssyncset.done $0x0  }
0x116: {  	s31 =	sadd.s32 $0x95C0, s31;
	[sflag:s8] =	ssyncadd.s32 $0xFFFFE000  }
0x117: {  	[spmem:s1] =	stream.indirect.scatter.add.f32 [tilespmem:s23], [sflag:$0x8], $0x80, s31, s17, $0xb8;
	[tilespmem:$0x1E400] =	vst v63  }
0x118: {  	_ =	swait.ge [sflag:s10], $0x2000  }
0x119: {  	[sflag:s10] =	ssyncset.done $0x0  }
0x11a: {  	[sflag:s10] =	ssyncadd.s32 $0xFFFFE000  }
0x11b: {  	[tilespmem:s23], [sflag:$0x4] =	stream.indirect.gather [hbm4b:s4+s17], $0x80, s11, s17, $0xb8;
	[tilespmem:$0x1E400] =	vst v63  }
0x11c: {  	_ =	swait.ge [sflag:s24], $0x2000  }
0x11d: {  	[sflag:s24] =	ssyncset.done $0x0  }
0x11e: {  	[sflag:s24] =	ssyncadd.s32 $0xFFFFE000  }
0x11f: {  	[spmem:s1] =	stream.indirect.scatter.add.f32 [tilespmem:s3], [sflag:$0x5], $0x80, s18, s17, $0xb8;
	[tilespmem:$0x1E400] =	vst v63  }
0x120: {  	_ =	swait.ge [sflag:s28], $0x2000  }
0x121: {  	[sflag:s28] =	ssyncset.done $0x0  }
0x122: {  	[sflag:s28] =	ssyncadd.s32 $0xFFFFE000  }
0x123: {  	[spmem:s1] =	stream.indirect.scatter.add.f32 [tilespmem:s19], [sflag:$0x6], $0x80, s12, s17, $0xb8;
	[tilespmem:$0x1E400] =	vst v63  }
0x124: {  	_ =	swait.ge [sflag:s0], $0x2000  }
0x125: {  	[sflag:s0] =	ssyncset.done $0x0  }
0x126: {  	[sflag:s0] =	ssyncadd.s32 $0xFFFFE000  }
0x127: {  	[spmem:s1] =	stream.indirect.scatter.add.f32 [tilespmem:s21], [sflag:$0x7], $0x80, s20, s17, $0xb8;
	[tilespmem:$0x1E400] =	vst v63  }
0x128: {  	_ =	swait.ge [sflag:s8], $0x2000  }
0x129: {  	[sflag:s8] =	ssyncset.done $0x0  }
0x12a: {  	[sflag:s8] =	ssyncadd.s32 $0xFFFFE000  }
0x12b: {  	[spmem:s1] =	stream.indirect.scatter.add.f32 [tilespmem:s23], [sflag:$0x8], $0x80, s22, s17, $0xb8;
	[tilespmem:$0x1E400] =	vst v63  }
0x12c: {  	_ =	swait.ge [sflag:s25], $0x2000  }
0x12d: {  	[sflag:s25] =	ssyncset.done $0x0  }
0x12e: {  	[sflag:s25] =	ssyncadd.s32 $0xFFFFE000  }
0x12f: {  	_ =	swait.ge [sflag:s30], $0x2000  }
0x130: {  	[sflag:s30] =	ssyncset.done $0x0  }
0x131: {  	[sflag:s30] =	ssyncadd.s32 $0xFFFFE000  }
0x132: {  	_ =	swait.ge [sflag:s5], $0x2000  }
0x133: {  	[sflag:s5] =	ssyncset.done $0x0  }
0x134: {  	[sflag:s5] =	ssyncadd.s32 $0xFFFFE000  }
0x135: {  	_ =	swait.ge [sflag:s10], $0x2000  }
0x136: {  	[sflag:s10] =	ssyncset.done $0x0  }
0x137: {  	[sflag:s10] =	ssyncadd.s32 $0xFFFFE000  }
0x138: {  	[bflag:$0x0] =	sbarrier.arrive $0xFFFF  }
0x139: {  	s2 =	rddreg [dreg:$0x9]  }
0x13a: {  	[hbm:s2], [sflag:s6] =	dma.local [spmem:s13], $0x2780  }
0x13b: {  	_ =	swait.ge [sflag:s14], $0x2780  }
0x13c: {  	s26 =	sadd.s32 $0x1, s26;
	s31 =	rddreg [dreg:$0xa]  }
0x13d: {  	p0 =	sne.s32 s26, s31  }
.Ltmp2:
0x13e: {  	_ = 	snop;
	(pc) =	sbr.rel @p0 .LBB2_1-.Ltmp2, $3  }
0x13f: {  	_ =	sdelay $0x1  }
0x140: {  	[sflag:s14] =	ssyncset.done $0x0  }
0x141: {  	[sflag:s14] =	ssyncadd.s32 $0xFFFFD880  }
0x142: {  	_ =	sfence.sel $0x180000  }
0x143: {  	[bflag:$0x0] =	sbarrier.arrive $0xFFFF  }
0x144: {  	_ =	strace $0x9000004D  }
0x145: {  	s0 =	stileid.u32;
	[bflag:$0x2] =	sbarrier.arrive $0xFFFF  }
0x146: {  	p0 =	sne.s32 s0, $0x0;
	s0 =	rddreg [dreg:$0x3]  }
0x147: {  	s0 =	sadd.s32 @!p0 $0x100000, s0  }
0x148: {  	[sflag:s0] =	ssyncadd.tile.s32 @!p0 $0x1;
	_ =	shalt  }
.Lfunc_end2:
_tile_overlayer_lowered:
.L_overlay_start_2:
0x149: {  	(tag) =	ssettag $0x2  }
0x14a: {  	s0 =	rddreg [dreg:$0x0];
	s2 =	stileid.u32  }
0x14b: {  	s1 =	rddreg [dreg:$0x1];
	p0 =	sne.s32 s2, $0x0  }
0x14c: {  	s3 =	rddreg [dreg:$0x2];
	[bflag:$0x3] =	sbarrier.arrive $0xFFFF;
	s2 =	simm.s32 @!p0 $0x1C09  }
0x14d: {  	[timem:s3], [sflag:s2] =	dma.local @!p0 [hbm:s0], s1  }
0x14e: {  	s0 =	simm.s32 @!p0 $0x9  }
0x14f: {  	_ =	swait.ge @!p0 [sflag:s0], s1  }
0x150: {  	s1 =	ssub.s32 @!p0 $0x0, s1;
	[sflag:s0] =	ssyncset.done @!p0 $0x0  }
0x151: {  	[sflag:s0] =	ssyncadd.s32 @!p0 s1  }
0x152: {  	[bflag:$0x3] =	sbarrier.arrive $0xFFFF  }
0x153: {  	_ =	shalt  }

// kernel: kernel.8.cloned.1.call-start
scs
__scs_entry_jumppad:
0x0: {  	(pc) =	sbr.rel $0x88, $3  }
0x1: {  	(tag) =	ssettag $0x0;
	lr =	simm.s32 $0x1  }
0x2: {  	[smem:$0x3F97] =	sst lr;
	_ =	strace $0xD0000000  }
0x3: {  	_ = 	snop  }
0x4: {  	_ = 	snop  }
0x5: {  	_ = 	snop  }
0x6: {  	_ = 	snop  }
0x7: {  	_ = 	snop  }
__scs_overlays_trampoline_lowered:
0x8: {  	[smem:$0x3FA6] =	sst s0  }
0x9: {  	[smem:$0x3FA7] =	sst s1  }
0xa: {  	[smem:$0x3FA8] =	sst s2  }
0xb: {  	[smem:$0x3FA9] =	sst s3  }
0xc: {  	[smem:$0x3FAA] =	sst s4  }
0xd: {  	[smem:$0x3FAB] =	sst s5  }
0xe: {  	[smem:$0x3FAC] =	sst s6  }
0xf: {  	[smem:$0x3FAD] =	sst s7  }
0x10: {  	[smem:$0x3FAE] =	sst s8  }
0x11: {  	[smem:$0x3FAF] =	sst s9;
	s0 =	simm.s32 @!p0 $0x0  }
0x12: {  	s1 =	sld [smem:$0x3F95];
	s0 =	simm.s32 @p0 $0x1  }
0x13: {  	[smem:$0x3FB0] =	sst s0;
	s0 =	simm.s32 @!p1 $0x0  }
0x14: {  	s2 =	sld [smem:$0x3F94];
	s0 =	simm.s32 @p1 $0x1  }
0x15: {  	[smem:$0x3FB1] =	sst s0;
	s0 =	simm.s32 @!p2 $0x0  }
0x16: {  	s3 =	sld [smem:$0x3FDB];
	s0 =	simm.s32 @p2 $0x1  }
0x17: {  	s4 =	simm.s32 $0x1BF5;
	[smem:$0x3FB3] =	sst s0  }
0x18: {  	s0 =	sld [smem:$0x3F96];
	_ =	swait.ge [sflag:s4], $0x0  }
0x19: {  	s7 =	sld [smem:$0x3F97]  }
0x1a: {  	s8 =	sadd.s32 $0xFFFFE003, lr  }
0x1b: {  	s9 =	sadd.s32 $0xFFFFFEF7, lr;
	s5 =	simm.s32 $0xFFFFFFFF;
	p2 =	slt.u32 s8, $0xFFFFF086  }
0x1c: {  	p1 =	slt.u32 s9, $0xF7A;
	s5 =	simm.s32 @!p2 $0x0  }
0x1d: {  	s5 =	simm.s32 @p1 $0x1;
	p0 =	seq.s32 s7, s2  }
0x1e: {  	s7 =	smul.u32 @!p0 $0xF7A, s2;
	p2 =	seq.s32 @!p0 s5, $0x0  }
0x1f: {  	s9 =	smul.u32 $0xF7A, s1;
	s8 =	simm.s32 @!p0 $0x1BF5;
	p2 =	por !p2, p0  }
0x20: {  	[sflag:s8] =	ssyncset.s32 @!p0 $0xFFFFF086;
	s6 =	sadd.s32 @!p0 s3, s7;
	s7 =	simm.s32 @!p0 $0x108  }
0x21: {  	s3 =	sadd.s32 s3, s9;
	s6 =	sadd.s32 @!p0 $0x88, s6;
	s7 =	simm.s32 @p2 $0x1082  }
0x22: {  	[simem:s7], [sflag:s8] =	dma.local @!p0 [hbm:s6], $0xF7A  }
0x23: {  	s9 =	sor.u32 $0xD0000000, s2;
	s6 =	simm.s32 $0x108;
	_ =	swait.ge @!p0 [sflag:s8], $0x0  }
0x24: {  	s3 =	sadd.s32 $0x88, s3;
	s6 =	simm.s32 @!p1 $0x1082;
	[sflag:s4] =	ssyncset.s32 $0xFFFFF086  }
0x25: {  	[simem:s6], [sflag:s4] =	dma.local [hbm:s3], $0xF7A  }
0x26: {  	[smem:$0x3F97] =	sst s1;
	(tag) =	ssettag s2;
	_ =	strace s9  }
0x27: {  	s1 =	sld [smem:$0x3FA7]  }
0x28: {  	s2 =	sld [smem:$0x3FA8]  }
0x29: {  	s4 =	sld [smem:$0x3FAA]  }
0x2a: {  	p0 =	seq.s32 s5, $0x0;
	s5 =	sld [smem:$0x3FAB]  }
0x2b: {  	s6 =	sld [smem:$0x3FAC]  }
0x2c: {  	s7 =	sld [smem:$0x3FAD]  }
0x2d: {  	s3 =	simm.s32 $0x108;
	s8 =	sld [smem:$0x3FAE]  }
0x2e: {  	s3 =	simm.s32 @!p0 $0x1082;
	s9 =	sld [smem:$0x3FAF]  }
0x2f: {  	lr =	sadd.s32 s0, s3;
	s0 =	sld [smem:$0x3FA6]  }
0x30: {  	s3 =	sld [smem:$0x3FA9]  }
0x31: {  	[smem:$0x3FB2] =	sst s10  }
0x32: {  	s10 =	sld [smem:$0x3FB0];
	_ =	sdelay $0x3  }
0x33: {  	p0 =	seq.s32 s10, $0x1;
	s10 =	sld [smem:$0x3FB2];
	_ =	sdelay $0x3  }
0x34: {  	[smem:$0x3FB2] =	sst s10  }
0x35: {  	s10 =	sld [smem:$0x3FB1];
	_ =	sdelay $0x3  }
0x36: {  	p1 =	seq.s32 s10, $0x1;
	s10 =	sld [smem:$0x3FB2];
	_ =	sdelay $0x3  }
0x37: {  	[smem:$0x3FB2] =	sst s10  }
0x38: {  	s10 =	sld [smem:$0x3FB3]  }
0x39: {  	_ = 	snop;
	(pc) =	sbr.ind lr, $3  }
0x3a: {  	_ = 	snop  }
0x3b: {  	_ = 	snop  }
0x3c: {  	p2 =	seq.s32 s10, $0x1;
	s10 =	sld [smem:$0x3FB2]  }
0x3d: {  	_ =	shalt  }
0x3e: {  	_ =	shalt  }
0x3f: {  	_ =	shalt  }
0x40: {  	_ =	shalt  }
0x41: {  	_ =	shalt  }
0x42: {  	_ =	shalt  }
0x43: {  	_ =	shalt  }
0x44: {  	_ =	shalt  }
0x45: {  	_ =	shalt  }
0x46: {  	_ =	shalt  }
0x47: {  	_ =	shalt  }
0x48: {  	_ =	shalt  }
0x49: {  	_ =	shalt  }
0x4a: {  	_ =	shalt  }
0x4b: {  	_ =	shalt  }
0x4c: {  	_ =	shalt  }
0x4d: {  	_ =	shalt  }
0x4e: {  	_ =	shalt  }
0x4f: {  	_ =	shalt  }
0x50: {  	_ =	shalt  }
0x51: {  	_ =	shalt  }
0x52: {  	_ =	shalt  }
0x53: {  	_ =	shalt  }
0x54: {  	_ =	shalt  }
0x55: {  	_ =	shalt  }
0x56: {  	_ =	shalt  }
0x57: {  	_ =	shalt  }
0x58: {  	_ =	shalt  }
0x59: {  	_ =	shalt  }
0x5a: {  	_ =	shalt  }
0x5b: {  	_ =	shalt  }
0x5c: {  	_ =	shalt  }
0x5d: {  	_ =	shalt  }
0x5e: {  	_ =	shalt  }
0x5f: {  	_ =	shalt  }
0x60: {  	_ =	shalt  }
0x61: {  	_ =	shalt  }
0x62: {  	_ =	shalt  }
0x63: {  	_ =	shalt  }
0x64: {  	_ =	shalt  }
0x65: {  	_ =	shalt  }
0x66: {  	_ =	shalt  }
0x67: {  	_ =	shalt  }
0x68: {  	_ =	shalt  }
0x69: {  	_ =	shalt  }
0x6a: {  	_ =	shalt  }
0x6b: {  	_ =	shalt  }
0x6c: {  	_ =	shalt  }
0x6d: {  	_ =	shalt  }
0x6e: {  	_ =	shalt  }
0x6f: {  	_ =	shalt  }
0x70: {  	_ =	shalt  }
0x71: {  	_ =	shalt  }
0x72: {  	_ =	shalt  }
0x73: {  	_ =	shalt  }
0x74: {  	_ =	shalt  }
0x75: {  	_ =	shalt  }
0x76: {  	_ =	shalt  }
0x77: {  	_ =	shalt  }
0x78: {  	_ =	shalt  }
0x79: {  	_ =	shalt  }
0x7a: {  	_ =	shalt  }
0x7b: {  	_ =	shalt  }
0x7c: {  	_ =	shalt  }
0x7d: {  	_ =	shalt  }
0x7e: {  	_ =	shalt  }
0x7f: {  	_ =	shalt  }
0x80: {  	_ =	shalt  }
0x81: {  	_ =	shalt  }
0x82: {  	_ =	shalt  }
0x83: {  	_ =	shalt  }
0x84: {  	_ =	shalt  }
0x85: {  	_ =	shalt  }
0x86: {  	_ =	shalt  }
0x87: {  	_ =	shalt  }
.Lfunc_end0:
.L_simem_size_0:
called_computation_lowered:
.L_overlay_start_0:
0x88: {  	s2 =	sld [smem:$0x3FD9]  }
0x89: {  	s3 =	sld [smem:$0x3FFE];
	_ =	sdelay $0x1  }
0x8a: {  	s1 =	srdreg.scid  }
0x8b: {  	s0 =	sand.u32 $0x1, s1  }
0x8c: {  	s16 =	sshll.u32 s0, $0xA;
	s2 =	sadd.s32 s3, s2  }
0x8d: {  	s2 =	sadd.s32 s2, s16  }
0x8e: {  	[smem:$0x3FBE] =	sst s2  }
0x8f: {  	_ = 	snop  }
0x90: {  	(tm) =	ssettm $0x1  }
0x91: {  	s17 =	sld [smem:$0x3FFB];
	_ =	sdelay $0x3  }
0x92: {  	_ =	strace s17  }
0x93: {  	s2 =	sld [smem:$0x3FFC];
	_ =	sdelay $0x3  }
0x94: {  	_ =	strace s2  }
0x95: {  	s2 =	sld [smem:$0x3FFD];
	_ =	sdelay $0x3  }
0x96: {  	_ =	strace s2  }
0x97: {  	_ =	strace $0x8FFFFFFF  }
0x98: {  	s18 =	sld [smem:$0x3FDB];
	_ =	sdelay $0x1  }
0x99: {  	s19 =	simm.s32 $_scs_section_size  }
0x9a: {  	s4 =	simm.s32 $_size__tile_overlayer_lowered;
	s5 =	simm.s32 $_tile_overlayer_lowered  }
0x9b: {  	s22 =	simm.s32 $0x1BFF;
	s21 =	sshll.u32 s5, $0x1;
	s2 =	sadd.s32 s19, s18  }
0x9c: {  	s6 =	simm.s32 $0x0;
	s20 =	sshll.u32 s4, $0x1;
	s4 =	sadd.s32 s21, s2  }
0x9d: {  	[timem:s6], [sflag:s22] =	dma.local [hbm:s4], s20  }
0x9e: {  	_ =	swait.ge [sflag:s22], s20  }
0x9f: {  	s3 =	ssub.s32 $0x0, s20;
	[sflag:s22] =	ssyncset.done $0x0  }
0xa0: {  	[sflag:s22] =	ssyncadd.s32 s3;
	_ =	sdelay $0x1  }
0xa1: {  	s23 =	simm.s32 $0x1B8B  }
0xa2: {  	_ =	swait.ge [sflag:s23], $0x1  }
0xa3: {  	[sflag:s23] =	ssyncset.done $0x0  }
0xa4: {  	s25 =	simm.s32 $0x1B8E;
	s24 =	sld [smem:$0x3FFE];
	[sflag:s23] =	ssyncadd.s32 $0xFFFFFFFF  }
0xa5: {  	s26 =	simm.s32 $execute0_lowered;
	[smem:$0x3FD2] =	sst s25  }
0xa6: {  	s4 =	sshll.u32 s26, $0x1;
	_ =	strace $0x80000046;
	[dreg:$0x1] =	wrdreg $0xFFFFFFFF  }
0xa7: {  	s28 =	simm.s32 $_size_execute0_lowered;
	s2 =	sadd.s32 s2, s4;
	[dreg:$0x0] =	wrdreg $0x0  }
0xa8: {  	s4 =	sshll.u32 s28, $0x1;
	[dreg:$0x2] =	wrdreg s2  }
0xa9: {  	[dreg:$0x3] =	wrdreg s4  }
0xaa: {  	[dreg:$0x4] =	wrdreg $0xC0  }
0xab: {  	_ =	task [dreg:s6], $0x5FFFF  }
0xac: {  	[dreg:$0x1] =	wrdreg $0xFFFFFFFF  }
0xad: {  	[dreg:$0x0] =	wrdreg $0x60  }
0xae: {  	[dreg:$0x2] =	wrdreg s24  }
0xaf: {  	[dreg:$0x3] =	wrdreg $0x14800  }
0xb0: {  	[dreg:$0x4] =	wrdreg $0x9  }
0xb1: {  	_ =	task.clear_ibuf [dreg:s6], $0x5FFFF;
	_ =	strace $0x90000046  }
0xb2: {  	s29 =	simm.s32 $0x9;
	_ =	strace $0x80000048  }
0xb3: {  	_ =	swait.ge [sflag:s29], $0x1  }
0xb4: {  	[sflag:s29] =	ssyncadd.s32 $0xFFFFFFFF  }
0xb5: {  	_ =	strace $0x90000048  }
0xb6: {  	_ =	sfence  }
0xb7: {  	s30 =	sld [smem:$0x0];
	_ =	sdelay $0x2  }
0xb8: {  	s31 =	sshll.u32 s1, $0xD;
	s1 =	sshrl.u32 s1, $0x2  }
0xb9: {  	s3 =	sand.u32 $0x4000, s31;
	s1 =	sadd.s32 s1, s30  }
0xba: {  	s0 =	sor.u32 s3, s0;
	s1 =	sshll.u32 s1, $0x11  }
0xbb: {  	s0 =	sor.u32 s1, s0  }
0xbc: {  	s0 =	sadd.s32 $0x8F2B, s0  }
0xbd: {  	[sflag:s0] =	ssyncadd.remote.s32 $0x1  }
0xbe: {  	_ =	sfence.sel $0xFFFF  }
0xbf: {  	[dreg:$0x0] =	wrdreg $0xFFFFFFFF;
	(pc) =	sbr.abs _section_cstart, $3  }
0xc0: {  	[dreg:$0x1] =	wrdreg $0xFFFFFFFF  }
0xc1: {  	_ =	task.clear_ibuf [dreg:s6], $0x2FFFF;
	_ =	strace $0x9FFFFFFF  }
0xc2: {  	(tm) =	ssettm $0x7FFFFFFF  }
0xc3: {  	_ =	shalt  }
tec
execute0_lowered:
.L_overlay_start_1:
0x0: {  	(tag) =	ssettag $0x1  }
0x1: {  	s0 =	srdreg.scid  }
0x2: {  	s22 =	rddreg [dreg:$0x0];
	s6 =	sand.u32 $0x1, s0  }
0x3: {  	s3 =	stileid.u32;
	s1 =	rddreg [dreg:$0x1];
	s2 =	sshll.u32 s6, $0x4  }
0x4: {  	s5 =	sadd.s32 $0xD800, s22;
	s24 =	smul.u32 $0x4F0, s6;
	s4 =	sor.u32 s3, s2  }
0x5: {  	[dreg:$0x9] =	wrdreg s6;
	s2 =	simm.s32 $0x0;
	s4 =	smul.u32 $0x2800, s4  }
0x6: {  	s23 =	sadd.s32 $0xDA00, s22;
	[smem:$0x7FF] =	sst s2;
	s0 =	sadd.s32 s24, s22  }
0x7: {  	_ =	strace $0x80000047;
	[dreg:$0x3] =	wrdreg s5;
	s4 =	sshrl.u32 s4, $0x3  }
0x8: {  	[dreg:$0x4] =	wrdreg s23;
	s0 =	sadd.s32 $0xE000, s0;
	s4 =	sadd.s32 s4, s22  }
0x9: {  	[dreg:$0x7] =	wrdreg s0;
	s25 =	sadd.s32 $0x3800, s4  }
0xa: {  	p0 =	sne.s32 s3, $0x0;
	s4 =	sadd.s32 $0x3A80, s4;
	[dreg:$0x5] =	wrdreg s25  }
0xb: {  	s30 =	simm.s32 @!p0 $0x5;
	[dreg:$0x6] =	wrdreg s4  }
0xc: {  	s5 =	sshrl.u32 @!p0 s1, $0x3;
	s0 =	simm.s32 @!p0 $0x1C05;
	s4 =	rddreg [dreg:$0x4]  }
0xd: {  	[spmem:s5], [sflag:s0] =	dma.local @!p0 [hbm:s4], $0x4F0  }
0xe: {  	_ =	swait.ge @!p0 [sflag:s30], $0x4F0  }
0xf: {  	[sflag:s30] =	ssyncset.done @!p0 $0x0  }
0x10: {  	s3 =	simm.s32 $0x5;
	s26 =	rddreg [dreg:$0x3];
	[sflag:s30] =	ssyncadd.s32 @!p0 $0xFFFFFB10  }
0x11: {  	[tilespmem:s2], [sflag:$0x5] =	stream.linear.gather [hbm4b:s26+s2], $0x80, $0x38;
	[tilespmem:$0x16F8] =	vst v63  }
0x12: {  	_ =	swait.ge [sflag:s3], $0x80  }
0x13: {  	[sflag:s3] =	ssyncset.done $0x0  }
0x14: {  	[sflag:s3] =	ssyncadd.s32 $0xFFFFFF80  }
0x15: {  	[bflag:$0x0] =	sbarrier.arrive $0xFFFF  }
0x16: {  	s7 =	simm.s32 $0x80;
	s28 =	rddreg [dreg:$0x5]  }
0x17: {  	[tilespmem:s7], [sflag:$0x5] =	stream.linear.gather [hbm4b:s28+s2], $0x1400, $0x38;
	[tilespmem:$0x16F8] =	vst v63  }
0x18: {  	_ =	swait.ge [sflag:s3], $0x1400  }
0x19: {  	[sflag:s3] =	ssyncset.done $0x0  }
0x1a: {  	[sflag:s3] =	ssyncadd.s32 $0xFFFFEC00  }
0x1b: {  	[spmem:s1] =	stream.indirect.scatter.add.f32 [tilespmem:s2], [sflag:$0x1], $0x1, s7, s7, $0xb8;
	[tilespmem:$0x16F8] =	vst v63  }
0x1c: {  	s29 =	simm.s32 $0x100  }
0x1d: {  	[spmem:s1] =	stream.indirect.scatter.add.f32 [tilespmem:s2], [sflag:$0x2], $0x1, s29, s7, $0xb8;
	[tilespmem:$0x16F8] =	vst v63  }
0x1e: {  	s4 =	simm.s32 $0x180  }
0x1f: {  	[spmem:s1] =	stream.indirect.scatter.add.f32 [tilespmem:s2], [sflag:$0x3], $0x1, s4, s7, $0xb8;
	[tilespmem:$0x16F8] =	vst v63  }
0x20: {  	s11 =	simm.s32 $0x1;
	s6 =	simm.s32 $0x200  }
0x21: {  	[spmem:s1] =	stream.indirect.scatter.add.f32 [tilespmem:s2], [sflag:$0x4], $0x1, s6, s7, $0xb8;
	[tilespmem:$0x16F8] =	vst v63  }
0x22: {  	_ =	swait.ge [sflag:s11], $0x80  }
0x23: {  	[sflag:s11] =	ssyncset.done $0x0  }
0x24: {  	s8 =	simm.s32 $0x280;
	s13 =	simm.s32 $0x2;
	[sflag:s11] =	ssyncadd.s32 $0xFFFFFF80  }
0x25: {  	[spmem:s1] =	stream.indirect.scatter.add.f32 [tilespmem:s2], [sflag:$0x1], $0x1, s8, s7, $0xb8;
	[tilespmem:$0x16F8] =	vst v63  }
0x26: {  	_ =	swait.ge [sflag:s13], $0x80  }
0x27: {  	[sflag:s13] =	ssyncset.done $0x0  }
0x28: {  	s9 =	simm.s32 $0x300;
	s15 =	simm.s32 $0x3;
	[sflag:s13] =	ssyncadd.s32 $0xFFFFFF80  }
0x29: {  	[spmem:s1] =	stream.indirect.scatter.add.f32 [tilespmem:s2], [sflag:$0x2], $0x1, s9, s7, $0xb8;
	[tilespmem:$0x16F8] =	vst v63  }
0x2a: {  	_ =	swait.ge [sflag:s15], $0x80  }
0x2b: {  	[sflag:s15] =	ssyncset.done $0x0  }
0x2c: {  	s10 =	simm.s32 $0x380;
	s17 =	simm.s32 $0x4;
	[sflag:s15] =	ssyncadd.s32 $0xFFFFFF80  }
0x2d: {  	[spmem:s1] =	stream.indirect.scatter.add.f32 [tilespmem:s2], [sflag:$0x3], $0x1, s10, s7, $0xb8;
	[tilespmem:$0x16F8] =	vst v63  }
0x2e: {  	_ =	swait.ge [sflag:s17], $0x80  }
0x2f: {  	[sflag:s17] =	ssyncset.done $0x0  }
0x30: {  	s12 =	simm.s32 $0x400;
	[sflag:s17] =	ssyncadd.s32 $0xFFFFFF80  }
0x31: {  	[spmem:s1] =	stream.indirect.scatter.add.f32 [tilespmem:s2], [sflag:$0x4], $0x1, s12, s7, $0xb8;
	[tilespmem:$0x16F8] =	vst v63  }
0x32: {  	_ =	swait.ge [sflag:s11], $0x80  }
0x33: {  	[sflag:s11] =	ssyncset.done $0x0  }
0x34: {  	s14 =	simm.s32 $0x480;
	[sflag:s11] =	ssyncadd.s32 $0xFFFFFF80  }
0x35: {  	[spmem:s1] =	stream.indirect.scatter.add.f32 [tilespmem:s2], [sflag:$0x1], $0x1, s14, s7, $0xb8;
	[tilespmem:$0x16F8] =	vst v63  }
0x36: {  	_ =	swait.ge [sflag:s13], $0x80  }
0x37: {  	[sflag:s13] =	ssyncset.done $0x0  }
0x38: {  	s16 =	simm.s32 $0x500;
	[sflag:s13] =	ssyncadd.s32 $0xFFFFFF80  }
0x39: {  	[spmem:s1] =	stream.indirect.scatter.add.f32 [tilespmem:s2], [sflag:$0x2], $0x1, s16, s7, $0xb8;
	[tilespmem:$0x16F8] =	vst v63  }
0x3a: {  	_ =	swait.ge [sflag:s15], $0x80  }
0x3b: {  	[sflag:s15] =	ssyncset.done $0x0  }
0x3c: {  	s18 =	simm.s32 $0x580;
	[sflag:s15] =	ssyncadd.s32 $0xFFFFFF80  }
0x3d: {  	[spmem:s1] =	stream.indirect.scatter.add.f32 [tilespmem:s2], [sflag:$0x3], $0x1, s18, s7, $0xb8;
	[tilespmem:$0x16F8] =	vst v63  }
0x3e: {  	_ =	swait.ge [sflag:s17], $0x80  }
0x3f: {  	[sflag:s17] =	ssyncset.done $0x0  }
0x40: {  	s19 =	simm.s32 $0x600;
	[sflag:s17] =	ssyncadd.s32 $0xFFFFFF80  }
0x41: {  	[spmem:s1] =	stream.indirect.scatter.add.f32 [tilespmem:s2], [sflag:$0x4], $0x1, s19, s7, $0xb8;
	[tilespmem:$0x16F8] =	vst v63  }
0x42: {  	_ =	swait.ge [sflag:s11], $0x80  }
0x43: {  	[sflag:s11] =	ssyncset.done $0x0  }
0x44: {  	s20 =	simm.s32 $0x680;
	[sflag:s11] =	ssyncadd.s32 $0xFFFFFF80  }
0x45: {  	[spmem:s1] =	stream.indirect.scatter.add.f32 [tilespmem:s2], [sflag:$0x1], $0x1, s20, s7, $0xb8;
	[tilespmem:$0x16F8] =	vst v63  }
0x46: {  	_ =	swait.ge [sflag:s13], $0x80  }
0x47: {  	[sflag:s13] =	ssyncset.done $0x0  }
0x48: {  	s21 =	simm.s32 $0x700;
	[sflag:s13] =	ssyncadd.s32 $0xFFFFFF80  }
0x49: {  	[spmem:s1] =	stream.indirect.scatter.add.f32 [tilespmem:s2], [sflag:$0x2], $0x1, s21, s7, $0xb8;
	[tilespmem:$0x16F8] =	vst v63  }
0x4a: {  	_ =	swait.ge [sflag:s15], $0x80  }
0x4b: {  	[sflag:s15] =	ssyncset.done $0x0  }
0x4c: {  	s22 =	simm.s32 $0x780;
	[sflag:s15] =	ssyncadd.s32 $0xFFFFFF80  }
0x4d: {  	[spmem:s1] =	stream.indirect.scatter.add.f32 [tilespmem:s2], [sflag:$0x3], $0x1, s22, s7, $0xb8;
	[tilespmem:$0x16F8] =	vst v63  }
0x4e: {  	_ =	swait.ge [sflag:s17], $0x80  }
0x4f: {  	[sflag:s17] =	ssyncset.done $0x0  }
0x50: {  	s23 =	simm.s32 $0x800;
	[sflag:s17] =	ssyncadd.s32 $0xFFFFFF80  }
0x51: {  	[spmem:s1] =	stream.indirect.scatter.add.f32 [tilespmem:s2], [sflag:$0x4], $0x1, s23, s7, $0xb8;
	[tilespmem:$0x16F8] =	vst v63  }
0x52: {  	_ =	swait.ge [sflag:s11], $0x80  }
0x53: {  	[sflag:s11] =	ssyncset.done $0x0  }
0x54: {  	s24 =	simm.s32 $0x880;
	[sflag:s11] =	ssyncadd.s32 $0xFFFFFF80  }
0x55: {  	[spmem:s1] =	stream.indirect.scatter.add.f32 [tilespmem:s2], [sflag:$0x1], $0x1, s24, s7, $0xb8;
	[tilespmem:$0x16F8] =	vst v63  }
0x56: {  	_ =	swait.ge [sflag:s13], $0x80  }
0x57: {  	[sflag:s13] =	ssyncset.done $0x0  }
0x58: {  	s25 =	simm.s32 $0x900;
	[sflag:s13] =	ssyncadd.s32 $0xFFFFFF80  }
0x59: {  	[spmem:s1] =	stream.indirect.scatter.add.f32 [tilespmem:s2], [sflag:$0x2], $0x1, s25, s7, $0xb8;
	[tilespmem:$0x16F8] =	vst v63  }
0x5a: {  	_ =	swait.ge [sflag:s15], $0x80  }
0x5b: {  	[sflag:s15] =	ssyncset.done $0x0  }
0x5c: {  	s26 =	simm.s32 $0x980;
	[sflag:s15] =	ssyncadd.s32 $0xFFFFFF80  }
0x5d: {  	[spmem:s1] =	stream.indirect.scatter.add.f32 [tilespmem:s2], [sflag:$0x3], $0x1, s26, s7, $0xb8;
	[tilespmem:$0x16F8] =	vst v63  }
0x5e: {  	_ =	swait.ge [sflag:s17], $0x80  }
0x5f: {  	[sflag:s17] =	ssyncset.done $0x0  }
0x60: {  	s28 =	simm.s32 $0xA00;
	[sflag:s17] =	ssyncadd.s32 $0xFFFFFF80  }
0x61: {  	[spmem:s1] =	stream.indirect.scatter.add.f32 [tilespmem:s2], [sflag:$0x4], $0x1, s28, s7, $0xb8;
	[tilespmem:$0x16F8] =	vst v63  }
0x62: {  	_ =	swait.ge [sflag:s11], $0x80  }
0x63: {  	[sflag:s11] =	ssyncset.done $0x0  }
0x64: {  	s29 =	simm.s32 $0xA80;
	[sflag:s11] =	ssyncadd.s32 $0xFFFFFF80  }
0x65: {  	[spmem:s1] =	stream.indirect.scatter.add.f32 [tilespmem:s2], [sflag:$0x1], $0x1, s29, s7, $0xb8;
	[tilespmem:$0x16F8] =	vst v63  }
0x66: {  	_ =	swait.ge [sflag:s13], $0x80  }
0x67: {  	[sflag:s13] =	ssyncset.done $0x0  }
0x68: {  	s28 =	simm.s32 $0xB00;
	[sflag:s13] =	ssyncadd.s32 $0xFFFFFF80  }
0x69: {  	[spmem:s1] =	stream.indirect.scatter.add.f32 [tilespmem:s2], [sflag:$0x2], $0x1, s28, s7, $0xb8;
	[tilespmem:$0x16F8] =	vst v63  }
0x6a: {  	_ =	swait.ge [sflag:s15], $0x80  }
0x6b: {  	[sflag:s15] =	ssyncset.done $0x0  }
0x6c: {  	s26 =	simm.s32 $0xB80;
	[sflag:s15] =	ssyncadd.s32 $0xFFFFFF80  }
0x6d: {  	[spmem:s1] =	stream.indirect.scatter.add.f32 [tilespmem:s2], [sflag:$0x3], $0x1, s26, s7, $0xb8;
	[tilespmem:$0x16F8] =	vst v63  }
0x6e: {  	_ =	swait.ge [sflag:s17], $0x80  }
0x6f: {  	[sflag:s17] =	ssyncset.done $0x0  }
0x70: {  	s25 =	simm.s32 $0xC00;
	[sflag:s17] =	ssyncadd.s32 $0xFFFFFF80  }
0x71: {  	[spmem:s1] =	stream.indirect.scatter.add.f32 [tilespmem:s2], [sflag:$0x4], $0x1, s25, s7, $0xb8;
	[tilespmem:$0x16F8] =	vst v63  }
0x72: {  	_ =	swait.ge [sflag:s11], $0x80  }
0x73: {  	[sflag:s11] =	ssyncset.done $0x0  }
0x74: {  	s24 =	simm.s32 $0xC80;
	[sflag:s11] =	ssyncadd.s32 $0xFFFFFF80  }
0x75: {  	[spmem:s1] =	stream.indirect.scatter.add.f32 [tilespmem:s2], [sflag:$0x1], $0x1, s24, s7, $0xb8;
	[tilespmem:$0x16F8] =	vst v63  }
0x76: {  	_ =	swait.ge [sflag:s13], $0x80  }
0x77: {  	[sflag:s13] =	ssyncset.done $0x0  }
0x78: {  	s23 =	simm.s32 $0xD00;
	[sflag:s13] =	ssyncadd.s32 $0xFFFFFF80  }
0x79: {  	[spmem:s1] =	stream.indirect.scatter.add.f32 [tilespmem:s2], [sflag:$0x2], $0x1, s23, s7, $0xb8;
	[tilespmem:$0x16F8] =	vst v63  }
0x7a: {  	_ =	swait.ge [sflag:s15], $0x80  }
0x7b: {  	[sflag:s15] =	ssyncset.done $0x0  }
0x7c: {  	s22 =	simm.s32 $0xD80;
	[sflag:s15] =	ssyncadd.s32 $0xFFFFFF80  }
0x7d: {  	[spmem:s1] =	stream.indirect.scatter.add.f32 [tilespmem:s2], [sflag:$0x3], $0x1, s22, s7, $0xb8;
	[tilespmem:$0x16F8] =	vst v63  }
0x7e: {  	_ =	swait.ge [sflag:s17], $0x80  }
0x7f: {  	[sflag:s17] =	ssyncset.done $0x0  }
0x80: {  	s21 =	simm.s32 $0xE00;
	[sflag:s17] =	ssyncadd.s32 $0xFFFFFF80  }
0x81: {  	[spmem:s1] =	stream.indirect.scatter.add.f32 [tilespmem:s2], [sflag:$0x4], $0x1, s21, s7, $0xb8;
	[tilespmem:$0x16F8] =	vst v63  }
0x82: {  	_ =	swait.ge [sflag:s11], $0x80  }
0x83: {  	[sflag:s11] =	ssyncset.done $0x0  }
0x84: {  	s20 =	simm.s32 $0xE80;
	[sflag:s11] =	ssyncadd.s32 $0xFFFFFF80  }
0x85: {  	[spmem:s1] =	stream.indirect.scatter.add.f32 [tilespmem:s2], [sflag:$0x1], $0x1, s20, s7, $0xb8;
	[tilespmem:$0x16F8] =	vst v63  }
0x86: {  	_ =	swait.ge [sflag:s13], $0x80  }
0x87: {  	[sflag:s13] =	ssyncset.done $0x0  }
0x88: {  	s19 =	simm.s32 $0xF00;
	[sflag:s13] =	ssyncadd.s32 $0xFFFFFF80  }
0x89: {  	[spmem:s1] =	stream.indirect.scatter.add.f32 [tilespmem:s2], [sflag:$0x2], $0x1, s19, s7, $0xb8;
	[tilespmem:$0x16F8] =	vst v63  }
0x8a: {  	_ =	swait.ge [sflag:s15], $0x80  }
0x8b: {  	[sflag:s15] =	ssyncset.done $0x0  }
0x8c: {  	s18 =	simm.s32 $0xF80;
	[sflag:s15] =	ssyncadd.s32 $0xFFFFFF80  }
0x8d: {  	[spmem:s1] =	stream.indirect.scatter.add.f32 [tilespmem:s2], [sflag:$0x3], $0x1, s18, s7, $0xb8;
	[tilespmem:$0x16F8] =	vst v63  }
0x8e: {  	_ =	swait.ge [sflag:s17], $0x80  }
0x8f: {  	[sflag:s17] =	ssyncset.done $0x0  }
0x90: {  	s16 =	simm.s32 $0x1000;
	[sflag:s17] =	ssyncadd.s32 $0xFFFFFF80  }
0x91: {  	[spmem:s1] =	stream.indirect.scatter.add.f32 [tilespmem:s2], [sflag:$0x4], $0x1, s16, s7, $0xb8;
	[tilespmem:$0x16F8] =	vst v63  }
0x92: {  	_ =	swait.ge [sflag:s11], $0x80  }
0x93: {  	[sflag:s11] =	ssyncset.done $0x0  }
0x94: {  	s14 =	simm.s32 $0x1080;
	[sflag:s11] =	ssyncadd.s32 $0xFFFFFF80  }
0x95: {  	[spmem:s1] =	stream.indirect.scatter.add.f32 [tilespmem:s2], [sflag:$0x1], $0x1, s14, s7, $0xb8;
	[tilespmem:$0x16F8] =	vst v63  }
0x96: {  	_ =	swait.ge [sflag:s13], $0x80  }
0x97: {  	[sflag:s13] =	ssyncset.done $0x0  }
0x98: {  	s12 =	simm.s32 $0x1100;
	[sflag:s13] =	ssyncadd.s32 $0xFFFFFF80  }
0x99: {  	[spmem:s1] =	stream.indirect.scatter.add.f32 [tilespmem:s2], [sflag:$0x2], $0x1, s12, s7, $0xb8;
	[tilespmem:$0x16F8] =	vst v63  }
0x9a: {  	_ =	swait.ge [sflag:s15], $0x80  }
0x9b: {  	[sflag:s15] =	ssyncset.done $0x0  }
0x9c: {  	s10 =	simm.s32 $0x1180;
	[sflag:s15] =	ssyncadd.s32 $0xFFFFFF80  }
0x9d: {  	[spmem:s1] =	stream.indirect.scatter.add.f32 [tilespmem:s2], [sflag:$0x3], $0x1, s10, s7, $0xb8;
	[tilespmem:$0x16F8] =	vst v63  }
0x9e: {  	_ =	swait.ge [sflag:s17], $0x80  }
0x9f: {  	[sflag:s17] =	ssyncset.done $0x0  }
0xa0: {  	s9 =	simm.s32 $0x1200;
	[sflag:s17] =	ssyncadd.s32 $0xFFFFFF80  }
0xa1: {  	[spmem:s1] =	stream.indirect.scatter.add.f32 [tilespmem:s2], [sflag:$0x4], $0x1, s9, s7, $0xb8;
	[tilespmem:$0x16F8] =	vst v63  }
0xa2: {  	_ =	swait.ge [sflag:s11], $0x80  }
0xa3: {  	[sflag:s11] =	ssyncset.done $0x0  }
0xa4: {  	s8 =	simm.s32 $0x1280;
	[sflag:s11] =	ssyncadd.s32 $0xFFFFFF80  }
0xa5: {  	[spmem:s1] =	stream.indirect.scatter.add.f32 [tilespmem:s2], [sflag:$0x1], $0x1, s8, s7, $0xb8;
	[tilespmem:$0x16F8] =	vst v63  }
0xa6: {  	_ =	swait.ge [sflag:s13], $0x80  }
0xa7: {  	[sflag:s13] =	ssyncset.done $0x0  }
0xa8: {  	s6 =	simm.s32 $0x1300;
	[sflag:s13] =	ssyncadd.s32 $0xFFFFFF80  }
0xa9: {  	[spmem:s1] =	stream.indirect.scatter.add.f32 [tilespmem:s2], [sflag:$0x2], $0x1, s6, s7, $0xb8;
	[tilespmem:$0x16F8] =	vst v63  }
0xaa: {  	_ =	swait.ge [sflag:s15], $0x80  }
0xab: {  	[sflag:s15] =	ssyncset.done $0x0  }
0xac: {  	s4 =	simm.s32 $0x1380;
	[sflag:s15] =	ssyncadd.s32 $0xFFFFFF80  }
0xad: {  	[spmem:s1] =	stream.indirect.scatter.add.f32 [tilespmem:s2], [sflag:$0x3], $0x1, s4, s7, $0xb8;
	[tilespmem:$0x16F8] =	vst v63  }
0xae: {  	_ =	swait.ge [sflag:s17], $0x80  }
0xaf: {  	[sflag:s17] =	ssyncset.done $0x0  }
0xb0: {  	s0 =	simm.s32 $0x1400;
	[sflag:s17] =	ssyncadd.s32 $0xFFFFFF80  }
0xb1: {  	[spmem:s1] =	stream.indirect.scatter.add.f32 [tilespmem:s2], [sflag:$0x4], $0x1, s0, s7, $0xb8;
	[tilespmem:$0x16F8] =	vst v63  }
0xb2: {  	_ =	swait.ge [sflag:s11], $0x80  }
0xb3: {  	[sflag:s11] =	ssyncset.done $0x0  }
0xb4: {  	[sflag:s11] =	ssyncadd.s32 $0xFFFFFF80  }
0xb5: {  	_ =	swait.ge [sflag:s13], $0x80  }
0xb6: {  	[sflag:s13] =	ssyncset.done $0x0  }
0xb7: {  	[sflag:s13] =	ssyncadd.s32 $0xFFFFFF80  }
0xb8: {  	_ =	swait.ge [sflag:s15], $0x80  }
0xb9: {  	[sflag:s15] =	ssyncset.done $0x0  }
0xba: {  	[sflag:s15] =	ssyncadd.s32 $0xFFFFFF80  }
0xbb: {  	_ =	swait.ge [sflag:s17], $0x80  }
0xbc: {  	[sflag:s17] =	ssyncset.done $0x0  }
0xbd: {  	s31 =	rddreg [dreg:$0x6];
	[sflag:s17] =	ssyncadd.s32 $0xFFFFFF80  }
0xbe: {  	[tilespmem:s7], [sflag:$0x5] =	stream.linear.gather [hbm4b:s31+s2], $0x1400, $0x38;
	[tilespmem:$0x16F8] =	vst v63  }
0xbf: {  	_ =	swait.ge [sflag:s3], $0x1400  }
0xc0: {  	[sflag:s3] =	ssyncset.done $0x0  }
0xc1: {  	[sflag:s3] =	ssyncadd.s32 $0xFFFFEC00  }
0xc2: {  	[spmem:s1] =	stream.indirect.scatter.add.f32 [tilespmem:s2], [sflag:$0x1], $0x1, s7, s7, $0xb8;
	[tilespmem:$0x16F8] =	vst v63  }
0xc3: {  	s3 =	simm.s32 $0x100  }
0xc4: {  	[spmem:s1] =	stream.indirect.scatter.add.f32 [tilespmem:s2], [sflag:$0x2], $0x1, s3, s7, $0xb8;
	[tilespmem:$0x16F8] =	vst v63  }
0xc5: {  	s3 =	simm.s32 $0x180  }
0xc6: {  	[spmem:s1] =	stream.indirect.scatter.add.f32 [tilespmem:s2], [sflag:$0x3], $0x1, s3, s7, $0xb8;
	[tilespmem:$0x16F8] =	vst v63  }
0xc7: {  	s3 =	simm.s32 $0x200  }
0xc8: {  	[spmem:s1] =	stream.indirect.scatter.add.f32 [tilespmem:s2], [sflag:$0x4], $0x1, s3, s7, $0xb8;
	[tilespmem:$0x16F8] =	vst v63  }
0xc9: {  	_ =	swait.ge [sflag:s11], $0x80  }
0xca: {  	[sflag:s11] =	ssyncset.done $0x0  }
0xcb: {  	s3 =	simm.s32 $0x280;
	[sflag:s11] =	ssyncadd.s32 $0xFFFFFF80  }
0xcc: {  	[spmem:s1] =	stream.indirect.scatter.add.f32 [tilespmem:s2], [sflag:$0x1], $0x1, s3, s7, $0xb8;
	[tilespmem:$0x16F8] =	vst v63  }
0xcd: {  	_ =	swait.ge [sflag:s13], $0x80  }
0xce: {  	[sflag:s13] =	ssyncset.done $0x0  }
0xcf: {  	s3 =	simm.s32 $0x300;
	[sflag:s13] =	ssyncadd.s32 $0xFFFFFF80  }
0xd0: {  	[spmem:s1] =	stream.indirect.scatter.add.f32 [tilespmem:s2], [sflag:$0x2], $0x1, s3, s7, $0xb8;
	[tilespmem:$0x16F8] =	vst v63  }
0xd1: {  	_ =	swait.ge [sflag:s15], $0x80  }
0xd2: {  	[sflag:s15] =	ssyncset.done $0x0  }
0xd3: {  	s3 =	simm.s32 $0x380;
	[sflag:s15] =	ssyncadd.s32 $0xFFFFFF80  }
0xd4: {  	[spmem:s1] =	stream.indirect.scatter.add.f32 [tilespmem:s2], [sflag:$0x3], $0x1, s3, s7, $0xb8;
	[tilespmem:$0x16F8] =	vst v63  }
0xd5: {  	_ =	swait.ge [sflag:s17], $0x80  }
0xd6: {  	[sflag:s17] =	ssyncset.done $0x0  }
0xd7: {  	s3 =	simm.s32 $0x400;
	[sflag:s17] =	ssyncadd.s32 $0xFFFFFF80  }
0xd8: {  	[spmem:s1] =	stream.indirect.scatter.add.f32 [tilespmem:s2], [sflag:$0x4], $0x1, s3, s7, $0xb8;
	[tilespmem:$0x16F8] =	vst v63  }
0xd9: {  	_ =	swait.ge [sflag:s11], $0x80  }
0xda: {  	[sflag:s11] =	ssyncset.done $0x0  }
0xdb: {  	s3 =	simm.s32 $0x480;
	[sflag:s11] =	ssyncadd.s32 $0xFFFFFF80  }
0xdc: {  	[spmem:s1] =	stream.indirect.scatter.add.f32 [tilespmem:s2], [sflag:$0x1], $0x1, s3, s7, $0xb8;
	[tilespmem:$0x16F8] =	vst v63  }
0xdd: {  	_ =	swait.ge [sflag:s13], $0x80  }
0xde: {  	[sflag:s13] =	ssyncset.done $0x0  }
0xdf: {  	s3 =	simm.s32 $0x500;
	[sflag:s13] =	ssyncadd.s32 $0xFFFFFF80  }
0xe0: {  	[spmem:s1] =	stream.indirect.scatter.add.f32 [tilespmem:s2], [sflag:$0x2], $0x1, s3, s7, $0xb8;
	[tilespmem:$0x16F8] =	vst v63  }
0xe1: {  	_ =	swait.ge [sflag:s15], $0x80  }
0xe2: {  	[sflag:s15] =	ssyncset.done $0x0  }
0xe3: {  	s3 =	simm.s32 $0x580;
	[sflag:s15] =	ssyncadd.s32 $0xFFFFFF80  }
0xe4: {  	[spmem:s1] =	stream.indirect.scatter.add.f32 [tilespmem:s2], [sflag:$0x3], $0x1, s3, s7, $0xb8;
	[tilespmem:$0x16F8] =	vst v63  }
0xe5: {  	_ =	swait.ge [sflag:s17], $0x80  }
0xe6: {  	[sflag:s17] =	ssyncset.done $0x0  }
0xe7: {  	s3 =	simm.s32 $0x600;
	[sflag:s17] =	ssyncadd.s32 $0xFFFFFF80  }
0xe8: {  	[spmem:s1] =	stream.indirect.scatter.add.f32 [tilespmem:s2], [sflag:$0x4], $0x1, s3, s7, $0xb8;
	[tilespmem:$0x16F8] =	vst v63  }
0xe9: {  	_ =	swait.ge [sflag:s11], $0x80  }
0xea: {  	[sflag:s11] =	ssyncset.done $0x0  }
0xeb: {  	s3 =	simm.s32 $0x680;
	[sflag:s11] =	ssyncadd.s32 $0xFFFFFF80  }
0xec: {  	[spmem:s1] =	stream.indirect.scatter.add.f32 [tilespmem:s2], [sflag:$0x1], $0x1, s3, s7, $0xb8;
	[tilespmem:$0x16F8] =	vst v63  }
0xed: {  	_ =	swait.ge [sflag:s13], $0x80  }
0xee: {  	[sflag:s13] =	ssyncset.done $0x0  }
0xef: {  	s3 =	simm.s32 $0x700;
	[sflag:s13] =	ssyncadd.s32 $0xFFFFFF80  }
0xf0: {  	[spmem:s1] =	stream.indirect.scatter.add.f32 [tilespmem:s2], [sflag:$0x2], $0x1, s3, s7, $0xb8;
	[tilespmem:$0x16F8] =	vst v63  }
0xf1: {  	_ =	swait.ge [sflag:s15], $0x80  }
0xf2: {  	[sflag:s15] =	ssyncset.done $0x0  }
0xf3: {  	s3 =	simm.s32 $0x780;
	[sflag:s15] =	ssyncadd.s32 $0xFFFFFF80  }
0xf4: {  	[spmem:s1] =	stream.indirect.scatter.add.f32 [tilespmem:s2], [sflag:$0x3], $0x1, s3, s7, $0xb8;
	[tilespmem:$0x16F8] =	vst v63  }
0xf5: {  	_ =	swait.ge [sflag:s17], $0x80  }
0xf6: {  	[sflag:s17] =	ssyncset.done $0x0  }
0xf7: {  	s3 =	simm.s32 $0x800;
	[sflag:s17] =	ssyncadd.s32 $0xFFFFFF80  }
0xf8: {  	[spmem:s1] =	stream.indirect.scatter.add.f32 [tilespmem:s2], [sflag:$0x4], $0x1, s3, s7, $0xb8;
	[tilespmem:$0x16F8] =	vst v63  }
0xf9: {  	_ =	swait.ge [sflag:s11], $0x80  }
0xfa: {  	[sflag:s11] =	ssyncset.done $0x0  }
0xfb: {  	s3 =	simm.s32 $0x880;
	[sflag:s11] =	ssyncadd.s32 $0xFFFFFF80  }
0xfc: {  	[spmem:s1] =	stream.indirect.scatter.add.f32 [tilespmem:s2], [sflag:$0x1], $0x1, s3, s7, $0xb8;
	[tilespmem:$0x16F8] =	vst v63  }
0xfd: {  	_ =	swait.ge [sflag:s13], $0x80  }
0xfe: {  	[sflag:s13] =	ssyncset.done $0x0  }
0xff: {  	s3 =	simm.s32 $0x900;
	[sflag:s13] =	ssyncadd.s32 $0xFFFFFF80  }
0x100: {  	[spmem:s1] =	stream.indirect.scatter.add.f32 [tilespmem:s2], [sflag:$0x2], $0x1, s3, s7, $0xb8;
	[tilespmem:$0x16F8] =	vst v63  }
0x101: {  	_ =	swait.ge [sflag:s15], $0x80  }
0x102: {  	[sflag:s15] =	ssyncset.done $0x0  }
0x103: {  	s3 =	simm.s32 $0x980;
	[sflag:s15] =	ssyncadd.s32 $0xFFFFFF80  }
0x104: {  	[spmem:s1] =	stream.indirect.scatter.add.f32 [tilespmem:s2], [sflag:$0x3], $0x1, s3, s7, $0xb8;
	[tilespmem:$0x16F8] =	vst v63  }
0x105: {  	_ =	swait.ge [sflag:s17], $0x80  }
0x106: {  	[sflag:s17] =	ssyncset.done $0x0  }
0x107: {  	s3 =	simm.s32 $0xA00;
	[sflag:s17] =	ssyncadd.s32 $0xFFFFFF80  }
0x108: {  	[spmem:s1] =	stream.indirect.scatter.add.f32 [tilespmem:s2], [sflag:$0x4], $0x1, s3, s7, $0xb8;
	[tilespmem:$0x16F8] =	vst v63  }
0x109: {  	_ =	swait.ge [sflag:s11], $0x80  }
0x10a: {  	[sflag:s11] =	ssyncset.done $0x0  }
0x10b: {  	[sflag:s11] =	ssyncadd.s32 $0xFFFFFF80  }
0x10c: {  	[spmem:s1] =	stream.indirect.scatter.add.f32 [tilespmem:s2], [sflag:$0x1], $0x1, s29, s7, $0xb8;
	[tilespmem:$0x16F8] =	vst v63  }
0x10d: {  	_ =	swait.ge [sflag:s13], $0x80  }
0x10e: {  	[sflag:s13] =	ssyncset.done $0x0  }
0x10f: {  	[sflag:s13] =	ssyncadd.s32 $0xFFFFFF80  }
0x110: {  	[spmem:s1] =	stream.indirect.scatter.add.f32 [tilespmem:s2], [sflag:$0x2], $0x1, s28, s7, $0xb8;
	[tilespmem:$0x16F8] =	vst v63  }
0x111: {  	_ =	swait.ge [sflag:s15], $0x80  }
0x112: {  	[sflag:s15] =	ssyncset.done $0x0  }
0x113: {  	[sflag:s15] =	ssyncadd.s32 $0xFFFFFF80  }
0x114: {  	[spmem:s1] =	stream.indirect.scatter.add.f32 [tilespmem:s2], [sflag:$0x3], $0x1, s26, s7, $0xb8;
	[tilespmem:$0x16F8] =	vst v63  }
0x115: {  	_ =	swait.ge [sflag:s17], $0x80  }
0x116: {  	[sflag:s17] =	ssyncset.done $0x0  }
0x117: {  	[sflag:s17] =	ssyncadd.s32 $0xFFFFFF80  }
0x118: {  	[spmem:s1] =	stream.indirect.scatter.add.f32 [tilespmem:s2], [sflag:$0x4], $0x1, s25, s7, $0xb8;
	[tilespmem:$0x16F8] =	vst v63  }
0x119: {  	_ =	swait.ge [sflag:s11], $0x80  }
0x11a: {  	[sflag:s11] =	ssyncset.done $0x0  }
0x11b: {  	[sflag:s11] =	ssyncadd.s32 $0xFFFFFF80  }
0x11c: {  	[spmem:s1] =	stream.indirect.scatter.add.f32 [tilespmem:s2], [sflag:$0x1], $0x1, s24, s7, $0xb8;
	[tilespmem:$0x16F8] =	vst v63  }
0x11d: {  	_ =	swait.ge [sflag:s13], $0x80  }
0x11e: {  	[sflag:s13] =	ssyncset.done $0x0  }
0x11f: {  	[sflag:s13] =	ssyncadd.s32 $0xFFFFFF80  }
0x120: {  	[spmem:s1] =	stream.indirect.scatter.add.f32 [tilespmem:s2], [sflag:$0x2], $0x1, s23, s7, $0xb8;
	[tilespmem:$0x16F8] =	vst v63  }
0x121: {  	_ =	swait.ge [sflag:s15], $0x80  }
0x122: {  	[sflag:s15] =	ssyncset.done $0x0  }
0x123: {  	[sflag:s15] =	ssyncadd.s32 $0xFFFFFF80  }
0x124: {  	[spmem:s1] =	stream.indirect.scatter.add.f32 [tilespmem:s2], [sflag:$0x3], $0x1, s22, s7, $0xb8;
	[tilespmem:$0x16F8] =	vst v63  }
0x125: {  	_ =	swait.ge [sflag:s17], $0x80  }
0x126: {  	[sflag:s17] =	ssyncset.done $0x0  }
0x127: {  	[sflag:s17] =	ssyncadd.s32 $0xFFFFFF80  }
0x128: {  	[spmem:s1] =	stream.indirect.scatter.add.f32 [tilespmem:s2], [sflag:$0x4], $0x1, s21, s7, $0xb8;
	[tilespmem:$0x16F8] =	vst v63  }
0x129: {  	_ =	swait.ge [sflag:s11], $0x80  }
0x12a: {  	[sflag:s11] =	ssyncset.done $0x0  }
0x12b: {  	[sflag:s11] =	ssyncadd.s32 $0xFFFFFF80  }
0x12c: {  	[spmem:s1] =	stream.indirect.scatter.add.f32 [tilespmem:s2], [sflag:$0x1], $0x1, s20, s7, $0xb8;
	[tilespmem:$0x16F8] =	vst v63  }
0x12d: {  	_ =	swait.ge [sflag:s13], $0x80  }
0x12e: {  	[sflag:s13] =	ssyncset.done $0x0  }
0x12f: {  	[sflag:s13] =	ssyncadd.s32 $0xFFFFFF80  }
0x130: {  	[spmem:s1] =	stream.indirect.scatter.add.f32 [tilespmem:s2], [sflag:$0x2], $0x1, s19, s7, $0xb8;
	[tilespmem:$0x16F8] =	vst v63  }
0x131: {  	_ =	swait.ge [sflag:s15], $0x80  }
0x132: {  	[sflag:s15] =	ssyncset.done $0x0  }
0x133: {  	[sflag:s15] =	ssyncadd.s32 $0xFFFFFF80  }
0x134: {  	[spmem:s1] =	stream.indirect.scatter.add.f32 [tilespmem:s2], [sflag:$0x3], $0x1, s18, s7, $0xb8;
	[tilespmem:$0x16F8] =	vst v63  }
0x135: {  	_ =	swait.ge [sflag:s17], $0x80  }
0x136: {  	[sflag:s17] =	ssyncset.done $0x0  }
0x137: {  	[sflag:s17] =	ssyncadd.s32 $0xFFFFFF80  }
0x138: {  	[spmem:s1] =	stream.indirect.scatter.add.f32 [tilespmem:s2], [sflag:$0x4], $0x1, s16, s7, $0xb8;
	[tilespmem:$0x16F8] =	vst v63  }
0x139: {  	_ =	swait.ge [sflag:s11], $0x80  }
0x13a: {  	[sflag:s11] =	ssyncset.done $0x0  }
0x13b: {  	[sflag:s11] =	ssyncadd.s32 $0xFFFFFF80  }
0x13c: {  	[spmem:s1] =	stream.indirect.scatter.add.f32 [tilespmem:s2], [sflag:$0x1], $0x1, s14, s7, $0xb8;
	[tilespmem:$0x16F8] =	vst v63  }
0x13d: {  	_ =	swait.ge [sflag:s13], $0x80  }
0x13e: {  	[sflag:s13] =	ssyncset.done $0x0  }
0x13f: {  	[sflag:s13] =	ssyncadd.s32 $0xFFFFFF80  }
0x140: {  	[spmem:s1] =	stream.indirect.scatter.add.f32 [tilespmem:s2], [sflag:$0x2], $0x1, s12, s7, $0xb8;
	[tilespmem:$0x16F8] =	vst v63  }
0x141: {  	_ =	swait.ge [sflag:s15], $0x80  }
0x142: {  	[sflag:s15] =	ssyncset.done $0x0  }
0x143: {  	[sflag:s15] =	ssyncadd.s32 $0xFFFFFF80  }
0x144: {  	[spmem:s1] =	stream.indirect.scatter.add.f32 [tilespmem:s2], [sflag:$0x3], $0x1, s10, s7, $0xb8;
	[tilespmem:$0x16F8] =	vst v63  }
0x145: {  	_ =	swait.ge [sflag:s17], $0x80  }
0x146: {  	[sflag:s17] =	ssyncset.done $0x0  }
0x147: {  	[sflag:s17] =	ssyncadd.s32 $0xFFFFFF80  }
0x148: {  	[spmem:s1] =	stream.indirect.scatter.add.f32 [tilespmem:s2], [sflag:$0x4], $0x1, s9, s7, $0xb8;
	[tilespmem:$0x16F8] =	vst v63  }
0x149: {  	_ =	swait.ge [sflag:s11], $0x80  }
0x14a: {  	[sflag:s11] =	ssyncset.done $0x0  }
0x14b: {  	[sflag:s11] =	ssyncadd.s32 $0xFFFFFF80  }
0x14c: {  	[spmem:s1] =	stream.indirect.scatter.add.f32 [tilespmem:s2], [sflag:$0x1], $0x1, s8, s7, $0xb8;
	[tilespmem:$0x16F8] =	vst v63  }
0x14d: {  	_ =	swait.ge [sflag:s13], $0x80  }
0x14e: {  	[sflag:s13] =	ssyncset.done $0x0  }
0x14f: {  	[sflag:s13] =	ssyncadd.s32 $0xFFFFFF80  }
0x150: {  	[spmem:s1] =	stream.indirect.scatter.add.f32 [tilespmem:s2], [sflag:$0x2], $0x1, s6, s7, $0xb8;
	[tilespmem:$0x16F8] =	vst v63  }
0x151: {  	_ =	swait.ge [sflag:s15], $0x80  }
0x152: {  	[sflag:s15] =	ssyncset.done $0x0  }
0x153: {  	[sflag:s15] =	ssyncadd.s32 $0xFFFFFF80  }
0x154: {  	[spmem:s1] =	stream.indirect.scatter.add.f32 [tilespmem:s2], [sflag:$0x3], $0x1, s4, s7, $0xb8;
	[tilespmem:$0x16F8] =	vst v63  }
0x155: {  	_ =	swait.ge [sflag:s17], $0x80  }
0x156: {  	[sflag:s17] =	ssyncset.done $0x0  }
0x157: {  	[sflag:s17] =	ssyncadd.s32 $0xFFFFFF80  }
0x158: {  	[spmem:s1] =	stream.indirect.scatter.add.f32 [tilespmem:s2], [sflag:$0x4], $0x1, s0, s7, $0xb8;
	[tilespmem:$0x16F8] =	vst v63  }
0x159: {  	_ =	swait.ge [sflag:s11], $0x80  }
0x15a: {  	[sflag:s11] =	ssyncset.done $0x0  }
0x15b: {  	[sflag:s11] =	ssyncadd.s32 $0xFFFFFF80  }
0x15c: {  	_ =	swait.ge [sflag:s13], $0x80  }
0x15d: {  	[sflag:s13] =	ssyncset.done $0x0  }
0x15e: {  	[sflag:s13] =	ssyncadd.s32 $0xFFFFFF80  }
0x15f: {  	_ =	swait.ge [sflag:s15], $0x80  }
0x160: {  	[sflag:s15] =	ssyncset.done $0x0  }
0x161: {  	[sflag:s15] =	ssyncadd.s32 $0xFFFFFF80  }
0x162: {  	_ =	swait.ge [sflag:s17], $0x80  }
0x163: {  	[sflag:s17] =	ssyncset.done $0x0  }
0x164: {  	[sflag:s17] =	ssyncadd.s32 $0xFFFFFF80  }
0x165: {  	[bflag:$0x0] =	sbarrier.arrive $0xFFFF  }
0x166: {  	s29 =	rddreg [dreg:$0x9]  }
0x167: {  	s0 =	ssub.s32 $0x2, s29  }
0x168: {  	s31 =	sshrl.u32 s0, $0x1  }
0x169: {  	s31 =	ssub.s32 s0, s31  }
0x16a: {  	s31 =	smax.u32 s31, $0x1  }
0x16b: {  	s31 =	sadd.s32 $0xFFFFFFFF, s31  }
0x16c: {  	p1 =	sne.s32 s31, $0x0  }
.Ltmp0:
0x16d: {  	_ = 	snop;
	(pc) =	sbr.rel @!p1 .LBB2_3-.Ltmp0, $4  }
0x16e: {  	s3 =	rddreg [dreg:$0x7]  }
0x16f: {  	[dreg:$0x8] =	wrdreg s5;
	s0 =	simm.s32 @!p0 $0x1C05  }
0x170: {  	[hbm:s3], [sflag:s0] =	dma.local @!p0 [spmem:s5], $0x4F0  }
0x171: {  	_ =	swait.ge @!p0 [sflag:s30], $0x4F0  }
0x172: {  	s8 =	simm.s32 $0x100  }
0x173: {  	s9 =	simm.s32 $0x180;
	s10 =	simm.s32 $0x200;
	s12 =	simm.s32 $0x280  }
0x174: {  	s14 =	simm.s32 $0x300;
	s16 =	simm.s32 $0x380;
	s18 =	simm.s32 $0x400  }
0x175: {  	s19 =	simm.s32 $0x480;
	s20 =	simm.s32 $0x500;
	s21 =	simm.s32 $0x580  }
0x176: {  	s22 =	simm.s32 $0x600;
	s23 =	simm.s32 $0x680;
	s24 =	simm.s32 $0x700  }
0x177: {  	s25 =	simm.s32 $0x780;
	s26 =	simm.s32 $0x800;
	s28 =	simm.s32 $0x880  }
0x178: {  	s29 =	simm.s32 $0x900;
	s5 =	simm.s32 $0xA80;
	s6 =	simm.s32 $0xB00  }
.LBB2_2:
0x179: {  	s0 =	rddreg [dreg:$0x4];
	[sflag:s30] =	ssyncset.done @!p0 $0x0  }
0x17a: {  	s3 =	simm.s32 @!p0 $0x1C05;
	s4 =	rddreg [dreg:$0x8];
	[sflag:s30] =	ssyncadd.s32 @!p0 $0xFFFFFB10  }
0x17b: {  	[spmem:s4], [sflag:s3] =	dma.local @!p0 [hbm:s0], $0x4F0  }
0x17c: {  	_ =	swait.ge @!p0 [sflag:s30], $0x4F0  }
0x17d: {  	[sflag:s30] =	ssyncset.done @!p0 $0x0  }
0x17e: {  	s3 =	rddreg [dreg:$0x3];
	[sflag:s30] =	ssyncadd.s32 @!p0 $0xFFFFFB10  }
0x17f: {  	[tilespmem:s2], [sflag:$0x5] =	stream.linear.gather [hbm4b:s3+s2], $0x80, $0x38;
	[tilespmem:$0x16F8] =	vst v63  }
0x180: {  	s3 =	simm.s32 $0x5  }
0x181: {  	_ =	swait.ge [sflag:s3], $0x80  }
0x182: {  	[sflag:s3] =	ssyncset.done $0x0  }
0x183: {  	[sflag:s3] =	ssyncadd.s32 $0xFFFFFF80  }
0x184: {  	[bflag:$0x0] =	sbarrier.arrive $0xFFFF  }
0x185: {  	s0 =	rddreg [dreg:$0x5]  }
0x186: {  	[tilespmem:s7], [sflag:$0x5] =	stream.linear.gather [hbm4b:s0+s2], $0x1400, $0x38;
	[tilespmem:$0x16F8] =	vst v63  }
0x187: {  	_ =	swait.ge [sflag:s3], $0x1400  }
0x188: {  	[sflag:s3] =	ssyncset.done $0x0  }
0x189: {  	[sflag:s3] =	ssyncadd.s32 $0xFFFFEC00  }
0x18a: {  	[spmem:s1] =	stream.indirect.scatter.add.f32 [tilespmem:s2], [sflag:$0x1], $0x1, s7, s7, $0xb8;
	[tilespmem:$0x16F8] =	vst v63  }
0x18b: {  	_ = 	snop  }
0x18c: {  	[spmem:s1] =	stream.indirect.scatter.add.f32 [tilespmem:s2], [sflag:$0x2], $0x1, s8, s7, $0xb8;
	[tilespmem:$0x16F8] =	vst v63  }
0x18d: {  	_ = 	snop  }
0x18e: {  	[spmem:s1] =	stream.indirect.scatter.add.f32 [tilespmem:s2], [sflag:$0x3], $0x1, s9, s7, $0xb8;
	[tilespmem:$0x16F8] =	vst v63  }
0x18f: {  	_ = 	snop  }
0x190: {  	[spmem:s1] =	stream.indirect.scatter.add.f32 [tilespmem:s2], [sflag:$0x4], $0x1, s10, s7, $0xb8;
	[tilespmem:$0x16F8] =	vst v63  }
0x191: {  	_ =	swait.ge [sflag:s11], $0x80  }
0x192: {  	[sflag:s11] =	ssyncset.done $0x0  }
0x193: {  	[sflag:s11] =	ssyncadd.s32 $0xFFFFFF80  }
0x194: {  	[spmem:s1] =	stream.indirect.scatter.add.f32 [tilespmem:s2], [sflag:$0x1], $0x1, s12, s7, $0xb8;
	[tilespmem:$0x16F8] =	vst v63  }
0x195: {  	_ =	swait.ge [sflag:s13], $0x80  }
0x196: {  	[sflag:s13] =	ssyncset.done $0x0  }
0x197: {  	[sflag:s13] =	ssyncadd.s32 $0xFFFFFF80  }
0x198: {  	[spmem:s1] =	stream.indirect.scatter.add.f32 [tilespmem:s2], [sflag:$0x2], $0x1, s14, s7, $0xb8;
	[tilespmem:$0x16F8] =	vst v63  }
0x199: {  	_ =	swait.ge [sflag:s15], $0x80  }
0x19a: {  	[sflag:s15] =	ssyncset.done $0x0  }
0x19b: {  	[sflag:s15] =	ssyncadd.s32 $0xFFFFFF80  }
0x19c: {  	[spmem:s1] =	stream.indirect.scatter.add.f32 [tilespmem:s2], [sflag:$0x3], $0x1, s16, s7, $0xb8;
	[tilespmem:$0x16F8] =	vst v63  }
0x19d: {  	_ =	swait.ge [sflag:s17], $0x80  }
0x19e: {  	[sflag:s17] =	ssyncset.done $0x0  }
0x19f: {  	[sflag:s17] =	ssyncadd.s32 $0xFFFFFF80  }
0x1a0: {  	[spmem:s1] =	stream.indirect.scatter.add.f32 [tilespmem:s2], [sflag:$0x4], $0x1, s18, s7, $0xb8;
	[tilespmem:$0x16F8] =	vst v63  }
0x1a1: {  	_ =	swait.ge [sflag:s11], $0x80  }
0x1a2: {  	[sflag:s11] =	ssyncset.done $0x0  }
0x1a3: {  	[sflag:s11] =	ssyncadd.s32 $0xFFFFFF80  }
0x1a4: {  	[spmem:s1] =	stream.indirect.scatter.add.f32 [tilespmem:s2], [sflag:$0x1], $0x1, s19, s7, $0xb8;
	[tilespmem:$0x16F8] =	vst v63  }
0x1a5: {  	_ =	swait.ge [sflag:s13], $0x80  }
0x1a6: {  	[sflag:s13] =	ssyncset.done $0x0  }
0x1a7: {  	[sflag:s13] =	ssyncadd.s32 $0xFFFFFF80  }
0x1a8: {  	[spmem:s1] =	stream.indirect.scatter.add.f32 [tilespmem:s2], [sflag:$0x2], $0x1, s20, s7, $0xb8;
	[tilespmem:$0x16F8] =	vst v63  }
0x1a9: {  	_ =	swait.ge [sflag:s15], $0x80  }
0x1aa: {  	[sflag:s15] =	ssyncset.done $0x0  }
0x1ab: {  	[sflag:s15] =	ssyncadd.s32 $0xFFFFFF80  }
0x1ac: {  	[spmem:s1] =	stream.indirect.scatter.add.f32 [tilespmem:s2], [sflag:$0x3], $0x1, s21, s7, $0xb8;
	[tilespmem:$0x16F8] =	vst v63  }
0x1ad: {  	_ =	swait.ge [sflag:s17], $0x80  }
0x1ae: {  	[sflag:s17] =	ssyncset.done $0x0  }
0x1af: {  	[sflag:s17] =	ssyncadd.s32 $0xFFFFFF80  }
0x1b0: {  	[spmem:s1] =	stream.indirect.scatter.add.f32 [tilespmem:s2], [sflag:$0x4], $0x1, s22, s7, $0xb8;
	[tilespmem:$0x16F8] =	vst v63  }
0x1b1: {  	_ =	swait.ge [sflag:s11], $0x80  }
0x1b2: {  	[sflag:s11] =	ssyncset.done $0x0  }
0x1b3: {  	[sflag:s11] =	ssyncadd.s32 $0xFFFFFF80  }
0x1b4: {  	[spmem:s1] =	stream.indirect.scatter.add.f32 [tilespmem:s2], [sflag:$0x1], $0x1, s23, s7, $0xb8;
	[tilespmem:$0x16F8] =	vst v63  }
0x1b5: {  	_ =	swait.ge [sflag:s13], $0x80  }
0x1b6: {  	[sflag:s13] =	ssyncset.done $0x0  }
0x1b7: {  	[sflag:s13] =	ssyncadd.s32 $0xFFFFFF80  }
0x1b8: {  	[spmem:s1] =	stream.indirect.scatter.add.f32 [tilespmem:s2], [sflag:$0x2], $0x1, s24, s7, $0xb8;
	[tilespmem:$0x16F8] =	vst v63  }
0x1b9: {  	_ =	swait.ge [sflag:s15], $0x80  }
0x1ba: {  	[sflag:s15] =	ssyncset.done $0x0  }
0x1bb: {  	[sflag:s15] =	ssyncadd.s32 $0xFFFFFF80  }
0x1bc: {  	[spmem:s1] =	stream.indirect.scatter.add.f32 [tilespmem:s2], [sflag:$0x3], $0x1, s25, s7, $0xb8;
	[tilespmem:$0x16F8] =	vst v63  }
0x1bd: {  	_ =	swait.ge [sflag:s17], $0x80  }
0x1be: {  	[sflag:s17] =	ssyncset.done $0x0  }
0x1bf: {  	[sflag:s17] =	ssyncadd.s32 $0xFFFFFF80  }
0x1c0: {  	[spmem:s1] =	stream.indirect.scatter.add.f32 [tilespmem:s2], [sflag:$0x4], $0x1, s26, s7, $0xb8;
	[tilespmem:$0x16F8] =	vst v63  }
0x1c1: {  	_ =	swait.ge [sflag:s11], $0x80  }
0x1c2: {  	[sflag:s11] =	ssyncset.done $0x0  }
0x1c3: {  	[sflag:s11] =	ssyncadd.s32 $0xFFFFFF80  }
0x1c4: {  	[spmem:s1] =	stream.indirect.scatter.add.f32 [tilespmem:s2], [sflag:$0x1], $0x1, s28, s7, $0xb8;
	[tilespmem:$0x16F8] =	vst v63  }
0x1c5: {  	_ =	swait.ge [sflag:s13], $0x80  }
0x1c6: {  	[sflag:s13] =	ssyncset.done $0x0  }
0x1c7: {  	[sflag:s13] =	ssyncadd.s32 $0xFFFFFF80  }
0x1c8: {  	[spmem:s1] =	stream.indirect.scatter.add.f32 [tilespmem:s2], [sflag:$0x2], $0x1, s29, s7, $0xb8;
	[tilespmem:$0x16F8] =	vst v63  }
0x1c9: {  	_ =	swait.ge [sflag:s15], $0x80  }
0x1ca: {  	[sflag:s15] =	ssyncset.done $0x0  }
0x1cb: {  	s30 =	simm.s32 $0x980;
	[sflag:s15] =	ssyncadd.s32 $0xFFFFFF80  }
0x1cc: {  	[spmem:s1] =	stream.indirect.scatter.add.f32 [tilespmem:s2], [sflag:$0x3], $0x1, s30, s7, $0xb8;
	[tilespmem:$0x16F8] =	vst v63  }
0x1cd: {  	_ =	swait.ge [sflag:s17], $0x80  }
0x1ce: {  	[sflag:s17] =	ssyncset.done $0x0  }
0x1cf: {  	s0 =	simm.s32 $0xA00;
	[sflag:s17] =	ssyncadd.s32 $0xFFFFFF80  }
0x1d0: {  	[spmem:s1] =	stream.indirect.scatter.add.f32 [tilespmem:s2], [sflag:$0x4], $0x1, s0, s7, $0xb8;
	[tilespmem:$0x16F8] =	vst v63  }
0x1d1: {  	_ =	swait.ge [sflag:s11], $0x80  }
0x1d2: {  	[sflag:s11] =	ssyncset.done $0x0  }
0x1d3: {  	[sflag:s11] =	ssyncadd.s32 $0xFFFFFF80  }
0x1d4: {  	[spmem:s1] =	stream.indirect.scatter.add.f32 [tilespmem:s2], [sflag:$0x1], $0x1, s5, s7, $0xb8;
	[tilespmem:$0x16F8] =	vst v63  }
0x1d5: {  	_ =	swait.ge [sflag:s13], $0x80  }
0x1d6: {  	[sflag:s13] =	ssyncset.done $0x0  }
0x1d7: {  	[sflag:s13] =	ssyncadd.s32 $0xFFFFFF80  }
0x1d8: {  	[spmem:s1] =	stream.indirect.scatter.add.f32 [tilespmem:s2], [sflag:$0x2], $0x1, s6, s7, $0xb8;
	[tilespmem:$0x16F8] =	vst v63  }
0x1d9: {  	_ =	swait.ge [sflag:s15], $0x80  }
0x1da: {  	[sflag:s15] =	ssyncset.done $0x0  }
0x1db: {  	s0 =	simm.s32 $0xB80;
	[sflag:s15] =	ssyncadd.s32 $0xFFFFFF80  }
0x1dc: {  	[spmem:s1] =	stream.indirect.scatter.add.f32 [tilespmem:s2], [sflag:$0x3], $0x1, s0, s7, $0xb8;
	[tilespmem:$0x16F8] =	vst v63  }
0x1dd: {  	_ =	swait.ge [sflag:s17], $0x80  }
0x1de: {  	[sflag:s17] =	ssyncset.done $0x0  }
0x1df: {  	s0 =	simm.s32 $0xC00;
	[sflag:s17] =	ssyncadd.s32 $0xFFFFFF80  }
0x1e0: {  	[spmem:s1] =	stream.indirect.scatter.add.f32 [tilespmem:s2], [sflag:$0x4], $0x1, s0, s7, $0xb8;
	[tilespmem:$0x16F8] =	vst v63  }
0x1e1: {  	_ =	swait.ge [sflag:s11], $0x80  }
0x1e2: {  	[sflag:s11] =	ssyncset.done $0x0  }
0x1e3: {  	s0 =	simm.s32 $0xC80;
	[sflag:s11] =	ssyncadd.s32 $0xFFFFFF80  }
0x1e4: {  	[spmem:s1] =	stream.indirect.scatter.add.f32 [tilespmem:s2], [sflag:$0x1], $0x1, s0, s7, $0xb8;
	[tilespmem:$0x16F8] =	vst v63  }
0x1e5: {  	_ =	swait.ge [sflag:s13], $0x80  }
0x1e6: {  	[sflag:s13] =	ssyncset.done $0x0  }
0x1e7: {  	s0 =	simm.s32 $0xD00;
	[sflag:s13] =	ssyncadd.s32 $0xFFFFFF80  }
0x1e8: {  	[spmem:s1] =	stream.indirect.scatter.add.f32 [tilespmem:s2], [sflag:$0x2], $0x1, s0, s7, $0xb8;
	[tilespmem:$0x16F8] =	vst v63  }
0x1e9: {  	_ =	swait.ge [sflag:s15], $0x80  }
0x1ea: {  	[sflag:s15] =	ssyncset.done $0x0  }
0x1eb: {  	s0 =	simm.s32 $0xD80;
	[sflag:s15] =	ssyncadd.s32 $0xFFFFFF80  }
0x1ec: {  	[spmem:s1] =	stream.indirect.scatter.add.f32 [tilespmem:s2], [sflag:$0x3], $0x1, s0, s7, $0xb8;
	[tilespmem:$0x16F8] =	vst v63  }
0x1ed: {  	_ =	swait.ge [sflag:s17], $0x80  }
0x1ee: {  	[sflag:s17] =	ssyncset.done $0x0  }
0x1ef: {  	s0 =	simm.s32 $0xE00;
	[sflag:s17] =	ssyncadd.s32 $0xFFFFFF80  }
0x1f0: {  	[spmem:s1] =	stream.indirect.scatter.add.f32 [tilespmem:s2], [sflag:$0x4], $0x1, s0, s7, $0xb8;
	[tilespmem:$0x16F8] =	vst v63  }
0x1f1: {  	_ =	swait.ge [sflag:s11], $0x80  }
0x1f2: {  	[sflag:s11] =	ssyncset.done $0x0  }
0x1f3: {  	s0 =	simm.s32 $0xE80;
	[sflag:s11] =	ssyncadd.s32 $0xFFFFFF80  }
0x1f4: {  	[spmem:s1] =	stream.indirect.scatter.add.f32 [tilespmem:s2], [sflag:$0x1], $0x1, s0, s7, $0xb8;
	[tilespmem:$0x16F8] =	vst v63  }
0x1f5: {  	_ =	swait.ge [sflag:s13], $0x80  }
0x1f6: {  	[sflag:s13] =	ssyncset.done $0x0  }
0x1f7: {  	s0 =	simm.s32 $0xF00;
	[sflag:s13] =	ssyncadd.s32 $0xFFFFFF80  }
0x1f8: {  	[spmem:s1] =	stream.indirect.scatter.add.f32 [tilespmem:s2], [sflag:$0x2], $0x1, s0, s7, $0xb8;
	[tilespmem:$0x16F8] =	vst v63  }
0x1f9: {  	_ =	swait.ge [sflag:s15], $0x80  }
0x1fa: {  	[sflag:s15] =	ssyncset.done $0x0  }
0x1fb: {  	s0 =	simm.s32 $0xF80;
	[sflag:s15] =	ssyncadd.s32 $0xFFFFFF80  }
0x1fc: {  	[spmem:s1] =	stream.indirect.scatter.add.f32 [tilespmem:s2], [sflag:$0x3], $0x1, s0, s7, $0xb8;
	[tilespmem:$0x16F8] =	vst v63  }
0x1fd: {  	_ =	swait.ge [sflag:s17], $0x80  }
0x1fe: {  	[sflag:s17] =	ssyncset.done $0x0  }
0x1ff: {  	s0 =	simm.s32 $0x1000;
	[sflag:s17] =	ssyncadd.s32 $0xFFFFFF80  }
0x200: {  	[spmem:s1] =	stream.indirect.scatter.add.f32 [tilespmem:s2], [sflag:$0x4], $0x1, s0, s7, $0xb8;
	[tilespmem:$0x16F8] =	vst v63  }
0x201: {  	_ =	swait.ge [sflag:s11], $0x80  }
0x202: {  	[sflag:s11] =	ssyncset.done $0x0  }
0x203: {  	s0 =	simm.s32 $0x1080;
	[sflag:s11] =	ssyncadd.s32 $0xFFFFFF80  }
0x204: {  	[spmem:s1] =	stream.indirect.scatter.add.f32 [tilespmem:s2], [sflag:$0x1], $0x1, s0, s7, $0xb8;
	[tilespmem:$0x16F8] =	vst v63  }
0x205: {  	_ =	swait.ge [sflag:s13], $0x80  }
0x206: {  	[sflag:s13] =	ssyncset.done $0x0  }
0x207: {  	s0 =	simm.s32 $0x1100;
	[sflag:s13] =	ssyncadd.s32 $0xFFFFFF80  }
0x208: {  	[spmem:s1] =	stream.indirect.scatter.add.f32 [tilespmem:s2], [sflag:$0x2], $0x1, s0, s7, $0xb8;
	[tilespmem:$0x16F8] =	vst v63  }
0x209: {  	_ =	swait.ge [sflag:s15], $0x80  }
0x20a: {  	[sflag:s15] =	ssyncset.done $0x0  }
0x20b: {  	s0 =	simm.s32 $0x1180;
	[sflag:s15] =	ssyncadd.s32 $0xFFFFFF80  }
0x20c: {  	[spmem:s1] =	stream.indirect.scatter.add.f32 [tilespmem:s2], [sflag:$0x3], $0x1, s0, s7, $0xb8;
	[tilespmem:$0x16F8] =	vst v63  }
0x20d: {  	_ =	swait.ge [sflag:s17], $0x80  }
0x20e: {  	[sflag:s17] =	ssyncset.done $0x0  }
0x20f: {  	s0 =	simm.s32 $0x1200;
	[sflag:s17] =	ssyncadd.s32 $0xFFFFFF80  }
0x210: {  	[spmem:s1] =	stream.indirect.scatter.add.f32 [tilespmem:s2], [sflag:$0x4], $0x1, s0, s7, $0xb8;
	[tilespmem:$0x16F8] =	vst v63  }
0x211: {  	_ =	swait.ge [sflag:s11], $0x80  }
0x212: {  	[sflag:s11] =	ssyncset.done $0x0  }
0x213: {  	s0 =	simm.s32 $0x1280;
	[sflag:s11] =	ssyncadd.s32 $0xFFFFFF80  }
0x214: {  	[spmem:s1] =	stream.indirect.scatter.add.f32 [tilespmem:s2], [sflag:$0x1], $0x1, s0, s7, $0xb8;
	[tilespmem:$0x16F8] =	vst v63  }
0x215: {  	_ =	swait.ge [sflag:s13], $0x80  }
0x216: {  	[sflag:s13] =	ssyncset.done $0x0  }
0x217: {  	s0 =	simm.s32 $0x1300;
	[sflag:s13] =	ssyncadd.s32 $0xFFFFFF80  }
0x218: {  	[spmem:s1] =	stream.indirect.scatter.add.f32 [tilespmem:s2], [sflag:$0x2], $0x1, s0, s7, $0xb8;
	[tilespmem:$0x16F8] =	vst v63  }
0x219: {  	_ =	swait.ge [sflag:s15], $0x80  }
0x21a: {  	[sflag:s15] =	ssyncset.done $0x0  }
0x21b: {  	s0 =	simm.s32 $0x1380;
	[sflag:s15] =	ssyncadd.s32 $0xFFFFFF80  }
0x21c: {  	[spmem:s1] =	stream.indirect.scatter.add.f32 [tilespmem:s2], [sflag:$0x3], $0x1, s0, s7, $0xb8;
	[tilespmem:$0x16F8] =	vst v63  }
0x21d: {  	_ =	swait.ge [sflag:s17], $0x80  }
0x21e: {  	[sflag:s17] =	ssyncset.done $0x0  }
0x21f: {  	s0 =	simm.s32 $0x1400;
	[sflag:s17] =	ssyncadd.s32 $0xFFFFFF80  }
0x220: {  	[spmem:s1] =	stream.indirect.scatter.add.f32 [tilespmem:s2], [sflag:$0x4], $0x1, s0, s7, $0xb8;
	[tilespmem:$0x16F8] =	vst v63  }
0x221: {  	_ =	swait.ge [sflag:s11], $0x80  }
0x222: {  	[sflag:s11] =	ssyncset.done $0x0  }
0x223: {  	[sflag:s11] =	ssyncadd.s32 $0xFFFFFF80  }
0x224: {  	_ =	swait.ge [sflag:s13], $0x80  }
0x225: {  	[sflag:s13] =	ssyncset.done $0x0  }
0x226: {  	[sflag:s13] =	ssyncadd.s32 $0xFFFFFF80  }
0x227: {  	_ =	swait.ge [sflag:s15], $0x80  }
0x228: {  	[sflag:s15] =	ssyncset.done $0x0  }
0x229: {  	[sflag:s15] =	ssyncadd.s32 $0xFFFFFF80  }
0x22a: {  	_ =	swait.ge [sflag:s17], $0x80  }
0x22b: {  	[sflag:s17] =	ssyncset.done $0x0  }
0x22c: {  	s0 =	rddreg [dreg:$0x6];
	[sflag:s17] =	ssyncadd.s32 $0xFFFFFF80  }
0x22d: {  	[tilespmem:s7], [sflag:$0x5] =	stream.linear.gather [hbm4b:s0+s2], $0x1400, $0x38;
	[tilespmem:$0x16F8] =	vst v63  }
0x22e: {  	_ =	swait.ge [sflag:s3], $0x1400  }
0x22f: {  	[sflag:s3] =	ssyncset.done $0x0  }
0x230: {  	[sflag:s3] =	ssyncadd.s32 $0xFFFFEC00  }
0x231: {  	[spmem:s1] =	stream.indirect.scatter.add.f32 [tilespmem:s2], [sflag:$0x1], $0x1, s7, s7, $0xb8;
	[tilespmem:$0x16F8] =	vst v63  }
0x232: {  	_ = 	snop  }
0x233: {  	[spmem:s1] =	stream.indirect.scatter.add.f32 [tilespmem:s2], [sflag:$0x2], $0x1, s8, s7, $0xb8;
	[tilespmem:$0x16F8] =	vst v63  }
0x234: {  	_ = 	snop  }
0x235: {  	[spmem:s1] =	stream.indirect.scatter.add.f32 [tilespmem:s2], [sflag:$0x3], $0x1, s9, s7, $0xb8;
	[tilespmem:$0x16F8] =	vst v63  }
0x236: {  	_ = 	snop  }
0x237: {  	[spmem:s1] =	stream.indirect.scatter.add.f32 [tilespmem:s2], [sflag:$0x4], $0x1, s10, s7, $0xb8;
	[tilespmem:$0x16F8] =	vst v63  }
0x238: {  	_ =	swait.ge [sflag:s11], $0x80  }
0x239: {  	[sflag:s11] =	ssyncset.done $0x0  }
0x23a: {  	[sflag:s11] =	ssyncadd.s32 $0xFFFFFF80  }
0x23b: {  	[spmem:s1] =	stream.indirect.scatter.add.f32 [tilespmem:s2], [sflag:$0x1], $0x1, s12, s7, $0xb8;
	[tilespmem:$0x16F8] =	vst v63  }
0x23c: {  	_ =	swait.ge [sflag:s13], $0x80  }
0x23d: {  	[sflag:s13] =	ssyncset.done $0x0  }
0x23e: {  	[sflag:s13] =	ssyncadd.s32 $0xFFFFFF80  }
0x23f: {  	[spmem:s1] =	stream.indirect.scatter.add.f32 [tilespmem:s2], [sflag:$0x2], $0x1, s14, s7, $0xb8;
	[tilespmem:$0x16F8] =	vst v63  }
0x240: {  	_ =	swait.ge [sflag:s15], $0x80  }
0x241: {  	[sflag:s15] =	ssyncset.done $0x0  }
0x242: {  	[sflag:s15] =	ssyncadd.s32 $0xFFFFFF80  }
0x243: {  	[spmem:s1] =	stream.indirect.scatter.add.f32 [tilespmem:s2], [sflag:$0x3], $0x1, s16, s7, $0xb8;
	[tilespmem:$0x16F8] =	vst v63  }
0x244: {  	_ =	swait.ge [sflag:s17], $0x80  }
0x245: {  	[sflag:s17] =	ssyncset.done $0x0  }
0x246: {  	[sflag:s17] =	ssyncadd.s32 $0xFFFFFF80  }
0x247: {  	[spmem:s1] =	stream.indirect.scatter.add.f32 [tilespmem:s2], [sflag:$0x4], $0x1, s18, s7, $0xb8;
	[tilespmem:$0x16F8] =	vst v63  }
0x248: {  	_ =	swait.ge [sflag:s11], $0x80  }
0x249: {  	[sflag:s11] =	ssyncset.done $0x0  }
0x24a: {  	[sflag:s11] =	ssyncadd.s32 $0xFFFFFF80  }
0x24b: {  	[spmem:s1] =	stream.indirect.scatter.add.f32 [tilespmem:s2], [sflag:$0x1], $0x1, s19, s7, $0xb8;
	[tilespmem:$0x16F8] =	vst v63  }
0x24c: {  	_ =	swait.ge [sflag:s13], $0x80  }
0x24d: {  	[sflag:s13] =	ssyncset.done $0x0  }
0x24e: {  	[sflag:s13] =	ssyncadd.s32 $0xFFFFFF80  }
0x24f: {  	[spmem:s1] =	stream.indirect.scatter.add.f32 [tilespmem:s2], [sflag:$0x2], $0x1, s20, s7, $0xb8;
	[tilespmem:$0x16F8] =	vst v63  }
0x250: {  	_ =	swait.ge [sflag:s15], $0x80  }
0x251: {  	[sflag:s15] =	ssyncset.done $0x0  }
0x252: {  	[sflag:s15] =	ssyncadd.s32 $0xFFFFFF80  }
0x253: {  	[spmem:s1] =	stream.indirect.scatter.add.f32 [tilespmem:s2], [sflag:$0x3], $0x1, s21, s7, $0xb8;
	[tilespmem:$0x16F8] =	vst v63  }
0x254: {  	_ =	swait.ge [sflag:s17], $0x80  }
0x255: {  	[sflag:s17] =	ssyncset.done $0x0  }
0x256: {  	[sflag:s17] =	ssyncadd.s32 $0xFFFFFF80  }
0x257: {  	[spmem:s1] =	stream.indirect.scatter.add.f32 [tilespmem:s2], [sflag:$0x4], $0x1, s22, s7, $0xb8;
	[tilespmem:$0x16F8] =	vst v63  }
0x258: {  	_ =	swait.ge [sflag:s11], $0x80  }
0x259: {  	[sflag:s11] =	ssyncset.done $0x0  }
0x25a: {  	[sflag:s11] =	ssyncadd.s32 $0xFFFFFF80  }
0x25b: {  	[spmem:s1] =	stream.indirect.scatter.add.f32 [tilespmem:s2], [sflag:$0x1], $0x1, s23, s7, $0xb8;
	[tilespmem:$0x16F8] =	vst v63  }
0x25c: {  	_ =	swait.ge [sflag:s13], $0x80  }
0x25d: {  	[sflag:s13] =	ssyncset.done $0x0  }
0x25e: {  	[sflag:s13] =	ssyncadd.s32 $0xFFFFFF80  }
0x25f: {  	[spmem:s1] =	stream.indirect.scatter.add.f32 [tilespmem:s2], [sflag:$0x2], $0x1, s24, s7, $0xb8;
	[tilespmem:$0x16F8] =	vst v63  }
0x260: {  	_ =	swait.ge [sflag:s15], $0x80  }
0x261: {  	[sflag:s15] =	ssyncset.done $0x0  }
0x262: {  	[sflag:s15] =	ssyncadd.s32 $0xFFFFFF80  }
0x263: {  	[spmem:s1] =	stream.indirect.scatter.add.f32 [tilespmem:s2], [sflag:$0x3], $0x1, s25, s7, $0xb8;
	[tilespmem:$0x16F8] =	vst v63  }
0x264: {  	_ =	swait.ge [sflag:s17], $0x80  }
0x265: {  	[sflag:s17] =	ssyncset.done $0x0  }
0x266: {  	[sflag:s17] =	ssyncadd.s32 $0xFFFFFF80  }
0x267: {  	[spmem:s1] =	stream.indirect.scatter.add.f32 [tilespmem:s2], [sflag:$0x4], $0x1, s26, s7, $0xb8;
	[tilespmem:$0x16F8] =	vst v63  }
0x268: {  	_ =	swait.ge [sflag:s11], $0x80  }
0x269: {  	[sflag:s11] =	ssyncset.done $0x0  }
0x26a: {  	[sflag:s11] =	ssyncadd.s32 $0xFFFFFF80  }
0x26b: {  	[spmem:s1] =	stream.indirect.scatter.add.f32 [tilespmem:s2], [sflag:$0x1], $0x1, s28, s7, $0xb8;
	[tilespmem:$0x16F8] =	vst v63  }
0x26c: {  	_ =	swait.ge [sflag:s13], $0x80  }
0x26d: {  	[sflag:s13] =	ssyncset.done $0x0  }
0x26e: {  	[sflag:s13] =	ssyncadd.s32 $0xFFFFFF80  }
0x26f: {  	[spmem:s1] =	stream.indirect.scatter.add.f32 [tilespmem:s2], [sflag:$0x2], $0x1, s29, s7, $0xb8;
	[tilespmem:$0x16F8] =	vst v63  }
0x270: {  	_ =	swait.ge [sflag:s15], $0x80  }
0x271: {  	[sflag:s15] =	ssyncset.done $0x0  }
0x272: {  	[sflag:s15] =	ssyncadd.s32 $0xFFFFFF80  }
0x273: {  	[spmem:s1] =	stream.indirect.scatter.add.f32 [tilespmem:s2], [sflag:$0x3], $0x1, s30, s7, $0xb8;
	[tilespmem:$0x16F8] =	vst v63  }
0x274: {  	_ =	swait.ge [sflag:s17], $0x80  }
0x275: {  	[sflag:s17] =	ssyncset.done $0x0  }
0x276: {  	s3 =	simm.s32 $0xA00;
	[sflag:s17] =	ssyncadd.s32 $0xFFFFFF80  }
0x277: {  	[spmem:s1] =	stream.indirect.scatter.add.f32 [tilespmem:s2], [sflag:$0x4], $0x1, s3, s7, $0xb8;
	[tilespmem:$0x16F8] =	vst v63  }
0x278: {  	_ =	swait.ge [sflag:s11], $0x80  }
0x279: {  	[sflag:s11] =	ssyncset.done $0x0  }
0x27a: {  	[sflag:s11] =	ssyncadd.s32 $0xFFFFFF80  }
0x27b: {  	[spmem:s1] =	stream.indirect.scatter.add.f32 [tilespmem:s2], [sflag:$0x1], $0x1, s5, s7, $0xb8;
	[tilespmem:$0x16F8] =	vst v63  }
0x27c: {  	_ =	swait.ge [sflag:s13], $0x80  }
0x27d: {  	[sflag:s13] =	ssyncset.done $0x0  }
0x27e: {  	[sflag:s13] =	ssyncadd.s32 $0xFFFFFF80  }
0x27f: {  	[spmem:s1] =	stream.indirect.scatter.add.f32 [tilespmem:s2], [sflag:$0x2], $0x1, s6, s7, $0xb8;
	[tilespmem:$0x16F8] =	vst v63  }
0x280: {  	_ =	swait.ge [sflag:s15], $0x80  }
0x281: {  	[sflag:s15] =	ssyncset.done $0x0  }
0x282: {  	s3 =	simm.s32 $0xB80;
	[sflag:s15] =	ssyncadd.s32 $0xFFFFFF80  }
0x283: {  	[spmem:s1] =	stream.indirect.scatter.add.f32 [tilespmem:s2], [sflag:$0x3], $0x1, s3, s7, $0xb8;
	[tilespmem:$0x16F8] =	vst v63  }
0x284: {  	_ =	swait.ge [sflag:s17], $0x80  }
0x285: {  	[sflag:s17] =	ssyncset.done $0x0  }
0x286: {  	s3 =	simm.s32 $0xC00;
	[sflag:s17] =	ssyncadd.s32 $0xFFFFFF80  }
0x287: {  	[spmem:s1] =	stream.indirect.scatter.add.f32 [tilespmem:s2], [sflag:$0x4], $0x1, s3, s7, $0xb8;
	[tilespmem:$0x16F8] =	vst v63  }
0x288: {  	_ =	swait.ge [sflag:s11], $0x80  }
0x289: {  	[sflag:s11] =	ssyncset.done $0x0  }
0x28a: {  	s3 =	simm.s32 $0xC80;
	[sflag:s11] =	ssyncadd.s32 $0xFFFFFF80  }
0x28b: {  	[spmem:s1] =	stream.indirect.scatter.add.f32 [tilespmem:s2], [sflag:$0x1], $0x1, s3, s7, $0xb8;
	[tilespmem:$0x16F8] =	vst v63  }
0x28c: {  	_ =	swait.ge [sflag:s13], $0x80  }
0x28d: {  	[sflag:s13] =	ssyncset.done $0x0  }
0x28e: {  	s3 =	simm.s32 $0xD00;
	[sflag:s13] =	ssyncadd.s32 $0xFFFFFF80  }
0x28f: {  	[spmem:s1] =	stream.indirect.scatter.add.f32 [tilespmem:s2], [sflag:$0x2], $0x1, s3, s7, $0xb8;
	[tilespmem:$0x16F8] =	vst v63  }
0x290: {  	_ =	swait.ge [sflag:s15], $0x80  }
0x291: {  	[sflag:s15] =	ssyncset.done $0x0  }
0x292: {  	s3 =	simm.s32 $0xD80;
	[sflag:s15] =	ssyncadd.s32 $0xFFFFFF80  }
0x293: {  	[spmem:s1] =	stream.indirect.scatter.add.f32 [tilespmem:s2], [sflag:$0x3], $0x1, s3, s7, $0xb8;
	[tilespmem:$0x16F8] =	vst v63  }
0x294: {  	_ =	swait.ge [sflag:s17], $0x80  }
0x295: {  	[sflag:s17] =	ssyncset.done $0x0  }
0x296: {  	s3 =	simm.s32 $0xE00;
	[sflag:s17] =	ssyncadd.s32 $0xFFFFFF80  }
0x297: {  	[spmem:s1] =	stream.indirect.scatter.add.f32 [tilespmem:s2], [sflag:$0x4], $0x1, s3, s7, $0xb8;
	[tilespmem:$0x16F8] =	vst v63  }
0x298: {  	_ =	swait.ge [sflag:s11], $0x80  }
0x299: {  	[sflag:s11] =	ssyncset.done $0x0  }
0x29a: {  	s3 =	simm.s32 $0xE80;
	[sflag:s11] =	ssyncadd.s32 $0xFFFFFF80  }
0x29b: {  	[spmem:s1] =	stream.indirect.scatter.add.f32 [tilespmem:s2], [sflag:$0x1], $0x1, s3, s7, $0xb8;
	[tilespmem:$0x16F8] =	vst v63  }
0x29c: {  	_ =	swait.ge [sflag:s13], $0x80  }
0x29d: {  	[sflag:s13] =	ssyncset.done $0x0  }
0x29e: {  	s3 =	simm.s32 $0xF00;
	[sflag:s13] =	ssyncadd.s32 $0xFFFFFF80  }
0x29f: {  	[spmem:s1] =	stream.indirect.scatter.add.f32 [tilespmem:s2], [sflag:$0x2], $0x1, s3, s7, $0xb8;
	[tilespmem:$0x16F8] =	vst v63  }
0x2a0: {  	_ =	swait.ge [sflag:s15], $0x80  }
0x2a1: {  	[sflag:s15] =	ssyncset.done $0x0  }
0x2a2: {  	s3 =	simm.s32 $0xF80;
	[sflag:s15] =	ssyncadd.s32 $0xFFFFFF80  }
0x2a3: {  	[spmem:s1] =	stream.indirect.scatter.add.f32 [tilespmem:s2], [sflag:$0x3], $0x1, s3, s7, $0xb8;
	[tilespmem:$0x16F8] =	vst v63  }
0x2a4: {  	_ =	swait.ge [sflag:s17], $0x80  }
0x2a5: {  	[sflag:s17] =	ssyncset.done $0x0  }
0x2a6: {  	s3 =	simm.s32 $0x1000;
	[sflag:s17] =	ssyncadd.s32 $0xFFFFFF80  }
0x2a7: {  	[spmem:s1] =	stream.indirect.scatter.add.f32 [tilespmem:s2], [sflag:$0x4], $0x1, s3, s7, $0xb8;
	[tilespmem:$0x16F8] =	vst v63  }
0x2a8: {  	_ =	swait.ge [sflag:s11], $0x80  }
0x2a9: {  	[sflag:s11] =	ssyncset.done $0x0  }
0x2aa: {  	s3 =	simm.s32 $0x1080;
	[sflag:s11] =	ssyncadd.s32 $0xFFFFFF80  }
0x2ab: {  	[spmem:s1] =	stream.indirect.scatter.add.f32 [tilespmem:s2], [sflag:$0x1], $0x1, s3, s7, $0xb8;
	[tilespmem:$0x16F8] =	vst v63  }
0x2ac: {  	_ =	swait.ge [sflag:s13], $0x80  }
0x2ad: {  	[sflag:s13] =	ssyncset.done $0x0  }
0x2ae: {  	s3 =	simm.s32 $0x1100;
	[sflag:s13] =	ssyncadd.s32 $0xFFFFFF80  }
0x2af: {  	[spmem:s1] =	stream.indirect.scatter.add.f32 [tilespmem:s2], [sflag:$0x2], $0x1, s3, s7, $0xb8;
	[tilespmem:$0x16F8] =	vst v63  }
0x2b0: {  	_ =	swait.ge [sflag:s15], $0x80  }
0x2b1: {  	[sflag:s15] =	ssyncset.done $0x0  }
0x2b2: {  	s3 =	simm.s32 $0x1180;
	[sflag:s15] =	ssyncadd.s32 $0xFFFFFF80  }
0x2b3: {  	[spmem:s1] =	stream.indirect.scatter.add.f32 [tilespmem:s2], [sflag:$0x3], $0x1, s3, s7, $0xb8;
	[tilespmem:$0x16F8] =	vst v63  }
0x2b4: {  	_ =	swait.ge [sflag:s17], $0x80  }
0x2b5: {  	[sflag:s17] =	ssyncset.done $0x0  }
0x2b6: {  	s3 =	simm.s32 $0x1200;
	[sflag:s17] =	ssyncadd.s32 $0xFFFFFF80  }
0x2b7: {  	[spmem:s1] =	stream.indirect.scatter.add.f32 [tilespmem:s2], [sflag:$0x4], $0x1, s3, s7, $0xb8;
	[tilespmem:$0x16F8] =	vst v63  }
0x2b8: {  	_ =	swait.ge [sflag:s11], $0x80  }
0x2b9: {  	[sflag:s11] =	ssyncset.done $0x0  }
0x2ba: {  	s3 =	simm.s32 $0x1280;
	[sflag:s11] =	ssyncadd.s32 $0xFFFFFF80  }
0x2bb: {  	[spmem:s1] =	stream.indirect.scatter.add.f32 [tilespmem:s2], [sflag:$0x1], $0x1, s3, s7, $0xb8;
	[tilespmem:$0x16F8] =	vst v63  }
0x2bc: {  	_ =	swait.ge [sflag:s13], $0x80  }
0x2bd: {  	[sflag:s13] =	ssyncset.done $0x0  }
0x2be: {  	s3 =	simm.s32 $0x1300;
	[sflag:s13] =	ssyncadd.s32 $0xFFFFFF80  }
0x2bf: {  	[spmem:s1] =	stream.indirect.scatter.add.f32 [tilespmem:s2], [sflag:$0x2], $0x1, s3, s7, $0xb8;
	[tilespmem:$0x16F8] =	vst v63  }
0x2c0: {  	_ =	swait.ge [sflag:s15], $0x80  }
0x2c1: {  	[sflag:s15] =	ssyncset.done $0x0  }
0x2c2: {  	s3 =	simm.s32 $0x1380;
	[sflag:s15] =	ssyncadd.s32 $0xFFFFFF80  }
0x2c3: {  	[spmem:s1] =	stream.indirect.scatter.add.f32 [tilespmem:s2], [sflag:$0x3], $0x1, s3, s7, $0xb8;
	[tilespmem:$0x16F8] =	vst v63  }
0x2c4: {  	_ =	swait.ge [sflag:s17], $0x80  }
0x2c5: {  	[sflag:s17] =	ssyncset.done $0x0  }
0x2c6: {  	s3 =	simm.s32 $0x1400;
	[sflag:s17] =	ssyncadd.s32 $0xFFFFFF80  }
0x2c7: {  	[spmem:s1] =	stream.indirect.scatter.add.f32 [tilespmem:s2], [sflag:$0x4], $0x1, s3, s7, $0xb8;
	[tilespmem:$0x16F8] =	vst v63  }
0x2c8: {  	_ =	swait.ge [sflag:s11], $0x80  }
0x2c9: {  	[sflag:s11] =	ssyncset.done $0x0  }
0x2ca: {  	[sflag:s11] =	ssyncadd.s32 $0xFFFFFF80  }
0x2cb: {  	_ =	swait.ge [sflag:s13], $0x80  }
0x2cc: {  	[sflag:s13] =	ssyncset.done $0x0  }
0x2cd: {  	[sflag:s13] =	ssyncadd.s32 $0xFFFFFF80  }
0x2ce: {  	_ =	swait.ge [sflag:s15], $0x80  }
0x2cf: {  	[sflag:s15] =	ssyncset.done $0x0  }
0x2d0: {  	[sflag:s15] =	ssyncadd.s32 $0xFFFFFF80  }
0x2d1: {  	s31 =	sadd.s32 $0xFFFFFFFF, s31;
	_ =	swait.ge [sflag:s17], $0x80  }
0x2d2: {  	p1 =	sne.s32 s31, $0x0;
	[sflag:s17] =	ssyncset.done $0x0  }
.Ltmp1:
0x2d3: {  	[sflag:s17] =	ssyncadd.s32 $0xFFFFFF80;
	(pc) =	sbr.rel @p1 .LBB2_2-.Ltmp1, $4  }
0x2d4: {  	[bflag:$0x0] =	sbarrier.arrive $0xFFFF  }
0x2d5: {  	s30 =	simm.s32 @!p0 $0x5;
	s3 =	simm.s32 @!p0 $0x1C05;
	s0 =	rddreg [dreg:$0x7]  }
0x2d6: {  	[hbm:s0], [sflag:s3] =	dma.local @!p0 [spmem:s4], $0x4F0  }
0x2d7: {  	_ =	swait.ge @!p0 [sflag:s30], $0x4F0  }
.LBB2_3:
0x2d8: {  	[sflag:s30] =	ssyncset.done @!p0 $0x0  }
0x2d9: {  	[sflag:s30] =	ssyncadd.s32 @!p0 $0xFFFFFB10  }
0x2da: {  	_ =	sfence.sel $0x180000  }
0x2db: {  	[bflag:$0x0] =	sbarrier.arrive $0xFFFF  }
0x2dc: {  	_ =	strace $0x90000047  }
0x2dd: {  	[bflag:$0x2] =	sbarrier.arrive $0xFFFF  }
0x2de: {  	s0 =	rddreg [dreg:$0x2]  }
0x2df: {  	s0 =	sadd.s32 @!p0 $0x100000, s0  }
0x2e0: {  	[sflag:s0] =	ssyncadd.tile.s32 @!p0 $0x1;
	_ =	shalt  }
.Lfunc_end2:
_tile_overlayer_lowered:
.L_overlay_start_2:
0x2e1: {  	(tag) =	ssettag $0x2  }
0x2e2: {  	s0 =	rddreg [dreg:$0x0];
	s2 =	stileid.u32  }
0x2e3: {  	s1 =	rddreg [dreg:$0x1];
	p0 =	sne.s32 s2, $0x0  }
0x2e4: {  	s3 =	rddreg [dreg:$0x2];
	[bflag:$0x3] =	sbarrier.arrive $0xFFFF;
	s2 =	simm.s32 @!p0 $0x1C05  }
0x2e5: {  	[timem:s3], [sflag:s2] =	dma.local @!p0 [hbm:s0], s1  }
0x2e6: {  	s0 =	simm.s32 @!p0 $0x5  }
0x2e7: {  	_ =	swait.ge @!p0 [sflag:s0], s1  }
0x2e8: {  	s1 =	ssub.s32 @!p0 $0x0, s1;
	[sflag:s0] =	ssyncset.done @!p0 $0x0  }
0x2e9: {  	[sflag:s0] =	ssyncadd.s32 @!p0 s1  }
0x2ea: {  	[bflag:$0x3] =	sbarrier.arrive $0xFFFF  }
0x2eb: {  	_ =	shalt  }

</sc_bundles>
